<compile_context>
chip_gen: v7x
topology: tpu7x:2x2x1
jax: 0.10.2.dev20260603
libtpu: 0.0.44.dev20260713+nightly
codegen_flags: <defaults>
</compile_context>

<pallas_src>
import functools

import jax
import jax.numpy as jnp
from jax import lax
from jax.experimental import pallas as pl
from jax.experimental.pallas import tpu as pltpu
from jax.experimental.pallas import tpu_sc as plsc

_NC = 2
_NS = 16
_NW = _NC * _NS
_LANES = 16


def _make_hist_sqdiff(n_pad: int, chunk: int, h: int, w: int, c: int, hsc: int):
    hw = h * w
    per_tile = hw // _NW
    rpt = hsc // _NW
    row0_base = h - hsc
    assert hw % _NW == 0 and chunk % _LANES == 0 and n_pad % chunk == 0
    assert hsc % _NW == 0 and w % _LANES == 0

    @functools.partial(
        pl.kernel,
        mesh=plsc.VectorSubcoreMesh(core_axis_name="c", subcore_axis_name="s"),
        compiler_params=pltpu.CompilerParams(needs_layout_passes=False),
        out_type=(
            jax.ShapeDtypeStruct((hw,), jnp.float32),
            jax.ShapeDtypeStruct((hsc, w), jnp.float32),
        ),
        scratch_types=[
            [pltpu.VMEM((chunk,), jnp.int32) for _ in range(2)],
            [pltpu.VMEM((chunk,), jnp.int32) for _ in range(2)],
            pltpu.VMEM((per_tile,), jnp.float32),
            [pltpu.VMEM((rpt, w), jnp.float32) for _ in range(4)],
            [pltpu.VMEM((rpt, w), jnp.float32) for _ in range(4)],
            pltpu.VMEM((rpt, w), jnp.float32),
            [pltpu.SemaphoreType.DMA for _ in range(4)],
            [pltpu.SemaphoreType.DMA for _ in range(2)],
        ],
    )
    def hist_sq(xs_hbm, ys_hbm, img_hbm, rew_hbm, cnt_hbm, sbot_hbm,
                xs_b, ys_b, hist_v, ibs, rbs, acc_v, sems, dsems):
        cid = lax.axis_index("c")
        sid = lax.axis_index("s")
        wid = sid * _NC + cid
        base = wid * per_tile
        row0 = row0_base + wid * rpt

        def fire(ch, k):
            pltpu.async_copy(img_hbm.at[ch, pl.ds(row0, rpt)], ibs[k], sems[k])
            pltpu.async_copy(rew_hbm.at[ch, pl.ds(row0, rpt)], rbs[k], sems[k])

        def drain(k):
            pltpu.make_async_copy(
                img_hbm.at[0, pl.ds(row0, rpt)], ibs[k], sems[k]
            ).wait()
            pltpu.make_async_copy(
                rew_hbm.at[0, pl.ds(row0, rpt)], rbs[k], sems[k]
            ).wait()

        for k in range(4):
            fire(k, k)

        zeros16 = jnp.zeros((_LANES,), jnp.float32)

        def zbody(k, carry):
            hist_v[pl.ds(k * _LANES, _LANES)] = zeros16
            return carry

        lax.fori_loop(0, per_tile // _LANES, zbody, 0)

        ones16 = jnp.ones((_LANES,), jnp.float32)
        n_chunks = n_pad // chunk

        def dfire(ci, k):
            pltpu.async_copy(xs_hbm.at[pl.ds(ci * chunk, chunk)], xs_b[k], dsems[k])
            pltpu.async_copy(ys_hbm.at[pl.ds(ci * chunk, chunk)], ys_b[k], dsems[k])

        def ddrain(k):
            pltpu.make_async_copy(xs_hbm.at[pl.ds(0, chunk)], xs_b[k], dsems[k]).wait()
            pltpu.make_async_copy(ys_hbm.at[pl.ds(0, chunk)], ys_b[k], dsems[k]).wait()

        dfire(0, 0)
        if n_chunks > 1:
            dfire(1, 1)
        for ci in range(n_chunks):
            k = ci % 2
            ddrain(k)
            xs_v, ys_v = xs_b[k], ys_b[k]

            @plsc.parallel_loop(0, chunk // _LANES, unroll=8)
            def _(i):
                sl = pl.ds(i * _LANES, _LANES)
                local = ys_v[sl] * w + xs_v[sl] - base
                mask = (local >= 0) & (local < per_tile)
                safe = jnp.minimum(jnp.maximum(local, 0), per_tile - 1)
                plsc.addupdate_scatter(hist_v, [safe], ones16, mask=mask)

            if ci + 2 < n_chunks:
                dfire(ci + 2, k)

        pltpu.sync_copy(hist_v, cnt_hbm.at[pl.ds(base, per_tile)])

        for r in range(rpt):

            @plsc.parallel_loop(0, w // _LANES, unroll=8)
            def _(g):
                acc_v[r, pl.ds(g * _LANES, _LANES)] = zeros16

        def accumulate(ib, rb):
            for r in range(rpt):

                @plsc.parallel_loop(0, w // _LANES, unroll=8)
                def _(g):
                    sl = pl.ds(g * _LANES, _LANES)
                    d = ib[r, sl] - rb[r, sl]
                    plsc.addupdate(acc_v.at[r, sl], d * d)

        def cbody(i, carry):
            for k in range(4):
                drain(k)
                accumulate(ibs[k], rbs[k])
                fire(4 * i + 4 + k, k)
            return carry

        lax.fori_loop(0, (c - 4) // 4, cbody, 0)
        for k in range(4):
            drain(k)
            accumulate(ibs[k], rbs[k])

        pltpu.sync_copy(acc_v, sbot_hbm.at[pl.ds(wid * rpt, rpt)])

    return hist_sq


def _sqdiff_body(img_ref, rew_ref, s_ref):
    d = img_ref[...] - rew_ref[...]
    s_ref[...] = jnp.sum(d * d, axis=0)


def _wsum_body(stop_ref, sbot_ref, cnt_ref, tot_ref):
    htop = stop_ref.shape[0]
    t = jnp.sum(stop_ref[...] * cnt_ref[:htop, :])
    b = jnp.sum(sbot_ref[...] * cnt_ref[htop:, :])
    tot_ref[0, 0] = t + b


def kernel(image, image_rewrite, dot_list_format):
    c, h, w = image.shape
    n = dot_list_format.shape[0]
    hw = h * w

    chunk = 10000
    if chunk % _LANES:
        chunk = ((chunk // _LANES) + 1) * _LANES
    n_pad = ((n + chunk - 1) // chunk) * chunk
    dots_t = dot_list_format.T
    if n_pad != n:
        fill = jnp.concatenate(
            [
                jnp.zeros((1, n_pad - n), jnp.int32),
                jnp.full((1, n_pad - n), h, jnp.int32),
            ],
            axis=0,
        )
        dots_t = jnp.concatenate([dots_t, fill], axis=1)

    hsc = _NW * max(1, (h // 4) // _NW)
    counts, s_bot = _make_hist_sqdiff(n_pad, chunk, h, w, c, hsc)(
        dots_t[0], dots_t[1], image, image_rewrite
    )
    counts2d = counts.reshape(h, w)

    htop = h - hsc
    br = 32
    s_top = pl.pallas_call(
        _sqdiff_body,
        grid=(htop // br,),
        in_specs=[
            pl.BlockSpec((c, br, w), lambda i: (0, i, 0)),
            pl.BlockSpec((c, br, w), lambda i: (0, i, 0)),
        ],
        out_specs=pl.BlockSpec((br, w), lambda i: (i, 0)),
        out_shape=jax.ShapeDtypeStruct((htop, w), jnp.float32),
    )(image, image_rewrite)

    tot = pl.pallas_call(
        _wsum_body,
        in_specs=[
            pl.BlockSpec((htop, w), lambda: (0, 0)),
            pl.BlockSpec((hsc, w), lambda: (0, 0)),
            pl.BlockSpec((h, w), lambda: (0, 0)),
        ],
        out_specs=pl.BlockSpec(memory_space=pltpu.SMEM),
        out_shape=jax.ShapeDtypeStruct((1, 1), jnp.float32),
    )(s_top, s_bot, counts2d)

    return tot[0, 0] / jnp.float32(n)

# --- scband reference (transcript-rebuilt; emitter-appended) ---
"""Pipeline reference for scband-crop-mseloss-57629871178354 (READ-ONLY COPY).

The authoritative reference and input builder live on the scoring server;
editing this copy changes nothing except your own understanding.
"""

import jax, jax.numpy as jnp
import numpy as np


def setup_inputs(seed: int = 0) -> dict:
    key = jax.random.key(seed)
    k1, k2, k3 = jax.random.split(key, 3)
    image = jax.random.normal(k1, (96, 512, 512), dtype=jnp.float32)
    image_rewrite = jax.random.normal(k2, (96, 512, 512), dtype=jnp.float32)
    dot_list_format = jax.random.randint(k3, (100000, 2), 0, 512, dtype=jnp.int32)
    return {"image": image, "image_rewrite": image_rewrite, "dot_list_format": dot_list_format}


def reference(image, image_rewrite, dot_list_format):
    # Faithful translation of CropMSELoss.forward
    image_p = jnp.transpose(image, (1, 2, 0))  # [H, W, C]
    image_rewrite_p = jnp.transpose(image_rewrite, (1, 2, 0))  # [H, W, C]
    num_dots = dot_list_format.shape[0]
    # gather pixels at (y, x) = (dot[:,1], dot[:,0])
    image_dots = image_p[dot_list_format[:, 1], dot_list_format[:, 0]]  # [N, C]
    image_rewrite_dots = image_rewrite_p[dot_list_format[:, 1], dot_list_format[:, 0]]  # [N, C]
    loss = jnp.sum((image_dots - image_rewrite_dots) ** 2) / num_dots
    return loss

if __name__ == "__main__":
    import jax
    _d = setup_inputs()
    print(jax.jit(kernel)(*tuple(_d.values())))

</pallas_src>

<mosaic_0001>
#map = affine_map<(d0, d1) -> (0)>
#map1 = affine_map<(d0, d1) -> (0, 0, 0)>
#map2 = affine_map<(d0, d1) -> (0, 0)>
module attributes {stable_mosaic.version = 14 : i64} {
  func.func @hist_sq(%arg0: i32, %arg1: i32, %arg2: memref<100000xi32, #tpu.memory_space<hbm>>, %arg3: memref<100000xi32, #tpu.memory_space<hbm>>, %arg4: memref<96x512x512xf32, #tpu.memory_space<hbm>>, %arg5: memref<96x512x512xf32, #tpu.memory_space<hbm>>, %arg6: memref<262144xf32, #tpu.memory_space<hbm>>, %arg7: memref<128x512xf32, #tpu.memory_space<hbm>>, %arg8: memref<10000xi32, #tpu.memory_space<vmem>>, %arg9: memref<10000xi32, #tpu.memory_space<vmem>>, %arg10: memref<10000xi32, #tpu.memory_space<vmem>>, %arg11: memref<10000xi32, #tpu.memory_space<vmem>>, %arg12: memref<8192xf32, #tpu.memory_space<vmem>>, %arg13: memref<4x512xf32, #tpu.memory_space<vmem>>, %arg14: memref<4x512xf32, #tpu.memory_space<vmem>>, %arg15: memref<4x512xf32, #tpu.memory_space<vmem>>, %arg16: memref<4x512xf32, #tpu.memory_space<vmem>>, %arg17: memref<4x512xf32, #tpu.memory_space<vmem>>, %arg18: memref<4x512xf32, #tpu.memory_space<vmem>>, %arg19: memref<4x512xf32, #tpu.memory_space<vmem>>, %arg20: memref<4x512xf32, #tpu.memory_space<vmem>>, %arg21: memref<4x512xf32, #tpu.memory_space<vmem>>, %arg22: memref<!tpu.dma_semaphore, #tpu.memory_space<semaphore_mem>>, %arg23: memref<!tpu.dma_semaphore, #tpu.memory_space<semaphore_mem>>, %arg24: memref<!tpu.dma_semaphore, #tpu.memory_space<semaphore_mem>>, %arg25: memref<!tpu.dma_semaphore, #tpu.memory_space<semaphore_mem>>, %arg26: memref<!tpu.dma_semaphore, #tpu.memory_space<semaphore_mem>>, %arg27: memref<!tpu.dma_semaphore, #tpu.memory_space<semaphore_mem>>) attributes {dimension_semantics = [#tpu.dimension_semantics<core_parallel>, #tpu.dimension_semantics<subcore_parallel>], iteration_bounds = array<i64: 2, 16>, scalar_prefetch = 0 : i64, scratch_operands = 20 : i64, tpu.core_type = #tpu.core_type<sc_vector_subcore>, window_params = [{transform_indices = #map}, {transform_indices = #map}, {transform_indices = #map1}, {transform_indices = #map1}, {transform_indices = #map}, {transform_indices = #map2}]} {
    %mul3A = arith.constant 2 : i32
    %mul3A_0 = arith.muli %arg1, %mul3A : i32
    %add3A = arith.addi %mul3A_0, %arg0 : i32
    %mul3A_1 = arith.constant 8192 : i32
    %mul3A_2 = arith.muli %add3A, %mul3A_1 : i32
    %mul3A_3 = arith.constant 4 : i32
    %mul3A_4 = arith.muli %add3A, %mul3A_3 : i32
    %add3A_5 = arith.constant 384 : i32
    %add3A_6 = arith.addi %add3A_5, %mul3A_4 : i32
    %dma_start3A = arith.constant 0 : i32
    %dma_start3A_7 = arith.constant 0 : i32
    %dma_start3A_8 = tpu.memref_slice %arg4[%dma_start3A, %add3A_6, %dma_start3A_7] : memref<96x512x512xf32, #tpu.memory_space<hbm>> -> memref<1x4x512xf32, #tpu.memory_space<hbm>>
    %dma_start3A_9 = tpu.memref_squeeze %dma_start3A_8 : memref<1x4x512xf32, #tpu.memory_space<hbm>> -> memref<4x512xf32, #tpu.memory_space<hbm>>
    %dma_start3A_10 = arith.constant 0 : i32
    %dma_start3A_11 = tpu.memref_slice %arg4[%dma_start3A, %add3A_6, %dma_start3A_10] : memref<96x512x512xf32, #tpu.memory_space<hbm>> -> memref<1x4x512xf32, #tpu.memory_space<hbm>>
    %dma_start3A_12 = tpu.memref_squeeze %dma_start3A_11 : memref<1x4x512xf32, #tpu.memory_space<hbm>> -> memref<4x512xf32, #tpu.memory_space<hbm>>
    tpu.enqueue_dma source(%dma_start3A_12 : memref<4x512xf32, #tpu.memory_space<hbm>>) target(%arg13 : memref<4x512xf32, #tpu.memory_space<vmem>>) target_semaphore(%arg22 : memref<!tpu.dma_semaphore, #tpu.memory_space<semaphore_mem>>)
    %dma_start3A_13 = arith.constant 0 : i32
    %dma_start3A_14 = arith.constant 0 : i32
    %dma_start3A_15 = tpu.memref_slice %arg5[%dma_start3A_13, %add3A_6, %dma_start3A_14] : memref<96x512x512xf32, #tpu.memory_space<hbm>> -> memref<1x4x512xf32, #tpu.memory_space<hbm>>
    %dma_start3A_16 = tpu.memref_squeeze %dma_start3A_15 : memref<1x4x512xf32, #tpu.memory_space<hbm>> -> memref<4x512xf32, #tpu.memory_space<hbm>>
    %dma_start3A_17 = arith.constant 0 : i32
    %dma_start3A_18 = tpu.memref_slice %arg5[%dma_start3A_13, %add3A_6, %dma_start3A_17] : memref<96x512x512xf32, #tpu.memory_space<hbm>> -> memref<1x4x512xf32, #tpu.memory_space<hbm>>
    %dma_start3A_19 = tpu.memref_squeeze %dma_start3A_18 : memref<1x4x512xf32, #tpu.memory_space<hbm>> -> memref<4x512xf32, #tpu.memory_space<hbm>>
    tpu.enqueue_dma source(%dma_start3A_19 : memref<4x512xf32, #tpu.memory_space<hbm>>) target(%arg17 : memref<4x512xf32, #tpu.memory_space<vmem>>) target_semaphore(%arg22 : memref<!tpu.dma_semaphore, #tpu.memory_space<semaphore_mem>>)
    %dma_start3A_20 = arith.constant 1 : i32
    %dma_start3A_21 = arith.constant 0 : i32
    %dma_start3A_22 = tpu.memref_slice %arg4[%dma_start3A_20, %add3A_6, %dma_start3A_21] : memref<96x512x512xf32, #tpu.memory_space<hbm>> -> memref<1x4x512xf32, #tpu.memory_space<hbm>>
    %dma_start3A_23 = tpu.memref_squeeze %dma_start3A_22 : memref<1x4x512xf32, #tpu.memory_space<hbm>> -> memref<4x512xf32, #tpu.memory_space<hbm>>
    %dma_start3A_24 = arith.constant 0 : i32
    %dma_start3A_25 = tpu.memref_slice %arg4[%dma_start3A_20, %add3A_6, %dma_start3A_24] : memref<96x512x512xf32, #tpu.memory_space<hbm>> -> memref<1x4x512xf32, #tpu.memory_space<hbm>>
    %dma_start3A_26 = tpu.memref_squeeze %dma_start3A_25 : memref<1x4x512xf32, #tpu.memory_space<hbm>> -> memref<4x512xf32, #tpu.memory_space<hbm>>
    tpu.enqueue_dma source(%dma_start3A_26 : memref<4x512xf32, #tpu.memory_space<hbm>>) target(%arg14 : memref<4x512xf32, #tpu.memory_space<vmem>>) target_semaphore(%arg23 : memref<!tpu.dma_semaphore, #tpu.memory_space<semaphore_mem>>)
    %dma_start3A_27 = arith.constant 1 : i32
    %dma_start3A_28 = arith.constant 0 : i32
    %dma_start3A_29 = tpu.memref_slice %arg5[%dma_start3A_27, %add3A_6, %dma_start3A_28] : memref<96x512x512xf32, #tpu.memory_space<hbm>> -> memref<1x4x512xf32, #tpu.memory_space<hbm>>
    %dma_start3A_30 = tpu.memref_squeeze %dma_start3A_29 : memref<1x4x512xf32, #tpu.memory_space<hbm>> -> memref<4x512xf32, #tpu.memory_space<hbm>>
    %dma_start3A_31 = arith.constant 0 : i32
    %dma_start3A_32 = tpu.memref_slice %arg5[%dma_start3A_27, %add3A_6, %dma_start3A_31] : memref<96x512x512xf32, #tpu.memory_space<hbm>> -> memref<1x4x512xf32, #tpu.memory_space<hbm>>
    %dma_start3A_33 = tpu.memref_squeeze %dma_start3A_32 : memref<1x4x512xf32, #tpu.memory_space<hbm>> -> memref<4x512xf32, #tpu.memory_space<hbm>>
    tpu.enqueue_dma source(%dma_start3A_33 : memref<4x512xf32, #tpu.memory_space<hbm>>) target(%arg18 : memref<4x512xf32, #tpu.memory_space<vmem>>) target_semaphore(%arg23 : memref<!tpu.dma_semaphore, #tpu.memory_space<semaphore_mem>>)
    %dma_start3A_34 = arith.constant 2 : i32
    %dma_start3A_35 = arith.constant 0 : i32
    %dma_start3A_36 = tpu.memref_slice %arg4[%dma_start3A_34, %add3A_6, %dma_start3A_35] : memref<96x512x512xf32, #tpu.memory_space<hbm>> -> memref<1x4x512xf32, #tpu.memory_space<hbm>>
    %dma_start3A_37 = tpu.memref_squeeze %dma_start3A_36 : memref<1x4x512xf32, #tpu.memory_space<hbm>> -> memref<4x512xf32, #tpu.memory_space<hbm>>
    %dma_start3A_38 = arith.constant 0 : i32
    %dma_start3A_39 = tpu.memref_slice %arg4[%dma_start3A_34, %add3A_6, %dma_start3A_38] : memref<96x512x512xf32, #tpu.memory_space<hbm>> -> memref<1x4x512xf32, #tpu.memory_space<hbm>>
    %dma_start3A_40 = tpu.memref_squeeze %dma_start3A_39 : memref<1x4x512xf32, #tpu.memory_space<hbm>> -> memref<4x512xf32, #tpu.memory_space<hbm>>
    tpu.enqueue_dma source(%dma_start3A_40 : memref<4x512xf32, #tpu.memory_space<hbm>>) target(%arg15 : memref<4x512xf32, #tpu.memory_space<vmem>>) target_semaphore(%arg24 : memref<!tpu.dma_semaphore, #tpu.memory_space<semaphore_mem>>)
    %dma_start3A_41 = arith.constant 2 : i32
    %dma_start3A_42 = arith.constant 0 : i32
    %dma_start3A_43 = tpu.memref_slice %arg5[%dma_start3A_41, %add3A_6, %dma_start3A_42] : memref<96x512x512xf32, #tpu.memory_space<hbm>> -> memref<1x4x512xf32, #tpu.memory_space<hbm>>
    %dma_start3A_44 = tpu.memref_squeeze %dma_start3A_43 : memref<1x4x512xf32, #tpu.memory_space<hbm>> -> memref<4x512xf32, #tpu.memory_space<hbm>>
    %dma_start3A_45 = arith.constant 0 : i32
    %dma_start3A_46 = tpu.memref_slice %arg5[%dma_start3A_41, %add3A_6, %dma_start3A_45] : memref<96x512x512xf32, #tpu.memory_space<hbm>> -> memref<1x4x512xf32, #tpu.memory_space<hbm>>
    %dma_start3A_47 = tpu.memref_squeeze %dma_start3A_46 : memref<1x4x512xf32, #tpu.memory_space<hbm>> -> memref<4x512xf32, #tpu.memory_space<hbm>>
    tpu.enqueue_dma source(%dma_start3A_47 : memref<4x512xf32, #tpu.memory_space<hbm>>) target(%arg19 : memref<4x512xf32, #tpu.memory_space<vmem>>) target_semaphore(%arg24 : memref<!tpu.dma_semaphore, #tpu.memory_space<semaphore_mem>>)
    %dma_start3A_48 = arith.constant 3 : i32
    %dma_start3A_49 = arith.constant 0 : i32
    %dma_start3A_50 = tpu.memref_slice %arg4[%dma_start3A_48, %add3A_6, %dma_start3A_49] : memref<96x512x512xf32, #tpu.memory_space<hbm>> -> memref<1x4x512xf32, #tpu.memory_space<hbm>>
    %dma_start3A_51 = tpu.memref_squeeze %dma_start3A_50 : memref<1x4x512xf32, #tpu.memory_space<hbm>> -> memref<4x512xf32, #tpu.memory_space<hbm>>
    %dma_start3A_52 = arith.constant 0 : i32
    %dma_start3A_53 = tpu.memref_slice %arg4[%dma_start3A_48, %add3A_6, %dma_start3A_52] : memref<96x512x512xf32, #tpu.memory_space<hbm>> -> memref<1x4x512xf32, #tpu.memory_space<hbm>>
    %dma_start3A_54 = tpu.memref_squeeze %dma_start3A_53 : memref<1x4x512xf32, #tpu.memory_space<hbm>> -> memref<4x512xf32, #tpu.memory_space<hbm>>
    tpu.enqueue_dma source(%dma_start3A_54 : memref<4x512xf32, #tpu.memory_space<hbm>>) target(%arg16 : memref<4x512xf32, #tpu.memory_space<vmem>>) target_semaphore(%arg25 : memref<!tpu.dma_semaphore, #tpu.memory_space<semaphore_mem>>)
    %dma_start3A_55 = arith.constant 3 : i32
    %dma_start3A_56 = arith.constant 0 : i32
    %dma_start3A_57 = tpu.memref_slice %arg5[%dma_start3A_55, %add3A_6, %dma_start3A_56] : memref<96x512x512xf32, #tpu.memory_space<hbm>> -> memref<1x4x512xf32, #tpu.memory_space<hbm>>
    %dma_start3A_58 = tpu.memref_squeeze %dma_start3A_57 : memref<1x4x512xf32, #tpu.memory_space<hbm>> -> memref<4x512xf32, #tpu.memory_space<hbm>>
    %dma_start3A_59 = arith.constant 0 : i32
    %dma_start3A_60 = tpu.memref_slice %arg5[%dma_start3A_55, %add3A_6, %dma_start3A_59] : memref<96x512x512xf32, #tpu.memory_space<hbm>> -> memref<1x4x512xf32, #tpu.memory_space<hbm>>
    %dma_start3A_61 = tpu.memref_squeeze %dma_start3A_60 : memref<1x4x512xf32, #tpu.memory_space<hbm>> -> memref<4x512xf32, #tpu.memory_space<hbm>>
    tpu.enqueue_dma source(%dma_start3A_61 : memref<4x512xf32, #tpu.memory_space<hbm>>) target(%arg20 : memref<4x512xf32, #tpu.memory_space<vmem>>) target_semaphore(%arg25 : memref<!tpu.dma_semaphore, #tpu.memory_space<semaphore_mem>>)
    %broadcast_in_dim3A = arith.constant 0.000000e+00 : f32
    %broadcast_in_dim3A_62 = vector.broadcast %broadcast_in_dim3A : f32 to vector<16xf32>
    %scan3A = arith.constant 0 : i32
    %scan3A_63 = arith.constant 0 : i32
    %scan3A_64 = arith.constant 512 : i32
    %scan3A_65 = arith.addi %scan3A_63, %scan3A_64 : i32
    %scan3A_66 = arith.constant 1 : i32
    scf.for %scan3A_382 = %scan3A_63 to %scan3A_65 step %scan3A_66  : i32 {
      %mul3A_383 = arith.constant 16 : i32
      %mul3A_384 = arith.muli %scan3A_382, %mul3A_383 : i32
      %swap3A = arith.index_cast %mul3A_384 : i32 to index
      %swap3A_385 = tpu.vector_load %arg12[%swap3A] {strides = array<i32>} : memref<8192xf32, #tpu.memory_space<vmem>>, vector<16xf32>,
      tpu.vector_store %arg12[%swap3A], %broadcast_in_dim3A_62 {strides = array<i32>} : memref<8192xf32, #tpu.memory_space<vmem>>, vector<16xf32>,
    }
    %scan3A_67 = arith.constant 512 : i32
    %broadcast_in_dim3A_68 = arith.constant 1.000000e+00 : f32
    %broadcast_in_dim3A_69 = vector.broadcast %broadcast_in_dim3A_68 : f32 to vector<16xf32>
    %dma_start3A_70 = arith.constant 0 : i32
    %dma_start3A_71 = tpu.memref_slice %arg2[%dma_start3A_70] : memref<100000xi32, #tpu.memory_space<hbm>> -> memref<10000xi32, #tpu.memory_space<hbm>>
    %dma_start3A_72 = arith.constant 0 : i32
    %dma_start3A_73 = tpu.memref_slice %arg2[%dma_start3A_72] : memref<100000xi32, #tpu.memory_space<hbm>> -> memref<10000xi32, #tpu.memory_space<hbm>>
    tpu.enqueue_dma source(%dma_start3A_73 : memref<10000xi32, #tpu.memory_space<hbm>>) target(%arg8 : memref<10000xi32, #tpu.memory_space<vmem>>) target_semaphore(%arg26 : memref<!tpu.dma_semaphore, #tpu.memory_space<semaphore_mem>>)
    %dma_start3A_74 = arith.constant 0 : i32
    %dma_start3A_75 = tpu.memref_slice %arg3[%dma_start3A_74] : memref<100000xi32, #tpu.memory_space<hbm>> -> memref<10000xi32, #tpu.memory_space<hbm>>
    %dma_start3A_76 = arith.constant 0 : i32
    %dma_start3A_77 = tpu.memref_slice %arg3[%dma_start3A_76] : memref<100000xi32, #tpu.memory_space<hbm>> -> memref<10000xi32, #tpu.memory_space<hbm>>
    tpu.enqueue_dma source(%dma_start3A_77 : memref<10000xi32, #tpu.memory_space<hbm>>) target(%arg10 : memref<10000xi32, #tpu.memory_space<vmem>>) target_semaphore(%arg26 : memref<!tpu.dma_semaphore, #tpu.memory_space<semaphore_mem>>)
    %dma_start3A_78 = arith.constant 10000 : i32
    %dma_start3A_79 = tpu.memref_slice %arg2[%dma_start3A_78] : memref<100000xi32, #tpu.memory_space<hbm>> -> memref<10000xi32, #tpu.memory_space<hbm>>
    %dma_start3A_80 = arith.constant 10000 : i32
    %dma_start3A_81 = tpu.memref_slice %arg2[%dma_start3A_80] : memref<100000xi32, #tpu.memory_space<hbm>> -> memref<10000xi32, #tpu.memory_space<hbm>>
    tpu.enqueue_dma source(%dma_start3A_81 : memref<10000xi32, #tpu.memory_space<hbm>>) target(%arg9 : memref<10000xi32, #tpu.memory_space<vmem>>) target_semaphore(%arg27 : memref<!tpu.dma_semaphore, #tpu.memory_space<semaphore_mem>>)
    %dma_start3A_82 = arith.constant 10000 : i32
    %dma_start3A_83 = tpu.memref_slice %arg3[%dma_start3A_82] : memref<100000xi32, #tpu.memory_space<hbm>> -> memref<10000xi32, #tpu.memory_space<hbm>>
    %dma_start3A_84 = arith.constant 10000 : i32
    %dma_start3A_85 = tpu.memref_slice %arg3[%dma_start3A_84] : memref<100000xi32, #tpu.memory_space<hbm>> -> memref<10000xi32, #tpu.memory_space<hbm>>
    tpu.enqueue_dma source(%dma_start3A_85 : memref<10000xi32, #tpu.memory_space<hbm>>) target(%arg11 : memref<10000xi32, #tpu.memory_space<vmem>>) target_semaphore(%arg27 : memref<!tpu.dma_semaphore, #tpu.memory_space<semaphore_mem>>)
    %dma_wait3A = arith.constant 0 : i32
    %dma_wait3A_86 = tpu.memref_slice %arg2[%dma_wait3A] : memref<100000xi32, #tpu.memory_space<hbm>> -> memref<10000xi32, #tpu.memory_space<hbm>>
    %dma_wait3A_87 = arith.constant 0 : i32
    %dma_wait3A_88 = tpu.memref_slice %arg2[%dma_wait3A_87] : memref<100000xi32, #tpu.memory_space<hbm>> -> memref<10000xi32, #tpu.memory_space<hbm>>
    tpu.wait_dma2 semaphore(%arg26 : memref<!tpu.dma_semaphore, #tpu.memory_space<semaphore_mem>>) src(%dma_wait3A_88 : memref<10000xi32, #tpu.memory_space<hbm>>) dst(%arg8 : memref<10000xi32, #tpu.memory_space<vmem>>)
    %dma_wait3A_89 = arith.constant 0 : i32
    %dma_wait3A_90 = tpu.memref_slice %arg3[%dma_wait3A_89] : memref<100000xi32, #tpu.memory_space<hbm>> -> memref<10000xi32, #tpu.memory_space<hbm>>
    %dma_wait3A_91 = arith.constant 0 : i32
    %dma_wait3A_92 = tpu.memref_slice %arg3[%dma_wait3A_91] : memref<100000xi32, #tpu.memory_space<hbm>> -> memref<10000xi32, #tpu.memory_space<hbm>>
    tpu.wait_dma2 semaphore(%arg26 : memref<!tpu.dma_semaphore, #tpu.memory_space<semaphore_mem>>) src(%dma_wait3A_92 : memref<10000xi32, #tpu.memory_space<hbm>>) dst(%arg10 : memref<10000xi32, #tpu.memory_space<vmem>>)
    %parallel_loop3A = arith.constant 0 : i32
    %parallel_loop3A_93 = arith.constant 625 : i32
    %parallel_loop3A_94 = arith.constant 1 : i32
    scf.for %parallel_loop3A_382 = %parallel_loop3A to %parallel_loop3A_93 step %parallel_loop3A_94  : i32 {
      %parallel_loop3A_383 = arith.constant 16 : i32
      %parallel_loop3A_384 = arith.muli %parallel_loop3A_382, %parallel_loop3A_383 : i32
      %parallel_loop3A_385 = arith.index_cast %parallel_loop3A_384 : i32 to index
      %parallel_loop3A_386 = tpu.vector_load %arg10[%parallel_loop3A_385] {strides = array<i32>} : memref<10000xi32, #tpu.memory_space<vmem>>, vector<16xi32>,
      %parallel_loop3A_387 = arith.constant 512 : i32
      %parallel_loop3A_388 = vector.broadcast %parallel_loop3A_387 : i32 to vector<16xi32>
      %parallel_loop3A_389 = arith.muli %parallel_loop3A_386, %parallel_loop3A_388 : vector<16xi32>
      %parallel_loop3A_390 = arith.index_cast %parallel_loop3A_384 : i32 to index
      %parallel_loop3A_391 = tpu.vector_load %arg8[%parallel_loop3A_390] {strides = array<i32>} : memref<10000xi32, #tpu.memory_space<vmem>>, vector<16xi32>,
      %parallel_loop3A_392 = arith.addi %parallel_loop3A_389, %parallel_loop3A_391 : vector<16xi32>
      %parallel_loop3A_393 = vector.broadcast %mul3A_2 : i32 to vector<16xi32>
      %parallel_loop3A_394 = arith.subi %parallel_loop3A_392, %parallel_loop3A_393 : vector<16xi32>
      %parallel_loop3A_395 = arith.constant 0 : i32
      %parallel_loop3A_396 = vector.broadcast %parallel_loop3A_395 : i32 to vector<16xi32>
      %parallel_loop3A_397 = arith.cmpi sge, %parallel_loop3A_394, %parallel_loop3A_396 : vector<16xi32>
      %parallel_loop3A_398 = arith.constant 8192 : i32
      %parallel_loop3A_399 = vector.broadcast %parallel_loop3A_398 : i32 to vector<16xi32>
      %parallel_loop3A_400 = arith.cmpi slt, %parallel_loop3A_394, %parallel_loop3A_399 : vector<16xi32>
      %parallel_loop3A_401 = arith.andi %parallel_loop3A_397, %parallel_loop3A_400 : vector<16xi1>
      %parallel_loop3A_402 = arith.constant 0 : i32
      %parallel_loop3A_403 = vector.broadcast %parallel_loop3A_402 : i32 to vector<16xi32>
      %parallel_loop3A_404 = arith.maxsi %parallel_loop3A_394, %parallel_loop3A_403 : vector<16xi32>
      %parallel_loop3A_405 = arith.constant 8191 : i32
      %parallel_loop3A_406 = vector.broadcast %parallel_loop3A_405 : i32 to vector<16xi32>
      %parallel_loop3A_407 = arith.minsi %parallel_loop3A_404, %parallel_loop3A_406 : vector<16xi32>
      tpu.vector_store_idx %arg12[%parallel_loop3A_407], %broadcast_in_dim3A_69 masked %parallel_loop3A_401 {add = true} : memref<8192xf32, #tpu.memory_space<vmem>>[vector<16xi32>], vector<16xf32>, vector<16xi1>
    } {sc.loop_unroll_factor = 8 : i64, sc.parallel_access}
    %dma_start3A_95 = arith.constant 20000 : i32
    %dma_start3A_96 = tpu.memref_slice %arg2[%dma_start3A_95] : memref<100000xi32, #tpu.memory_space<hbm>> -> memref<10000xi32, #tpu.memory_space<hbm>>
    %dma_start3A_97 = arith.constant 20000 : i32
    %dma_start3A_98 = tpu.memref_slice %arg2[%dma_start3A_97] : memref<100000xi32, #tpu.memory_space<hbm>> -> memref<10000xi32, #tpu.memory_space<hbm>>
    tpu.enqueue_dma source(%dma_start3A_98 : memref<10000xi32, #tpu.memory_space<hbm>>) target(%arg8 : memref<10000xi32, #tpu.memory_space<vmem>>) target_semaphore(%arg26 : memref<!tpu.dma_semaphore, #tpu.memory_space<semaphore_mem>>)
    %dma_start3A_99 = arith.constant 20000 : i32
    %dma_start3A_100 = tpu.memref_slice %arg3[%dma_start3A_99] : memref<100000xi32, #tpu.memory_space<hbm>> -> memref<10000xi32, #tpu.memory_space<hbm>>
    %dma_start3A_101 = arith.constant 20000 : i32
    %dma_start3A_102 = tpu.memref_slice %arg3[%dma_start3A_101] : memref<100000xi32, #tpu.memory_space<hbm>> -> memref<10000xi32, #tpu.memory_space<hbm>>
    tpu.enqueue_dma source(%dma_start3A_102 : memref<10000xi32, #tpu.memory_space<hbm>>) target(%arg10 : memref<10000xi32, #tpu.memory_space<vmem>>) target_semaphore(%arg26 : memref<!tpu.dma_semaphore, #tpu.memory_space<semaphore_mem>>)
    %dma_wait3A_103 = arith.constant 0 : i32
    %dma_wait3A_104 = tpu.memref_slice %arg2[%dma_wait3A_103] : memref<100000xi32, #tpu.memory_space<hbm>> -> memref<10000xi32, #tpu.memory_space<hbm>>
    %dma_wait3A_105 = arith.constant 0 : i32
    %dma_wait3A_106 = tpu.memref_slice %arg2[%dma_wait3A_105] : memref<100000xi32, #tpu.memory_space<hbm>> -> memref<10000xi32, #tpu.memory_space<hbm>>
    tpu.wait_dma2 semaphore(%arg27 : memref<!tpu.dma_semaphore, #tpu.memory_space<semaphore_mem>>) src(%dma_wait3A_106 : memref<10000xi32, #tpu.memory_space<hbm>>) dst(%arg9 : memref<10000xi32, #tpu.memory_space<vmem>>)
    %dma_wait3A_107 = arith.constant 0 : i32
    %dma_wait3A_108 = tpu.memref_slice %arg3[%dma_wait3A_107] : memref<100000xi32, #tpu.memory_space<hbm>> -> memref<10000xi32, #tpu.memory_space<hbm>>
    %dma_wait3A_109 = arith.constant 0 : i32
    %dma_wait3A_110 = tpu.memref_slice %arg3[%dma_wait3A_109] : memref<100000xi32, #tpu.memory_space<hbm>> -> memref<10000xi32, #tpu.memory_space<hbm>>
    tpu.wait_dma2 semaphore(%arg27 : memref<!tpu.dma_semaphore, #tpu.memory_space<semaphore_mem>>) src(%dma_wait3A_110 : memref<10000xi32, #tpu.memory_space<hbm>>) dst(%arg11 : memref<10000xi32, #tpu.memory_space<vmem>>)
    %parallel_loop3A_111 = arith.constant 0 : i32
    %parallel_loop3A_112 = arith.constant 625 : i32
    %parallel_loop3A_113 = arith.constant 1 : i32
    scf.for %parallel_loop3A_382 = %parallel_loop3A_111 to %parallel_loop3A_112 step %parallel_loop3A_113  : i32 {
      %parallel_loop3A_383 = arith.constant 16 : i32
      %parallel_loop3A_384 = arith.muli %parallel_loop3A_382, %parallel_loop3A_383 : i32
      %parallel_loop3A_385 = arith.index_cast %parallel_loop3A_384 : i32 to index
      %parallel_loop3A_386 = tpu.vector_load %arg11[%parallel_loop3A_385] {strides = array<i32>} : memref<10000xi32, #tpu.memory_space<vmem>>, vector<16xi32>,
      %parallel_loop3A_387 = arith.constant 512 : i32
      %parallel_loop3A_388 = vector.broadcast %parallel_loop3A_387 : i32 to vector<16xi32>
      %parallel_loop3A_389 = arith.muli %parallel_loop3A_386, %parallel_loop3A_388 : vector<16xi32>
      %parallel_loop3A_390 = arith.index_cast %parallel_loop3A_384 : i32 to index
      %parallel_loop3A_391 = tpu.vector_load %arg9[%parallel_loop3A_390] {strides = array<i32>} : memref<10000xi32, #tpu.memory_space<vmem>>, vector<16xi32>,
      %parallel_loop3A_392 = arith.addi %parallel_loop3A_389, %parallel_loop3A_391 : vector<16xi32>
      %parallel_loop3A_393 = vector.broadcast %mul3A_2 : i32 to vector<16xi32>
      %parallel_loop3A_394 = arith.subi %parallel_loop3A_392, %parallel_loop3A_393 : vector<16xi32>
      %parallel_loop3A_395 = arith.constant 0 : i32
      %parallel_loop3A_396 = vector.broadcast %parallel_loop3A_395 : i32 to vector<16xi32>
      %parallel_loop3A_397 = arith.cmpi sge, %parallel_loop3A_394, %parallel_loop3A_396 : vector<16xi32>
      %parallel_loop3A_398 = arith.constant 8192 : i32
      %parallel_loop3A_399 = vector.broadcast %parallel_loop3A_398 : i32 to vector<16xi32>
      %parallel_loop3A_400 = arith.cmpi slt, %parallel_loop3A_394, %parallel_loop3A_399 : vector<16xi32>
      %parallel_loop3A_401 = arith.andi %parallel_loop3A_397, %parallel_loop3A_400 : vector<16xi1>
      %parallel_loop3A_402 = arith.constant 0 : i32
      %parallel_loop3A_403 = vector.broadcast %parallel_loop3A_402 : i32 to vector<16xi32>
      %parallel_loop3A_404 = arith.maxsi %parallel_loop3A_394, %parallel_loop3A_403 : vector<16xi32>
      %parallel_loop3A_405 = arith.constant 8191 : i32
      %parallel_loop3A_406 = vector.broadcast %parallel_loop3A_405 : i32 to vector<16xi32>
      %parallel_loop3A_407 = arith.minsi %parallel_loop3A_404, %parallel_loop3A_406 : vector<16xi32>
      tpu.vector_store_idx %arg12[%parallel_loop3A_407], %broadcast_in_dim3A_69 masked %parallel_loop3A_401 {add = true} : memref<8192xf32, #tpu.memory_space<vmem>>[vector<16xi32>], vector<16xf32>, vector<16xi1>
    } {sc.loop_unroll_factor = 8 : i64, sc.parallel_access}
    %dma_start3A_114 = arith.constant 30000 : i32
    %dma_start3A_115 = tpu.memref_slice %arg2[%dma_start3A_114] : memref<100000xi32, #tpu.memory_space<hbm>> -> memref<10000xi32, #tpu.memory_space<hbm>>
    %dma_start3A_116 = arith.constant 30000 : i32
    %dma_start3A_117 = tpu.memref_slice %arg2[%dma_start3A_116] : memref<100000xi32, #tpu.memory_space<hbm>> -> memref<10000xi32, #tpu.memory_space<hbm>>
    tpu.enqueue_dma source(%dma_start3A_117 : memref<10000xi32, #tpu.memory_space<hbm>>) target(%arg9 : memref<10000xi32, #tpu.memory_space<vmem>>) target_semaphore(%arg27 : memref<!tpu.dma_semaphore, #tpu.memory_space<semaphore_mem>>)
    %dma_start3A_118 = arith.constant 30000 : i32
    %dma_start3A_119 = tpu.memref_slice %arg3[%dma_start3A_118] : memref<100000xi32, #tpu.memory_space<hbm>> -> memref<10000xi32, #tpu.memory_space<hbm>>
    %dma_start3A_120 = arith.constant 30000 : i32
    %dma_start3A_121 = tpu.memref_slice %arg3[%dma_start3A_120] : memref<100000xi32, #tpu.memory_space<hbm>> -> memref<10000xi32, #tpu.memory_space<hbm>>
    tpu.enqueue_dma source(%dma_start3A_121 : memref<10000xi32, #tpu.memory_space<hbm>>) target(%arg11 : memref<10000xi32, #tpu.memory_space<vmem>>) target_semaphore(%arg27 : memref<!tpu.dma_semaphore, #tpu.memory_space<semaphore_mem>>)
    %dma_wait3A_122 = arith.constant 0 : i32
    %dma_wait3A_123 = tpu.memref_slice %arg2[%dma_wait3A_122] : memref<100000xi32, #tpu.memory_space<hbm>> -> memref<10000xi32, #tpu.memory_space<hbm>>
    %dma_wait3A_124 = arith.constant 0 : i32
    %dma_wait3A_125 = tpu.memref_slice %arg2[%dma_wait3A_124] : memref<100000xi32, #tpu.memory_space<hbm>> -> memref<10000xi32, #tpu.memory_space<hbm>>
    tpu.wait_dma2 semaphore(%arg26 : memref<!tpu.dma_semaphore, #tpu.memory_space<semaphore_mem>>) src(%dma_wait3A_125 : memref<10000xi32, #tpu.memory_space<hbm>>) dst(%arg8 : memref<10000xi32, #tpu.memory_space<vmem>>)
    %dma_wait3A_126 = arith.constant 0 : i32
    %dma_wait3A_127 = tpu.memref_slice %arg3[%dma_wait3A_126] : memref<100000xi32, #tpu.memory_space<hbm>> -> memref<10000xi32, #tpu.memory_space<hbm>>
    %dma_wait3A_128 = arith.constant 0 : i32
    %dma_wait3A_129 = tpu.memref_slice %arg3[%dma_wait3A_128] : memref<100000xi32, #tpu.memory_space<hbm>> -> memref<10000xi32, #tpu.memory_space<hbm>>
    tpu.wait_dma2 semaphore(%arg26 : memref<!tpu.dma_semaphore, #tpu.memory_space<semaphore_mem>>) src(%dma_wait3A_129 : memref<10000xi32, #tpu.memory_space<hbm>>) dst(%arg10 : memref<10000xi32, #tpu.memory_space<vmem>>)
    %parallel_loop3A_130 = arith.constant 0 : i32
    %parallel_loop3A_131 = arith.constant 625 : i32
    %parallel_loop3A_132 = arith.constant 1 : i32
    scf.for %parallel_loop3A_382 = %parallel_loop3A_130 to %parallel_loop3A_131 step %parallel_loop3A_132  : i32 {
      %parallel_loop3A_383 = arith.constant 16 : i32
      %parallel_loop3A_384 = arith.muli %parallel_loop3A_382, %parallel_loop3A_383 : i32
      %parallel_loop3A_385 = arith.index_cast %parallel_loop3A_384 : i32 to index
      %parallel_loop3A_386 = tpu.vector_load %arg10[%parallel_loop3A_385] {strides = array<i32>} : memref<10000xi32, #tpu.memory_space<vmem>>, vector<16xi32>,
      %parallel_loop3A_387 = arith.constant 512 : i32
      %parallel_loop3A_388 = vector.broadcast %parallel_loop3A_387 : i32 to vector<16xi32>
      %parallel_loop3A_389 = arith.muli %parallel_loop3A_386, %parallel_loop3A_388 : vector<16xi32>
      %parallel_loop3A_390 = arith.index_cast %parallel_loop3A_384 : i32 to index
      %parallel_loop3A_391 = tpu.vector_load %arg8[%parallel_loop3A_390] {strides = array<i32>} : memref<10000xi32, #tpu.memory_space<vmem>>, vector<16xi32>,
      %parallel_loop3A_392 = arith.addi %parallel_loop3A_389, %parallel_loop3A_391 : vector<16xi32>
      %parallel_loop3A_393 = vector.broadcast %mul3A_2 : i32 to vector<16xi32>
      %parallel_loop3A_394 = arith.subi %parallel_loop3A_392, %parallel_loop3A_393 : vector<16xi32>
      %parallel_loop3A_395 = arith.constant 0 : i32
      %parallel_loop3A_396 = vector.broadcast %parallel_loop3A_395 : i32 to vector<16xi32>
      %parallel_loop3A_397 = arith.cmpi sge, %parallel_loop3A_394, %parallel_loop3A_396 : vector<16xi32>
      %parallel_loop3A_398 = arith.constant 8192 : i32
      %parallel_loop3A_399 = vector.broadcast %parallel_loop3A_398 : i32 to vector<16xi32>
      %parallel_loop3A_400 = arith.cmpi slt, %parallel_loop3A_394, %parallel_loop3A_399 : vector<16xi32>
      %parallel_loop3A_401 = arith.andi %parallel_loop3A_397, %parallel_loop3A_400 : vector<16xi1>
      %parallel_loop3A_402 = arith.constant 0 : i32
      %parallel_loop3A_403 = vector.broadcast %parallel_loop3A_402 : i32 to vector<16xi32>
      %parallel_loop3A_404 = arith.maxsi %parallel_loop3A_394, %parallel_loop3A_403 : vector<16xi32>
      %parallel_loop3A_405 = arith.constant 8191 : i32
      %parallel_loop3A_406 = vector.broadcast %parallel_loop3A_405 : i32 to vector<16xi32>
      %parallel_loop3A_407 = arith.minsi %parallel_loop3A_404, %parallel_loop3A_406 : vector<16xi32>
      tpu.vector_store_idx %arg12[%parallel_loop3A_407], %broadcast_in_dim3A_69 masked %parallel_loop3A_401 {add = true} : memref<8192xf32, #tpu.memory_space<vmem>>[vector<16xi32>], vector<16xf32>, vector<16xi1>
    } {sc.loop_unroll_factor = 8 : i64, sc.parallel_access}
    %dma_start3A_133 = arith.constant 40000 : i32
    %dma_start3A_134 = tpu.memref_slice %arg2[%dma_start3A_133] : memref<100000xi32, #tpu.memory_space<hbm>> -> memref<10000xi32, #tpu.memory_space<hbm>>
    %dma_start3A_135 = arith.constant 40000 : i32
    %dma_start3A_136 = tpu.memref_slice %arg2[%dma_start3A_135] : memref<100000xi32, #tpu.memory_space<hbm>> -> memref<10000xi32, #tpu.memory_space<hbm>>
    tpu.enqueue_dma source(%dma_start3A_136 : memref<10000xi32, #tpu.memory_space<hbm>>) target(%arg8 : memref<10000xi32, #tpu.memory_space<vmem>>) target_semaphore(%arg26 : memref<!tpu.dma_semaphore, #tpu.memory_space<semaphore_mem>>)
    %dma_start3A_137 = arith.constant 40000 : i32
    %dma_start3A_138 = tpu.memref_slice %arg3[%dma_start3A_137] : memref<100000xi32, #tpu.memory_space<hbm>> -> memref<10000xi32, #tpu.memory_space<hbm>>
    %dma_start3A_139 = arith.constant 40000 : i32
    %dma_start3A_140 = tpu.memref_slice %arg3[%dma_start3A_139] : memref<100000xi32, #tpu.memory_space<hbm>> -> memref<10000xi32, #tpu.memory_space<hbm>>
    tpu.enqueue_dma source(%dma_start3A_140 : memref<10000xi32, #tpu.memory_space<hbm>>) target(%arg10 : memref<10000xi32, #tpu.memory_space<vmem>>) target_semaphore(%arg26 : memref<!tpu.dma_semaphore, #tpu.memory_space<semaphore_mem>>)
    %dma_wait3A_141 = arith.constant 0 : i32
    %dma_wait3A_142 = tpu.memref_slice %arg2[%dma_wait3A_141] : memref<100000xi32, #tpu.memory_space<hbm>> -> memref<10000xi32, #tpu.memory_space<hbm>>
    %dma_wait3A_143 = arith.constant 0 : i32
    %dma_wait3A_144 = tpu.memref_slice %arg2[%dma_wait3A_143] : memref<100000xi32, #tpu.memory_space<hbm>> -> memref<10000xi32, #tpu.memory_space<hbm>>
    tpu.wait_dma2 semaphore(%arg27 : memref<!tpu.dma_semaphore, #tpu.memory_space<semaphore_mem>>) src(%dma_wait3A_144 : memref<10000xi32, #tpu.memory_space<hbm>>) dst(%arg9 : memref<10000xi32, #tpu.memory_space<vmem>>)
    %dma_wait3A_145 = arith.constant 0 : i32
    %dma_wait3A_146 = tpu.memref_slice %arg3[%dma_wait3A_145] : memref<100000xi32, #tpu.memory_space<hbm>> -> memref<10000xi32, #tpu.memory_space<hbm>>
    %dma_wait3A_147 = arith.constant 0 : i32
    %dma_wait3A_148 = tpu.memref_slice %arg3[%dma_wait3A_147] : memref<100000xi32, #tpu.memory_space<hbm>> -> memref<10000xi32, #tpu.memory_space<hbm>>
    tpu.wait_dma2 semaphore(%arg27 : memref<!tpu.dma_semaphore, #tpu.memory_space<semaphore_mem>>) src(%dma_wait3A_148 : memref<10000xi32, #tpu.memory_space<hbm>>) dst(%arg11 : memref<10000xi32, #tpu.memory_space<vmem>>)
    %parallel_loop3A_149 = arith.constant 0 : i32
    %parallel_loop3A_150 = arith.constant 625 : i32
    %parallel_loop3A_151 = arith.constant 1 : i32
    scf.for %parallel_loop3A_382 = %parallel_loop3A_149 to %parallel_loop3A_150 step %parallel_loop3A_151  : i32 {
      %parallel_loop3A_383 = arith.constant 16 : i32
      %parallel_loop3A_384 = arith.muli %parallel_loop3A_382, %parallel_loop3A_383 : i32
      %parallel_loop3A_385 = arith.index_cast %parallel_loop3A_384 : i32 to index
      %parallel_loop3A_386 = tpu.vector_load %arg11[%parallel_loop3A_385] {strides = array<i32>} : memref<10000xi32, #tpu.memory_space<vmem>>, vector<16xi32>,
      %parallel_loop3A_387 = arith.constant 512 : i32
      %parallel_loop3A_388 = vector.broadcast %parallel_loop3A_387 : i32 to vector<16xi32>
      %parallel_loop3A_389 = arith.muli %parallel_loop3A_386, %parallel_loop3A_388 : vector<16xi32>
      %parallel_loop3A_390 = arith.index_cast %parallel_loop3A_384 : i32 to index
      %parallel_loop3A_391 = tpu.vector_load %arg9[%parallel_loop3A_390] {strides = array<i32>} : memref<10000xi32, #tpu.memory_space<vmem>>, vector<16xi32>,
      %parallel_loop3A_392 = arith.addi %parallel_loop3A_389, %parallel_loop3A_391 : vector<16xi32>
      %parallel_loop3A_393 = vector.broadcast %mul3A_2 : i32 to vector<16xi32>
      %parallel_loop3A_394 = arith.subi %parallel_loop3A_392, %parallel_loop3A_393 : vector<16xi32>
      %parallel_loop3A_395 = arith.constant 0 : i32
      %parallel_loop3A_396 = vector.broadcast %parallel_loop3A_395 : i32 to vector<16xi32>
      %parallel_loop3A_397 = arith.cmpi sge, %parallel_loop3A_394, %parallel_loop3A_396 : vector<16xi32>
      %parallel_loop3A_398 = arith.constant 8192 : i32
      %parallel_loop3A_399 = vector.broadcast %parallel_loop3A_398 : i32 to vector<16xi32>
      %parallel_loop3A_400 = arith.cmpi slt, %parallel_loop3A_394, %parallel_loop3A_399 : vector<16xi32>
      %parallel_loop3A_401 = arith.andi %parallel_loop3A_397, %parallel_loop3A_400 : vector<16xi1>
      %parallel_loop3A_402 = arith.constant 0 : i32
      %parallel_loop3A_403 = vector.broadcast %parallel_loop3A_402 : i32 to vector<16xi32>
      %parallel_loop3A_404 = arith.maxsi %parallel_loop3A_394, %parallel_loop3A_403 : vector<16xi32>
      %parallel_loop3A_405 = arith.constant 8191 : i32
      %parallel_loop3A_406 = vector.broadcast %parallel_loop3A_405 : i32 to vector<16xi32>
      %parallel_loop3A_407 = arith.minsi %parallel_loop3A_404, %parallel_loop3A_406 : vector<16xi32>
      tpu.vector_store_idx %arg12[%parallel_loop3A_407], %broadcast_in_dim3A_69 masked %parallel_loop3A_401 {add = true} : memref<8192xf32, #tpu.memory_space<vmem>>[vector<16xi32>], vector<16xf32>, vector<16xi1>
    } {sc.loop_unroll_factor = 8 : i64, sc.parallel_access}
    %dma_start3A_152 = arith.constant 50000 : i32
    %dma_start3A_153 = tpu.memref_slice %arg2[%dma_start3A_152] : memref<100000xi32, #tpu.memory_space<hbm>> -> memref<10000xi32, #tpu.memory_space<hbm>>
    %dma_start3A_154 = arith.constant 50000 : i32
    %dma_start3A_155 = tpu.memref_slice %arg2[%dma_start3A_154] : memref<100000xi32, #tpu.memory_space<hbm>> -> memref<10000xi32, #tpu.memory_space<hbm>>
    tpu.enqueue_dma source(%dma_start3A_155 : memref<10000xi32, #tpu.memory_space<hbm>>) target(%arg9 : memref<10000xi32, #tpu.memory_space<vmem>>) target_semaphore(%arg27 : memref<!tpu.dma_semaphore, #tpu.memory_space<semaphore_mem>>)
    %dma_start3A_156 = arith.constant 50000 : i32
    %dma_start3A_157 = tpu.memref_slice %arg3[%dma_start3A_156] : memref<100000xi32, #tpu.memory_space<hbm>> -> memref<10000xi32, #tpu.memory_space<hbm>>
    %dma_start3A_158 = arith.constant 50000 : i32
    %dma_start3A_159 = tpu.memref_slice %arg3[%dma_start3A_158] : memref<100000xi32, #tpu.memory_space<hbm>> -> memref<10000xi32, #tpu.memory_space<hbm>>
    tpu.enqueue_dma source(%dma_start3A_159 : memref<10000xi32, #tpu.memory_space<hbm>>) target(%arg11 : memref<10000xi32, #tpu.memory_space<vmem>>) target_semaphore(%arg27 : memref<!tpu.dma_semaphore, #tpu.memory_space<semaphore_mem>>)
    %dma_wait3A_160 = arith.constant 0 : i32
    %dma_wait3A_161 = tpu.memref_slice %arg2[%dma_wait3A_160] : memref<100000xi32, #tpu.memory_space<hbm>> -> memref<10000xi32, #tpu.memory_space<hbm>>
    %dma_wait3A_162 = arith.constant 0 : i32
    %dma_wait3A_163 = tpu.memref_slice %arg2[%dma_wait3A_162] : memref<100000xi32, #tpu.memory_space<hbm>> -> memref<10000xi32, #tpu.memory_space<hbm>>
    tpu.wait_dma2 semaphore(%arg26 : memref<!tpu.dma_semaphore, #tpu.memory_space<semaphore_mem>>) src(%dma_wait3A_163 : memref<10000xi32, #tpu.memory_space<hbm>>) dst(%arg8 : memref<10000xi32, #tpu.memory_space<vmem>>)
    %dma_wait3A_164 = arith.constant 0 : i32
    %dma_wait3A_165 = tpu.memref_slice %arg3[%dma_wait3A_164] : memref<100000xi32, #tpu.memory_space<hbm>> -> memref<10000xi32, #tpu.memory_space<hbm>>
    %dma_wait3A_166 = arith.constant 0 : i32
    %dma_wait3A_167 = tpu.memref_slice %arg3[%dma_wait3A_166] : memref<100000xi32, #tpu.memory_space<hbm>> -> memref<10000xi32, #tpu.memory_space<hbm>>
    tpu.wait_dma2 semaphore(%arg26 : memref<!tpu.dma_semaphore, #tpu.memory_space<semaphore_mem>>) src(%dma_wait3A_167 : memref<10000xi32, #tpu.memory_space<hbm>>) dst(%arg10 : memref<10000xi32, #tpu.memory_space<vmem>>)
    %parallel_loop3A_168 = arith.constant 0 : i32
    %parallel_loop3A_169 = arith.constant 625 : i32
    %parallel_loop3A_170 = arith.constant 1 : i32
    scf.for %parallel_loop3A_382 = %parallel_loop3A_168 to %parallel_loop3A_169 step %parallel_loop3A_170  : i32 {
      %parallel_loop3A_383 = arith.constant 16 : i32
      %parallel_loop3A_384 = arith.muli %parallel_loop3A_382, %parallel_loop3A_383 : i32
      %parallel_loop3A_385 = arith.index_cast %parallel_loop3A_384 : i32 to index
      %parallel_loop3A_386 = tpu.vector_load %arg10[%parallel_loop3A_385] {strides = array<i32>} : memref<10000xi32, #tpu.memory_space<vmem>>, vector<16xi32>,
      %parallel_loop3A_387 = arith.constant 512 : i32
      %parallel_loop3A_388 = vector.broadcast %parallel_loop3A_387 : i32 to vector<16xi32>
      %parallel_loop3A_389 = arith.muli %parallel_loop3A_386, %parallel_loop3A_388 : vector<16xi32>
      %parallel_loop3A_390 = arith.index_cast %parallel_loop3A_384 : i32 to index
      %parallel_loop3A_391 = tpu.vector_load %arg8[%parallel_loop3A_390] {strides = array<i32>} : memref<10000xi32, #tpu.memory_space<vmem>>, vector<16xi32>,
      %parallel_loop3A_392 = arith.addi %parallel_loop3A_389, %parallel_loop3A_391 : vector<16xi32>
      %parallel_loop3A_393 = vector.broadcast %mul3A_2 : i32 to vector<16xi32>
      %parallel_loop3A_394 = arith.subi %parallel_loop3A_392, %parallel_loop3A_393 : vector<16xi32>
      %parallel_loop3A_395 = arith.constant 0 : i32
      %parallel_loop3A_396 = vector.broadcast %parallel_loop3A_395 : i32 to vector<16xi32>
      %parallel_loop3A_397 = arith.cmpi sge, %parallel_loop3A_394, %parallel_loop3A_396 : vector<16xi32>
      %parallel_loop3A_398 = arith.constant 8192 : i32
      %parallel_loop3A_399 = vector.broadcast %parallel_loop3A_398 : i32 to vector<16xi32>
      %parallel_loop3A_400 = arith.cmpi slt, %parallel_loop3A_394, %parallel_loop3A_399 : vector<16xi32>
      %parallel_loop3A_401 = arith.andi %parallel_loop3A_397, %parallel_loop3A_400 : vector<16xi1>
      %parallel_loop3A_402 = arith.constant 0 : i32
      %parallel_loop3A_403 = vector.broadcast %parallel_loop3A_402 : i32 to vector<16xi32>
      %parallel_loop3A_404 = arith.maxsi %parallel_loop3A_394, %parallel_loop3A_403 : vector<16xi32>
      %parallel_loop3A_405 = arith.constant 8191 : i32
      %parallel_loop3A_406 = vector.broadcast %parallel_loop3A_405 : i32 to vector<16xi32>
      %parallel_loop3A_407 = arith.minsi %parallel_loop3A_404, %parallel_loop3A_406 : vector<16xi32>
      tpu.vector_store_idx %arg12[%parallel_loop3A_407], %broadcast_in_dim3A_69 masked %parallel_loop3A_401 {add = true} : memref<8192xf32, #tpu.memory_space<vmem>>[vector<16xi32>], vector<16xf32>, vector<16xi1>
    } {sc.loop_unroll_factor = 8 : i64, sc.parallel_access}
    %dma_start3A_171 = arith.constant 60000 : i32
    %dma_start3A_172 = tpu.memref_slice %arg2[%dma_start3A_171] : memref<100000xi32, #tpu.memory_space<hbm>> -> memref<10000xi32, #tpu.memory_space<hbm>>
    %dma_start3A_173 = arith.constant 60000 : i32
    %dma_start3A_174 = tpu.memref_slice %arg2[%dma_start3A_173] : memref<100000xi32, #tpu.memory_space<hbm>> -> memref<10000xi32, #tpu.memory_space<hbm>>
    tpu.enqueue_dma source(%dma_start3A_174 : memref<10000xi32, #tpu.memory_space<hbm>>) target(%arg8 : memref<10000xi32, #tpu.memory_space<vmem>>) target_semaphore(%arg26 : memref<!tpu.dma_semaphore, #tpu.memory_space<semaphore_mem>>)
    %dma_start3A_175 = arith.constant 60000 : i32
    %dma_start3A_176 = tpu.memref_slice %arg3[%dma_start3A_175] : memref<100000xi32, #tpu.memory_space<hbm>> -> memref<10000xi32, #tpu.memory_space<hbm>>
    %dma_start3A_177 = arith.constant 60000 : i32
    %dma_start3A_178 = tpu.memref_slice %arg3[%dma_start3A_177] : memref<100000xi32, #tpu.memory_space<hbm>> -> memref<10000xi32, #tpu.memory_space<hbm>>
    tpu.enqueue_dma source(%dma_start3A_178 : memref<10000xi32, #tpu.memory_space<hbm>>) target(%arg10 : memref<10000xi32, #tpu.memory_space<vmem>>) target_semaphore(%arg26 : memref<!tpu.dma_semaphore, #tpu.memory_space<semaphore_mem>>)
    %dma_wait3A_179 = arith.constant 0 : i32
    %dma_wait3A_180 = tpu.memref_slice %arg2[%dma_wait3A_179] : memref<100000xi32, #tpu.memory_space<hbm>> -> memref<10000xi32, #tpu.memory_space<hbm>>
    %dma_wait3A_181 = arith.constant 0 : i32
    %dma_wait3A_182 = tpu.memref_slice %arg2[%dma_wait3A_181] : memref<100000xi32, #tpu.memory_space<hbm>> -> memref<10000xi32, #tpu.memory_space<hbm>>
    tpu.wait_dma2 semaphore(%arg27 : memref<!tpu.dma_semaphore, #tpu.memory_space<semaphore_mem>>) src(%dma_wait3A_182 : memref<10000xi32, #tpu.memory_space<hbm>>) dst(%arg9 : memref<10000xi32, #tpu.memory_space<vmem>>)
    %dma_wait3A_183 = arith.constant 0 : i32
    %dma_wait3A_184 = tpu.memref_slice %arg3[%dma_wait3A_183] : memref<100000xi32, #tpu.memory_space<hbm>> -> memref<10000xi32, #tpu.memory_space<hbm>>
    %dma_wait3A_185 = arith.constant 0 : i32
    %dma_wait3A_186 = tpu.memref_slice %arg3[%dma_wait3A_185] : memref<100000xi32, #tpu.memory_space<hbm>> -> memref<10000xi32, #tpu.memory_space<hbm>>
    tpu.wait_dma2 semaphore(%arg27 : memref<!tpu.dma_semaphore, #tpu.memory_space<semaphore_mem>>) src(%dma_wait3A_186 : memref<10000xi32, #tpu.memory_space<hbm>>) dst(%arg11 : memref<10000xi32, #tpu.memory_space<vmem>>)
    %parallel_loop3A_187 = arith.constant 0 : i32
    %parallel_loop3A_188 = arith.constant 625 : i32
    %parallel_loop3A_189 = arith.constant 1 : i32
    scf.for %parallel_loop3A_382 = %parallel_loop3A_187 to %parallel_loop3A_188 step %parallel_loop3A_189  : i32 {
      %parallel_loop3A_383 = arith.constant 16 : i32
      %parallel_loop3A_384 = arith.muli %parallel_loop3A_382, %parallel_loop3A_383 : i32
      %parallel_loop3A_385 = arith.index_cast %parallel_loop3A_384 : i32 to index
      %parallel_loop3A_386 = tpu.vector_load %arg11[%parallel_loop3A_385] {strides = array<i32>} : memref<10000xi32, #tpu.memory_space<vmem>>, vector<16xi32>,
      %parallel_loop3A_387 = arith.constant 512 : i32
      %parallel_loop3A_388 = vector.broadcast %parallel_loop3A_387 : i32 to vector<16xi32>
      %parallel_loop3A_389 = arith.muli %parallel_loop3A_386, %parallel_loop3A_388 : vector<16xi32>
      %parallel_loop3A_390 = arith.index_cast %parallel_loop3A_384 : i32 to index
      %parallel_loop3A_391 = tpu.vector_load %arg9[%parallel_loop3A_390] {strides = array<i32>} : memref<10000xi32, #tpu.memory_space<vmem>>, vector<16xi32>,
      %parallel_loop3A_392 = arith.addi %parallel_loop3A_389, %parallel_loop3A_391 : vector<16xi32>
      %parallel_loop3A_393 = vector.broadcast %mul3A_2 : i32 to vector<16xi32>
      %parallel_loop3A_394 = arith.subi %parallel_loop3A_392, %parallel_loop3A_393 : vector<16xi32>
      %parallel_loop3A_395 = arith.constant 0 : i32
      %parallel_loop3A_396 = vector.broadcast %parallel_loop3A_395 : i32 to vector<16xi32>
      %parallel_loop3A_397 = arith.cmpi sge, %parallel_loop3A_394, %parallel_loop3A_396 : vector<16xi32>
      %parallel_loop3A_398 = arith.constant 8192 : i32
      %parallel_loop3A_399 = vector.broadcast %parallel_loop3A_398 : i32 to vector<16xi32>
      %parallel_loop3A_400 = arith.cmpi slt, %parallel_loop3A_394, %parallel_loop3A_399 : vector<16xi32>
      %parallel_loop3A_401 = arith.andi %parallel_loop3A_397, %parallel_loop3A_400 : vector<16xi1>
      %parallel_loop3A_402 = arith.constant 0 : i32
      %parallel_loop3A_403 = vector.broadcast %parallel_loop3A_402 : i32 to vector<16xi32>
      %parallel_loop3A_404 = arith.maxsi %parallel_loop3A_394, %parallel_loop3A_403 : vector<16xi32>
      %parallel_loop3A_405 = arith.constant 8191 : i32
      %parallel_loop3A_406 = vector.broadcast %parallel_loop3A_405 : i32 to vector<16xi32>
      %parallel_loop3A_407 = arith.minsi %parallel_loop3A_404, %parallel_loop3A_406 : vector<16xi32>
      tpu.vector_store_idx %arg12[%parallel_loop3A_407], %broadcast_in_dim3A_69 masked %parallel_loop3A_401 {add = true} : memref<8192xf32, #tpu.memory_space<vmem>>[vector<16xi32>], vector<16xf32>, vector<16xi1>
    } {sc.loop_unroll_factor = 8 : i64, sc.parallel_access}
    %dma_start3A_190 = arith.constant 70000 : i32
    %dma_start3A_191 = tpu.memref_slice %arg2[%dma_start3A_190] : memref<100000xi32, #tpu.memory_space<hbm>> -> memref<10000xi32, #tpu.memory_space<hbm>>
    %dma_start3A_192 = arith.constant 70000 : i32
    %dma_start3A_193 = tpu.memref_slice %arg2[%dma_start3A_192] : memref<100000xi32, #tpu.memory_space<hbm>> -> memref<10000xi32, #tpu.memory_space<hbm>>
    tpu.enqueue_dma source(%dma_start3A_193 : memref<10000xi32, #tpu.memory_space<hbm>>) target(%arg9 : memref<10000xi32, #tpu.memory_space<vmem>>) target_semaphore(%arg27 : memref<!tpu.dma_semaphore, #tpu.memory_space<semaphore_mem>>)
    %dma_start3A_194 = arith.constant 70000 : i32
    %dma_start3A_195 = tpu.memref_slice %arg3[%dma_start3A_194] : memref<100000xi32, #tpu.memory_space<hbm>> -> memref<10000xi32, #tpu.memory_space<hbm>>
    %dma_start3A_196 = arith.constant 70000 : i32
    %dma_start3A_197 = tpu.memref_slice %arg3[%dma_start3A_196] : memref<100000xi32, #tpu.memory_space<hbm>> -> memref<10000xi32, #tpu.memory_space<hbm>>
    tpu.enqueue_dma source(%dma_start3A_197 : memref<10000xi32, #tpu.memory_space<hbm>>) target(%arg11 : memref<10000xi32, #tpu.memory_space<vmem>>) target_semaphore(%arg27 : memref<!tpu.dma_semaphore, #tpu.memory_space<semaphore_mem>>)
    %dma_wait3A_198 = arith.constant 0 : i32
    %dma_wait3A_199 = tpu.memref_slice %arg2[%dma_wait3A_198] : memref<100000xi32, #tpu.memory_space<hbm>> -> memref<10000xi32, #tpu.memory_space<hbm>>
    %dma_wait3A_200 = arith.constant 0 : i32
    %dma_wait3A_201 = tpu.memref_slice %arg2[%dma_wait3A_200] : memref<100000xi32, #tpu.memory_space<hbm>> -> memref<10000xi32, #tpu.memory_space<hbm>>
    tpu.wait_dma2 semaphore(%arg26 : memref<!tpu.dma_semaphore, #tpu.memory_space<semaphore_mem>>) src(%dma_wait3A_201 : memref<10000xi32, #tpu.memory_space<hbm>>) dst(%arg8 : memref<10000xi32, #tpu.memory_space<vmem>>)
    %dma_wait3A_202 = arith.constant 0 : i32
    %dma_wait3A_203 = tpu.memref_slice %arg3[%dma_wait3A_202] : memref<100000xi32, #tpu.memory_space<hbm>> -> memref<10000xi32, #tpu.memory_space<hbm>>
    %dma_wait3A_204 = arith.constant 0 : i32
    %dma_wait3A_205 = tpu.memref_slice %arg3[%dma_wait3A_204] : memref<100000xi32, #tpu.memory_space<hbm>> -> memref<10000xi32, #tpu.memory_space<hbm>>
    tpu.wait_dma2 semaphore(%arg26 : memref<!tpu.dma_semaphore, #tpu.memory_space<semaphore_mem>>) src(%dma_wait3A_205 : memref<10000xi32, #tpu.memory_space<hbm>>) dst(%arg10 : memref<10000xi32, #tpu.memory_space<vmem>>)
    %parallel_loop3A_206 = arith.constant 0 : i32
    %parallel_loop3A_207 = arith.constant 625 : i32
    %parallel_loop3A_208 = arith.constant 1 : i32
    scf.for %parallel_loop3A_382 = %parallel_loop3A_206 to %parallel_loop3A_207 step %parallel_loop3A_208  : i32 {
      %parallel_loop3A_383 = arith.constant 16 : i32
      %parallel_loop3A_384 = arith.muli %parallel_loop3A_382, %parallel_loop3A_383 : i32
      %parallel_loop3A_385 = arith.index_cast %parallel_loop3A_384 : i32 to index
      %parallel_loop3A_386 = tpu.vector_load %arg10[%parallel_loop3A_385] {strides = array<i32>} : memref<10000xi32, #tpu.memory_space<vmem>>, vector<16xi32>,
      %parallel_loop3A_387 = arith.constant 512 : i32
      %parallel_loop3A_388 = vector.broadcast %parallel_loop3A_387 : i32 to vector<16xi32>
      %parallel_loop3A_389 = arith.muli %parallel_loop3A_386, %parallel_loop3A_388 : vector<16xi32>
      %parallel_loop3A_390 = arith.index_cast %parallel_loop3A_384 : i32 to index
      %parallel_loop3A_391 = tpu.vector_load %arg8[%parallel_loop3A_390] {strides = array<i32>} : memref<10000xi32, #tpu.memory_space<vmem>>, vector<16xi32>,
      %parallel_loop3A_392 = arith.addi %parallel_loop3A_389, %parallel_loop3A_391 : vector<16xi32>
      %parallel_loop3A_393 = vector.broadcast %mul3A_2 : i32 to vector<16xi32>
      %parallel_loop3A_394 = arith.subi %parallel_loop3A_392, %parallel_loop3A_393 : vector<16xi32>
      %parallel_loop3A_395 = arith.constant 0 : i32
      %parallel_loop3A_396 = vector.broadcast %parallel_loop3A_395 : i32 to vector<16xi32>
      %parallel_loop3A_397 = arith.cmpi sge, %parallel_loop3A_394, %parallel_loop3A_396 : vector<16xi32>
      %parallel_loop3A_398 = arith.constant 8192 : i32
      %parallel_loop3A_399 = vector.broadcast %parallel_loop3A_398 : i32 to vector<16xi32>
      %parallel_loop3A_400 = arith.cmpi slt, %parallel_loop3A_394, %parallel_loop3A_399 : vector<16xi32>
      %parallel_loop3A_401 = arith.andi %parallel_loop3A_397, %parallel_loop3A_400 : vector<16xi1>
      %parallel_loop3A_402 = arith.constant 0 : i32
      %parallel_loop3A_403 = vector.broadcast %parallel_loop3A_402 : i32 to vector<16xi32>
      %parallel_loop3A_404 = arith.maxsi %parallel_loop3A_394, %parallel_loop3A_403 : vector<16xi32>
      %parallel_loop3A_405 = arith.constant 8191 : i32
      %parallel_loop3A_406 = vector.broadcast %parallel_loop3A_405 : i32 to vector<16xi32>
      %parallel_loop3A_407 = arith.minsi %parallel_loop3A_404, %parallel_loop3A_406 : vector<16xi32>
      tpu.vector_store_idx %arg12[%parallel_loop3A_407], %broadcast_in_dim3A_69 masked %parallel_loop3A_401 {add = true} : memref<8192xf32, #tpu.memory_space<vmem>>[vector<16xi32>], vector<16xf32>, vector<16xi1>
    } {sc.loop_unroll_factor = 8 : i64, sc.parallel_access}
    %dma_start3A_209 = arith.constant 80000 : i32
    %dma_start3A_210 = tpu.memref_slice %arg2[%dma_start3A_209] : memref<100000xi32, #tpu.memory_space<hbm>> -> memref<10000xi32, #tpu.memory_space<hbm>>
    %dma_start3A_211 = arith.constant 80000 : i32
    %dma_start3A_212 = tpu.memref_slice %arg2[%dma_start3A_211] : memref<100000xi32, #tpu.memory_space<hbm>> -> memref<10000xi32, #tpu.memory_space<hbm>>
    tpu.enqueue_dma source(%dma_start3A_212 : memref<10000xi32, #tpu.memory_space<hbm>>) target(%arg8 : memref<10000xi32, #tpu.memory_space<vmem>>) target_semaphore(%arg26 : memref<!tpu.dma_semaphore, #tpu.memory_space<semaphore_mem>>)
    %dma_start3A_213 = arith.constant 80000 : i32
    %dma_start3A_214 = tpu.memref_slice %arg3[%dma_start3A_213] : memref<100000xi32, #tpu.memory_space<hbm>> -> memref<10000xi32, #tpu.memory_space<hbm>>
    %dma_start3A_215 = arith.constant 80000 : i32
    %dma_start3A_216 = tpu.memref_slice %arg3[%dma_start3A_215] : memref<100000xi32, #tpu.memory_space<hbm>> -> memref<10000xi32, #tpu.memory_space<hbm>>
    tpu.enqueue_dma source(%dma_start3A_216 : memref<10000xi32, #tpu.memory_space<hbm>>) target(%arg10 : memref<10000xi32, #tpu.memory_space<vmem>>) target_semaphore(%arg26 : memref<!tpu.dma_semaphore, #tpu.memory_space<semaphore_mem>>)
    %dma_wait3A_217 = arith.constant 0 : i32
    %dma_wait3A_218 = tpu.memref_slice %arg2[%dma_wait3A_217] : memref<100000xi32, #tpu.memory_space<hbm>> -> memref<10000xi32, #tpu.memory_space<hbm>>
    %dma_wait3A_219 = arith.constant 0 : i32
    %dma_wait3A_220 = tpu.memref_slice %arg2[%dma_wait3A_219] : memref<100000xi32, #tpu.memory_space<hbm>> -> memref<10000xi32, #tpu.memory_space<hbm>>
    tpu.wait_dma2 semaphore(%arg27 : memref<!tpu.dma_semaphore, #tpu.memory_space<semaphore_mem>>) src(%dma_wait3A_220 : memref<10000xi32, #tpu.memory_space<hbm>>) dst(%arg9 : memref<10000xi32, #tpu.memory_space<vmem>>)
    %dma_wait3A_221 = arith.constant 0 : i32
    %dma_wait3A_222 = tpu.memref_slice %arg3[%dma_wait3A_221] : memref<100000xi32, #tpu.memory_space<hbm>> -> memref<10000xi32, #tpu.memory_space<hbm>>
    %dma_wait3A_223 = arith.constant 0 : i32
    %dma_wait3A_224 = tpu.memref_slice %arg3[%dma_wait3A_223] : memref<100000xi32, #tpu.memory_space<hbm>> -> memref<10000xi32, #tpu.memory_space<hbm>>
    tpu.wait_dma2 semaphore(%arg27 : memref<!tpu.dma_semaphore, #tpu.memory_space<semaphore_mem>>) src(%dma_wait3A_224 : memref<10000xi32, #tpu.memory_space<hbm>>) dst(%arg11 : memref<10000xi32, #tpu.memory_space<vmem>>)
    %parallel_loop3A_225 = arith.constant 0 : i32
    %parallel_loop3A_226 = arith.constant 625 : i32
    %parallel_loop3A_227 = arith.constant 1 : i32
    scf.for %parallel_loop3A_382 = %parallel_loop3A_225 to %parallel_loop3A_226 step %parallel_loop3A_227  : i32 {
      %parallel_loop3A_383 = arith.constant 16 : i32
      %parallel_loop3A_384 = arith.muli %parallel_loop3A_382, %parallel_loop3A_383 : i32
      %parallel_loop3A_385 = arith.index_cast %parallel_loop3A_384 : i32 to index
      %parallel_loop3A_386 = tpu.vector_load %arg11[%parallel_loop3A_385] {strides = array<i32>} : memref<10000xi32, #tpu.memory_space<vmem>>, vector<16xi32>,
      %parallel_loop3A_387 = arith.constant 512 : i32
      %parallel_loop3A_388 = vector.broadcast %parallel_loop3A_387 : i32 to vector<16xi32>
      %parallel_loop3A_389 = arith.muli %parallel_loop3A_386, %parallel_loop3A_388 : vector<16xi32>
      %parallel_loop3A_390 = arith.index_cast %parallel_loop3A_384 : i32 to index
      %parallel_loop3A_391 = tpu.vector_load %arg9[%parallel_loop3A_390] {strides = array<i32>} : memref<10000xi32, #tpu.memory_space<vmem>>, vector<16xi32>,
      %parallel_loop3A_392 = arith.addi %parallel_loop3A_389, %parallel_loop3A_391 : vector<16xi32>
      %parallel_loop3A_393 = vector.broadcast %mul3A_2 : i32 to vector<16xi32>
      %parallel_loop3A_394 = arith.subi %parallel_loop3A_392, %parallel_loop3A_393 : vector<16xi32>
      %parallel_loop3A_395 = arith.constant 0 : i32
      %parallel_loop3A_396 = vector.broadcast %parallel_loop3A_395 : i32 to vector<16xi32>
      %parallel_loop3A_397 = arith.cmpi sge, %parallel_loop3A_394, %parallel_loop3A_396 : vector<16xi32>
      %parallel_loop3A_398 = arith.constant 8192 : i32
      %parallel_loop3A_399 = vector.broadcast %parallel_loop3A_398 : i32 to vector<16xi32>
      %parallel_loop3A_400 = arith.cmpi slt, %parallel_loop3A_394, %parallel_loop3A_399 : vector<16xi32>
      %parallel_loop3A_401 = arith.andi %parallel_loop3A_397, %parallel_loop3A_400 : vector<16xi1>
      %parallel_loop3A_402 = arith.constant 0 : i32
      %parallel_loop3A_403 = vector.broadcast %parallel_loop3A_402 : i32 to vector<16xi32>
      %parallel_loop3A_404 = arith.maxsi %parallel_loop3A_394, %parallel_loop3A_403 : vector<16xi32>
      %parallel_loop3A_405 = arith.constant 8191 : i32
      %parallel_loop3A_406 = vector.broadcast %parallel_loop3A_405 : i32 to vector<16xi32>
      %parallel_loop3A_407 = arith.minsi %parallel_loop3A_404, %parallel_loop3A_406 : vector<16xi32>
      tpu.vector_store_idx %arg12[%parallel_loop3A_407], %broadcast_in_dim3A_69 masked %parallel_loop3A_401 {add = true} : memref<8192xf32, #tpu.memory_space<vmem>>[vector<16xi32>], vector<16xf32>, vector<16xi1>
    } {sc.loop_unroll_factor = 8 : i64, sc.parallel_access}
    %dma_start3A_228 = arith.constant 90000 : i32
    %dma_start3A_229 = tpu.memref_slice %arg2[%dma_start3A_228] : memref<100000xi32, #tpu.memory_space<hbm>> -> memref<10000xi32, #tpu.memory_space<hbm>>
    %dma_start3A_230 = arith.constant 90000 : i32
    %dma_start3A_231 = tpu.memref_slice %arg2[%dma_start3A_230] : memref<100000xi32, #tpu.memory_space<hbm>> -> memref<10000xi32, #tpu.memory_space<hbm>>
    tpu.enqueue_dma source(%dma_start3A_231 : memref<10000xi32, #tpu.memory_space<hbm>>) target(%arg9 : memref<10000xi32, #tpu.memory_space<vmem>>) target_semaphore(%arg27 : memref<!tpu.dma_semaphore, #tpu.memory_space<semaphore_mem>>)
    %dma_start3A_232 = arith.constant 90000 : i32
    %dma_start3A_233 = tpu.memref_slice %arg3[%dma_start3A_232] : memref<100000xi32, #tpu.memory_space<hbm>> -> memref<10000xi32, #tpu.memory_space<hbm>>
    %dma_start3A_234 = arith.constant 90000 : i32
    %dma_start3A_235 = tpu.memref_slice %arg3[%dma_start3A_234] : memref<100000xi32, #tpu.memory_space<hbm>> -> memref<10000xi32, #tpu.memory_space<hbm>>
    tpu.enqueue_dma source(%dma_start3A_235 : memref<10000xi32, #tpu.memory_space<hbm>>) target(%arg11 : memref<10000xi32, #tpu.memory_space<vmem>>) target_semaphore(%arg27 : memref<!tpu.dma_semaphore, #tpu.memory_space<semaphore_mem>>)
    %dma_wait3A_236 = arith.constant 0 : i32
    %dma_wait3A_237 = tpu.memref_slice %arg2[%dma_wait3A_236] : memref<100000xi32, #tpu.memory_space<hbm>> -> memref<10000xi32, #tpu.memory_space<hbm>>
    %dma_wait3A_238 = arith.constant 0 : i32
    %dma_wait3A_239 = tpu.memref_slice %arg2[%dma_wait3A_238] : memref<100000xi32, #tpu.memory_space<hbm>> -> memref<10000xi32, #tpu.memory_space<hbm>>
    tpu.wait_dma2 semaphore(%arg26 : memref<!tpu.dma_semaphore, #tpu.memory_space<semaphore_mem>>) src(%dma_wait3A_239 : memref<10000xi32, #tpu.memory_space<hbm>>) dst(%arg8 : memref<10000xi32, #tpu.memory_space<vmem>>)
    %dma_wait3A_240 = arith.constant 0 : i32
    %dma_wait3A_241 = tpu.memref_slice %arg3[%dma_wait3A_240] : memref<100000xi32, #tpu.memory_space<hbm>> -> memref<10000xi32, #tpu.memory_space<hbm>>
    %dma_wait3A_242 = arith.constant 0 : i32
    %dma_wait3A_243 = tpu.memref_slice %arg3[%dma_wait3A_242] : memref<100000xi32, #tpu.memory_space<hbm>> -> memref<10000xi32, #tpu.memory_space<hbm>>
    tpu.wait_dma2 semaphore(%arg26 : memref<!tpu.dma_semaphore, #tpu.memory_space<semaphore_mem>>) src(%dma_wait3A_243 : memref<10000xi32, #tpu.memory_space<hbm>>) dst(%arg10 : memref<10000xi32, #tpu.memory_space<vmem>>)
    %parallel_loop3A_244 = arith.constant 0 : i32
    %parallel_loop3A_245 = arith.constant 625 : i32
    %parallel_loop3A_246 = arith.constant 1 : i32
    scf.for %parallel_loop3A_382 = %parallel_loop3A_244 to %parallel_loop3A_245 step %parallel_loop3A_246  : i32 {
      %parallel_loop3A_383 = arith.constant 16 : i32
      %parallel_loop3A_384 = arith.muli %parallel_loop3A_382, %parallel_loop3A_383 : i32
      %parallel_loop3A_385 = arith.index_cast %parallel_loop3A_384 : i32 to index
      %parallel_loop3A_386 = tpu.vector_load %arg10[%parallel_loop3A_385] {strides = array<i32>} : memref<10000xi32, #tpu.memory_space<vmem>>, vector<16xi32>,
      %parallel_loop3A_387 = arith.constant 512 : i32
      %parallel_loop3A_388 = vector.broadcast %parallel_loop3A_387 : i32 to vector<16xi32>
      %parallel_loop3A_389 = arith.muli %parallel_loop3A_386, %parallel_loop3A_388 : vector<16xi32>
      %parallel_loop3A_390 = arith.index_cast %parallel_loop3A_384 : i32 to index
      %parallel_loop3A_391 = tpu.vector_load %arg8[%parallel_loop3A_390] {strides = array<i32>} : memref<10000xi32, #tpu.memory_space<vmem>>, vector<16xi32>,
      %parallel_loop3A_392 = arith.addi %parallel_loop3A_389, %parallel_loop3A_391 : vector<16xi32>
      %parallel_loop3A_393 = vector.broadcast %mul3A_2 : i32 to vector<16xi32>
      %parallel_loop3A_394 = arith.subi %parallel_loop3A_392, %parallel_loop3A_393 : vector<16xi32>
      %parallel_loop3A_395 = arith.constant 0 : i32
      %parallel_loop3A_396 = vector.broadcast %parallel_loop3A_395 : i32 to vector<16xi32>
      %parallel_loop3A_397 = arith.cmpi sge, %parallel_loop3A_394, %parallel_loop3A_396 : vector<16xi32>
      %parallel_loop3A_398 = arith.constant 8192 : i32
      %parallel_loop3A_399 = vector.broadcast %parallel_loop3A_398 : i32 to vector<16xi32>
      %parallel_loop3A_400 = arith.cmpi slt, %parallel_loop3A_394, %parallel_loop3A_399 : vector<16xi32>
      %parallel_loop3A_401 = arith.andi %parallel_loop3A_397, %parallel_loop3A_400 : vector<16xi1>
      %parallel_loop3A_402 = arith.constant 0 : i32
      %parallel_loop3A_403 = vector.broadcast %parallel_loop3A_402 : i32 to vector<16xi32>
      %parallel_loop3A_404 = arith.maxsi %parallel_loop3A_394, %parallel_loop3A_403 : vector<16xi32>
      %parallel_loop3A_405 = arith.constant 8191 : i32
      %parallel_loop3A_406 = vector.broadcast %parallel_loop3A_405 : i32 to vector<16xi32>
      %parallel_loop3A_407 = arith.minsi %parallel_loop3A_404, %parallel_loop3A_406 : vector<16xi32>
      tpu.vector_store_idx %arg12[%parallel_loop3A_407], %broadcast_in_dim3A_69 masked %parallel_loop3A_401 {add = true} : memref<8192xf32, #tpu.memory_space<vmem>>[vector<16xi32>], vector<16xf32>, vector<16xi1>
    } {sc.loop_unroll_factor = 8 : i64, sc.parallel_access}
    %dma_wait3A_247 = arith.constant 0 : i32
    %dma_wait3A_248 = tpu.memref_slice %arg2[%dma_wait3A_247] : memref<100000xi32, #tpu.memory_space<hbm>> -> memref<10000xi32, #tpu.memory_space<hbm>>
    %dma_wait3A_249 = arith.constant 0 : i32
    %dma_wait3A_250 = tpu.memref_slice %arg2[%dma_wait3A_249] : memref<100000xi32, #tpu.memory_space<hbm>> -> memref<10000xi32, #tpu.memory_space<hbm>>
    tpu.wait_dma2 semaphore(%arg27 : memref<!tpu.dma_semaphore, #tpu.memory_space<semaphore_mem>>) src(%dma_wait3A_250 : memref<10000xi32, #tpu.memory_space<hbm>>) dst(%arg9 : memref<10000xi32, #tpu.memory_space<vmem>>)
    %dma_wait3A_251 = arith.constant 0 : i32
    %dma_wait3A_252 = tpu.memref_slice %arg3[%dma_wait3A_251] : memref<100000xi32, #tpu.memory_space<hbm>> -> memref<10000xi32, #tpu.memory_space<hbm>>
    %dma_wait3A_253 = arith.constant 0 : i32
    %dma_wait3A_254 = tpu.memref_slice %arg3[%dma_wait3A_253] : memref<100000xi32, #tpu.memory_space<hbm>> -> memref<10000xi32, #tpu.memory_space<hbm>>
    tpu.wait_dma2 semaphore(%arg27 : memref<!tpu.dma_semaphore, #tpu.memory_space<semaphore_mem>>) src(%dma_wait3A_254 : memref<10000xi32, #tpu.memory_space<hbm>>) dst(%arg11 : memref<10000xi32, #tpu.memory_space<vmem>>)
    %parallel_loop3A_255 = arith.constant 0 : i32
    %parallel_loop3A_256 = arith.constant 625 : i32
    %parallel_loop3A_257 = arith.constant 1 : i32
    scf.for %parallel_loop3A_382 = %parallel_loop3A_255 to %parallel_loop3A_256 step %parallel_loop3A_257  : i32 {
      %parallel_loop3A_383 = arith.constant 16 : i32
      %parallel_loop3A_384 = arith.muli %parallel_loop3A_382, %parallel_loop3A_383 : i32
      %parallel_loop3A_385 = arith.index_cast %parallel_loop3A_384 : i32 to index
      %parallel_loop3A_386 = tpu.vector_load %arg11[%parallel_loop3A_385] {strides = array<i32>} : memref<10000xi32, #tpu.memory_space<vmem>>, vector<16xi32>,
      %parallel_loop3A_387 = arith.constant 512 : i32
      %parallel_loop3A_388 = vector.broadcast %parallel_loop3A_387 : i32 to vector<16xi32>
      %parallel_loop3A_389 = arith.muli %parallel_loop3A_386, %parallel_loop3A_388 : vector<16xi32>
      %parallel_loop3A_390 = arith.index_cast %parallel_loop3A_384 : i32 to index
      %parallel_loop3A_391 = tpu.vector_load %arg9[%parallel_loop3A_390] {strides = array<i32>} : memref<10000xi32, #tpu.memory_space<vmem>>, vector<16xi32>,
      %parallel_loop3A_392 = arith.addi %parallel_loop3A_389, %parallel_loop3A_391 : vector<16xi32>
      %parallel_loop3A_393 = vector.broadcast %mul3A_2 : i32 to vector<16xi32>
      %parallel_loop3A_394 = arith.subi %parallel_loop3A_392, %parallel_loop3A_393 : vector<16xi32>
      %parallel_loop3A_395 = arith.constant 0 : i32
      %parallel_loop3A_396 = vector.broadcast %parallel_loop3A_395 : i32 to vector<16xi32>
      %parallel_loop3A_397 = arith.cmpi sge, %parallel_loop3A_394, %parallel_loop3A_396 : vector<16xi32>
      %parallel_loop3A_398 = arith.constant 8192 : i32
      %parallel_loop3A_399 = vector.broadcast %parallel_loop3A_398 : i32 to vector<16xi32>
      %parallel_loop3A_400 = arith.cmpi slt, %parallel_loop3A_394, %parallel_loop3A_399 : vector<16xi32>
      %parallel_loop3A_401 = arith.andi %parallel_loop3A_397, %parallel_loop3A_400 : vector<16xi1>
      %parallel_loop3A_402 = arith.constant 0 : i32
      %parallel_loop3A_403 = vector.broadcast %parallel_loop3A_402 : i32 to vector<16xi32>
      %parallel_loop3A_404 = arith.maxsi %parallel_loop3A_394, %parallel_loop3A_403 : vector<16xi32>
      %parallel_loop3A_405 = arith.constant 8191 : i32
      %parallel_loop3A_406 = vector.broadcast %parallel_loop3A_405 : i32 to vector<16xi32>
      %parallel_loop3A_407 = arith.minsi %parallel_loop3A_404, %parallel_loop3A_406 : vector<16xi32>
      tpu.vector_store_idx %arg12[%parallel_loop3A_407], %broadcast_in_dim3A_69 masked %parallel_loop3A_401 {add = true} : memref<8192xf32, #tpu.memory_space<vmem>>[vector<16xi32>], vector<16xf32>, vector<16xi1>
    } {sc.loop_unroll_factor = 8 : i64, sc.parallel_access}
    "tpu.region"() ({
      %run_scoped3A = tpu.sem_alloc : memref<!tpu.dma_semaphore, #tpu.memory_space<semaphore_mem>>
      %dma_start3A_382 = tpu.memref_slice %arg6[%mul3A_2] : memref<262144xf32, #tpu.memory_space<hbm>> -> memref<8192xf32, #tpu.memory_space<hbm>>
      %dma_start3A_383 = tpu.memref_slice %arg6[%mul3A_2] : memref<262144xf32, #tpu.memory_space<hbm>> -> memref<8192xf32, #tpu.memory_space<hbm>>
      tpu.enqueue_dma source(%arg12 : memref<8192xf32, #tpu.memory_space<vmem>>) target(%dma_start3A_383 : memref<8192xf32, #tpu.memory_space<hbm>>) target_semaphore(%run_scoped3A : memref<!tpu.dma_semaphore, #tpu.memory_space<semaphore_mem>>)
      %dma_wait3A_384 = tpu.memref_slice %arg6[%mul3A_2] : memref<262144xf32, #tpu.memory_space<hbm>> -> memref<8192xf32, #tpu.memory_space<hbm>>
      %dma_wait3A_385 = tpu.memref_slice %arg6[%mul3A_2] : memref<262144xf32, #tpu.memory_space<hbm>> -> memref<8192xf32, #tpu.memory_space<hbm>>
      tpu.wait_dma2 semaphore(%run_scoped3A : memref<!tpu.dma_semaphore, #tpu.memory_space<semaphore_mem>>) src(%arg12 : memref<8192xf32, #tpu.memory_space<vmem>>) dst(%dma_wait3A_385 : memref<8192xf32, #tpu.memory_space<hbm>>)
      tpu.yield
    }) : () -> ()
    %parallel_loop3A_258 = arith.constant 0 : i32
    %parallel_loop3A_259 = arith.constant 32 : i32
    %parallel_loop3A_260 = arith.constant 1 : i32
    scf.for %parallel_loop3A_382 = %parallel_loop3A_258 to %parallel_loop3A_259 step %parallel_loop3A_260  : i32 {
      %parallel_loop3A_383 = arith.constant 16 : i32
      %parallel_loop3A_384 = arith.muli %parallel_loop3A_382, %parallel_loop3A_383 : i32
      %parallel_loop3A_385 = arith.constant 0 : i32
      %parallel_loop3A_386 = arith.index_cast %parallel_loop3A_385 : i32 to index
      %parallel_loop3A_387 = arith.index_cast %parallel_loop3A_384 : i32 to index
      %parallel_loop3A_388 = tpu.vector_load %arg21[%parallel_loop3A_386, %parallel_loop3A_387] {strides = array<i32>} : memref<4x512xf32, #tpu.memory_space<vmem>>, vector<16xf32>,
      tpu.vector_store %arg21[%parallel_loop3A_386, %parallel_loop3A_387], %broadcast_in_dim3A_62 {strides = array<i32>} : memref<4x512xf32, #tpu.memory_space<vmem>>, vector<16xf32>,
    } {sc.loop_unroll_factor = 8 : i64, sc.parallel_access}
    %parallel_loop3A_261 = arith.constant 0 : i32
    %parallel_loop3A_262 = arith.constant 32 : i32
    %parallel_loop3A_263 = arith.constant 1 : i32
    scf.for %parallel_loop3A_382 = %parallel_loop3A_261 to %parallel_loop3A_262 step %parallel_loop3A_263  : i32 {
      %parallel_loop3A_383 = arith.constant 16 : i32
      %parallel_loop3A_384 = arith.muli %parallel_loop3A_382, %parallel_loop3A_383 : i32
      %parallel_loop3A_385 = arith.constant 1 : i32
      %parallel_loop3A_386 = arith.index_cast %parallel_loop3A_385 : i32 to index
      %parallel_loop3A_387 = arith.index_cast %parallel_loop3A_384 : i32 to index
      %parallel_loop3A_388 = tpu.vector_load %arg21[%parallel_loop3A_386, %parallel_loop3A_387] {strides = array<i32>} : memref<4x512xf32, #tpu.memory_space<vmem>>, vector<16xf32>,
      tpu.vector_store %arg21[%parallel_loop3A_386, %parallel_loop3A_387], %broadcast_in_dim3A_62 {strides = array<i32>} : memref<4x512xf32, #tpu.memory_space<vmem>>, vector<16xf32>,
    } {sc.loop_unroll_factor = 8 : i64, sc.parallel_access}
    %parallel_loop3A_264 = arith.constant 0 : i32
    %parallel_loop3A_265 = arith.constant 32 : i32
    %parallel_loop3A_266 = arith.constant 1 : i32
    scf.for %parallel_loop3A_382 = %parallel_loop3A_264 to %parallel_loop3A_265 step %parallel_loop3A_266  : i32 {
      %parallel_loop3A_383 = arith.constant 16 : i32
      %parallel_loop3A_384 = arith.muli %parallel_loop3A_382, %parallel_loop3A_383 : i32
      %parallel_loop3A_385 = arith.constant 2 : i32
      %parallel_loop3A_386 = arith.index_cast %parallel_loop3A_385 : i32 to index
      %parallel_loop3A_387 = arith.index_cast %parallel_loop3A_384 : i32 to index
      %parallel_loop3A_388 = tpu.vector_load %arg21[%parallel_loop3A_386, %parallel_loop3A_387] {strides = array<i32>} : memref<4x512xf32, #tpu.memory_space<vmem>>, vector<16xf32>,
      tpu.vector_store %arg21[%parallel_loop3A_386, %parallel_loop3A_387], %broadcast_in_dim3A_62 {strides = array<i32>} : memref<4x512xf32, #tpu.memory_space<vmem>>, vector<16xf32>,
    } {sc.loop_unroll_factor = 8 : i64, sc.parallel_access}
    %parallel_loop3A_267 = arith.constant 0 : i32
    %parallel_loop3A_268 = arith.constant 32 : i32
    %parallel_loop3A_269 = arith.constant 1 : i32
    scf.for %parallel_loop3A_382 = %parallel_loop3A_267 to %parallel_loop3A_268 step %parallel_loop3A_269  : i32 {
      %parallel_loop3A_383 = arith.constant 16 : i32
      %parallel_loop3A_384 = arith.muli %parallel_loop3A_382, %parallel_loop3A_383 : i32
      %parallel_loop3A_385 = arith.constant 3 : i32
      %parallel_loop3A_386 = arith.index_cast %parallel_loop3A_385 : i32 to index
      %parallel_loop3A_387 = arith.index_cast %parallel_loop3A_384 : i32 to index
      %parallel_loop3A_388 = tpu.vector_load %arg21[%parallel_loop3A_386, %parallel_loop3A_387] {strides = array<i32>} : memref<4x512xf32, #tpu.memory_space<vmem>>, vector<16xf32>,
      tpu.vector_store %arg21[%parallel_loop3A_386, %parallel_loop3A_387], %broadcast_in_dim3A_62 {strides = array<i32>} : memref<4x512xf32, #tpu.memory_space<vmem>>, vector<16xf32>,
    } {sc.loop_unroll_factor = 8 : i64, sc.parallel_access}
    %scan3A_270 = arith.constant 0 : i32
    %scan3A_271 = arith.constant 0 : i32
    %scan3A_272 = arith.constant 23 : i32
    %scan3A_273 = arith.addi %scan3A_271, %scan3A_272 : i32
    %scan3A_274 = arith.constant 1 : i32
    scf.for %scan3A_382 = %scan3A_271 to %scan3A_273 step %scan3A_274  : i32 {
      %dma_wait3A_383 = arith.constant 0 : i32
      %dma_wait3A_384 = arith.constant 0 : i32
      %dma_wait3A_385 = tpu.memref_slice %arg4[%dma_wait3A_383, %add3A_6, %dma_wait3A_384] : memref<96x512x512xf32, #tpu.memory_space<hbm>> -> memref<1x4x512xf32, #tpu.memory_space<hbm>>
      %dma_wait3A_386 = tpu.memref_squeeze %dma_wait3A_385 : memref<1x4x512xf32, #tpu.memory_space<hbm>> -> memref<4x512xf32, #tpu.memory_space<hbm>>
      %dma_wait3A_387 = arith.constant 0 : i32
      %dma_wait3A_388 = tpu.memref_slice %arg4[%dma_wait3A_383, %add3A_6, %dma_wait3A_387] : memref<96x512x512xf32, #tpu.memory_space<hbm>> -> memref<1x4x512xf32, #tpu.memory_space<hbm>>
      %dma_wait3A_389 = tpu.memref_squeeze %dma_wait3A_388 : memref<1x4x512xf32, #tpu.memory_space<hbm>> -> memref<4x512xf32, #tpu.memory_space<hbm>>
      tpu.wait_dma2 semaphore(%arg22 : memref<!tpu.dma_semaphore, #tpu.memory_space<semaphore_mem>>) src(%dma_wait3A_389 : memref<4x512xf32, #tpu.memory_space<hbm>>) dst(%arg13 : memref<4x512xf32, #tpu.memory_space<vmem>>)
      %dma_wait3A_390 = arith.constant 0 : i32
      %dma_wait3A_391 = arith.constant 0 : i32
      %dma_wait3A_392 = tpu.memref_slice %arg5[%dma_wait3A_390, %add3A_6, %dma_wait3A_391] : memref<96x512x512xf32, #tpu.memory_space<hbm>> -> memref<1x4x512xf32, #tpu.memory_space<hbm>>
      %dma_wait3A_393 = tpu.memref_squeeze %dma_wait3A_392 : memref<1x4x512xf32, #tpu.memory_space<hbm>> -> memref<4x512xf32, #tpu.memory_space<hbm>>
      %dma_wait3A_394 = arith.constant 0 : i32
      %dma_wait3A_395 = tpu.memref_slice %arg5[%dma_wait3A_390, %add3A_6, %dma_wait3A_394] : memref<96x512x512xf32, #tpu.memory_space<hbm>> -> memref<1x4x512xf32, #tpu.memory_space<hbm>>
      %dma_wait3A_396 = tpu.memref_squeeze %dma_wait3A_395 : memref<1x4x512xf32, #tpu.memory_space<hbm>> -> memref<4x512xf32, #tpu.memory_space<hbm>>
      tpu.wait_dma2 semaphore(%arg22 : memref<!tpu.dma_semaphore, #tpu.memory_space<semaphore_mem>>) src(%dma_wait3A_396 : memref<4x512xf32, #tpu.memory_space<hbm>>) dst(%arg17 : memref<4x512xf32, #tpu.memory_space<vmem>>)
      %parallel_loop3A_397 = arith.constant 0 : i32
      %parallel_loop3A_398 = arith.constant 32 : i32
      %parallel_loop3A_399 = arith.constant 1 : i32
      scf.for %parallel_loop3A_559 = %parallel_loop3A_397 to %parallel_loop3A_398 step %parallel_loop3A_399  : i32 {
        %parallel_loop3A_560 = arith.constant 16 : i32
        %parallel_loop3A_561 = arith.muli %parallel_loop3A_559, %parallel_loop3A_560 : i32
        %parallel_loop3A_562 = arith.constant 0 : i32
        %parallel_loop3A_563 = arith.index_cast %parallel_loop3A_562 : i32 to index
        %parallel_loop3A_564 = arith.index_cast %parallel_loop3A_561 : i32 to index
        %parallel_loop3A_565 = tpu.vector_load %arg13[%parallel_loop3A_563, %parallel_loop3A_564] {strides = array<i32>} : memref<4x512xf32, #tpu.memory_space<vmem>>, vector<16xf32>,
        %parallel_loop3A_566 = arith.constant 0 : i32
        %parallel_loop3A_567 = arith.index_cast %parallel_loop3A_566 : i32 to index
        %parallel_loop3A_568 = arith.index_cast %parallel_loop3A_561 : i32 to index
        %parallel_loop3A_569 = tpu.vector_load %arg17[%parallel_loop3A_567, %parallel_loop3A_568] {strides = array<i32>} : memref<4x512xf32, #tpu.memory_space<vmem>>, vector<16xf32>,
        %parallel_loop3A_570 = arith.subf %parallel_loop3A_565, %parallel_loop3A_569 : vector<16xf32>
        %parallel_loop3A_571 = arith.mulf %parallel_loop3A_570, %parallel_loop3A_570 : vector<16xf32>
        %parallel_loop3A_572 = arith.constant 0 : i32
        %parallel_loop3A_573 = arith.index_cast %parallel_loop3A_572 : i32 to index
        %parallel_loop3A_574 = arith.index_cast %parallel_loop3A_561 : i32 to index
        %parallel_loop3A_575 = tpu.vector_load %arg21[%parallel_loop3A_573, %parallel_loop3A_574] {strides = array<i32>} : memref<4x512xf32, #tpu.memory_space<vmem>>, vector<16xf32>,
        tpu.vector_store %arg21[%parallel_loop3A_573, %parallel_loop3A_574], %parallel_loop3A_571 {add = true, strides = array<i32>} : memref<4x512xf32, #tpu.memory_space<vmem>>, vector<16xf32>,
      } {sc.loop_unroll_factor = 8 : i64, sc.parallel_access}
      %parallel_loop3A_400 = arith.constant 0 : i32
      %parallel_loop3A_401 = arith.constant 32 : i32
      %parallel_loop3A_402 = arith.constant 1 : i32
      scf.for %parallel_loop3A_559 = %parallel_loop3A_400 to %parallel_loop3A_401 step %parallel_loop3A_402  : i32 {
        %parallel_loop3A_560 = arith.constant 16 : i32
        %parallel_loop3A_561 = arith.muli %parallel_loop3A_559, %parallel_loop3A_560 : i32
        %parallel_loop3A_562 = arith.constant 1 : i32
        %parallel_loop3A_563 = arith.index_cast %parallel_loop3A_562 : i32 to index
        %parallel_loop3A_564 = arith.index_cast %parallel_loop3A_561 : i32 to index
        %parallel_loop3A_565 = tpu.vector_load %arg13[%parallel_loop3A_563, %parallel_loop3A_564] {strides = array<i32>} : memref<4x512xf32, #tpu.memory_space<vmem>>, vector<16xf32>,
        %parallel_loop3A_566 = arith.constant 1 : i32
        %parallel_loop3A_567 = arith.index_cast %parallel_loop3A_566 : i32 to index
        %parallel_loop3A_568 = arith.index_cast %parallel_loop3A_561 : i32 to index
        %parallel_loop3A_569 = tpu.vector_load %arg17[%parallel_loop3A_567, %parallel_loop3A_568] {strides = array<i32>} : memref<4x512xf32, #tpu.memory_space<vmem>>, vector<16xf32>,
        %parallel_loop3A_570 = arith.subf %parallel_loop3A_565, %parallel_loop3A_569 : vector<16xf32>
        %parallel_loop3A_571 = arith.mulf %parallel_loop3A_570, %parallel_loop3A_570 : vector<16xf32>
        %parallel_loop3A_572 = arith.constant 1 : i32
        %parallel_loop3A_573 = arith.index_cast %parallel_loop3A_572 : i32 to index
        %parallel_loop3A_574 = arith.index_cast %parallel_loop3A_561 : i32 to index
        %parallel_loop3A_575 = tpu.vector_load %arg21[%parallel_loop3A_573, %parallel_loop3A_574] {strides = array<i32>} : memref<4x512xf32, #tpu.memory_space<vmem>>, vector<16xf32>,
        tpu.vector_store %arg21[%parallel_loop3A_573, %parallel_loop3A_574], %parallel_loop3A_571 {add = true, strides = array<i32>} : memref<4x512xf32, #tpu.memory_space<vmem>>, vector<16xf32>,
      } {sc.loop_unroll_factor = 8 : i64, sc.parallel_access}
      %parallel_loop3A_403 = arith.constant 0 : i32
      %parallel_loop3A_404 = arith.constant 32 : i32
      %parallel_loop3A_405 = arith.constant 1 : i32
      scf.for %parallel_loop3A_559 = %parallel_loop3A_403 to %parallel_loop3A_404 step %parallel_loop3A_405  : i32 {
        %parallel_loop3A_560 = arith.constant 16 : i32
        %parallel_loop3A_561 = arith.muli %parallel_loop3A_559, %parallel_loop3A_560 : i32
        %parallel_loop3A_562 = arith.constant 2 : i32
        %parallel_loop3A_563 = arith.index_cast %parallel_loop3A_562 : i32 to index
        %parallel_loop3A_564 = arith.index_cast %parallel_loop3A_561 : i32 to index
        %parallel_loop3A_565 = tpu.vector_load %arg13[%parallel_loop3A_563, %parallel_loop3A_564] {strides = array<i32>} : memref<4x512xf32, #tpu.memory_space<vmem>>, vector<16xf32>,
        %parallel_loop3A_566 = arith.constant 2 : i32
        %parallel_loop3A_567 = arith.index_cast %parallel_loop3A_566 : i32 to index
        %parallel_loop3A_568 = arith.index_cast %parallel_loop3A_561 : i32 to index
        %parallel_loop3A_569 = tpu.vector_load %arg17[%parallel_loop3A_567, %parallel_loop3A_568] {strides = array<i32>} : memref<4x512xf32, #tpu.memory_space<vmem>>, vector<16xf32>,
        %parallel_loop3A_570 = arith.subf %parallel_loop3A_565, %parallel_loop3A_569 : vector<16xf32>
        %parallel_loop3A_571 = arith.mulf %parallel_loop3A_570, %parallel_loop3A_570 : vector<16xf32>
        %parallel_loop3A_572 = arith.constant 2 : i32
        %parallel_loop3A_573 = arith.index_cast %parallel_loop3A_572 : i32 to index
        %parallel_loop3A_574 = arith.index_cast %parallel_loop3A_561 : i32 to index
        %parallel_loop3A_575 = tpu.vector_load %arg21[%parallel_loop3A_573, %parallel_loop3A_574] {strides = array<i32>} : memref<4x512xf32, #tpu.memory_space<vmem>>, vector<16xf32>,
        tpu.vector_store %arg21[%parallel_loop3A_573, %parallel_loop3A_574], %parallel_loop3A_571 {add = true, strides = array<i32>} : memref<4x512xf32, #tpu.memory_space<vmem>>, vector<16xf32>,
      } {sc.loop_unroll_factor = 8 : i64, sc.parallel_access}
      %parallel_loop3A_406 = arith.constant 0 : i32
      %parallel_loop3A_407 = arith.constant 32 : i32
      %parallel_loop3A_408 = arith.constant 1 : i32
      scf.for %parallel_loop3A_559 = %parallel_loop3A_406 to %parallel_loop3A_407 step %parallel_loop3A_408  : i32 {
        %parallel_loop3A_560 = arith.constant 16 : i32
        %parallel_loop3A_561 = arith.muli %parallel_loop3A_559, %parallel_loop3A_560 : i32
        %parallel_loop3A_562 = arith.constant 3 : i32
        %parallel_loop3A_563 = arith.index_cast %parallel_loop3A_562 : i32 to index
        %parallel_loop3A_564 = arith.index_cast %parallel_loop3A_561 : i32 to index
        %parallel_loop3A_565 = tpu.vector_load %arg13[%parallel_loop3A_563, %parallel_loop3A_564] {strides = array<i32>} : memref<4x512xf32, #tpu.memory_space<vmem>>, vector<16xf32>,
        %parallel_loop3A_566 = arith.constant 3 : i32
        %parallel_loop3A_567 = arith.index_cast %parallel_loop3A_566 : i32 to index
        %parallel_loop3A_568 = arith.index_cast %parallel_loop3A_561 : i32 to index
        %parallel_loop3A_569 = tpu.vector_load %arg17[%parallel_loop3A_567, %parallel_loop3A_568] {strides = array<i32>} : memref<4x512xf32, #tpu.memory_space<vmem>>, vector<16xf32>,
        %parallel_loop3A_570 = arith.subf %parallel_loop3A_565, %parallel_loop3A_569 : vector<16xf32>
        %parallel_loop3A_571 = arith.mulf %parallel_loop3A_570, %parallel_loop3A_570 : vector<16xf32>
        %parallel_loop3A_572 = arith.constant 3 : i32
        %parallel_loop3A_573 = arith.index_cast %parallel_loop3A_572 : i32 to index
        %parallel_loop3A_574 = arith.index_cast %parallel_loop3A_561 : i32 to index
        %parallel_loop3A_575 = tpu.vector_load %arg21[%parallel_loop3A_573, %parallel_loop3A_574] {strides = array<i32>} : memref<4x512xf32, #tpu.memory_space<vmem>>, vector<16xf32>,
        tpu.vector_store %arg21[%parallel_loop3A_573, %parallel_loop3A_574], %parallel_loop3A_571 {add = true, strides = array<i32>} : memref<4x512xf32, #tpu.memory_space<vmem>>, vector<16xf32>,
      } {sc.loop_unroll_factor = 8 : i64, sc.parallel_access}
      %mul3A_409 = arith.constant 4 : i32
      %mul3A_410 = arith.muli %mul3A_409, %scan3A_382 : i32
      %add3A_411 = arith.constant 4 : i32
      %add3A_412 = arith.addi %mul3A_410, %add3A_411 : i32
      %add3A_413 = arith.constant 0 : i32
      %add3A_414 = arith.addi %add3A_412, %add3A_413 : i32
      %dma_start3A_415 = arith.constant 0 : i32
      %dma_start3A_416 = tpu.memref_slice %arg4[%add3A_414, %add3A_6, %dma_start3A_415] : memref<96x512x512xf32, #tpu.memory_space<hbm>> -> memref<1x4x512xf32, #tpu.memory_space<hbm>>
      %dma_start3A_417 = tpu.memref_squeeze %dma_start3A_416 : memref<1x4x512xf32, #tpu.memory_space<hbm>> -> memref<4x512xf32, #tpu.memory_space<hbm>>
      %dma_start3A_418 = arith.constant 0 : i32
      %dma_start3A_419 = tpu.memref_slice %arg4[%add3A_414, %add3A_6, %dma_start3A_418] : memref<96x512x512xf32, #tpu.memory_space<hbm>> -> memref<1x4x512xf32, #tpu.memory_space<hbm>>
      %dma_start3A_420 = tpu.memref_squeeze %dma_start3A_419 : memref<1x4x512xf32, #tpu.memory_space<hbm>> -> memref<4x512xf32, #tpu.memory_space<hbm>>
      tpu.enqueue_dma source(%dma_start3A_420 : memref<4x512xf32, #tpu.memory_space<hbm>>) target(%arg13 : memref<4x512xf32, #tpu.memory_space<vmem>>) target_semaphore(%arg22 : memref<!tpu.dma_semaphore, #tpu.memory_space<semaphore_mem>>)
      %dma_start3A_421 = arith.constant 0 : i32
      %dma_start3A_422 = tpu.memref_slice %arg5[%add3A_414, %add3A_6, %dma_start3A_421] : memref<96x512x512xf32, #tpu.memory_space<hbm>> -> memref<1x4x512xf32, #tpu.memory_space<hbm>>
      %dma_start3A_423 = tpu.memref_squeeze %dma_start3A_422 : memref<1x4x512xf32, #tpu.memory_space<hbm>> -> memref<4x512xf32, #tpu.memory_space<hbm>>
      %dma_start3A_424 = arith.constant 0 : i32
      %dma_start3A_425 = tpu.memref_slice %arg5[%add3A_414, %add3A_6, %dma_start3A_424] : memref<96x512x512xf32, #tpu.memory_space<hbm>> -> memref<1x4x512xf32, #tpu.memory_space<hbm>>
      %dma_start3A_426 = tpu.memref_squeeze %dma_start3A_425 : memref<1x4x512xf32, #tpu.memory_space<hbm>> -> memref<4x512xf32, #tpu.memory_space<hbm>>
      tpu.enqueue_dma source(%dma_start3A_426 : memref<4x512xf32, #tpu.memory_space<hbm>>) target(%arg17 : memref<4x512xf32, #tpu.memory_space<vmem>>) target_semaphore(%arg22 : memref<!tpu.dma_semaphore, #tpu.memory_space<semaphore_mem>>)
      %dma_wait3A_427 = arith.constant 0 : i32
      %dma_wait3A_428 = arith.constant 0 : i32
      %dma_wait3A_429 = tpu.memref_slice %arg4[%dma_wait3A_427, %add3A_6, %dma_wait3A_428] : memref<96x512x512xf32, #tpu.memory_space<hbm>> -> memref<1x4x512xf32, #tpu.memory_space<hbm>>
      %dma_wait3A_430 = tpu.memref_squeeze %dma_wait3A_429 : memref<1x4x512xf32, #tpu.memory_space<hbm>> -> memref<4x512xf32, #tpu.memory_space<hbm>>
      %dma_wait3A_431 = arith.constant 0 : i32
      %dma_wait3A_432 = tpu.memref_slice %arg4[%dma_wait3A_427, %add3A_6, %dma_wait3A_431] : memref<96x512x512xf32, #tpu.memory_space<hbm>> -> memref<1x4x512xf32, #tpu.memory_space<hbm>>
      %dma_wait3A_433 = tpu.memref_squeeze %dma_wait3A_432 : memref<1x4x512xf32, #tpu.memory_space<hbm>> -> memref<4x512xf32, #tpu.memory_space<hbm>>
      tpu.wait_dma2 semaphore(%arg23 : memref<!tpu.dma_semaphore, #tpu.memory_space<semaphore_mem>>) src(%dma_wait3A_433 : memref<4x512xf32, #tpu.memory_space<hbm>>) dst(%arg14 : memref<4x512xf32, #tpu.memory_space<vmem>>)
      %dma_wait3A_434 = arith.constant 0 : i32
      %dma_wait3A_435 = arith.constant 0 : i32
      %dma_wait3A_436 = tpu.memref_slice %arg5[%dma_wait3A_434, %add3A_6, %dma_wait3A_435] : memref<96x512x512xf32, #tpu.memory_space<hbm>> -> memref<1x4x512xf32, #tpu.memory_space<hbm>>
      %dma_wait3A_437 = tpu.memref_squeeze %dma_wait3A_436 : memref<1x4x512xf32, #tpu.memory_space<hbm>> -> memref<4x512xf32, #tpu.memory_space<hbm>>
      %dma_wait3A_438 = arith.constant 0 : i32
      %dma_wait3A_439 = tpu.memref_slice %arg5[%dma_wait3A_434, %add3A_6, %dma_wait3A_438] : memref<96x512x512xf32, #tpu.memory_space<hbm>> -> memref<1x4x512xf32, #tpu.memory_space<hbm>>
      %dma_wait3A_440 = tpu.memref_squeeze %dma_wait3A_439 : memref<1x4x512xf32, #tpu.memory_space<hbm>> -> memref<4x512xf32, #tpu.memory_space<hbm>>
      tpu.wait_dma2 semaphore(%arg23 : memref<!tpu.dma_semaphore, #tpu.memory_space<semaphore_mem>>) src(%dma_wait3A_440 : memref<4x512xf32, #tpu.memory_space<hbm>>) dst(%arg18 : memref<4x512xf32, #tpu.memory_space<vmem>>)
      %parallel_loop3A_441 = arith.constant 0 : i32
      %parallel_loop3A_442 = arith.constant 32 : i32
      %parallel_loop3A_443 = arith.constant 1 : i32
      scf.for %parallel_loop3A_559 = %parallel_loop3A_441 to %parallel_loop3A_442 step %parallel_loop3A_443  : i32 {
        %parallel_loop3A_560 = arith.constant 16 : i32
        %parallel_loop3A_561 = arith.muli %parallel_loop3A_559, %parallel_loop3A_560 : i32
        %parallel_loop3A_562 = arith.constant 0 : i32
        %parallel_loop3A_563 = arith.index_cast %parallel_loop3A_562 : i32 to index
        %parallel_loop3A_564 = arith.index_cast %parallel_loop3A_561 : i32 to index
        %parallel_loop3A_565 = tpu.vector_load %arg14[%parallel_loop3A_563, %parallel_loop3A_564] {strides = array<i32>} : memref<4x512xf32, #tpu.memory_space<vmem>>, vector<16xf32>,
        %parallel_loop3A_566 = arith.constant 0 : i32
        %parallel_loop3A_567 = arith.index_cast %parallel_loop3A_566 : i32 to index
        %parallel_loop3A_568 = arith.index_cast %parallel_loop3A_561 : i32 to index
        %parallel_loop3A_569 = tpu.vector_load %arg18[%parallel_loop3A_567, %parallel_loop3A_568] {strides = array<i32>} : memref<4x512xf32, #tpu.memory_space<vmem>>, vector<16xf32>,
        %parallel_loop3A_570 = arith.subf %parallel_loop3A_565, %parallel_loop3A_569 : vector<16xf32>
        %parallel_loop3A_571 = arith.mulf %parallel_loop3A_570, %parallel_loop3A_570 : vector<16xf32>
        %parallel_loop3A_572 = arith.constant 0 : i32
        %parallel_loop3A_573 = arith.index_cast %parallel_loop3A_572 : i32 to index
        %parallel_loop3A_574 = arith.index_cast %parallel_loop3A_561 : i32 to index
        %parallel_loop3A_575 = tpu.vector_load %arg21[%parallel_loop3A_573, %parallel_loop3A_574] {strides = array<i32>} : memref<4x512xf32, #tpu.memory_space<vmem>>, vector<16xf32>,
        tpu.vector_store %arg21[%parallel_loop3A_573, %parallel_loop3A_574], %parallel_loop3A_571 {add = true, strides = array<i32>} : memref<4x512xf32, #tpu.memory_space<vmem>>, vector<16xf32>,
      } {sc.loop_unroll_factor = 8 : i64, sc.parallel_access}
      %parallel_loop3A_444 = arith.constant 0 : i32
      %parallel_loop3A_445 = arith.constant 32 : i32
      %parallel_loop3A_446 = arith.constant 1 : i32
      scf.for %parallel_loop3A_559 = %parallel_loop3A_444 to %parallel_loop3A_445 step %parallel_loop3A_446  : i32 {
        %parallel_loop3A_560 = arith.constant 16 : i32
        %parallel_loop3A_561 = arith.muli %parallel_loop3A_559, %parallel_loop3A_560 : i32
        %parallel_loop3A_562 = arith.constant 1 : i32
        %parallel_loop3A_563 = arith.index_cast %parallel_loop3A_562 : i32 to index
        %parallel_loop3A_564 = arith.index_cast %parallel_loop3A_561 : i32 to index
        %parallel_loop3A_565 = tpu.vector_load %arg14[%parallel_loop3A_563, %parallel_loop3A_564] {strides = array<i32>} : memref<4x512xf32, #tpu.memory_space<vmem>>, vector<16xf32>,
        %parallel_loop3A_566 = arith.constant 1 : i32
        %parallel_loop3A_567 = arith.index_cast %parallel_loop3A_566 : i32 to index
        %parallel_loop3A_568 = arith.index_cast %parallel_loop3A_561 : i32 to index
        %parallel_loop3A_569 = tpu.vector_load %arg18[%parallel_loop3A_567, %parallel_loop3A_568] {strides = array<i32>} : memref<4x512xf32, #tpu.memory_space<vmem>>, vector<16xf32>,
        %parallel_loop3A_570 = arith.subf %parallel_loop3A_565, %parallel_loop3A_569 : vector<16xf32>
        %parallel_loop3A_571 = arith.mulf %parallel_loop3A_570, %parallel_loop3A_570 : vector<16xf32>
        %parallel_loop3A_572 = arith.constant 1 : i32
        %parallel_loop3A_573 = arith.index_cast %parallel_loop3A_572 : i32 to index
        %parallel_loop3A_574 = arith.index_cast %parallel_loop3A_561 : i32 to index
        %parallel_loop3A_575 = tpu.vector_load %arg21[%parallel_loop3A_573, %parallel_loop3A_574] {strides = array<i32>} : memref<4x512xf32, #tpu.memory_space<vmem>>, vector<16xf32>,
        tpu.vector_store %arg21[%parallel_loop3A_573, %parallel_loop3A_574], %parallel_loop3A_571 {add = true, strides = array<i32>} : memref<4x512xf32, #tpu.memory_space<vmem>>, vector<16xf32>,
      } {sc.loop_unroll_factor = 8 : i64, sc.parallel_access}
      %parallel_loop3A_447 = arith.constant 0 : i32
      %parallel_loop3A_448 = arith.constant 32 : i32
      %parallel_loop3A_449 = arith.constant 1 : i32
      scf.for %parallel_loop3A_559 = %parallel_loop3A_447 to %parallel_loop3A_448 step %parallel_loop3A_449  : i32 {
        %parallel_loop3A_560 = arith.constant 16 : i32
        %parallel_loop3A_561 = arith.muli %parallel_loop3A_559, %parallel_loop3A_560 : i32
        %parallel_loop3A_562 = arith.constant 2 : i32
        %parallel_loop3A_563 = arith.index_cast %parallel_loop3A_562 : i32 to index
        %parallel_loop3A_564 = arith.index_cast %parallel_loop3A_561 : i32 to index
        %parallel_loop3A_565 = tpu.vector_load %arg14[%parallel_loop3A_563, %parallel_loop3A_564] {strides = array<i32>} : memref<4x512xf32, #tpu.memory_space<vmem>>, vector<16xf32>,
        %parallel_loop3A_566 = arith.constant 2 : i32
        %parallel_loop3A_567 = arith.index_cast %parallel_loop3A_566 : i32 to index
        %parallel_loop3A_568 = arith.index_cast %parallel_loop3A_561 : i32 to index
        %parallel_loop3A_569 = tpu.vector_load %arg18[%parallel_loop3A_567, %parallel_loop3A_568] {strides = array<i32>} : memref<4x512xf32, #tpu.memory_space<vmem>>, vector<16xf32>,
        %parallel_loop3A_570 = arith.subf %parallel_loop3A_565, %parallel_loop3A_569 : vector<16xf32>
        %parallel_loop3A_571 = arith.mulf %parallel_loop3A_570, %parallel_loop3A_570 : vector<16xf32>
        %parallel_loop3A_572 = arith.constant 2 : i32
        %parallel_loop3A_573 = arith.index_cast %parallel_loop3A_572 : i32 to index
        %parallel_loop3A_574 = arith.index_cast %parallel_loop3A_561 : i32 to index
        %parallel_loop3A_575 = tpu.vector_load %arg21[%parallel_loop3A_573, %parallel_loop3A_574] {strides = array<i32>} : memref<4x512xf32, #tpu.memory_space<vmem>>, vector<16xf32>,
        tpu.vector_store %arg21[%parallel_loop3A_573, %parallel_loop3A_574], %parallel_loop3A_571 {add = true, strides = array<i32>} : memref<4x512xf32, #tpu.memory_space<vmem>>, vector<16xf32>,
      } {sc.loop_unroll_factor = 8 : i64, sc.parallel_access}
      %parallel_loop3A_450 = arith.constant 0 : i32
      %parallel_loop3A_451 = arith.constant 32 : i32
      %parallel_loop3A_452 = arith.constant 1 : i32
      scf.for %parallel_loop3A_559 = %parallel_loop3A_450 to %parallel_loop3A_451 step %parallel_loop3A_452  : i32 {
        %parallel_loop3A_560 = arith.constant 16 : i32
        %parallel_loop3A_561 = arith.muli %parallel_loop3A_559, %parallel_loop3A_560 : i32
        %parallel_loop3A_562 = arith.constant 3 : i32
        %parallel_loop3A_563 = arith.index_cast %parallel_loop3A_562 : i32 to index
        %parallel_loop3A_564 = arith.index_cast %parallel_loop3A_561 : i32 to index
        %parallel_loop3A_565 = tpu.vector_load %arg14[%parallel_loop3A_563, %parallel_loop3A_564] {strides = array<i32>} : memref<4x512xf32, #tpu.memory_space<vmem>>, vector<16xf32>,
        %parallel_loop3A_566 = arith.constant 3 : i32
        %parallel_loop3A_567 = arith.index_cast %parallel_loop3A_566 : i32 to index
        %parallel_loop3A_568 = arith.index_cast %parallel_loop3A_561 : i32 to index
        %parallel_loop3A_569 = tpu.vector_load %arg18[%parallel_loop3A_567, %parallel_loop3A_568] {strides = array<i32>} : memref<4x512xf32, #tpu.memory_space<vmem>>, vector<16xf32>,
        %parallel_loop3A_570 = arith.subf %parallel_loop3A_565, %parallel_loop3A_569 : vector<16xf32>
        %parallel_loop3A_571 = arith.mulf %parallel_loop3A_570, %parallel_loop3A_570 : vector<16xf32>
        %parallel_loop3A_572 = arith.constant 3 : i32
        %parallel_loop3A_573 = arith.index_cast %parallel_loop3A_572 : i32 to index
        %parallel_loop3A_574 = arith.index_cast %parallel_loop3A_561 : i32 to index
        %parallel_loop3A_575 = tpu.vector_load %arg21[%parallel_loop3A_573, %parallel_loop3A_574] {strides = array<i32>} : memref<4x512xf32, #tpu.memory_space<vmem>>, vector<16xf32>,
        tpu.vector_store %arg21[%parallel_loop3A_573, %parallel_loop3A_574], %parallel_loop3A_571 {add = true, strides = array<i32>} : memref<4x512xf32, #tpu.memory_space<vmem>>, vector<16xf32>,
      } {sc.loop_unroll_factor = 8 : i64, sc.parallel_access}
      %mul3A_453 = arith.constant 4 : i32
      %mul3A_454 = arith.muli %mul3A_453, %scan3A_382 : i32
      %add3A_455 = arith.constant 4 : i32
      %add3A_456 = arith.addi %mul3A_454, %add3A_455 : i32
      %add3A_457 = arith.constant 1 : i32
      %add3A_458 = arith.addi %add3A_456, %add3A_457 : i32
      %dma_start3A_459 = arith.constant 0 : i32
      %dma_start3A_460 = tpu.memref_slice %arg4[%add3A_458, %add3A_6, %dma_start3A_459] : memref<96x512x512xf32, #tpu.memory_space<hbm>> -> memref<1x4x512xf32, #tpu.memory_space<hbm>>
      %dma_start3A_461 = tpu.memref_squeeze %dma_start3A_460 : memref<1x4x512xf32, #tpu.memory_space<hbm>> -> memref<4x512xf32, #tpu.memory_space<hbm>>
      %dma_start3A_462 = arith.constant 0 : i32
      %dma_start3A_463 = tpu.memref_slice %arg4[%add3A_458, %add3A_6, %dma_start3A_462] : memref<96x512x512xf32, #tpu.memory_space<hbm>> -> memref<1x4x512xf32, #tpu.memory_space<hbm>>
      %dma_start3A_464 = tpu.memref_squeeze %dma_start3A_463 : memref<1x4x512xf32, #tpu.memory_space<hbm>> -> memref<4x512xf32, #tpu.memory_space<hbm>>
      tpu.enqueue_dma source(%dma_start3A_464 : memref<4x512xf32, #tpu.memory_space<hbm>>) target(%arg14 : memref<4x512xf32, #tpu.memory_space<vmem>>) target_semaphore(%arg23 : memref<!tpu.dma_semaphore, #tpu.memory_space<semaphore_mem>>)
      %dma_start3A_465 = arith.constant 0 : i32
      %dma_start3A_466 = tpu.memref_slice %arg5[%add3A_458, %add3A_6, %dma_start3A_465] : memref<96x512x512xf32, #tpu.memory_space<hbm>> -> memref<1x4x512xf32, #tpu.memory_space<hbm>>
      %dma_start3A_467 = tpu.memref_squeeze %dma_start3A_466 : memref<1x4x512xf32, #tpu.memory_space<hbm>> -> memref<4x512xf32, #tpu.memory_space<hbm>>
      %dma_start3A_468 = arith.constant 0 : i32
      %dma_start3A_469 = tpu.memref_slice %arg5[%add3A_458, %add3A_6, %dma_start3A_468] : memref<96x512x512xf32, #tpu.memory_space<hbm>> -> memref<1x4x512xf32, #tpu.memory_space<hbm>>
      %dma_start3A_470 = tpu.memref_squeeze %dma_start3A_469 : memref<1x4x512xf32, #tpu.memory_space<hbm>> -> memref<4x512xf32, #tpu.memory_space<hbm>>
      tpu.enqueue_dma source(%dma_start3A_470 : memref<4x512xf32, #tpu.memory_space<hbm>>) target(%arg18 : memref<4x512xf32, #tpu.memory_space<vmem>>) target_semaphore(%arg23 : memref<!tpu.dma_semaphore, #tpu.memory_space<semaphore_mem>>)
      %dma_wait3A_471 = arith.constant 0 : i32
      %dma_wait3A_472 = arith.constant 0 : i32
      %dma_wait3A_473 = tpu.memref_slice %arg4[%dma_wait3A_471, %add3A_6, %dma_wait3A_472] : memref<96x512x512xf32, #tpu.memory_space<hbm>> -> memref<1x4x512xf32, #tpu.memory_space<hbm>>
      %dma_wait3A_474 = tpu.memref_squeeze %dma_wait3A_473 : memref<1x4x512xf32, #tpu.memory_space<hbm>> -> memref<4x512xf32, #tpu.memory_space<hbm>>
      %dma_wait3A_475 = arith.constant 0 : i32
      %dma_wait3A_476 = tpu.memref_slice %arg4[%dma_wait3A_471, %add3A_6, %dma_wait3A_475] : memref<96x512x512xf32, #tpu.memory_space<hbm>> -> memref<1x4x512xf32, #tpu.memory_space<hbm>>
      %dma_wait3A_477 = tpu.memref_squeeze %dma_wait3A_476 : memref<1x4x512xf32, #tpu.memory_space<hbm>> -> memref<4x512xf32, #tpu.memory_space<hbm>>
      tpu.wait_dma2 semaphore(%arg24 : memref<!tpu.dma_semaphore, #tpu.memory_space<semaphore_mem>>) src(%dma_wait3A_477 : memref<4x512xf32, #tpu.memory_space<hbm>>) dst(%arg15 : memref<4x512xf32, #tpu.memory_space<vmem>>)
      %dma_wait3A_478 = arith.constant 0 : i32
      %dma_wait3A_479 = arith.constant 0 : i32
      %dma_wait3A_480 = tpu.memref_slice %arg5[%dma_wait3A_478, %add3A_6, %dma_wait3A_479] : memref<96x512x512xf32, #tpu.memory_space<hbm>> -> memref<1x4x512xf32, #tpu.memory_space<hbm>>
      %dma_wait3A_481 = tpu.memref_squeeze %dma_wait3A_480 : memref<1x4x512xf32, #tpu.memory_space<hbm>> -> memref<4x512xf32, #tpu.memory_space<hbm>>
      %dma_wait3A_482 = arith.constant 0 : i32
      %dma_wait3A_483 = tpu.memref_slice %arg5[%dma_wait3A_478, %add3A_6, %dma_wait3A_482] : memref<96x512x512xf32, #tpu.memory_space<hbm>> -> memref<1x4x512xf32, #tpu.memory_space<hbm>>
      %dma_wait3A_484 = tpu.memref_squeeze %dma_wait3A_483 : memref<1x4x512xf32, #tpu.memory_space<hbm>> -> memref<4x512xf32, #tpu.memory_space<hbm>>
      tpu.wait_dma2 semaphore(%arg24 : memref<!tpu.dma_semaphore, #tpu.memory_space<semaphore_mem>>) src(%dma_wait3A_484 : memref<4x512xf32, #tpu.memory_space<hbm>>) dst(%arg19 : memref<4x512xf32, #tpu.memory_space<vmem>>)
      %parallel_loop3A_485 = arith.constant 0 : i32
      %parallel_loop3A_486 = arith.constant 32 : i32
      %parallel_loop3A_487 = arith.constant 1 : i32
      scf.for %parallel_loop3A_559 = %parallel_loop3A_485 to %parallel_loop3A_486 step %parallel_loop3A_487  : i32 {
        %parallel_loop3A_560 = arith.constant 16 : i32
        %parallel_loop3A_561 = arith.muli %parallel_loop3A_559, %parallel_loop3A_560 : i32
        %parallel_loop3A_562 = arith.constant 0 : i32
        %parallel_loop3A_563 = arith.index_cast %parallel_loop3A_562 : i32 to index
        %parallel_loop3A_564 = arith.index_cast %parallel_loop3A_561 : i32 to index
        %parallel_loop3A_565 = tpu.vector_load %arg15[%parallel_loop3A_563, %parallel_loop3A_564] {strides = array<i32>} : memref<4x512xf32, #tpu.memory_space<vmem>>, vector<16xf32>,
        %parallel_loop3A_566 = arith.constant 0 : i32
        %parallel_loop3A_567 = arith.index_cast %parallel_loop3A_566 : i32 to index
        %parallel_loop3A_568 = arith.index_cast %parallel_loop3A_561 : i32 to index
        %parallel_loop3A_569 = tpu.vector_load %arg19[%parallel_loop3A_567, %parallel_loop3A_568] {strides = array<i32>} : memref<4x512xf32, #tpu.memory_space<vmem>>, vector<16xf32>,
        %parallel_loop3A_570 = arith.subf %parallel_loop3A_565, %parallel_loop3A_569 : vector<16xf32>
        %parallel_loop3A_571 = arith.mulf %parallel_loop3A_570, %parallel_loop3A_570 : vector<16xf32>
        %parallel_loop3A_572 = arith.constant 0 : i32
        %parallel_loop3A_573 = arith.index_cast %parallel_loop3A_572 : i32 to index
        %parallel_loop3A_574 = arith.index_cast %parallel_loop3A_561 : i32 to index
        %parallel_loop3A_575 = tpu.vector_load %arg21[%parallel_loop3A_573, %parallel_loop3A_574] {strides = array<i32>} : memref<4x512xf32, #tpu.memory_space<vmem>>, vector<16xf32>,
        tpu.vector_store %arg21[%parallel_loop3A_573, %parallel_loop3A_574], %parallel_loop3A_571 {add = true, strides = array<i32>} : memref<4x512xf32, #tpu.memory_space<vmem>>, vector<16xf32>,
      } {sc.loop_unroll_factor = 8 : i64, sc.parallel_access}
      %parallel_loop3A_488 = arith.constant 0 : i32
      %parallel_loop3A_489 = arith.constant 32 : i32
      %parallel_loop3A_490 = arith.constant 1 : i32
      scf.for %parallel_loop3A_559 = %parallel_loop3A_488 to %parallel_loop3A_489 step %parallel_loop3A_490  : i32 {
        %parallel_loop3A_560 = arith.constant 16 : i32
        %parallel_loop3A_561 = arith.muli %parallel_loop3A_559, %parallel_loop3A_560 : i32
        %parallel_loop3A_562 = arith.constant 1 : i32
        %parallel_loop3A_563 = arith.index_cast %parallel_loop3A_562 : i32 to index
        %parallel_loop3A_564 = arith.index_cast %parallel_loop3A_561 : i32 to index
        %parallel_loop3A_565 = tpu.vector_load %arg15[%parallel_loop3A_563, %parallel_loop3A_564] {strides = array<i32>} : memref<4x512xf32, #tpu.memory_space<vmem>>, vector<16xf32>,
        %parallel_loop3A_566 = arith.constant 1 : i32
        %parallel_loop3A_567 = arith.index_cast %parallel_loop3A_566 : i32 to index
        %parallel_loop3A_568 = arith.index_cast %parallel_loop3A_561 : i32 to index
        %parallel_loop3A_569 = tpu.vector_load %arg19[%parallel_loop3A_567, %parallel_loop3A_568] {strides = array<i32>} : memref<4x512xf32, #tpu.memory_space<vmem>>, vector<16xf32>,
        %parallel_loop3A_570 = arith.subf %parallel_loop3A_565, %parallel_loop3A_569 : vector<16xf32>
        %parallel_loop3A_571 = arith.mulf %parallel_loop3A_570, %parallel_loop3A_570 : vector<16xf32>
        %parallel_loop3A_572 = arith.constant 1 : i32
        %parallel_loop3A_573 = arith.index_cast %parallel_loop3A_572 : i32 to index
        %parallel_loop3A_574 = arith.index_cast %parallel_loop3A_561 : i32 to index
        %parallel_loop3A_575 = tpu.vector_load %arg21[%parallel_loop3A_573, %parallel_loop3A_574] {strides = array<i32>} : memref<4x512xf32, #tpu.memory_space<vmem>>, vector<16xf32>,
        tpu.vector_store %arg21[%parallel_loop3A_573, %parallel_loop3A_574], %parallel_loop3A_571 {add = true, strides = array<i32>} : memref<4x512xf32, #tpu.memory_space<vmem>>, vector<16xf32>,
      } {sc.loop_unroll_factor = 8 : i64, sc.parallel_access}
      %parallel_loop3A_491 = arith.constant 0 : i32
      %parallel_loop3A_492 = arith.constant 32 : i32
      %parallel_loop3A_493 = arith.constant 1 : i32
      scf.for %parallel_loop3A_559 = %parallel_loop3A_491 to %parallel_loop3A_492 step %parallel_loop3A_493  : i32 {
        %parallel_loop3A_560 = arith.constant 16 : i32
        %parallel_loop3A_561 = arith.muli %parallel_loop3A_559, %parallel_loop3A_560 : i32
        %parallel_loop3A_562 = arith.constant 2 : i32
        %parallel_loop3A_563 = arith.index_cast %parallel_loop3A_562 : i32 to index
        %parallel_loop3A_564 = arith.index_cast %parallel_loop3A_561 : i32 to index
        %parallel_loop3A_565 = tpu.vector_load %arg15[%parallel_loop3A_563, %parallel_loop3A_564] {strides = array<i32>} : memref<4x512xf32, #tpu.memory_space<vmem>>, vector<16xf32>,
        %parallel_loop3A_566 = arith.constant 2 : i32
        %parallel_loop3A_567 = arith.index_cast %parallel_loop3A_566 : i32 to index
        %parallel_loop3A_568 = arith.index_cast %parallel_loop3A_561 : i32 to index
        %parallel_loop3A_569 = tpu.vector_load %arg19[%parallel_loop3A_567, %parallel_loop3A_568] {strides = array<i32>} : memref<4x512xf32, #tpu.memory_space<vmem>>, vector<16xf32>,
        %parallel_loop3A_570 = arith.subf %parallel_loop3A_565, %parallel_loop3A_569 : vector<16xf32>
        %parallel_loop3A_571 = arith.mulf %parallel_loop3A_570, %parallel_loop3A_570 : vector<16xf32>
        %parallel_loop3A_572 = arith.constant 2 : i32
        %parallel_loop3A_573 = arith.index_cast %parallel_loop3A_572 : i32 to index
        %parallel_loop3A_574 = arith.index_cast %parallel_loop3A_561 : i32 to index
        %parallel_loop3A_575 = tpu.vector_load %arg21[%parallel_loop3A_573, %parallel_loop3A_574] {strides = array<i32>} : memref<4x512xf32, #tpu.memory_space<vmem>>, vector<16xf32>,
        tpu.vector_store %arg21[%parallel_loop3A_573, %parallel_loop3A_574], %parallel_loop3A_571 {add = true, strides = array<i32>} : memref<4x512xf32, #tpu.memory_space<vmem>>, vector<16xf32>,
      } {sc.loop_unroll_factor = 8 : i64, sc.parallel_access}
      %parallel_loop3A_494 = arith.constant 0 : i32
      %parallel_loop3A_495 = arith.constant 32 : i32
      %parallel_loop3A_496 = arith.constant 1 : i32
      scf.for %parallel_loop3A_559 = %parallel_loop3A_494 to %parallel_loop3A_495 step %parallel_loop3A_496  : i32 {
        %parallel_loop3A_560 = arith.constant 16 : i32
        %parallel_loop3A_561 = arith.muli %parallel_loop3A_559, %parallel_loop3A_560 : i32
        %parallel_loop3A_562 = arith.constant 3 : i32
        %parallel_loop3A_563 = arith.index_cast %parallel_loop3A_562 : i32 to index
        %parallel_loop3A_564 = arith.index_cast %parallel_loop3A_561 : i32 to index
        %parallel_loop3A_565 = tpu.vector_load %arg15[%parallel_loop3A_563, %parallel_loop3A_564] {strides = array<i32>} : memref<4x512xf32, #tpu.memory_space<vmem>>, vector<16xf32>,
        %parallel_loop3A_566 = arith.constant 3 : i32
        %parallel_loop3A_567 = arith.index_cast %parallel_loop3A_566 : i32 to index
        %parallel_loop3A_568 = arith.index_cast %parallel_loop3A_561 : i32 to index
        %parallel_loop3A_569 = tpu.vector_load %arg19[%parallel_loop3A_567, %parallel_loop3A_568] {strides = array<i32>} : memref<4x512xf32, #tpu.memory_space<vmem>>, vector<16xf32>,
        %parallel_loop3A_570 = arith.subf %parallel_loop3A_565, %parallel_loop3A_569 : vector<16xf32>
        %parallel_loop3A_571 = arith.mulf %parallel_loop3A_570, %parallel_loop3A_570 : vector<16xf32>
        %parallel_loop3A_572 = arith.constant 3 : i32
        %parallel_loop3A_573 = arith.index_cast %parallel_loop3A_572 : i32 to index
        %parallel_loop3A_574 = arith.index_cast %parallel_loop3A_561 : i32 to index
        %parallel_loop3A_575 = tpu.vector_load %arg21[%parallel_loop3A_573, %parallel_loop3A_574] {strides = array<i32>} : memref<4x512xf32, #tpu.memory_space<vmem>>, vector<16xf32>,
        tpu.vector_store %arg21[%parallel_loop3A_573, %parallel_loop3A_574], %parallel_loop3A_571 {add = true, strides = array<i32>} : memref<4x512xf32, #tpu.memory_space<vmem>>, vector<16xf32>,
      } {sc.loop_unroll_factor = 8 : i64, sc.parallel_access}
      %mul3A_497 = arith.constant 4 : i32
      %mul3A_498 = arith.muli %mul3A_497, %scan3A_382 : i32
      %add3A_499 = arith.constant 4 : i32
      %add3A_500 = arith.addi %mul3A_498, %add3A_499 : i32
      %add3A_501 = arith.constant 2 : i32
      %add3A_502 = arith.addi %add3A_500, %add3A_501 : i32
      %dma_start3A_503 = arith.constant 0 : i32
      %dma_start3A_504 = tpu.memref_slice %arg4[%add3A_502, %add3A_6, %dma_start3A_503] : memref<96x512x512xf32, #tpu.memory_space<hbm>> -> memref<1x4x512xf32, #tpu.memory_space<hbm>>
      %dma_start3A_505 = tpu.memref_squeeze %dma_start3A_504 : memref<1x4x512xf32, #tpu.memory_space<hbm>> -> memref<4x512xf32, #tpu.memory_space<hbm>>
      %dma_start3A_506 = arith.constant 0 : i32
      %dma_start3A_507 = tpu.memref_slice %arg4[%add3A_502, %add3A_6, %dma_start3A_506] : memref<96x512x512xf32, #tpu.memory_space<hbm>> -> memref<1x4x512xf32, #tpu.memory_space<hbm>>
      %dma_start3A_508 = tpu.memref_squeeze %dma_start3A_507 : memref<1x4x512xf32, #tpu.memory_space<hbm>> -> memref<4x512xf32, #tpu.memory_space<hbm>>
      tpu.enqueue_dma source(%dma_start3A_508 : memref<4x512xf32, #tpu.memory_space<hbm>>) target(%arg15 : memref<4x512xf32, #tpu.memory_space<vmem>>) target_semaphore(%arg24 : memref<!tpu.dma_semaphore, #tpu.memory_space<semaphore_mem>>)
      %dma_start3A_509 = arith.constant 0 : i32
      %dma_start3A_510 = tpu.memref_slice %arg5[%add3A_502, %add3A_6, %dma_start3A_509] : memref<96x512x512xf32, #tpu.memory_space<hbm>> -> memref<1x4x512xf32, #tpu.memory_space<hbm>>
      %dma_start3A_511 = tpu.memref_squeeze %dma_start3A_510 : memref<1x4x512xf32, #tpu.memory_space<hbm>> -> memref<4x512xf32, #tpu.memory_space<hbm>>
      %dma_start3A_512 = arith.constant 0 : i32
      %dma_start3A_513 = tpu.memref_slice %arg5[%add3A_502, %add3A_6, %dma_start3A_512] : memref<96x512x512xf32, #tpu.memory_space<hbm>> -> memref<1x4x512xf32, #tpu.memory_space<hbm>>
      %dma_start3A_514 = tpu.memref_squeeze %dma_start3A_513 : memref<1x4x512xf32, #tpu.memory_space<hbm>> -> memref<4x512xf32, #tpu.memory_space<hbm>>
      tpu.enqueue_dma source(%dma_start3A_514 : memref<4x512xf32, #tpu.memory_space<hbm>>) target(%arg19 : memref<4x512xf32, #tpu.memory_space<vmem>>) target_semaphore(%arg24 : memref<!tpu.dma_semaphore, #tpu.memory_space<semaphore_mem>>)
      %dma_wait3A_515 = arith.constant 0 : i32
      %dma_wait3A_516 = arith.constant 0 : i32
      %dma_wait3A_517 = tpu.memref_slice %arg4[%dma_wait3A_515, %add3A_6, %dma_wait3A_516] : memref<96x512x512xf32, #tpu.memory_space<hbm>> -> memref<1x4x512xf32, #tpu.memory_space<hbm>>
      %dma_wait3A_518 = tpu.memref_squeeze %dma_wait3A_517 : memref<1x4x512xf32, #tpu.memory_space<hbm>> -> memref<4x512xf32, #tpu.memory_space<hbm>>
      %dma_wait3A_519 = arith.constant 0 : i32
      %dma_wait3A_520 = tpu.memref_slice %arg4[%dma_wait3A_515, %add3A_6, %dma_wait3A_519] : memref<96x512x512xf32, #tpu.memory_space<hbm>> -> memref<1x4x512xf32, #tpu.memory_space<hbm>>
      %dma_wait3A_521 = tpu.memref_squeeze %dma_wait3A_520 : memref<1x4x512xf32, #tpu.memory_space<hbm>> -> memref<4x512xf32, #tpu.memory_space<hbm>>
      tpu.wait_dma2 semaphore(%arg25 : memref<!tpu.dma_semaphore, #tpu.memory_space<semaphore_mem>>) src(%dma_wait3A_521 : memref<4x512xf32, #tpu.memory_space<hbm>>) dst(%arg16 : memref<4x512xf32, #tpu.memory_space<vmem>>)
      %dma_wait3A_522 = arith.constant 0 : i32
      %dma_wait3A_523 = arith.constant 0 : i32
      %dma_wait3A_524 = tpu.memref_slice %arg5[%dma_wait3A_522, %add3A_6, %dma_wait3A_523] : memref<96x512x512xf32, #tpu.memory_space<hbm>> -> memref<1x4x512xf32, #tpu.memory_space<hbm>>
      %dma_wait3A_525 = tpu.memref_squeeze %dma_wait3A_524 : memref<1x4x512xf32, #tpu.memory_space<hbm>> -> memref<4x512xf32, #tpu.memory_space<hbm>>
      %dma_wait3A_526 = arith.constant 0 : i32
      %dma_wait3A_527 = tpu.memref_slice %arg5[%dma_wait3A_522, %add3A_6, %dma_wait3A_526] : memref<96x512x512xf32, #tpu.memory_space<hbm>> -> memref<1x4x512xf32, #tpu.memory_space<hbm>>
      %dma_wait3A_528 = tpu.memref_squeeze %dma_wait3A_527 : memref<1x4x512xf32, #tpu.memory_space<hbm>> -> memref<4x512xf32, #tpu.memory_space<hbm>>
      tpu.wait_dma2 semaphore(%arg25 : memref<!tpu.dma_semaphore, #tpu.memory_space<semaphore_mem>>) src(%dma_wait3A_528 : memref<4x512xf32, #tpu.memory_space<hbm>>) dst(%arg20 : memref<4x512xf32, #tpu.memory_space<vmem>>)
      %parallel_loop3A_529 = arith.constant 0 : i32
      %parallel_loop3A_530 = arith.constant 32 : i32
      %parallel_loop3A_531 = arith.constant 1 : i32
      scf.for %parallel_loop3A_559 = %parallel_loop3A_529 to %parallel_loop3A_530 step %parallel_loop3A_531  : i32 {
        %parallel_loop3A_560 = arith.constant 16 : i32
        %parallel_loop3A_561 = arith.muli %parallel_loop3A_559, %parallel_loop3A_560 : i32
        %parallel_loop3A_562 = arith.constant 0 : i32
        %parallel_loop3A_563 = arith.index_cast %parallel_loop3A_562 : i32 to index
        %parallel_loop3A_564 = arith.index_cast %parallel_loop3A_561 : i32 to index
        %parallel_loop3A_565 = tpu.vector_load %arg16[%parallel_loop3A_563, %parallel_loop3A_564] {strides = array<i32>} : memref<4x512xf32, #tpu.memory_space<vmem>>, vector<16xf32>,
        %parallel_loop3A_566 = arith.constant 0 : i32
        %parallel_loop3A_567 = arith.index_cast %parallel_loop3A_566 : i32 to index
        %parallel_loop3A_568 = arith.index_cast %parallel_loop3A_561 : i32 to index
        %parallel_loop3A_569 = tpu.vector_load %arg20[%parallel_loop3A_567, %parallel_loop3A_568] {strides = array<i32>} : memref<4x512xf32, #tpu.memory_space<vmem>>, vector<16xf32>,
        %parallel_loop3A_570 = arith.subf %parallel_loop3A_565, %parallel_loop3A_569 : vector<16xf32>
        %parallel_loop3A_571 = arith.mulf %parallel_loop3A_570, %parallel_loop3A_570 : vector<16xf32>
        %parallel_loop3A_572 = arith.constant 0 : i32
        %parallel_loop3A_573 = arith.index_cast %parallel_loop3A_572 : i32 to index
        %parallel_loop3A_574 = arith.index_cast %parallel_loop3A_561 : i32 to index
        %parallel_loop3A_575 = tpu.vector_load %arg21[%parallel_loop3A_573, %parallel_loop3A_574] {strides = array<i32>} : memref<4x512xf32, #tpu.memory_space<vmem>>, vector<16xf32>,
        tpu.vector_store %arg21[%parallel_loop3A_573, %parallel_loop3A_574], %parallel_loop3A_571 {add = true, strides = array<i32>} : memref<4x512xf32, #tpu.memory_space<vmem>>, vector<16xf32>,
      } {sc.loop_unroll_factor = 8 : i64, sc.parallel_access}
      %parallel_loop3A_532 = arith.constant 0 : i32
      %parallel_loop3A_533 = arith.constant 32 : i32
      %parallel_loop3A_534 = arith.constant 1 : i32
      scf.for %parallel_loop3A_559 = %parallel_loop3A_532 to %parallel_loop3A_533 step %parallel_loop3A_534  : i32 {
        %parallel_loop3A_560 = arith.constant 16 : i32
        %parallel_loop3A_561 = arith.muli %parallel_loop3A_559, %parallel_loop3A_560 : i32
        %parallel_loop3A_562 = arith.constant 1 : i32
        %parallel_loop3A_563 = arith.index_cast %parallel_loop3A_562 : i32 to index
        %parallel_loop3A_564 = arith.index_cast %parallel_loop3A_561 : i32 to index
        %parallel_loop3A_565 = tpu.vector_load %arg16[%parallel_loop3A_563, %parallel_loop3A_564] {strides = array<i32>} : memref<4x512xf32, #tpu.memory_space<vmem>>, vector<16xf32>,
        %parallel_loop3A_566 = arith.constant 1 : i32
        %parallel_loop3A_567 = arith.index_cast %parallel_loop3A_566 : i32 to index
        %parallel_loop3A_568 = arith.index_cast %parallel_loop3A_561 : i32 to index
        %parallel_loop3A_569 = tpu.vector_load %arg20[%parallel_loop3A_567, %parallel_loop3A_568] {strides = array<i32>} : memref<4x512xf32, #tpu.memory_space<vmem>>, vector<16xf32>,
        %parallel_loop3A_570 = arith.subf %parallel_loop3A_565, %parallel_loop3A_569 : vector<16xf32>
        %parallel_loop3A_571 = arith.mulf %parallel_loop3A_570, %parallel_loop3A_570 : vector<16xf32>
        %parallel_loop3A_572 = arith.constant 1 : i32
        %parallel_loop3A_573 = arith.index_cast %parallel_loop3A_572 : i32 to index
        %parallel_loop3A_574 = arith.index_cast %parallel_loop3A_561 : i32 to index
        %parallel_loop3A_575 = tpu.vector_load %arg21[%parallel_loop3A_573, %parallel_loop3A_574] {strides = array<i32>} : memref<4x512xf32, #tpu.memory_space<vmem>>, vector<16xf32>,
        tpu.vector_store %arg21[%parallel_loop3A_573, %parallel_loop3A_574], %parallel_loop3A_571 {add = true, strides = array<i32>} : memref<4x512xf32, #tpu.memory_space<vmem>>, vector<16xf32>,
      } {sc.loop_unroll_factor = 8 : i64, sc.parallel_access}
      %parallel_loop3A_535 = arith.constant 0 : i32
      %parallel_loop3A_536 = arith.constant 32 : i32
      %parallel_loop3A_537 = arith.constant 1 : i32
      scf.for %parallel_loop3A_559 = %parallel_loop3A_535 to %parallel_loop3A_536 step %parallel_loop3A_537  : i32 {
        %parallel_loop3A_560 = arith.constant 16 : i32
        %parallel_loop3A_561 = arith.muli %parallel_loop3A_559, %parallel_loop3A_560 : i32
        %parallel_loop3A_562 = arith.constant 2 : i32
        %parallel_loop3A_563 = arith.index_cast %parallel_loop3A_562 : i32 to index
        %parallel_loop3A_564 = arith.index_cast %parallel_loop3A_561 : i32 to index
        %parallel_loop3A_565 = tpu.vector_load %arg16[%parallel_loop3A_563, %parallel_loop3A_564] {strides = array<i32>} : memref<4x512xf32, #tpu.memory_space<vmem>>, vector<16xf32>,
        %parallel_loop3A_566 = arith.constant 2 : i32
        %parallel_loop3A_567 = arith.index_cast %parallel_loop3A_566 : i32 to index
        %parallel_loop3A_568 = arith.index_cast %parallel_loop3A_561 : i32 to index
        %parallel_loop3A_569 = tpu.vector_load %arg20[%parallel_loop3A_567, %parallel_loop3A_568] {strides = array<i32>} : memref<4x512xf32, #tpu.memory_space<vmem>>, vector<16xf32>,
        %parallel_loop3A_570 = arith.subf %parallel_loop3A_565, %parallel_loop3A_569 : vector<16xf32>
        %parallel_loop3A_571 = arith.mulf %parallel_loop3A_570, %parallel_loop3A_570 : vector<16xf32>
        %parallel_loop3A_572 = arith.constant 2 : i32
        %parallel_loop3A_573 = arith.index_cast %parallel_loop3A_572 : i32 to index
        %parallel_loop3A_574 = arith.index_cast %parallel_loop3A_561 : i32 to index
        %parallel_loop3A_575 = tpu.vector_load %arg21[%parallel_loop3A_573, %parallel_loop3A_574] {strides = array<i32>} : memref<4x512xf32, #tpu.memory_space<vmem>>, vector<16xf32>,
        tpu.vector_store %arg21[%parallel_loop3A_573, %parallel_loop3A_574], %parallel_loop3A_571 {add = true, strides = array<i32>} : memref<4x512xf32, #tpu.memory_space<vmem>>, vector<16xf32>,
      } {sc.loop_unroll_factor = 8 : i64, sc.parallel_access}
      %parallel_loop3A_538 = arith.constant 0 : i32
      %parallel_loop3A_539 = arith.constant 32 : i32
      %parallel_loop3A_540 = arith.constant 1 : i32
      scf.for %parallel_loop3A_559 = %parallel_loop3A_538 to %parallel_loop3A_539 step %parallel_loop3A_540  : i32 {
        %parallel_loop3A_560 = arith.constant 16 : i32
        %parallel_loop3A_561 = arith.muli %parallel_loop3A_559, %parallel_loop3A_560 : i32
        %parallel_loop3A_562 = arith.constant 3 : i32
        %parallel_loop3A_563 = arith.index_cast %parallel_loop3A_562 : i32 to index
        %parallel_loop3A_564 = arith.index_cast %parallel_loop3A_561 : i32 to index
        %parallel_loop3A_565 = tpu.vector_load %arg16[%parallel_loop3A_563, %parallel_loop3A_564] {strides = array<i32>} : memref<4x512xf32, #tpu.memory_space<vmem>>, vector<16xf32>,
        %parallel_loop3A_566 = arith.constant 3 : i32
        %parallel_loop3A_567 = arith.index_cast %parallel_loop3A_566 : i32 to index
        %parallel_loop3A_568 = arith.index_cast %parallel_loop3A_561 : i32 to index
        %parallel_loop3A_569 = tpu.vector_load %arg20[%parallel_loop3A_567, %parallel_loop3A_568] {strides = array<i32>} : memref<4x512xf32, #tpu.memory_space<vmem>>, vector<16xf32>,
        %parallel_loop3A_570 = arith.subf %parallel_loop3A_565, %parallel_loop3A_569 : vector<16xf32>
        %parallel_loop3A_571 = arith.mulf %parallel_loop3A_570, %parallel_loop3A_570 : vector<16xf32>
        %parallel_loop3A_572 = arith.constant 3 : i32
        %parallel_loop3A_573 = arith.index_cast %parallel_loop3A_572 : i32 to index
        %parallel_loop3A_574 = arith.index_cast %parallel_loop3A_561 : i32 to index
        %parallel_loop3A_575 = tpu.vector_load %arg21[%parallel_loop3A_573, %parallel_loop3A_574] {strides = array<i32>} : memref<4x512xf32, #tpu.memory_space<vmem>>, vector<16xf32>,
        tpu.vector_store %arg21[%parallel_loop3A_573, %parallel_loop3A_574], %parallel_loop3A_571 {add = true, strides = array<i32>} : memref<4x512xf32, #tpu.memory_space<vmem>>, vector<16xf32>,
      } {sc.loop_unroll_factor = 8 : i64, sc.parallel_access}
      %mul3A_541 = arith.constant 4 : i32
      %mul3A_542 = arith.muli %mul3A_541, %scan3A_382 : i32
      %add3A_543 = arith.constant 4 : i32
      %add3A_544 = arith.addi %mul3A_542, %add3A_543 : i32
      %add3A_545 = arith.constant 3 : i32
      %add3A_546 = arith.addi %add3A_544, %add3A_545 : i32
      %dma_start3A_547 = arith.constant 0 : i32
      %dma_start3A_548 = tpu.memref_slice %arg4[%add3A_546, %add3A_6, %dma_start3A_547] : memref<96x512x512xf32, #tpu.memory_space<hbm>> -> memref<1x4x512xf32, #tpu.memory_space<hbm>>
      %dma_start3A_549 = tpu.memref_squeeze %dma_start3A_548 : memref<1x4x512xf32, #tpu.memory_space<hbm>> -> memref<4x512xf32, #tpu.memory_space<hbm>>
      %dma_start3A_550 = arith.constant 0 : i32
      %dma_start3A_551 = tpu.memref_slice %arg4[%add3A_546, %add3A_6, %dma_start3A_550] : memref<96x512x512xf32, #tpu.memory_space<hbm>> -> memref<1x4x512xf32, #tpu.memory_space<hbm>>
      %dma_start3A_552 = tpu.memref_squeeze %dma_start3A_551 : memref<1x4x512xf32, #tpu.memory_space<hbm>> -> memref<4x512xf32, #tpu.memory_space<hbm>>
      tpu.enqueue_dma source(%dma_start3A_552 : memref<4x512xf32, #tpu.memory_space<hbm>>) target(%arg16 : memref<4x512xf32, #tpu.memory_space<vmem>>) target_semaphore(%arg25 : memref<!tpu.dma_semaphore, #tpu.memory_space<semaphore_mem>>)
      %dma_start3A_553 = arith.constant 0 : i32
      %dma_start3A_554 = tpu.memref_slice %arg5[%add3A_546, %add3A_6, %dma_start3A_553] : memref<96x512x512xf32, #tpu.memory_space<hbm>> -> memref<1x4x512xf32, #tpu.memory_space<hbm>>
      %dma_start3A_555 = tpu.memref_squeeze %dma_start3A_554 : memref<1x4x512xf32, #tpu.memory_space<hbm>> -> memref<4x512xf32, #tpu.memory_space<hbm>>
      %dma_start3A_556 = arith.constant 0 : i32
      %dma_start3A_557 = tpu.memref_slice %arg5[%add3A_546, %add3A_6, %dma_start3A_556] : memref<96x512x512xf32, #tpu.memory_space<hbm>> -> memref<1x4x512xf32, #tpu.memory_space<hbm>>
      %dma_start3A_558 = tpu.memref_squeeze %dma_start3A_557 : memref<1x4x512xf32, #tpu.memory_space<hbm>> -> memref<4x512xf32, #tpu.memory_space<hbm>>
      tpu.enqueue_dma source(%dma_start3A_558 : memref<4x512xf32, #tpu.memory_space<hbm>>) target(%arg20 : memref<4x512xf32, #tpu.memory_space<vmem>>) target_semaphore(%arg25 : memref<!tpu.dma_semaphore, #tpu.memory_space<semaphore_mem>>)
    }
    %scan3A_275 = arith.constant 23 : i32
    %dma_wait3A_276 = arith.constant 0 : i32
    %dma_wait3A_277 = arith.constant 0 : i32
    %dma_wait3A_278 = tpu.memref_slice %arg4[%dma_wait3A_276, %add3A_6, %dma_wait3A_277] : memref<96x512x512xf32, #tpu.memory_space<hbm>> -> memref<1x4x512xf32, #tpu.memory_space<hbm>>
    %dma_wait3A_279 = tpu.memref_squeeze %dma_wait3A_278 : memref<1x4x512xf32, #tpu.memory_space<hbm>> -> memref<4x512xf32, #tpu.memory_space<hbm>>
    %dma_wait3A_280 = arith.constant 0 : i32
    %dma_wait3A_281 = tpu.memref_slice %arg4[%dma_wait3A_276, %add3A_6, %dma_wait3A_280] : memref<96x512x512xf32, #tpu.memory_space<hbm>> -> memref<1x4x512xf32, #tpu.memory_space<hbm>>
    %dma_wait3A_282 = tpu.memref_squeeze %dma_wait3A_281 : memref<1x4x512xf32, #tpu.memory_space<hbm>> -> memref<4x512xf32, #tpu.memory_space<hbm>>
    tpu.wait_dma2 semaphore(%arg22 : memref<!tpu.dma_semaphore, #tpu.memory_space<semaphore_mem>>) src(%dma_wait3A_282 : memref<4x512xf32, #tpu.memory_space<hbm>>) dst(%arg13 : memref<4x512xf32, #tpu.memory_space<vmem>>)
    %dma_wait3A_283 = arith.constant 0 : i32
    %dma_wait3A_284 = arith.constant 0 : i32
    %dma_wait3A_285 = tpu.memref_slice %arg5[%dma_wait3A_283, %add3A_6, %dma_wait3A_284] : memref<96x512x512xf32, #tpu.memory_space<hbm>> -> memref<1x4x512xf32, #tpu.memory_space<hbm>>
    %dma_wait3A_286 = tpu.memref_squeeze %dma_wait3A_285 : memref<1x4x512xf32, #tpu.memory_space<hbm>> -> memref<4x512xf32, #tpu.memory_space<hbm>>
    %dma_wait3A_287 = arith.constant 0 : i32
    %dma_wait3A_288 = tpu.memref_slice %arg5[%dma_wait3A_283, %add3A_6, %dma_wait3A_287] : memref<96x512x512xf32, #tpu.memory_space<hbm>> -> memref<1x4x512xf32, #tpu.memory_space<hbm>>
    %dma_wait3A_289 = tpu.memref_squeeze %dma_wait3A_288 : memref<1x4x512xf32, #tpu.memory_space<hbm>> -> memref<4x512xf32, #tpu.memory_space<hbm>>
    tpu.wait_dma2 semaphore(%arg22 : memref<!tpu.dma_semaphore, #tpu.memory_space<semaphore_mem>>) src(%dma_wait3A_289 : memref<4x512xf32, #tpu.memory_space<hbm>>) dst(%arg17 : memref<4x512xf32, #tpu.memory_space<vmem>>)
    %parallel_loop3A_290 = arith.constant 0 : i32
    %parallel_loop3A_291 = arith.constant 32 : i32
    %parallel_loop3A_292 = arith.constant 1 : i32
    scf.for %parallel_loop3A_382 = %parallel_loop3A_290 to %parallel_loop3A_291 step %parallel_loop3A_292  : i32 {
      %parallel_loop3A_383 = arith.constant 16 : i32
      %parallel_loop3A_384 = arith.muli %parallel_loop3A_382, %parallel_loop3A_383 : i32
      %parallel_loop3A_385 = arith.constant 0 : i32
      %parallel_loop3A_386 = arith.index_cast %parallel_loop3A_385 : i32 to index
      %parallel_loop3A_387 = arith.index_cast %parallel_loop3A_384 : i32 to index
      %parallel_loop3A_388 = tpu.vector_load %arg13[%parallel_loop3A_386, %parallel_loop3A_387] {strides = array<i32>} : memref<4x512xf32, #tpu.memory_space<vmem>>, vector<16xf32>,
      %parallel_loop3A_389 = arith.constant 0 : i32
      %parallel_loop3A_390 = arith.index_cast %parallel_loop3A_389 : i32 to index
      %parallel_loop3A_391 = arith.index_cast %parallel_loop3A_384 : i32 to index
      %parallel_loop3A_392 = tpu.vector_load %arg17[%parallel_loop3A_390, %parallel_loop3A_391] {strides = array<i32>} : memref<4x512xf32, #tpu.memory_space<vmem>>, vector<16xf32>,
      %parallel_loop3A_393 = arith.subf %parallel_loop3A_388, %parallel_loop3A_392 : vector<16xf32>
      %parallel_loop3A_394 = arith.mulf %parallel_loop3A_393, %parallel_loop3A_393 : vector<16xf32>
      %parallel_loop3A_395 = arith.constant 0 : i32
      %parallel_loop3A_396 = arith.index_cast %parallel_loop3A_395 : i32 to index
      %parallel_loop3A_397 = arith.index_cast %parallel_loop3A_384 : i32 to index
      %parallel_loop3A_398 = tpu.vector_load %arg21[%parallel_loop3A_396, %parallel_loop3A_397] {strides = array<i32>} : memref<4x512xf32, #tpu.memory_space<vmem>>, vector<16xf32>,
      tpu.vector_store %arg21[%parallel_loop3A_396, %parallel_loop3A_397], %parallel_loop3A_394 {add = true, strides = array<i32>} : memref<4x512xf32, #tpu.memory_space<vmem>>, vector<16xf32>,
    } {sc.loop_unroll_factor = 8 : i64, sc.parallel_access}
    %parallel_loop3A_293 = arith.constant 0 : i32
    %parallel_loop3A_294 = arith.constant 32 : i32
    %parallel_loop3A_295 = arith.constant 1 : i32
    scf.for %parallel_loop3A_382 = %parallel_loop3A_293 to %parallel_loop3A_294 step %parallel_loop3A_295  : i32 {
      %parallel_loop3A_383 = arith.constant 16 : i32
      %parallel_loop3A_384 = arith.muli %parallel_loop3A_382, %parallel_loop3A_383 : i32
      %parallel_loop3A_385 = arith.constant 1 : i32
      %parallel_loop3A_386 = arith.index_cast %parallel_loop3A_385 : i32 to index
      %parallel_loop3A_387 = arith.index_cast %parallel_loop3A_384 : i32 to index
      %parallel_loop3A_388 = tpu.vector_load %arg13[%parallel_loop3A_386, %parallel_loop3A_387] {strides = array<i32>} : memref<4x512xf32, #tpu.memory_space<vmem>>, vector<16xf32>,
      %parallel_loop3A_389 = arith.constant 1 : i32
      %parallel_loop3A_390 = arith.index_cast %parallel_loop3A_389 : i32 to index
      %parallel_loop3A_391 = arith.index_cast %parallel_loop3A_384 : i32 to index
      %parallel_loop3A_392 = tpu.vector_load %arg17[%parallel_loop3A_390, %parallel_loop3A_391] {strides = array<i32>} : memref<4x512xf32, #tpu.memory_space<vmem>>, vector<16xf32>,
      %parallel_loop3A_393 = arith.subf %parallel_loop3A_388, %parallel_loop3A_392 : vector<16xf32>
      %parallel_loop3A_394 = arith.mulf %parallel_loop3A_393, %parallel_loop3A_393 : vector<16xf32>
      %parallel_loop3A_395 = arith.constant 1 : i32
      %parallel_loop3A_396 = arith.index_cast %parallel_loop3A_395 : i32 to index
      %parallel_loop3A_397 = arith.index_cast %parallel_loop3A_384 : i32 to index
      %parallel_loop3A_398 = tpu.vector_load %arg21[%parallel_loop3A_396, %parallel_loop3A_397] {strides = array<i32>} : memref<4x512xf32, #tpu.memory_space<vmem>>, vector<16xf32>,
      tpu.vector_store %arg21[%parallel_loop3A_396, %parallel_loop3A_397], %parallel_loop3A_394 {add = true, strides = array<i32>} : memref<4x512xf32, #tpu.memory_space<vmem>>, vector<16xf32>,
    } {sc.loop_unroll_factor = 8 : i64, sc.parallel_access}
    %parallel_loop3A_296 = arith.constant 0 : i32
    %parallel_loop3A_297 = arith.constant 32 : i32
    %parallel_loop3A_298 = arith.constant 1 : i32
    scf.for %parallel_loop3A_382 = %parallel_loop3A_296 to %parallel_loop3A_297 step %parallel_loop3A_298  : i32 {
      %parallel_loop3A_383 = arith.constant 16 : i32
      %parallel_loop3A_384 = arith.muli %parallel_loop3A_382, %parallel_loop3A_383 : i32
      %parallel_loop3A_385 = arith.constant 2 : i32
      %parallel_loop3A_386 = arith.index_cast %parallel_loop3A_385 : i32 to index
      %parallel_loop3A_387 = arith.index_cast %parallel_loop3A_384 : i32 to index
      %parallel_loop3A_388 = tpu.vector_load %arg13[%parallel_loop3A_386, %parallel_loop3A_387] {strides = array<i32>} : memref<4x512xf32, #tpu.memory_space<vmem>>, vector<16xf32>,
      %parallel_loop3A_389 = arith.constant 2 : i32
      %parallel_loop3A_390 = arith.index_cast %parallel_loop3A_389 : i32 to index
      %parallel_loop3A_391 = arith.index_cast %parallel_loop3A_384 : i32 to index
      %parallel_loop3A_392 = tpu.vector_load %arg17[%parallel_loop3A_390, %parallel_loop3A_391] {strides = array<i32>} : memref<4x512xf32, #tpu.memory_space<vmem>>, vector<16xf32>,
      %parallel_loop3A_393 = arith.subf %parallel_loop3A_388, %parallel_loop3A_392 : vector<16xf32>
      %parallel_loop3A_394 = arith.mulf %parallel_loop3A_393, %parallel_loop3A_393 : vector<16xf32>
      %parallel_loop3A_395 = arith.constant 2 : i32
      %parallel_loop3A_396 = arith.index_cast %parallel_loop3A_395 : i32 to index
      %parallel_loop3A_397 = arith.index_cast %parallel_loop3A_384 : i32 to index
      %parallel_loop3A_398 = tpu.vector_load %arg21[%parallel_loop3A_396, %parallel_loop3A_397] {strides = array<i32>} : memref<4x512xf32, #tpu.memory_space<vmem>>, vector<16xf32>,
      tpu.vector_store %arg21[%parallel_loop3A_396, %parallel_loop3A_397], %parallel_loop3A_394 {add = true, strides = array<i32>} : memref<4x512xf32, #tpu.memory_space<vmem>>, vector<16xf32>,
    } {sc.loop_unroll_factor = 8 : i64, sc.parallel_access}
    %parallel_loop3A_299 = arith.constant 0 : i32
    %parallel_loop3A_300 = arith.constant 32 : i32
    %parallel_loop3A_301 = arith.constant 1 : i32
    scf.for %parallel_loop3A_382 = %parallel_loop3A_299 to %parallel_loop3A_300 step %parallel_loop3A_301  : i32 {
      %parallel_loop3A_383 = arith.constant 16 : i32
      %parallel_loop3A_384 = arith.muli %parallel_loop3A_382, %parallel_loop3A_383 : i32
      %parallel_loop3A_385 = arith.constant 3 : i32
      %parallel_loop3A_386 = arith.index_cast %parallel_loop3A_385 : i32 to index
      %parallel_loop3A_387 = arith.index_cast %parallel_loop3A_384 : i32 to index
      %parallel_loop3A_388 = tpu.vector_load %arg13[%parallel_loop3A_386, %parallel_loop3A_387] {strides = array<i32>} : memref<4x512xf32, #tpu.memory_space<vmem>>, vector<16xf32>,
      %parallel_loop3A_389 = arith.constant 3 : i32
      %parallel_loop3A_390 = arith.index_cast %parallel_loop3A_389 : i32 to index
      %parallel_loop3A_391 = arith.index_cast %parallel_loop3A_384 : i32 to index
      %parallel_loop3A_392 = tpu.vector_load %arg17[%parallel_loop3A_390, %parallel_loop3A_391] {strides = array<i32>} : memref<4x512xf32, #tpu.memory_space<vmem>>, vector<16xf32>,
      %parallel_loop3A_393 = arith.subf %parallel_loop3A_388, %parallel_loop3A_392 : vector<16xf32>
      %parallel_loop3A_394 = arith.mulf %parallel_loop3A_393, %parallel_loop3A_393 : vector<16xf32>
      %parallel_loop3A_395 = arith.constant 3 : i32
      %parallel_loop3A_396 = arith.index_cast %parallel_loop3A_395 : i32 to index
      %parallel_loop3A_397 = arith.index_cast %parallel_loop3A_384 : i32 to index
      %parallel_loop3A_398 = tpu.vector_load %arg21[%parallel_loop3A_396, %parallel_loop3A_397] {strides = array<i32>} : memref<4x512xf32, #tpu.memory_space<vmem>>, vector<16xf32>,
      tpu.vector_store %arg21[%parallel_loop3A_396, %parallel_loop3A_397], %parallel_loop3A_394 {add = true, strides = array<i32>} : memref<4x512xf32, #tpu.memory_space<vmem>>, vector<16xf32>,
    } {sc.loop_unroll_factor = 8 : i64, sc.parallel_access}
    %dma_wait3A_302 = arith.constant 0 : i32
    %dma_wait3A_303 = arith.constant 0 : i32
    %dma_wait3A_304 = tpu.memref_slice %arg4[%dma_wait3A_302, %add3A_6, %dma_wait3A_303] : memref<96x512x512xf32, #tpu.memory_space<hbm>> -> memref<1x4x512xf32, #tpu.memory_space<hbm>>
    %dma_wait3A_305 = tpu.memref_squeeze %dma_wait3A_304 : memref<1x4x512xf32, #tpu.memory_space<hbm>> -> memref<4x512xf32, #tpu.memory_space<hbm>>
    %dma_wait3A_306 = arith.constant 0 : i32
    %dma_wait3A_307 = tpu.memref_slice %arg4[%dma_wait3A_302, %add3A_6, %dma_wait3A_306] : memref<96x512x512xf32, #tpu.memory_space<hbm>> -> memref<1x4x512xf32, #tpu.memory_space<hbm>>
    %dma_wait3A_308 = tpu.memref_squeeze %dma_wait3A_307 : memref<1x4x512xf32, #tpu.memory_space<hbm>> -> memref<4x512xf32, #tpu.memory_space<hbm>>
    tpu.wait_dma2 semaphore(%arg23 : memref<!tpu.dma_semaphore, #tpu.memory_space<semaphore_mem>>) src(%dma_wait3A_308 : memref<4x512xf32, #tpu.memory_space<hbm>>) dst(%arg14 : memref<4x512xf32, #tpu.memory_space<vmem>>)
    %dma_wait3A_309 = arith.constant 0 : i32
    %dma_wait3A_310 = arith.constant 0 : i32
    %dma_wait3A_311 = tpu.memref_slice %arg5[%dma_wait3A_309, %add3A_6, %dma_wait3A_310] : memref<96x512x512xf32, #tpu.memory_space<hbm>> -> memref<1x4x512xf32, #tpu.memory_space<hbm>>
    %dma_wait3A_312 = tpu.memref_squeeze %dma_wait3A_311 : memref<1x4x512xf32, #tpu.memory_space<hbm>> -> memref<4x512xf32, #tpu.memory_space<hbm>>
    %dma_wait3A_313 = arith.constant 0 : i32
    %dma_wait3A_314 = tpu.memref_slice %arg5[%dma_wait3A_309, %add3A_6, %dma_wait3A_313] : memref<96x512x512xf32, #tpu.memory_space<hbm>> -> memref<1x4x512xf32, #tpu.memory_space<hbm>>
    %dma_wait3A_315 = tpu.memref_squeeze %dma_wait3A_314 : memref<1x4x512xf32, #tpu.memory_space<hbm>> -> memref<4x512xf32, #tpu.memory_space<hbm>>
    tpu.wait_dma2 semaphore(%arg23 : memref<!tpu.dma_semaphore, #tpu.memory_space<semaphore_mem>>) src(%dma_wait3A_315 : memref<4x512xf32, #tpu.memory_space<hbm>>) dst(%arg18 : memref<4x512xf32, #tpu.memory_space<vmem>>)
    %parallel_loop3A_316 = arith.constant 0 : i32
    %parallel_loop3A_317 = arith.constant 32 : i32
    %parallel_loop3A_318 = arith.constant 1 : i32
    scf.for %parallel_loop3A_382 = %parallel_loop3A_316 to %parallel_loop3A_317 step %parallel_loop3A_318  : i32 {
      %parallel_loop3A_383 = arith.constant 16 : i32
      %parallel_loop3A_384 = arith.muli %parallel_loop3A_382, %parallel_loop3A_383 : i32
      %parallel_loop3A_385 = arith.constant 0 : i32
      %parallel_loop3A_386 = arith.index_cast %parallel_loop3A_385 : i32 to index
      %parallel_loop3A_387 = arith.index_cast %parallel_loop3A_384 : i32 to index
      %parallel_loop3A_388 = tpu.vector_load %arg14[%parallel_loop3A_386, %parallel_loop3A_387] {strides = array<i32>} : memref<4x512xf32, #tpu.memory_space<vmem>>, vector<16xf32>,
      %parallel_loop3A_389 = arith.constant 0 : i32
      %parallel_loop3A_390 = arith.index_cast %parallel_loop3A_389 : i32 to index
      %parallel_loop3A_391 = arith.index_cast %parallel_loop3A_384 : i32 to index
      %parallel_loop3A_392 = tpu.vector_load %arg18[%parallel_loop3A_390, %parallel_loop3A_391] {strides = array<i32>} : memref<4x512xf32, #tpu.memory_space<vmem>>, vector<16xf32>,
      %parallel_loop3A_393 = arith.subf %parallel_loop3A_388, %parallel_loop3A_392 : vector<16xf32>
      %parallel_loop3A_394 = arith.mulf %parallel_loop3A_393, %parallel_loop3A_393 : vector<16xf32>
      %parallel_loop3A_395 = arith.constant 0 : i32
      %parallel_loop3A_396 = arith.index_cast %parallel_loop3A_395 : i32 to index
      %parallel_loop3A_397 = arith.index_cast %parallel_loop3A_384 : i32 to index
      %parallel_loop3A_398 = tpu.vector_load %arg21[%parallel_loop3A_396, %parallel_loop3A_397] {strides = array<i32>} : memref<4x512xf32, #tpu.memory_space<vmem>>, vector<16xf32>,
      tpu.vector_store %arg21[%parallel_loop3A_396, %parallel_loop3A_397], %parallel_loop3A_394 {add = true, strides = array<i32>} : memref<4x512xf32, #tpu.memory_space<vmem>>, vector<16xf32>,
    } {sc.loop_unroll_factor = 8 : i64, sc.parallel_access}
    %parallel_loop3A_319 = arith.constant 0 : i32
    %parallel_loop3A_320 = arith.constant 32 : i32
    %parallel_loop3A_321 = arith.constant 1 : i32
    scf.for %parallel_loop3A_382 = %parallel_loop3A_319 to %parallel_loop3A_320 step %parallel_loop3A_321  : i32 {
      %parallel_loop3A_383 = arith.constant 16 : i32
      %parallel_loop3A_384 = arith.muli %parallel_loop3A_382, %parallel_loop3A_383 : i32
      %parallel_loop3A_385 = arith.constant 1 : i32
      %parallel_loop3A_386 = arith.index_cast %parallel_loop3A_385 : i32 to index
      %parallel_loop3A_387 = arith.index_cast %parallel_loop3A_384 : i32 to index
      %parallel_loop3A_388 = tpu.vector_load %arg14[%parallel_loop3A_386, %parallel_loop3A_387] {strides = array<i32>} : memref<4x512xf32, #tpu.memory_space<vmem>>, vector<16xf32>,
      %parallel_loop3A_389 = arith.constant 1 : i32
      %parallel_loop3A_390 = arith.index_cast %parallel_loop3A_389 : i32 to index
      %parallel_loop3A_391 = arith.index_cast %parallel_loop3A_384 : i32 to index
      %parallel_loop3A_392 = tpu.vector_load %arg18[%parallel_loop3A_390, %parallel_loop3A_391] {strides = array<i32>} : memref<4x512xf32, #tpu.memory_space<vmem>>, vector<16xf32>,
      %parallel_loop3A_393 = arith.subf %parallel_loop3A_388, %parallel_loop3A_392 : vector<16xf32>
      %parallel_loop3A_394 = arith.mulf %parallel_loop3A_393, %parallel_loop3A_393 : vector<16xf32>
      %parallel_loop3A_395 = arith.constant 1 : i32
      %parallel_loop3A_396 = arith.index_cast %parallel_loop3A_395 : i32 to index
      %parallel_loop3A_397 = arith.index_cast %parallel_loop3A_384 : i32 to index
      %parallel_loop3A_398 = tpu.vector_load %arg21[%parallel_loop3A_396, %parallel_loop3A_397] {strides = array<i32>} : memref<4x512xf32, #tpu.memory_space<vmem>>, vector<16xf32>,
      tpu.vector_store %arg21[%parallel_loop3A_396, %parallel_loop3A_397], %parallel_loop3A_394 {add = true, strides = array<i32>} : memref<4x512xf32, #tpu.memory_space<vmem>>, vector<16xf32>,
    } {sc.loop_unroll_factor = 8 : i64, sc.parallel_access}
    %parallel_loop3A_322 = arith.constant 0 : i32
    %parallel_loop3A_323 = arith.constant 32 : i32
    %parallel_loop3A_324 = arith.constant 1 : i32
    scf.for %parallel_loop3A_382 = %parallel_loop3A_322 to %parallel_loop3A_323 step %parallel_loop3A_324  : i32 {
      %parallel_loop3A_383 = arith.constant 16 : i32
      %parallel_loop3A_384 = arith.muli %parallel_loop3A_382, %parallel_loop3A_383 : i32
      %parallel_loop3A_385 = arith.constant 2 : i32
      %parallel_loop3A_386 = arith.index_cast %parallel_loop3A_385 : i32 to index
      %parallel_loop3A_387 = arith.index_cast %parallel_loop3A_384 : i32 to index
      %parallel_loop3A_388 = tpu.vector_load %arg14[%parallel_loop3A_386, %parallel_loop3A_387] {strides = array<i32>} : memref<4x512xf32, #tpu.memory_space<vmem>>, vector<16xf32>,
      %parallel_loop3A_389 = arith.constant 2 : i32
      %parallel_loop3A_390 = arith.index_cast %parallel_loop3A_389 : i32 to index
      %parallel_loop3A_391 = arith.index_cast %parallel_loop3A_384 : i32 to index
      %parallel_loop3A_392 = tpu.vector_load %arg18[%parallel_loop3A_390, %parallel_loop3A_391] {strides = array<i32>} : memref<4x512xf32, #tpu.memory_space<vmem>>, vector<16xf32>,
      %parallel_loop3A_393 = arith.subf %parallel_loop3A_388, %parallel_loop3A_392 : vector<16xf32>
      %parallel_loop3A_394 = arith.mulf %parallel_loop3A_393, %parallel_loop3A_393 : vector<16xf32>
      %parallel_loop3A_395 = arith.constant 2 : i32
      %parallel_loop3A_396 = arith.index_cast %parallel_loop3A_395 : i32 to index
      %parallel_loop3A_397 = arith.index_cast %parallel_loop3A_384 : i32 to index
      %parallel_loop3A_398 = tpu.vector_load %arg21[%parallel_loop3A_396, %parallel_loop3A_397] {strides = array<i32>} : memref<4x512xf32, #tpu.memory_space<vmem>>, vector<16xf32>,
      tpu.vector_store %arg21[%parallel_loop3A_396, %parallel_loop3A_397], %parallel_loop3A_394 {add = true, strides = array<i32>} : memref<4x512xf32, #tpu.memory_space<vmem>>, vector<16xf32>,
    } {sc.loop_unroll_factor = 8 : i64, sc.parallel_access}
    %parallel_loop3A_325 = arith.constant 0 : i32
    %parallel_loop3A_326 = arith.constant 32 : i32
    %parallel_loop3A_327 = arith.constant 1 : i32
    scf.for %parallel_loop3A_382 = %parallel_loop3A_325 to %parallel_loop3A_326 step %parallel_loop3A_327  : i32 {
      %parallel_loop3A_383 = arith.constant 16 : i32
      %parallel_loop3A_384 = arith.muli %parallel_loop3A_382, %parallel_loop3A_383 : i32
      %parallel_loop3A_385 = arith.constant 3 : i32
      %parallel_loop3A_386 = arith.index_cast %parallel_loop3A_385 : i32 to index
      %parallel_loop3A_387 = arith.index_cast %parallel_loop3A_384 : i32 to index
      %parallel_loop3A_388 = tpu.vector_load %arg14[%parallel_loop3A_386, %parallel_loop3A_387] {strides = array<i32>} : memref<4x512xf32, #tpu.memory_space<vmem>>, vector<16xf32>,
      %parallel_loop3A_389 = arith.constant 3 : i32
      %parallel_loop3A_390 = arith.index_cast %parallel_loop3A_389 : i32 to index
      %parallel_loop3A_391 = arith.index_cast %parallel_loop3A_384 : i32 to index
      %parallel_loop3A_392 = tpu.vector_load %arg18[%parallel_loop3A_390, %parallel_loop3A_391] {strides = array<i32>} : memref<4x512xf32, #tpu.memory_space<vmem>>, vector<16xf32>,
      %parallel_loop3A_393 = arith.subf %parallel_loop3A_388, %parallel_loop3A_392 : vector<16xf32>
      %parallel_loop3A_394 = arith.mulf %parallel_loop3A_393, %parallel_loop3A_393 : vector<16xf32>
      %parallel_loop3A_395 = arith.constant 3 : i32
      %parallel_loop3A_396 = arith.index_cast %parallel_loop3A_395 : i32 to index
      %parallel_loop3A_397 = arith.index_cast %parallel_loop3A_384 : i32 to index
      %parallel_loop3A_398 = tpu.vector_load %arg21[%parallel_loop3A_396, %parallel_loop3A_397] {strides = array<i32>} : memref<4x512xf32, #tpu.memory_space<vmem>>, vector<16xf32>,
      tpu.vector_store %arg21[%parallel_loop3A_396, %parallel_loop3A_397], %parallel_loop3A_394 {add = true, strides = array<i32>} : memref<4x512xf32, #tpu.memory_space<vmem>>, vector<16xf32>,
    } {sc.loop_unroll_factor = 8 : i64, sc.parallel_access}
    %dma_wait3A_328 = arith.constant 0 : i32
    %dma_wait3A_329 = arith.constant 0 : i32
    %dma_wait3A_330 = tpu.memref_slice %arg4[%dma_wait3A_328, %add3A_6, %dma_wait3A_329] : memref<96x512x512xf32, #tpu.memory_space<hbm>> -> memref<1x4x512xf32, #tpu.memory_space<hbm>>
    %dma_wait3A_331 = tpu.memref_squeeze %dma_wait3A_330 : memref<1x4x512xf32, #tpu.memory_space<hbm>> -> memref<4x512xf32, #tpu.memory_space<hbm>>
    %dma_wait3A_332 = arith.constant 0 : i32
    %dma_wait3A_333 = tpu.memref_slice %arg4[%dma_wait3A_328, %add3A_6, %dma_wait3A_332] : memref<96x512x512xf32, #tpu.memory_space<hbm>> -> memref<1x4x512xf32, #tpu.memory_space<hbm>>
    %dma_wait3A_334 = tpu.memref_squeeze %dma_wait3A_333 : memref<1x4x512xf32, #tpu.memory_space<hbm>> -> memref<4x512xf32, #tpu.memory_space<hbm>>
    tpu.wait_dma2 semaphore(%arg24 : memref<!tpu.dma_semaphore, #tpu.memory_space<semaphore_mem>>) src(%dma_wait3A_334 : memref<4x512xf32, #tpu.memory_space<hbm>>) dst(%arg15 : memref<4x512xf32, #tpu.memory_space<vmem>>)
    %dma_wait3A_335 = arith.constant 0 : i32
    %dma_wait3A_336 = arith.constant 0 : i32
    %dma_wait3A_337 = tpu.memref_slice %arg5[%dma_wait3A_335, %add3A_6, %dma_wait3A_336] : memref<96x512x512xf32, #tpu.memory_space<hbm>> -> memref<1x4x512xf32, #tpu.memory_space<hbm>>
    %dma_wait3A_338 = tpu.memref_squeeze %dma_wait3A_337 : memref<1x4x512xf32, #tpu.memory_space<hbm>> -> memref<4x512xf32, #tpu.memory_space<hbm>>
    %dma_wait3A_339 = arith.constant 0 : i32
    %dma_wait3A_340 = tpu.memref_slice %arg5[%dma_wait3A_335, %add3A_6, %dma_wait3A_339] : memref<96x512x512xf32, #tpu.memory_space<hbm>> -> memref<1x4x512xf32, #tpu.memory_space<hbm>>
    %dma_wait3A_341 = tpu.memref_squeeze %dma_wait3A_340 : memref<1x4x512xf32, #tpu.memory_space<hbm>> -> memref<4x512xf32, #tpu.memory_space<hbm>>
    tpu.wait_dma2 semaphore(%arg24 : memref<!tpu.dma_semaphore, #tpu.memory_space<semaphore_mem>>) src(%dma_wait3A_341 : memref<4x512xf32, #tpu.memory_space<hbm>>) dst(%arg19 : memref<4x512xf32, #tpu.memory_space<vmem>>)
    %parallel_loop3A_342 = arith.constant 0 : i32
    %parallel_loop3A_343 = arith.constant 32 : i32
    %parallel_loop3A_344 = arith.constant 1 : i32
    scf.for %parallel_loop3A_382 = %parallel_loop3A_342 to %parallel_loop3A_343 step %parallel_loop3A_344  : i32 {
      %parallel_loop3A_383 = arith.constant 16 : i32
      %parallel_loop3A_384 = arith.muli %parallel_loop3A_382, %parallel_loop3A_383 : i32
      %parallel_loop3A_385 = arith.constant 0 : i32
      %parallel_loop3A_386 = arith.index_cast %parallel_loop3A_385 : i32 to index
      %parallel_loop3A_387 = arith.index_cast %parallel_loop3A_384 : i32 to index
      %parallel_loop3A_388 = tpu.vector_load %arg15[%parallel_loop3A_386, %parallel_loop3A_387] {strides = array<i32>} : memref<4x512xf32, #tpu.memory_space<vmem>>, vector<16xf32>,
      %parallel_loop3A_389 = arith.constant 0 : i32
      %parallel_loop3A_390 = arith.index_cast %parallel_loop3A_389 : i32 to index
      %parallel_loop3A_391 = arith.index_cast %parallel_loop3A_384 : i32 to index
      %parallel_loop3A_392 = tpu.vector_load %arg19[%parallel_loop3A_390, %parallel_loop3A_391] {strides = array<i32>} : memref<4x512xf32, #tpu.memory_space<vmem>>, vector<16xf32>,
      %parallel_loop3A_393 = arith.subf %parallel_loop3A_388, %parallel_loop3A_392 : vector<16xf32>
      %parallel_loop3A_394 = arith.mulf %parallel_loop3A_393, %parallel_loop3A_393 : vector<16xf32>
      %parallel_loop3A_395 = arith.constant 0 : i32
      %parallel_loop3A_396 = arith.index_cast %parallel_loop3A_395 : i32 to index
      %parallel_loop3A_397 = arith.index_cast %parallel_loop3A_384 : i32 to index
      %parallel_loop3A_398 = tpu.vector_load %arg21[%parallel_loop3A_396, %parallel_loop3A_397] {strides = array<i32>} : memref<4x512xf32, #tpu.memory_space<vmem>>, vector<16xf32>,
      tpu.vector_store %arg21[%parallel_loop3A_396, %parallel_loop3A_397], %parallel_loop3A_394 {add = true, strides = array<i32>} : memref<4x512xf32, #tpu.memory_space<vmem>>, vector<16xf32>,
    } {sc.loop_unroll_factor = 8 : i64, sc.parallel_access}
    %parallel_loop3A_345 = arith.constant 0 : i32
    %parallel_loop3A_346 = arith.constant 32 : i32
    %parallel_loop3A_347 = arith.constant 1 : i32
    scf.for %parallel_loop3A_382 = %parallel_loop3A_345 to %parallel_loop3A_346 step %parallel_loop3A_347  : i32 {
      %parallel_loop3A_383 = arith.constant 16 : i32
      %parallel_loop3A_384 = arith.muli %parallel_loop3A_382, %parallel_loop3A_383 : i32
      %parallel_loop3A_385 = arith.constant 1 : i32
      %parallel_loop3A_386 = arith.index_cast %parallel_loop3A_385 : i32 to index
      %parallel_loop3A_387 = arith.index_cast %parallel_loop3A_384 : i32 to index
      %parallel_loop3A_388 = tpu.vector_load %arg15[%parallel_loop3A_386, %parallel_loop3A_387] {strides = array<i32>} : memref<4x512xf32, #tpu.memory_space<vmem>>, vector<16xf32>,
      %parallel_loop3A_389 = arith.constant 1 : i32
      %parallel_loop3A_390 = arith.index_cast %parallel_loop3A_389 : i32 to index
      %parallel_loop3A_391 = arith.index_cast %parallel_loop3A_384 : i32 to index
      %parallel_loop3A_392 = tpu.vector_load %arg19[%parallel_loop3A_390, %parallel_loop3A_391] {strides = array<i32>} : memref<4x512xf32, #tpu.memory_space<vmem>>, vector<16xf32>,
      %parallel_loop3A_393 = arith.subf %parallel_loop3A_388, %parallel_loop3A_392 : vector<16xf32>
      %parallel_loop3A_394 = arith.mulf %parallel_loop3A_393, %parallel_loop3A_393 : vector<16xf32>
      %parallel_loop3A_395 = arith.constant 1 : i32
      %parallel_loop3A_396 = arith.index_cast %parallel_loop3A_395 : i32 to index
      %parallel_loop3A_397 = arith.index_cast %parallel_loop3A_384 : i32 to index
      %parallel_loop3A_398 = tpu.vector_load %arg21[%parallel_loop3A_396, %parallel_loop3A_397] {strides = array<i32>} : memref<4x512xf32, #tpu.memory_space<vmem>>, vector<16xf32>,
      tpu.vector_store %arg21[%parallel_loop3A_396, %parallel_loop3A_397], %parallel_loop3A_394 {add = true, strides = array<i32>} : memref<4x512xf32, #tpu.memory_space<vmem>>, vector<16xf32>,
    } {sc.loop_unroll_factor = 8 : i64, sc.parallel_access}
    %parallel_loop3A_348 = arith.constant 0 : i32
    %parallel_loop3A_349 = arith.constant 32 : i32
    %parallel_loop3A_350 = arith.constant 1 : i32
    scf.for %parallel_loop3A_382 = %parallel_loop3A_348 to %parallel_loop3A_349 step %parallel_loop3A_350  : i32 {
      %parallel_loop3A_383 = arith.constant 16 : i32
      %parallel_loop3A_384 = arith.muli %parallel_loop3A_382, %parallel_loop3A_383 : i32
      %parallel_loop3A_385 = arith.constant 2 : i32
      %parallel_loop3A_386 = arith.index_cast %parallel_loop3A_385 : i32 to index
      %parallel_loop3A_387 = arith.index_cast %parallel_loop3A_384 : i32 to index
      %parallel_loop3A_388 = tpu.vector_load %arg15[%parallel_loop3A_386, %parallel_loop3A_387] {strides = array<i32>} : memref<4x512xf32, #tpu.memory_space<vmem>>, vector<16xf32>,
      %parallel_loop3A_389 = arith.constant 2 : i32
      %parallel_loop3A_390 = arith.index_cast %parallel_loop3A_389 : i32 to index
      %parallel_loop3A_391 = arith.index_cast %parallel_loop3A_384 : i32 to index
      %parallel_loop3A_392 = tpu.vector_load %arg19[%parallel_loop3A_390, %parallel_loop3A_391] {strides = array<i32>} : memref<4x512xf32, #tpu.memory_space<vmem>>, vector<16xf32>,
      %parallel_loop3A_393 = arith.subf %parallel_loop3A_388, %parallel_loop3A_392 : vector<16xf32>
      %parallel_loop3A_394 = arith.mulf %parallel_loop3A_393, %parallel_loop3A_393 : vector<16xf32>
      %parallel_loop3A_395 = arith.constant 2 : i32
      %parallel_loop3A_396 = arith.index_cast %parallel_loop3A_395 : i32 to index
      %parallel_loop3A_397 = arith.index_cast %parallel_loop3A_384 : i32 to index
      %parallel_loop3A_398 = tpu.vector_load %arg21[%parallel_loop3A_396, %parallel_loop3A_397] {strides = array<i32>} : memref<4x512xf32, #tpu.memory_space<vmem>>, vector<16xf32>,
      tpu.vector_store %arg21[%parallel_loop3A_396, %parallel_loop3A_397], %parallel_loop3A_394 {add = true, strides = array<i32>} : memref<4x512xf32, #tpu.memory_space<vmem>>, vector<16xf32>,
    } {sc.loop_unroll_factor = 8 : i64, sc.parallel_access}
    %parallel_loop3A_351 = arith.constant 0 : i32
    %parallel_loop3A_352 = arith.constant 32 : i32
    %parallel_loop3A_353 = arith.constant 1 : i32
    scf.for %parallel_loop3A_382 = %parallel_loop3A_351 to %parallel_loop3A_352 step %parallel_loop3A_353  : i32 {
      %parallel_loop3A_383 = arith.constant 16 : i32
      %parallel_loop3A_384 = arith.muli %parallel_loop3A_382, %parallel_loop3A_383 : i32
      %parallel_loop3A_385 = arith.constant 3 : i32
      %parallel_loop3A_386 = arith.index_cast %parallel_loop3A_385 : i32 to index
      %parallel_loop3A_387 = arith.index_cast %parallel_loop3A_384 : i32 to index
      %parallel_loop3A_388 = tpu.vector_load %arg15[%parallel_loop3A_386, %parallel_loop3A_387] {strides = array<i32>} : memref<4x512xf32, #tpu.memory_space<vmem>>, vector<16xf32>,
      %parallel_loop3A_389 = arith.constant 3 : i32
      %parallel_loop3A_390 = arith.index_cast %parallel_loop3A_389 : i32 to index
      %parallel_loop3A_391 = arith.index_cast %parallel_loop3A_384 : i32 to index
      %parallel_loop3A_392 = tpu.vector_load %arg19[%parallel_loop3A_390, %parallel_loop3A_391] {strides = array<i32>} : memref<4x512xf32, #tpu.memory_space<vmem>>, vector<16xf32>,
      %parallel_loop3A_393 = arith.subf %parallel_loop3A_388, %parallel_loop3A_392 : vector<16xf32>
      %parallel_loop3A_394 = arith.mulf %parallel_loop3A_393, %parallel_loop3A_393 : vector<16xf32>
      %parallel_loop3A_395 = arith.constant 3 : i32
      %parallel_loop3A_396 = arith.index_cast %parallel_loop3A_395 : i32 to index
      %parallel_loop3A_397 = arith.index_cast %parallel_loop3A_384 : i32 to index
      %parallel_loop3A_398 = tpu.vector_load %arg21[%parallel_loop3A_396, %parallel_loop3A_397] {strides = array<i32>} : memref<4x512xf32, #tpu.memory_space<vmem>>, vector<16xf32>,
      tpu.vector_store %arg21[%parallel_loop3A_396, %parallel_loop3A_397], %parallel_loop3A_394 {add = true, strides = array<i32>} : memref<4x512xf32, #tpu.memory_space<vmem>>, vector<16xf32>,
    } {sc.loop_unroll_factor = 8 : i64, sc.parallel_access}
    %dma_wait3A_354 = arith.constant 0 : i32
    %dma_wait3A_355 = arith.constant 0 : i32
    %dma_wait3A_356 = tpu.memref_slice %arg4[%dma_wait3A_354, %add3A_6, %dma_wait3A_355] : memref<96x512x512xf32, #tpu.memory_space<hbm>> -> memref<1x4x512xf32, #tpu.memory_space<hbm>>
    %dma_wait3A_357 = tpu.memref_squeeze %dma_wait3A_356 : memref<1x4x512xf32, #tpu.memory_space<hbm>> -> memref<4x512xf32, #tpu.memory_space<hbm>>
    %dma_wait3A_358 = arith.constant 0 : i32
    %dma_wait3A_359 = tpu.memref_slice %arg4[%dma_wait3A_354, %add3A_6, %dma_wait3A_358] : memref<96x512x512xf32, #tpu.memory_space<hbm>> -> memref<1x4x512xf32, #tpu.memory_space<hbm>>
    %dma_wait3A_360 = tpu.memref_squeeze %dma_wait3A_359 : memref<1x4x512xf32, #tpu.memory_space<hbm>> -> memref<4x512xf32, #tpu.memory_space<hbm>>
    tpu.wait_dma2 semaphore(%arg25 : memref<!tpu.dma_semaphore, #tpu.memory_space<semaphore_mem>>) src(%dma_wait3A_360 : memref<4x512xf32, #tpu.memory_space<hbm>>) dst(%arg16 : memref<4x512xf32, #tpu.memory_space<vmem>>)
    %dma_wait3A_361 = arith.constant 0 : i32
    %dma_wait3A_362 = arith.constant 0 : i32
    %dma_wait3A_363 = tpu.memref_slice %arg5[%dma_wait3A_361, %add3A_6, %dma_wait3A_362] : memref<96x512x512xf32, #tpu.memory_space<hbm>> -> memref<1x4x512xf32, #tpu.memory_space<hbm>>
    %dma_wait3A_364 = tpu.memref_squeeze %dma_wait3A_363 : memref<1x4x512xf32, #tpu.memory_space<hbm>> -> memref<4x512xf32, #tpu.memory_space<hbm>>
    %dma_wait3A_365 = arith.constant 0 : i32
    %dma_wait3A_366 = tpu.memref_slice %arg5[%dma_wait3A_361, %add3A_6, %dma_wait3A_365] : memref<96x512x512xf32, #tpu.memory_space<hbm>> -> memref<1x4x512xf32, #tpu.memory_space<hbm>>
    %dma_wait3A_367 = tpu.memref_squeeze %dma_wait3A_366 : memref<1x4x512xf32, #tpu.memory_space<hbm>> -> memref<4x512xf32, #tpu.memory_space<hbm>>
    tpu.wait_dma2 semaphore(%arg25 : memref<!tpu.dma_semaphore, #tpu.memory_space<semaphore_mem>>) src(%dma_wait3A_367 : memref<4x512xf32, #tpu.memory_space<hbm>>) dst(%arg20 : memref<4x512xf32, #tpu.memory_space<vmem>>)
    %parallel_loop3A_368 = arith.constant 0 : i32
    %parallel_loop3A_369 = arith.constant 32 : i32
    %parallel_loop3A_370 = arith.constant 1 : i32
    scf.for %parallel_loop3A_382 = %parallel_loop3A_368 to %parallel_loop3A_369 step %parallel_loop3A_370  : i32 {
      %parallel_loop3A_383 = arith.constant 16 : i32
      %parallel_loop3A_384 = arith.muli %parallel_loop3A_382, %parallel_loop3A_383 : i32
      %parallel_loop3A_385 = arith.constant 0 : i32
      %parallel_loop3A_386 = arith.index_cast %parallel_loop3A_385 : i32 to index
      %parallel_loop3A_387 = arith.index_cast %parallel_loop3A_384 : i32 to index
      %parallel_loop3A_388 = tpu.vector_load %arg16[%parallel_loop3A_386, %parallel_loop3A_387] {strides = array<i32>} : memref<4x512xf32, #tpu.memory_space<vmem>>, vector<16xf32>,
      %parallel_loop3A_389 = arith.constant 0 : i32
      %parallel_loop3A_390 = arith.index_cast %parallel_loop3A_389 : i32 to index
      %parallel_loop3A_391 = arith.index_cast %parallel_loop3A_384 : i32 to index
      %parallel_loop3A_392 = tpu.vector_load %arg20[%parallel_loop3A_390, %parallel_loop3A_391] {strides = array<i32>} : memref<4x512xf32, #tpu.memory_space<vmem>>, vector<16xf32>,
      %parallel_loop3A_393 = arith.subf %parallel_loop3A_388, %parallel_loop3A_392 : vector<16xf32>
      %parallel_loop3A_394 = arith.mulf %parallel_loop3A_393, %parallel_loop3A_393 : vector<16xf32>
      %parallel_loop3A_395 = arith.constant 0 : i32
      %parallel_loop3A_396 = arith.index_cast %parallel_loop3A_395 : i32 to index
      %parallel_loop3A_397 = arith.index_cast %parallel_loop3A_384 : i32 to index
      %parallel_loop3A_398 = tpu.vector_load %arg21[%parallel_loop3A_396, %parallel_loop3A_397] {strides = array<i32>} : memref<4x512xf32, #tpu.memory_space<vmem>>, vector<16xf32>,
      tpu.vector_store %arg21[%parallel_loop3A_396, %parallel_loop3A_397], %parallel_loop3A_394 {add = true, strides = array<i32>} : memref<4x512xf32, #tpu.memory_space<vmem>>, vector<16xf32>,
    } {sc.loop_unroll_factor = 8 : i64, sc.parallel_access}
    %parallel_loop3A_371 = arith.constant 0 : i32
    %parallel_loop3A_372 = arith.constant 32 : i32
    %parallel_loop3A_373 = arith.constant 1 : i32
    scf.for %parallel_loop3A_382 = %parallel_loop3A_371 to %parallel_loop3A_372 step %parallel_loop3A_373  : i32 {
      %parallel_loop3A_383 = arith.constant 16 : i32
      %parallel_loop3A_384 = arith.muli %parallel_loop3A_382, %parallel_loop3A_383 : i32
      %parallel_loop3A_385 = arith.constant 1 : i32
      %parallel_loop3A_386 = arith.index_cast %parallel_loop3A_385 : i32 to index
      %parallel_loop3A_387 = arith.index_cast %parallel_loop3A_384 : i32 to index
      %parallel_loop3A_388 = tpu.vector_load %arg16[%parallel_loop3A_386, %parallel_loop3A_387] {strides = array<i32>} : memref<4x512xf32, #tpu.memory_space<vmem>>, vector<16xf32>,
      %parallel_loop3A_389 = arith.constant 1 : i32
      %parallel_loop3A_390 = arith.index_cast %parallel_loop3A_389 : i32 to index
      %parallel_loop3A_391 = arith.index_cast %parallel_loop3A_384 : i32 to index
      %parallel_loop3A_392 = tpu.vector_load %arg20[%parallel_loop3A_390, %parallel_loop3A_391] {strides = array<i32>} : memref<4x512xf32, #tpu.memory_space<vmem>>, vector<16xf32>,
      %parallel_loop3A_393 = arith.subf %parallel_loop3A_388, %parallel_loop3A_392 : vector<16xf32>
      %parallel_loop3A_394 = arith.mulf %parallel_loop3A_393, %parallel_loop3A_393 : vector<16xf32>
      %parallel_loop3A_395 = arith.constant 1 : i32
      %parallel_loop3A_396 = arith.index_cast %parallel_loop3A_395 : i32 to index
      %parallel_loop3A_397 = arith.index_cast %parallel_loop3A_384 : i32 to index
      %parallel_loop3A_398 = tpu.vector_load %arg21[%parallel_loop3A_396, %parallel_loop3A_397] {strides = array<i32>} : memref<4x512xf32, #tpu.memory_space<vmem>>, vector<16xf32>,
      tpu.vector_store %arg21[%parallel_loop3A_396, %parallel_loop3A_397], %parallel_loop3A_394 {add = true, strides = array<i32>} : memref<4x512xf32, #tpu.memory_space<vmem>>, vector<16xf32>,
    } {sc.loop_unroll_factor = 8 : i64, sc.parallel_access}
    %parallel_loop3A_374 = arith.constant 0 : i32
    %parallel_loop3A_375 = arith.constant 32 : i32
    %parallel_loop3A_376 = arith.constant 1 : i32
    scf.for %parallel_loop3A_382 = %parallel_loop3A_374 to %parallel_loop3A_375 step %parallel_loop3A_376  : i32 {
      %parallel_loop3A_383 = arith.constant 16 : i32
      %parallel_loop3A_384 = arith.muli %parallel_loop3A_382, %parallel_loop3A_383 : i32
      %parallel_loop3A_385 = arith.constant 2 : i32
      %parallel_loop3A_386 = arith.index_cast %parallel_loop3A_385 : i32 to index
      %parallel_loop3A_387 = arith.index_cast %parallel_loop3A_384 : i32 to index
      %parallel_loop3A_388 = tpu.vector_load %arg16[%parallel_loop3A_386, %parallel_loop3A_387] {strides = array<i32>} : memref<4x512xf32, #tpu.memory_space<vmem>>, vector<16xf32>,
      %parallel_loop3A_389 = arith.constant 2 : i32
      %parallel_loop3A_390 = arith.index_cast %parallel_loop3A_389 : i32 to index
      %parallel_loop3A_391 = arith.index_cast %parallel_loop3A_384 : i32 to index
      %parallel_loop3A_392 = tpu.vector_load %arg20[%parallel_loop3A_390, %parallel_loop3A_391] {strides = array<i32>} : memref<4x512xf32, #tpu.memory_space<vmem>>, vector<16xf32>,
      %parallel_loop3A_393 = arith.subf %parallel_loop3A_388, %parallel_loop3A_392 : vector<16xf32>
      %parallel_loop3A_394 = arith.mulf %parallel_loop3A_393, %parallel_loop3A_393 : vector<16xf32>
      %parallel_loop3A_395 = arith.constant 2 : i32
      %parallel_loop3A_396 = arith.index_cast %parallel_loop3A_395 : i32 to index
      %parallel_loop3A_397 = arith.index_cast %parallel_loop3A_384 : i32 to index
      %parallel_loop3A_398 = tpu.vector_load %arg21[%parallel_loop3A_396, %parallel_loop3A_397] {strides = array<i32>} : memref<4x512xf32, #tpu.memory_space<vmem>>, vector<16xf32>,
      tpu.vector_store %arg21[%parallel_loop3A_396, %parallel_loop3A_397], %parallel_loop3A_394 {add = true, strides = array<i32>} : memref<4x512xf32, #tpu.memory_space<vmem>>, vector<16xf32>,
    } {sc.loop_unroll_factor = 8 : i64, sc.parallel_access}
    %parallel_loop3A_377 = arith.constant 0 : i32
    %parallel_loop3A_378 = arith.constant 32 : i32
    %parallel_loop3A_379 = arith.constant 1 : i32
    scf.for %parallel_loop3A_382 = %parallel_loop3A_377 to %parallel_loop3A_378 step %parallel_loop3A_379  : i32 {
      %parallel_loop3A_383 = arith.constant 16 : i32
      %parallel_loop3A_384 = arith.muli %parallel_loop3A_382, %parallel_loop3A_383 : i32
      %parallel_loop3A_385 = arith.constant 3 : i32
      %parallel_loop3A_386 = arith.index_cast %parallel_loop3A_385 : i32 to index
      %parallel_loop3A_387 = arith.index_cast %parallel_loop3A_384 : i32 to index
      %parallel_loop3A_388 = tpu.vector_load %arg16[%parallel_loop3A_386, %parallel_loop3A_387] {strides = array<i32>} : memref<4x512xf32, #tpu.memory_space<vmem>>, vector<16xf32>,
      %parallel_loop3A_389 = arith.constant 3 : i32
      %parallel_loop3A_390 = arith.index_cast %parallel_loop3A_389 : i32 to index
      %parallel_loop3A_391 = arith.index_cast %parallel_loop3A_384 : i32 to index
      %parallel_loop3A_392 = tpu.vector_load %arg20[%parallel_loop3A_390, %parallel_loop3A_391] {strides = array<i32>} : memref<4x512xf32, #tpu.memory_space<vmem>>, vector<16xf32>,
      %parallel_loop3A_393 = arith.subf %parallel_loop3A_388, %parallel_loop3A_392 : vector<16xf32>
      %parallel_loop3A_394 = arith.mulf %parallel_loop3A_393, %parallel_loop3A_393 : vector<16xf32>
      %parallel_loop3A_395 = arith.constant 3 : i32
      %parallel_loop3A_396 = arith.index_cast %parallel_loop3A_395 : i32 to index
      %parallel_loop3A_397 = arith.index_cast %parallel_loop3A_384 : i32 to index
      %parallel_loop3A_398 = tpu.vector_load %arg21[%parallel_loop3A_396, %parallel_loop3A_397] {strides = array<i32>} : memref<4x512xf32, #tpu.memory_space<vmem>>, vector<16xf32>,
      tpu.vector_store %arg21[%parallel_loop3A_396, %parallel_loop3A_397], %parallel_loop3A_394 {add = true, strides = array<i32>} : memref<4x512xf32, #tpu.memory_space<vmem>>, vector<16xf32>,
    } {sc.loop_unroll_factor = 8 : i64, sc.parallel_access}
    %mul3A_380 = arith.constant 4 : i32
    %mul3A_381 = arith.muli %add3A, %mul3A_380 : i32
    "tpu.region"() ({
      %run_scoped3A = tpu.sem_alloc : memref<!tpu.dma_semaphore, #tpu.memory_space<semaphore_mem>>
      %dma_start3A_382 = arith.constant 0 : i32
      %dma_start3A_383 = tpu.memref_slice %arg7[%mul3A_381, %dma_start3A_382] : memref<128x512xf32, #tpu.memory_space<hbm>> -> memref<4x512xf32, #tpu.memory_space<hbm>>
      %dma_start3A_384 = arith.constant 0 : i32
      %dma_start3A_385 = tpu.memref_slice %arg7[%mul3A_381, %dma_start3A_384] : memref<128x512xf32, #tpu.memory_space<hbm>> -> memref<4x512xf32, #tpu.memory_space<hbm>>
      tpu.enqueue_dma source(%arg21 : memref<4x512xf32, #tpu.memory_space<vmem>>) target(%dma_start3A_385 : memref<4x512xf32, #tpu.memory_space<hbm>>) target_semaphore(%run_scoped3A : memref<!tpu.dma_semaphore, #tpu.memory_space<semaphore_mem>>)
      %dma_wait3A_386 = arith.constant 0 : i32
      %dma_wait3A_387 = tpu.memref_slice %arg7[%mul3A_381, %dma_wait3A_386] : memref<128x512xf32, #tpu.memory_space<hbm>> -> memref<4x512xf32, #tpu.memory_space<hbm>>
      %dma_wait3A_388 = arith.constant 0 : i32
      %dma_wait3A_389 = tpu.memref_slice %arg7[%mul3A_381, %dma_wait3A_388] : memref<128x512xf32, #tpu.memory_space<hbm>> -> memref<4x512xf32, #tpu.memory_space<hbm>>
      tpu.wait_dma2 semaphore(%run_scoped3A : memref<!tpu.dma_semaphore, #tpu.memory_space<semaphore_mem>>) src(%arg21 : memref<4x512xf32, #tpu.memory_space<vmem>>) dst(%dma_wait3A_389 : memref<4x512xf32, #tpu.memory_space<hbm>>)
      tpu.yield
    }) : () -> ()
    return
  }
}

module attributes {stable_mosaic.version = 14 : i64} {
  func.func @_sqdiff_body(%arg0: i32, %arg1: memref<96x32x512xf32, #tpu.memory_space<vmem>>, %arg2: memref<96x32x512xf32, #tpu.memory_space<vmem>>, %arg3: memref<32x512xf32, #tpu.memory_space<vmem>>) attributes {dimension_semantics = [#tpu.dimension_semantics<arbitrary>], iteration_bounds = array<i64: 12>, scalar_prefetch = 0 : i64, scratch_operands = 0 : i64, tpu.core_type = #tpu.core_type<tc>, window_params = [{transform_indices = @transform_0, window_bounds = array<i64: 96, 32, 512>}, {transform_indices = @transform_1, window_bounds = array<i64: 96, 32, 512>}, {transform_indices = @transform_2, window_bounds = array<i64: 32, 512>}]} {
    %get3A = arith.constant 0 : index
    %get3A_0 = arith.constant 0 : index
    %get3A_1 = arith.constant 0 : index
    %get3A_2 = vector.load %arg1[%get3A, %get3A_0, %get3A_1] : memref<96x32x512xf32, #tpu.memory_space<vmem>>, vector<96x32x512xf32>
    %get3A_3 = arith.constant 0 : index
    %get3A_4 = arith.constant 0 : index
    %get3A_5 = arith.constant 0 : index
    %get3A_6 = vector.load %arg2[%get3A_3, %get3A_4, %get3A_5] : memref<96x32x512xf32, #tpu.memory_space<vmem>>, vector<96x32x512xf32>
    %sub3A = arith.subf %get3A_2, %get3A_6 : vector<96x32x512xf32>
    %mul3A = arith.mulf %sub3A, %sub3A : vector<96x32x512xf32>
    %reduce_sum3A = arith.constant dense<0.000000e+00> : vector<32x512xf32>
    %reduce_sum3A_7 = vector.multi_reduction <add>, %mul3A, %reduce_sum3A [0] : vector<96x32x512xf32> to vector<32x512xf32>
    %swap3A = arith.constant 0 : index
    %swap3A_8 = arith.constant 0 : index
    %swap3A_9 = vector.load %arg3[%swap3A, %swap3A_8] : memref<32x512xf32, #tpu.memory_space<vmem>>, vector<32x512xf32>
    tpu.vector_store %arg3[%swap3A, %swap3A_8], %reduce_sum3A_7 {strides = array<i32>} : memref<32x512xf32, #tpu.memory_space<vmem>>, vector<32x512xf32>,
    return
  }
  func.func @transform_0(%arg0: i32) -> (i32, i32, i32) {
    %c0_i32 = arith.constant 0 : i32
    %c0_i32_0 = arith.constant 0 : i32
    %c0_i32_1 = arith.constant 0 : i32
    return %c0_i32, %arg0, %c0_i32_0 : i32, i32, i32
  }
  func.func @transform_1(%arg0: i32) -> (i32, i32, i32) {
    %c0_i32 = arith.constant 0 : i32
    %c0_i32_0 = arith.constant 0 : i32
    %c0_i32_1 = arith.constant 0 : i32
    return %c0_i32, %arg0, %c0_i32_0 : i32, i32, i32
  }
  func.func @transform_2(%arg0: i32) -> (i32, i32) {
    %c0_i32 = arith.constant 0 : i32
    %c0_i32_0 = arith.constant 0 : i32
    return %arg0, %c0_i32 : i32, i32
  }
}

module attributes {stable_mosaic.version = 14 : i64} {
  func.func @_wsum_body(%arg0: memref<384x512xf32, #tpu.memory_space<vmem>>, %arg1: memref<128x512xf32, #tpu.memory_space<vmem>>, %arg2: memref<512x512xf32, #tpu.memory_space<vmem>>, %arg3: memref<1x1xf32, #tpu.memory_space<smem>>) attributes {dimension_semantics = [], scalar_prefetch = 0 : i64, scratch_operands = 0 : i64, tpu.core_type = #tpu.core_type<tc>} {
    %get3A = arith.constant 0 : index
    %get3A_0 = arith.constant 0 : index
    %get3A_1 = vector.load %arg0[%get3A, %get3A_0] : memref<384x512xf32, #tpu.memory_space<vmem>>, vector<384x512xf32>
    %get3A_2 = arith.constant 0 : index
    %get3A_3 = arith.constant 0 : index
    %get3A_4 = vector.load %arg2[%get3A_2, %get3A_3] : memref<512x512xf32, #tpu.memory_space<vmem>>, vector<384x512xf32>
    %mul3A = arith.mulf %get3A_1, %get3A_4 : vector<384x512xf32>
    %reduce_sum3A = vector.shape_cast %mul3A : vector<384x512xf32> to vector<1x384x512xf32>
    %reduce_sum3A_5 = arith.constant dense<0.000000e+00> : vector<1xf32>
    %reduce_sum3A_6 = vector.multi_reduction <add>, %reduce_sum3A, %reduce_sum3A_5 [1, 2] : vector<1x384x512xf32> to vector<1xf32>
    %reduce_sum3A_7 = vector.shape_cast %reduce_sum3A_6 : vector<1xf32> to vector<1x1x1xf32>
    %reduce_sum3A_8 = vector.extract %reduce_sum3A_7[0, 0, 0] : f32 from vector<1x1x1xf32>
    %get3A_9 = arith.constant 0 : index
    %get3A_10 = arith.constant 0 : index
    %get3A_11 = vector.load %arg1[%get3A_9, %get3A_10] : memref<128x512xf32, #tpu.memory_space<vmem>>, vector<128x512xf32>
    %get3A_12 = arith.constant 384 : index
    %get3A_13 = arith.constant 0 : index
    %get3A_14 = vector.load %arg2[%get3A_12, %get3A_13] : memref<512x512xf32, #tpu.memory_space<vmem>>, vector<128x512xf32>
    %mul3A_15 = arith.mulf %get3A_11, %get3A_14 : vector<128x512xf32>
    %reduce_sum3A_16 = vector.shape_cast %mul3A_15 : vector<128x512xf32> to vector<1x128x512xf32>
    %reduce_sum3A_17 = arith.constant dense<0.000000e+00> : vector<1xf32>
    %reduce_sum3A_18 = vector.multi_reduction <add>, %reduce_sum3A_16, %reduce_sum3A_17 [1, 2] : vector<1x128x512xf32> to vector<1xf32>
    %reduce_sum3A_19 = vector.shape_cast %reduce_sum3A_18 : vector<1xf32> to vector<1x1x1xf32>
    %reduce_sum3A_20 = vector.extract %reduce_sum3A_19[0, 0, 0] : f32 from vector<1x1x1xf32>
    %add3A = arith.addf %reduce_sum3A_8, %reduce_sum3A_20 : f32
    %swap3A = arith.constant 0 : index
    %swap3A_21 = arith.constant 0 : index
    %swap3A_22 = memref.load %arg3[%swap3A, %swap3A_21] : memref<1x1xf32, #tpu.memory_space<smem>>
    memref.store %add3A, %arg3[%swap3A, %swap3A_21] : memref<1x1xf32, #tpu.memory_space<smem>>
    return
  }
}

</mosaic_0001>

<sc_bundles>
// kernel: kernel.5.cloned.1.call-start
scs
__scs_entry_jumppad:
0x0: {  	(pc) =	sbr.rel $0x88, $3  }
0x1: {  	(tag) =	ssettag $0x0;
	lr =	simm.s32 $0x1  }
0x2: {  	[smem:$0x3F9E] =	sst lr;
	_ =	strace $0xD0000000  }
0x3: {  	_ = 	snop  }
0x4: {  	_ = 	snop  }
0x5: {  	_ = 	snop  }
0x6: {  	_ = 	snop  }
0x7: {  	_ = 	snop  }
__scs_overlays_trampoline_lowered:
0x8: {  	[smem:$0x3FAD] =	sst s0  }
0x9: {  	[smem:$0x3FAE] =	sst s1  }
0xa: {  	[smem:$0x3FAF] =	sst s2  }
0xb: {  	[smem:$0x3FB0] =	sst s3  }
0xc: {  	[smem:$0x3FB1] =	sst s4  }
0xd: {  	[smem:$0x3FB2] =	sst s5  }
0xe: {  	[smem:$0x3FB3] =	sst s6  }
0xf: {  	[smem:$0x3FB4] =	sst s7  }
0x10: {  	[smem:$0x3FB5] =	sst s8  }
0x11: {  	[smem:$0x3FB6] =	sst s9;
	s0 =	simm.s32 @!p0 $0x0  }
0x12: {  	s1 =	sld [smem:$0x3F9C];
	s0 =	simm.s32 @p0 $0x1  }
0x13: {  	[smem:$0x3FB7] =	sst s0;
	s0 =	simm.s32 @!p1 $0x0  }
0x14: {  	s2 =	sld [smem:$0x3F9B];
	s0 =	simm.s32 @p1 $0x1  }
0x15: {  	[smem:$0x3FB8] =	sst s0;
	s0 =	simm.s32 @!p2 $0x0  }
0x16: {  	s3 =	sld [smem:$0x3FDB];
	s0 =	simm.s32 @p2 $0x1  }
0x17: {  	s4 =	simm.s32 $0x1BF5;
	[smem:$0x3FBA] =	sst s0  }
0x18: {  	s0 =	sld [smem:$0x3F9D];
	_ =	swait.ge [sflag:s4], $0x0  }
0x19: {  	s7 =	sld [smem:$0x3F9E]  }
0x1a: {  	s8 =	sadd.s32 $0xFFFFE003, lr  }
0x1b: {  	s9 =	sadd.s32 $0xFFFFFEF7, lr;
	s5 =	simm.s32 $0xFFFFFFFF;
	p2 =	slt.u32 s8, $0xFFFFF086  }
0x1c: {  	p1 =	slt.u32 s9, $0xF7A;
	s5 =	simm.s32 @!p2 $0x0  }
0x1d: {  	s5 =	simm.s32 @p1 $0x1;
	p0 =	seq.s32 s7, s2  }
0x1e: {  	s7 =	smul.u32 @!p0 $0xF7A, s2;
	p2 =	seq.s32 @!p0 s5, $0x0  }
0x1f: {  	s9 =	smul.u32 $0xF7A, s1;
	s8 =	simm.s32 @!p0 $0x1BF5;
	p2 =	por !p2, p0  }
0x20: {  	[sflag:s8] =	ssyncset.s32 @!p0 $0xFFFFF086;
	s6 =	sadd.s32 @!p0 s3, s7;
	s7 =	simm.s32 @!p0 $0x108  }
0x21: {  	s3 =	sadd.s32 s3, s9;
	s6 =	sadd.s32 @!p0 $0x88, s6;
	s7 =	simm.s32 @p2 $0x1082  }
0x22: {  	[simem:s7], [sflag:s8] =	dma.local @!p0 [hbm:s6], $0xF7A  }
0x23: {  	s9 =	sor.u32 $0xD0000000, s2;
	s6 =	simm.s32 $0x108;
	_ =	swait.ge @!p0 [sflag:s8], $0x0  }
0x24: {  	s3 =	sadd.s32 $0x88, s3;
	s6 =	simm.s32 @!p1 $0x1082;
	[sflag:s4] =	ssyncset.s32 $0xFFFFF086  }
0x25: {  	[simem:s6], [sflag:s4] =	dma.local [hbm:s3], $0xF7A  }
0x26: {  	[smem:$0x3F9E] =	sst s1;
	(tag) =	ssettag s2;
	_ =	strace s9  }
0x27: {  	s1 =	sld [smem:$0x3FAE]  }
0x28: {  	s2 =	sld [smem:$0x3FAF]  }
0x29: {  	s4 =	sld [smem:$0x3FB1]  }
0x2a: {  	p0 =	seq.s32 s5, $0x0;
	s5 =	sld [smem:$0x3FB2]  }
0x2b: {  	s6 =	sld [smem:$0x3FB3]  }
0x2c: {  	s7 =	sld [smem:$0x3FB4]  }
0x2d: {  	s3 =	simm.s32 $0x108;
	s8 =	sld [smem:$0x3FB5]  }
0x2e: {  	s3 =	simm.s32 @!p0 $0x1082;
	s9 =	sld [smem:$0x3FB6]  }
0x2f: {  	lr =	sadd.s32 s0, s3;
	s0 =	sld [smem:$0x3FAD]  }
0x30: {  	s3 =	sld [smem:$0x3FB0]  }
0x31: {  	[smem:$0x3FB9] =	sst s10  }
0x32: {  	s10 =	sld [smem:$0x3FB7];
	_ =	sdelay $0x3  }
0x33: {  	p0 =	seq.s32 s10, $0x1;
	s10 =	sld [smem:$0x3FB9];
	_ =	sdelay $0x3  }
0x34: {  	[smem:$0x3FB9] =	sst s10  }
0x35: {  	s10 =	sld [smem:$0x3FB8];
	_ =	sdelay $0x3  }
0x36: {  	p1 =	seq.s32 s10, $0x1;
	s10 =	sld [smem:$0x3FB9];
	_ =	sdelay $0x3  }
0x37: {  	[smem:$0x3FB9] =	sst s10  }
0x38: {  	s10 =	sld [smem:$0x3FBA]  }
0x39: {  	_ = 	snop;
	(pc) =	sbr.ind lr, $3  }
0x3a: {  	_ = 	snop  }
0x3b: {  	_ = 	snop  }
0x3c: {  	p2 =	seq.s32 s10, $0x1;
	s10 =	sld [smem:$0x3FB9]  }
0x3d: {  	_ =	shalt  }
0x3e: {  	_ =	shalt  }
0x3f: {  	_ =	shalt  }
0x40: {  	_ =	shalt  }
0x41: {  	_ =	shalt  }
0x42: {  	_ =	shalt  }
0x43: {  	_ =	shalt  }
0x44: {  	_ =	shalt  }
0x45: {  	_ =	shalt  }
0x46: {  	_ =	shalt  }
0x47: {  	_ =	shalt  }
0x48: {  	_ =	shalt  }
0x49: {  	_ =	shalt  }
0x4a: {  	_ =	shalt  }
0x4b: {  	_ =	shalt  }
0x4c: {  	_ =	shalt  }
0x4d: {  	_ =	shalt  }
0x4e: {  	_ =	shalt  }
0x4f: {  	_ =	shalt  }
0x50: {  	_ =	shalt  }
0x51: {  	_ =	shalt  }
0x52: {  	_ =	shalt  }
0x53: {  	_ =	shalt  }
0x54: {  	_ =	shalt  }
0x55: {  	_ =	shalt  }
0x56: {  	_ =	shalt  }
0x57: {  	_ =	shalt  }
0x58: {  	_ =	shalt  }
0x59: {  	_ =	shalt  }
0x5a: {  	_ =	shalt  }
0x5b: {  	_ =	shalt  }
0x5c: {  	_ =	shalt  }
0x5d: {  	_ =	shalt  }
0x5e: {  	_ =	shalt  }
0x5f: {  	_ =	shalt  }
0x60: {  	_ =	shalt  }
0x61: {  	_ =	shalt  }
0x62: {  	_ =	shalt  }
0x63: {  	_ =	shalt  }
0x64: {  	_ =	shalt  }
0x65: {  	_ =	shalt  }
0x66: {  	_ =	shalt  }
0x67: {  	_ =	shalt  }
0x68: {  	_ =	shalt  }
0x69: {  	_ =	shalt  }
0x6a: {  	_ =	shalt  }
0x6b: {  	_ =	shalt  }
0x6c: {  	_ =	shalt  }
0x6d: {  	_ =	shalt  }
0x6e: {  	_ =	shalt  }
0x6f: {  	_ =	shalt  }
0x70: {  	_ =	shalt  }
0x71: {  	_ =	shalt  }
0x72: {  	_ =	shalt  }
0x73: {  	_ =	shalt  }
0x74: {  	_ =	shalt  }
0x75: {  	_ =	shalt  }
0x76: {  	_ =	shalt  }
0x77: {  	_ =	shalt  }
0x78: {  	_ =	shalt  }
0x79: {  	_ =	shalt  }
0x7a: {  	_ =	shalt  }
0x7b: {  	_ =	shalt  }
0x7c: {  	_ =	shalt  }
0x7d: {  	_ =	shalt  }
0x7e: {  	_ =	shalt  }
0x7f: {  	_ =	shalt  }
0x80: {  	_ =	shalt  }
0x81: {  	_ =	shalt  }
0x82: {  	_ =	shalt  }
0x83: {  	_ =	shalt  }
0x84: {  	_ =	shalt  }
0x85: {  	_ =	shalt  }
0x86: {  	_ =	shalt  }
0x87: {  	_ =	shalt  }
.Lfunc_end0:
.L_simem_size_0:
called_computation_lowered:
.L_overlay_start_0:
0x88: {  	s2 =	sld [smem:$0x3FD9]  }
0x89: {  	s3 =	sld [smem:$0x3FFE];
	_ =	sdelay $0x1  }
0x8a: {  	s1 =	srdreg.scid  }
0x8b: {  	s0 =	sand.u32 $0x1, s1  }
0x8c: {  	s17 =	sshll.u32 s0, $0xA;
	s2 =	sadd.s32 s3, s2  }
0x8d: {  	s2 =	sadd.s32 s2, s17  }
0x8e: {  	[smem:$0x3FC5] =	sst s2  }
0x8f: {  	_ = 	snop  }
0x90: {  	s2 =	sld [smem:$0x3FC9]  }
0x91: {  	s18 =	sld [smem:$0x3FC8];
	(tm) =	ssettm $0x1  }
0x92: {  	s4 =	sld [smem:$0x3FFB];
	_ =	sdelay $0x3  }
0x93: {  	_ =	strace s4  }
0x94: {  	s4 =	sld [smem:$0x3FFC];
	_ =	sdelay $0x3  }
0x95: {  	_ =	strace s4  }
0x96: {  	s4 =	sld [smem:$0x3FFD];
	_ =	sdelay $0x3  }
0x97: {  	_ =	strace s4  }
0x98: {  	_ =	strace $0x8FFFFFFF  }
0x99: {  	s19 =	sld [smem:$0x3FDB];
	_ =	sdelay $0x1  }
0x9a: {  	s5 =	simm.s32 $_scs_section_size  }
0x9b: {  	s6 =	simm.s32 $_size__tile_overlayer_lowered;
	s7 =	simm.s32 $_tile_overlayer_lowered  }
0x9c: {  	s22 =	simm.s32 $0x1BFF;
	s21 =	sshll.u32 s7, $0x1;
	s4 =	sadd.s32 s5, s19  }
0x9d: {  	s8 =	simm.s32 $0x0;
	s20 =	sshll.u32 s6, $0x1;
	s6 =	sadd.s32 s21, s4  }
0x9e: {  	[timem:s8], [sflag:s22] =	dma.local [hbm:s6], s20  }
0x9f: {  	_ =	swait.ge [sflag:s22], s20  }
0xa0: {  	s5 =	ssub.s32 $0x0, s20;
	[sflag:s22] =	ssyncset.done $0x0  }
0xa1: {  	[sflag:s22] =	ssyncadd.s32 s5;
	_ =	sdelay $0x1  }
0xa2: {  	s23 =	simm.s32 $0x1B8B  }
0xa3: {  	_ =	swait.ge [sflag:s23], $0x1  }
0xa4: {  	[sflag:s23] =	ssyncset.done $0x0  }
0xa5: {  	s25 =	simm.s32 $0x1B8E;
	s24 =	sld [smem:$0x3FFE];
	[sflag:s23] =	ssyncadd.s32 $0xFFFFFFFF  }
0xa6: {  	s26 =	simm.s32 $execute0_lowered;
	[smem:$0x3FD2] =	sst s25  }
0xa7: {  	s6 =	sshll.u32 s26, $0x1;
	_ =	strace $0x80000046;
	[dreg:$0x1] =	wrdreg $0xFFFFFFFF  }
0xa8: {  	s28 =	simm.s32 $_size_execute0_lowered;
	s4 =	sadd.s32 s4, s6;
	[dreg:$0x0] =	wrdreg $0x0  }
0xa9: {  	s6 =	sshll.u32 s28, $0x1;
	[dreg:$0x2] =	wrdreg s4  }
0xaa: {  	[dreg:$0x3] =	wrdreg s6  }
0xab: {  	[dreg:$0x4] =	wrdreg $0xC0  }
0xac: {  	_ =	task [dreg:s8], $0x5FFFF  }
0xad: {  	[dreg:$0x1] =	wrdreg $0xFFFFFFFF  }
0xae: {  	[dreg:$0x0] =	wrdreg $0x60  }
0xaf: {  	[dreg:$0x2] =	wrdreg s24  }
0xb0: {  	[dreg:$0x3] =	wrdreg s2  }
0xb1: {  	[dreg:$0x4] =	wrdreg s18  }
0xb2: {  	[dreg:$0x5] =	wrdreg $0x9  }
0xb3: {  	_ =	task.clear_ibuf [dreg:s8], $0x6FFFF;
	_ =	strace $0x90000046  }
0xb4: {  	s29 =	simm.s32 $0x9;
	_ =	strace $0x80000048  }
0xb5: {  	_ =	swait.ge [sflag:s29], $0x1  }
0xb6: {  	[sflag:s29] =	ssyncadd.s32 $0xFFFFFFFF  }
0xb7: {  	_ =	strace $0x90000048  }
0xb8: {  	_ =	sfence  }
0xb9: {  	s30 =	sld [smem:$0x0];
	_ =	sdelay $0x2  }
0xba: {  	s31 =	sshll.u32 s1, $0xD;
	s1 =	sshrl.u32 s1, $0x2  }
0xbb: {  	s3 =	sand.u32 $0x4000, s31;
	s1 =	sadd.s32 s1, s30  }
0xbc: {  	s0 =	sor.u32 s3, s0;
	s1 =	sshll.u32 s1, $0x11  }
0xbd: {  	s0 =	sor.u32 s1, s0  }
0xbe: {  	s0 =	sadd.s32 $0x8F2B, s0  }
0xbf: {  	[sflag:s0] =	ssyncadd.remote.s32 $0x1  }
0xc0: {  	_ =	sfence.sel $0xFFFF  }
0xc1: {  	[dreg:$0x0] =	wrdreg $0xFFFFFFFF;
	(pc) =	sbr.abs _section_cstart, $3  }
0xc2: {  	[dreg:$0x1] =	wrdreg $0xFFFFFFFF  }
0xc3: {  	_ =	task.clear_ibuf [dreg:s8], $0x2FFFF;
	_ =	strace $0x9FFFFFFF  }
0xc4: {  	(tm) =	ssettm $0x7FFFFFFF  }
0xc5: {  	_ =	shalt  }
tec
execute0_lowered:
.L_overlay_start_1:
0x0: {  	(tag) =	ssettag $0x1  }
0x1: {  	s0 =	rddreg [dreg:$0x0]  }
0x2: {  	s1 =	rddreg [dreg:$0x1]  }
0x3: {  	s2 =	rddreg [dreg:$0x2];
	s3 =	simm.s32 $0x0;
	s4 =	srdreg.scid  }
0x4: {  	s7 =	stileid.u32;
	[smem:$0x7FF] =	sst s3;
	s5 =	sadd.s32 $0x3400, s0  }
0x5: {  	s8 =	sadd.s32 $0x200, s0;
	_ =	strace $0x80000047;
	[dreg:$0x4] =	wrdreg s5  }
0x6: {  	s28 =	simm.s32 $0x6;
	s26 =	sadd.s32 $0x38E2, s0;
	[dreg:$0x5] =	wrdreg s8  }
0x7: {  	s30 =	simm.s32 $0x1;
	s29 =	sadd.s32 $0x6E2, s0;
	[dreg:$0xe] =	wrdreg s26  }
0x8: {  	s31 =	simm.s32 $0x2;
	s12 =	sadd.s32 $0x42A6, s0;
	[dreg:$0xf] =	wrdreg s29  }
0x9: {  	s4 =	sand.u32 $0x1, s4;
	s13 =	sadd.s32 $0x10A6, s0;
	[dreg:$0x12] =	wrdreg s12  }
0xa: {  	s17 =	sshll.u32 s7, $0x1;
	s14 =	sadd.s32 $0x4788, s0;
	[dreg:$0x13] =	wrdreg s13  }
0xb: {  	s7 =	sshll.u32 s7, $0xC;
	s15 =	sadd.s32 $0x1588, s0;
	[dreg:$0x14] =	wrdreg s14  }
0xc: {  	s16 =	sadd.s32 $0x4C6A, s0;
	s6 =	sshll.u32 s4, $0x9;
	[dreg:$0x15] =	wrdreg s15  }
0xd: {  	s5 =	sor.u32 s4, s17;
	s4 =	ssub.s32 $0x2, s4;
	[dreg:$0x16] =	wrdreg s16  }
0xe: {  	s17 =	sadd.s32 $0x1A6A, s0;
	s12 =	simm.s32 $0x200;
	s13 =	simm.s32 $0x400  }
0xf: {  	s14 =	simm.s32 $0xBE00;
	s15 =	simm.s32 $0xDE00;
	s9 =	sor.u32 s6, s7  }
0x10: {  	s18 =	sshll.u32 s5, $0xA;
	s19 =	sshrl.u32 s4, $0x1;
	[dreg:$0x17] =	wrdreg s17  }
0x11: {  	s7 =	sshrl.u32 s9, $0x3;
	s6 =	sadd.s32 s18, s0;
	s18 =	sadd.s32 $0x514C, s0  }
0x12: {  	s4 =	ssub.s32 s4, s19;
	s19 =	sadd.s32 $0x1F4C, s0;
	[dreg:$0x18] =	wrdreg s18  }
0x13: {  	s20 =	sor.u32 $0x6000, s7;
	[dreg:$0x19] =	wrdreg s19;
	s29 =	smax.u32 s4, $0x1  }
0x14: {  	s10 =	sadd.s32 s7, s0;
	s11 =	sadd.s32 s1, s20;
	[smem:$0x7FD] =	sst s29  }
0x15: {  	s21 =	sor.u32 $0xE000, s7;
	s8 =	sadd.s32 s2, s20;
	[dreg:$0x6] =	wrdreg s11  }
0x16: {  	s23 =	sor.u32 $0x16000, s7;
	s22 =	sadd.s32 s1, s21;
	[dreg:$0x7] =	wrdreg s8  }
0x17: {  	s7 =	sor.u32 $0x1E000, s7;
	s24 =	sadd.s32 s1, s23;
	[dreg:$0x8] =	wrdreg s22  }
0x18: {  	s16 =	simm.s32 $0xC600;
	s25 =	sadd.s32 s1, s7;
	[dreg:$0xa] =	wrdreg s24  }
0x19: {  	s5 =	sshll.u32 s5, $0xD;
	s7 =	sadd.s32 s2, s7;
	[dreg:$0xc] =	wrdreg s25  }
0x1a: {  	s17 =	simm.s32 $0xE600;
	s20 =	sadd.s32 $0x562E, s0;
	[dreg:$0xd] =	wrdreg s7  }
0x1b: {  	s5 =	ssub.s32 $0x0, s5;
	s26 =	sadd.s32 $0xE600, s10;
	[dreg:$0x1a] =	wrdreg s20  }
0x1c: {  	s18 =	simm.s32 $0xCE00;
	s11 =	sadd.s32 s2, s21;
	[smem:$0x7FC] =	sst s26  }
0x1d: {  	s19 =	simm.s32 $0xEE00;
	s8 =	sadd.s32 s2, s23;
	[dreg:$0x9] =	wrdreg s11  }
0x1e: {  	s4 =	simm.s32 $0x4;
	s21 =	sadd.s32 $0x242E, s0;
	[dreg:$0xb] =	wrdreg s8  }
0x1f: {  	s22 =	sadd.s32 $0x5B10, s0;
	s23 =	sadd.s32 $0x2910, s0;
	[dreg:$0x1b] =	wrdreg s21  }
0x20: {  	s24 =	sadd.s32 $0x5FF2, s0;
	s25 =	sadd.s32 $0x6600, s6;
	[dreg:$0x1c] =	wrdreg s22  }
0x21: {  	s6 =	sor.u32 $0x130000, s9;
	s7 =	sor.u32 $0x170000, s9;
	[dreg:$0x1d] =	wrdreg s23  }
0x22: {  	s20 =	simm.s32 $0xD600;
	s26 =	simm.s32 $0x9E00;
	[dreg:$0x1e] =	wrdreg s24  }
0x23: {  	s8 =	sadd.s32 $0x3DC4, s0;
	s11 =	sadd.s32 $0xBC4, s0;
	[smem:$0x7FB] =	sst s25  }
0x24: {  	s0 =	sadd.s32 $0x2DF2, s0;
	s21 =	simm.s32 $0xF600;
	[dreg:$0x10] =	wrdreg s8  }
0x25: {  	s23 =	simm.s32 $0x4F00;
	s24 =	simm.s32 $0x2780;
	[dreg:$0x11] =	wrdreg s11  }
0x26: {  	s25 =	simm.s32 $0x5;
	[dreg:$0x1f] =	wrdreg s0;
	s8 =	sor.u32 $0x1B0000, s9  }
0x27: {  	v1 =	vimm.f32 $0.0e+00;
	v2 =	vimm.f32 $1.000000000e+00;
	v0 =	vmov s5;
	s9 =	sor.u32 $0x1F0000, s9;
	s0 =	simm.s32 $0x3;
	s11 =	simm.s32 $0x0  }
.LBB2_1:
0x28: {  	[smem:$0x7FA] =	sst s11  }
0x29: {  	s5 =	rddreg [dreg:$0x6]  }
0x2a: {  	[tilespmem:s14], [sflag:$0x1] =	stream.strided.gather [hbm4b:s5+s12], $0x800, s13, s12, $0x38;
	[tilespmem:$0x10600] =	vst v63  }
0x2b: {  	s11 =	rddreg [dreg:$0x7]  }
0x2c: {  	[tilespmem:s15], [sflag:$0x1] =	stream.strided.gather [hbm4b:s11+s12], $0x800, s13, s12, $0x38;
	[tilespmem:$0x10600] =	vst v63  }
0x2d: {  	s22 =	rddreg [dreg:$0x8]  }
0x2e: {  	[tilespmem:s16], [sflag:$0x2] =	stream.strided.gather [hbm4b:s22+s12], $0x800, s13, s12, $0x38;
	[tilespmem:$0x10600] =	vst v63  }
0x2f: {  	s29 =	rddreg [dreg:$0x9]  }
0x30: {  	[tilespmem:s17], [sflag:$0x2] =	stream.strided.gather [hbm4b:s29+s12], $0x800, s13, s12, $0x38;
	[tilespmem:$0x10600] =	vst v63  }
0x31: {  	s10 =	rddreg [dreg:$0xa]  }
0x32: {  	[tilespmem:s18], [sflag:$0x3] =	stream.strided.gather [hbm4b:s10+s12], $0x800, s13, s12, $0x38;
	[tilespmem:$0x10600] =	vst v63  }
0x33: {  	s11 =	rddreg [dreg:$0xb]  }
0x34: {  	[tilespmem:s19], [sflag:$0x3] =	stream.strided.gather [hbm4b:s11+s12], $0x800, s13, s12, $0x38;
	[tilespmem:$0x10600] =	vst v63  }
0x35: {  	s22 =	rddreg [dreg:$0xc]  }
0x36: {  	[tilespmem:s20], [sflag:$0x4] =	stream.strided.gather [hbm4b:s22+s12], $0x800, s13, s12, $0x38;
	[tilespmem:$0x10600] =	vst v63  }
0x37: {  	s5 =	simm.s32 $0x40;
	s29 =	rddreg [dreg:$0xd];
	s10 =	simm.s32 $0x0  }
0x38: {  	[tilespmem:s21], [sflag:$0x4] =	stream.strided.gather [hbm4b:s29+s12], $0x800, s13, s12, $0x38;
	[tilespmem:$0x10600] =	vst v63  }
.LBB2_2:
0x39: {  	p0 =	sne.s32 s5, $0x7FC0;
	[tilespmem:s10+$0x9E00] =	vst v1;
	s10 =	smov.u32 s5;
	s5 =	sadd.s32 $0x40, s5  }
.Ltmp0:
0x3a: {  	(pc) =	sbr.rel @p0 .LBB2_2-.Ltmp0, $2  }
0x3b: {  	_ =	sdelay $0x2  }
0x3c: {  	s10 =	sshra.s32 s10, $0x2  }
0x3d: {  	[tilespmem:s10+$0x9E00] =	vst v1;
	s5 =	rddreg [dreg:$0x4]  }
0x3e: {  	[tilespmem:s3], [sflag:$0x5] =	stream.linear.gather [hbm4b:s5+s3], $0x2710, $0x38;
	[tilespmem:$0x10600] =	vst v63  }
0x3f: {  	s29 =	rddreg [dreg:$0x5]  }
0x40: {  	[tilespmem:s23], [sflag:$0x5] =	stream.linear.gather [hbm4b:s29+s3], $0x2710, $0x38;
	[tilespmem:$0x10600] =	vst v63  }
0x41: {  	s10 =	rddreg [dreg:$0xe]  }
0x42: {  	[tilespmem:s24], [sflag:$0x6] =	stream.linear.gather [hbm4b:s10+s3], $0x2710, $0x38;
	[tilespmem:$0x10600] =	vst v63  }
0x43: {  	s11 =	rddreg [dreg:$0xf];
	s22 =	simm.s32 $0x7680  }
0x44: {  	[tilespmem:s22], [sflag:$0x6] =	stream.linear.gather [hbm4b:s11+s3], $0x2710, $0x38;
	[tilespmem:$0x10600] =	vst v63  }
0x45: {  	_ =	swait.ge [sflag:s25], $0x2710  }
0x46: {  	[sflag:s25] =	ssyncset.done $0x0  }
0x47: {  	[sflag:s25] =	ssyncadd.s32 $0xFFFFD8F0  }
0x48: {  	_ =	swait.ge [sflag:s25], $0x2710  }
0x49: {  	[sflag:s25] =	ssyncset.done $0x0  }
0x4a: {  	s29 =	simm.s32 $0x4F40;
	[sflag:s25] =	ssyncadd.s32 $0xFFFFD8F0  }
0x4b: {  	s10 =	simm.s32 $0x40;
	v3 =	vld [tilespmem:s29+$0x30]  }
0x4c: {  	v4 =	vld [tilespmem:s10+$0x30]  }
0x4d: {  	v5 =	vld [tilespmem:s10+$0xFFFFFFC0]  }
0x4e: {  	v6 =	vld [tilespmem:s29+$0xFFFFFFD0]  }
0x4f: {  	v7 =	vld [tilespmem:s10+$0xFFFFFFD0];
	_ =	sdelay $0x1  }
0x50: {  	v8 =	vld [tilespmem:s29+$0xFFFFFFE0]  }
0x51: {  	v9 =	vld [tilespmem:s10+$0xFFFFFFE0]  }
0x52: {  	v10 =	vld [tilespmem:s29+$0xFFFFFFF0];
	v3 =	vshll.u32 v3, $0x9;
	v4 =	vadd.s32 v0, v4;
	v11 =	vadd.s32 v0, v5  }
0x53: {  	v5 =	vld [tilespmem:s10+$0xFFFFFFF0];
	v3 =	vadd.s32 v3, v4;
	v4 =	vshll.u32 v6, $0x9;
	v6 =	vadd.s32 v0, v7  }
0x54: {  	v7 =	vld [tilespmem:s29+$0x0];
	vm0 =	vgt.s32 v3, $0x0;
	vm1 =	vlt.u32 v3, $0x2000;
	v4 =	vadd.s32 v4, v6  }
0x55: {  	v6 =	vshll.u32 v8, $0x9;
	v8 =	vld [tilespmem:s10+$0x0];
	v3 =	vnsel vm0, $0x0, v3;
	vm2 =	vlt.u32 v4, $0x2000  }
0x56: {  	vm0 =	vgt.s32 v4, $0x0;
	v12 =	vmin.u32 v3, $0x1FFF;
	v3 =	vadd.s32 v0, v9;
	v9 =	vld [tilespmem:s29+$0x10]  }
0x57: {  	v4 =	vnsel vm0, $0x0, v4;
	v6 =	vadd.s32 v6, v3;
	v3 =	vshll.u32 v10, $0x9;
	v10 =	vld [tilespmem:s10+$0x10]  }
0x58: {  	v13 =	vmin.u32 v4, $0x1FFF;
	v4 =	vadd.s32 v0, v5;
	v5 =	vld [tilespmem:s29+$0x20];
	vm0 =	vgt.s32 v6, $0x0  }
0x59: {  	v15 =	vadd.s32 v3, v4;
	v4 =	vshll.u32 v7, $0x9;
	v7 =	vld [tilespmem:s10+$0x20];
	v14 =	vnsel vm0, $0x0, v6  }
0x5a: {  	vm0 =	vgt.s32 v15, $0x0;
	v8 =	vadd.s32 v0, v8;
	v3 =	vmin.u32 v14, $0x1FFF  }
0x5b: {  	v63 =	vld [tilespmem:s29+$0xFFFFFFC0];
	v8 =	vadd.s32 v4, v8;
	v4 =	vnsel vm0, $0x0, v15;
	v9 =	vshll.u32 v9, $0x9  }
0x5c: {  	v4 =	vmin.u32 v4, $0x1FFF;
	vm0 =	vgt.s32 v8, $0x0;
	v10 =	vadd.s32 v0, v10  }
0x5d: {  	[tilespmem:v12+s26+$0x0] =	vst.idx.add.f32.msk vm1, v2;
	vm1 =	vlt.u32 v15, $0x2000;
	v16 =	vshll.u32 v5, $0x9;
	v9 =	vadd.s32 v9, v10  }
0x5e: {  	v10 =	vnsel vm0, $0x0, v8;
	v7 =	vadd.s32 v0, v7;
	vm0 =	vlt.u32 v6, $0x2000  }
0x5f: {  	v5 =	vmin.u32 v10, $0x1FFF;
	vm3 =	vgt.s32 v9, $0x0;
	v10 =	vadd.s32 v16, v7  }
0x60: {  	v7 =	vshll.u32 v63, $0x9;
	v6 =	vnsel vm3, $0x0, v9;
	vm3 =	vgt.s32 v10, $0x0  }
0x61: {  	v11 =	vadd.s32 v7, v11;
	v6 =	vmin.u32 v6, $0x1FFF;
	v7 =	vnsel vm3, $0x0, v10  }
0x62: {  	s11 =	simm.s32 $0x0;
	s22 =	simm.s32 $0x4FC0;
	[tilespmem:v13+s26+$0x0] =	vst.idx.add.f32.msk vm2, v2;
	vm5 =	vlt.u32 v11, $0x2000;
	vm2 =	vgt.s32 v11, $0x0;
	v7 =	vmin.u32 v7, $0x1FFF  }
.LBB2_4:
0x63: {  	v12 =	vld [tilespmem:s22+$0x30];
	v11 =	vnsel vm2, $0x0, v11;
	vm4 =	vlt.u32 v8, $0x2000;
	vm2 =	vlt.u32 v9, $0x2000;
	s10 =	sadd.s32 $0x80, s10  }
0x64: {  	s11 =	sadd.s32 $0x8, s11;
	vm3 =	vlt.u32 v10, $0x2000;
	v8 =	vld [tilespmem:s10+$0x30];
	v9 =	vmin.u32 v11, $0x1FFF  }
0x65: {  	p0 =	slt.u32 s11, $0x268;
	v10 =	vld [tilespmem:s10+$0xFFFFFFC0]  }
0x66: {  	v11 =	vld [tilespmem:s22+$0xFFFFFFD0]  }
0x67: {  	v13 =	vld [tilespmem:s10+$0xFFFFFFD0]  }
0x68: {  	v14 =	vld [tilespmem:s22+$0xFFFFFFE0]  }
0x69: {  	v12 =	vshll.u32 v12, $0x9;
	v15 =	vld [tilespmem:s10+$0xFFFFFFE0];
	v8 =	vadd.s32 v0, v8  }
0x6a: {  	v16 =	vadd.s32 v0, v10;
	v10 =	vld [tilespmem:s22+$0xFFFFFFF0];
	v8 =	vadd.s32 v12, v8  }
0x6b: {  	v11 =	vshll.u32 v11, $0x9;
	v12 =	vld [tilespmem:s10+$0xFFFFFFF0];
	vm6 =	vgt.s32 v8, $0x0  }
0x6c: {  	vm7 =	vlt.u32 v8, $0x2000;
	v13 =	vadd.s32 v0, v13;
	v17 =	vld [tilespmem:s22+$0x0];
	v8 =	vnsel vm6, $0x0, v8  }
0x6d: {  	v11 =	vadd.s32 v11, v13;
	v13 =	vshll.u32 v14, $0x9;
	v14 =	vld [tilespmem:s10+$0x0];
	v8 =	vmin.u32 v8, $0x1FFF  }
0x6e: {  	vm6 =	vlt.u32 v11, $0x2000;
	vm8 =	vgt.s32 v11, $0x0;
	v15 =	vadd.s32 v0, v15;
	v18 =	vld [tilespmem:s22+$0x10]  }
0x6f: {  	v11 =	vnsel vm8, $0x0, v11;
	v13 =	vadd.s32 v13, v15;
	v10 =	vshll.u32 v10, $0x9;
	v15 =	vld [tilespmem:s10+$0x10]  }
0x70: {  	v11 =	vmin.u32 v11, $0x1FFF;
	vm8 =	vgt.s32 v13, $0x0;
	v12 =	vadd.s32 v0, v12;
	v19 =	vld [tilespmem:s22+$0x20]  }
0x71: {  	v20 =	vnsel vm8, $0x0, v13;
	v12 =	vadd.s32 v10, v12;
	v10 =	vshll.u32 v17, $0x9;
	v17 =	vld [tilespmem:s10+$0x20]  }
0x72: {  	v20 =	vmin.u32 v20, $0x1FFF;
	vm8 =	vgt.s32 v12, $0x0;
	v14 =	vadd.s32 v0, v14;
	[tilespmem:v8+s26+$0x0] =	vst.idx.add.f32.msk vm7, v2  }
0x73: {  	v21 =	vld [tilespmem:s22+$0xFFFFFFC0];
	v22 =	vnsel vm8, $0x0, v12;
	v8 =	vadd.s32 v10, v14;
	v10 =	vshll.u32 v18, $0x9  }
0x74: {  	v14 =	vmin.u32 v22, $0x1FFF;
	vm7 =	vgt.s32 v8, $0x0;
	v15 =	vadd.s32 v0, v15;
	[tilespmem:v9+s26+$0x0] =	vst.idx.add.f32.msk vm5, v2  }
0x75: {  	[tilespmem:v11+s26+$0x0] =	vst.idx.add.f32.msk vm6, v2;
	v11 =	vnsel vm7, $0x0, v8;
	v9 =	vadd.s32 v10, v15;
	v10 =	vshll.u32 v19, $0x9  }
.Ltmp1:
0x76: {  	v11 =	vmin.u32 v11, $0x1FFF;
	vm5 =	vgt.s32 v9, $0x0;
	v15 =	vadd.s32 v0, v17;
	[tilespmem:v3+s26+$0x0] =	vst.idx.add.f32.msk vm0, v2;
	v3 =	vmovc v20;
	(pc) =	sbr.rel @p0 .LBB2_4-.Ltmp1, $4  }
0x77: {  	vm0 =	vlt.u32 v13, $0x2000;
	v13 =	vnsel vm5, $0x0, v9;
	v10 =	vadd.s32 v10, v15;
	[tilespmem:v4+s26+$0x0] =	vst.idx.add.f32.msk vm1, v2;
	v4 =	vmovc v14  }
0x78: {  	v14 =	vshll.u32 v21, $0x9;
	v13 =	vmin.u32 v13, $0x1FFF;
	vm5 =	vgt.s32 v10, $0x0;
	[tilespmem:v5+s26+$0x0] =	vst.idx.add.f32.msk vm4, v2;
	v5 =	vmovc v11  }
0x79: {  	vm1 =	vlt.u32 v12, $0x2000;
	v11 =	vadd.s32 v14, v16;
	v12 =	vnsel vm5, $0x0, v10;
	[tilespmem:v6+s26+$0x0] =	vst.idx.add.f32.msk vm2, v2;
	v6 =	vmovc v13  }
0x7a: {  	s22 =	sadd.s32 $0x80, s22;
	vm5 =	vlt.u32 v11, $0x2000;
	vm2 =	vgt.s32 v11, $0x0;
	[tilespmem:v7+s26+$0x0] =	vst.idx.add.f32.msk vm3, v2;
	v7 =	vmin.u32 v12, $0x1FFF  }
0x7b: {  	_ = 	snop  }
0x7c: {  	v11 =	vnsel vm2, $0x0, v11  }
0x7d: {  	vm2 =	vlt.u32 v8, $0x2000;
	v11 =	vmin.u32 v11, $0x1FFF  }
0x7e: {  	vm3 =	vlt.u32 v9, $0x2000  }
0x7f: {  	vm4 =	vlt.u32 v10, $0x2000  }
0x80: {  	[tilespmem:v3+s26+$0x0] =	vst.idx.add.f32.msk vm0, v2  }
0x81: {  	[tilespmem:v4+s26+$0x0] =	vst.idx.add.f32.msk vm1, v2  }
0x82: {  	[tilespmem:v11+s26+$0x0] =	vst.idx.add.f32.msk vm5, v2  }
0x83: {  	[tilespmem:v5+s26+$0x0] =	vst.idx.add.f32.msk vm2, v2  }
0x84: {  	[tilespmem:v6+s26+$0x0] =	vst.idx.add.f32.msk vm3, v2  }
0x85: {  	[tilespmem:v7+s26+$0x0] =	vst.idx.add.f32.msk vm4, v2  }
0x86: {  	v3 =	vld [tilespmem:$0x7600]  }
0x87: {  	v4 =	vld [tilespmem:$0x2700];
	_ =	sdelay $0x4  }
0x88: {  	v3 =	vshll.u32 v3, $0x9;
	v4 =	vadd.s32 v0, v4  }
0x89: {  	v3 =	vadd.s32 v3, v4  }
0x8a: {  	vm0 =	vgt.s32 v3, $0x0  }
0x8b: {  	vm1 =	vlt.u32 v3, $0x2000;
	v3 =	vnsel vm0, $0x0, v3  }
0x8c: {  	v3 =	vmin.u32 v3, $0x1FFF;
	_ =	sdelay $0x4  }
0x8d: {  	s5 =	rddreg [dreg:$0x10];
	[tilespmem:v3+s26+$0x0] =	vst.idx.add.f32.msk vm1, v2  }
0x8e: {  	[tilespmem:s3], [sflag:$0x5] =	stream.linear.gather [hbm4b:s5+s3], $0x2710, $0x38;
	[tilespmem:$0x10600] =	vst v63  }
0x8f: {  	s22 =	rddreg [dreg:$0x11]  }
0x90: {  	[tilespmem:s23], [sflag:$0x5] =	stream.linear.gather [hbm4b:s22+s3], $0x2710, $0x38;
	[tilespmem:$0x10600] =	vst v63  }
0x91: {  	_ =	swait.ge [sflag:s28], $0x2710  }
0x92: {  	[sflag:s28] =	ssyncset.done $0x0  }
0x93: {  	[sflag:s28] =	ssyncadd.s32 $0xFFFFD8F0  }
0x94: {  	_ =	swait.ge [sflag:s28], $0x2710  }
0x95: {  	[sflag:s28] =	ssyncset.done $0x0  }
0x96: {  	s29 =	simm.s32 $0x76C0;
	[sflag:s28] =	ssyncadd.s32 $0xFFFFD8F0  }
0x97: {  	s10 =	simm.s32 $0x27C0;
	v3 =	vld [tilespmem:s29+$0x30]  }
0x98: {  	v4 =	vld [tilespmem:s10+$0x30]  }
0x99: {  	v5 =	vld [tilespmem:s10+$0xFFFFFFC0]  }
0x9a: {  	v6 =	vld [tilespmem:s29+$0xFFFFFFD0]  }
0x9b: {  	v7 =	vld [tilespmem:s10+$0xFFFFFFD0];
	_ =	sdelay $0x1  }
0x9c: {  	v8 =	vld [tilespmem:s29+$0xFFFFFFE0]  }
0x9d: {  	v9 =	vld [tilespmem:s10+$0xFFFFFFE0]  }
0x9e: {  	v10 =	vld [tilespmem:s29+$0xFFFFFFF0];
	v3 =	vshll.u32 v3, $0x9;
	v4 =	vadd.s32 v0, v4;
	v11 =	vadd.s32 v0, v5  }
0x9f: {  	v5 =	vld [tilespmem:s10+$0xFFFFFFF0];
	v3 =	vadd.s32 v3, v4;
	v4 =	vshll.u32 v6, $0x9;
	v6 =	vadd.s32 v0, v7  }
0xa0: {  	v7 =	vld [tilespmem:s29+$0x0];
	vm0 =	vgt.s32 v3, $0x0;
	vm1 =	vlt.u32 v3, $0x2000;
	v4 =	vadd.s32 v4, v6  }
0xa1: {  	v6 =	vshll.u32 v8, $0x9;
	v8 =	vld [tilespmem:s10+$0x0];
	v3 =	vnsel vm0, $0x0, v3;
	vm2 =	vlt.u32 v4, $0x2000  }
0xa2: {  	vm0 =	vgt.s32 v4, $0x0;
	v12 =	vmin.u32 v3, $0x1FFF;
	v3 =	vadd.s32 v0, v9;
	v9 =	vld [tilespmem:s29+$0x10]  }
0xa3: {  	v4 =	vnsel vm0, $0x0, v4;
	v6 =	vadd.s32 v6, v3;
	v3 =	vshll.u32 v10, $0x9;
	v10 =	vld [tilespmem:s10+$0x10]  }
0xa4: {  	v13 =	vmin.u32 v4, $0x1FFF;
	v4 =	vadd.s32 v0, v5;
	v5 =	vld [tilespmem:s29+$0x20];
	vm0 =	vgt.s32 v6, $0x0  }
0xa5: {  	v15 =	vadd.s32 v3, v4;
	v4 =	vshll.u32 v7, $0x9;
	v7 =	vld [tilespmem:s10+$0x20];
	v14 =	vnsel vm0, $0x0, v6  }
0xa6: {  	vm0 =	vgt.s32 v15, $0x0;
	v8 =	vadd.s32 v0, v8;
	v3 =	vmin.u32 v14, $0x1FFF  }
0xa7: {  	v63 =	vld [tilespmem:s29+$0xFFFFFFC0];
	v8 =	vadd.s32 v4, v8;
	v4 =	vnsel vm0, $0x0, v15;
	v9 =	vshll.u32 v9, $0x9  }
0xa8: {  	v4 =	vmin.u32 v4, $0x1FFF;
	vm0 =	vgt.s32 v8, $0x0;
	v10 =	vadd.s32 v0, v10  }
0xa9: {  	[tilespmem:v12+s26+$0x0] =	vst.idx.add.f32.msk vm1, v2;
	vm1 =	vlt.u32 v15, $0x2000;
	v16 =	vshll.u32 v5, $0x9;
	v9 =	vadd.s32 v9, v10  }
0xaa: {  	v10 =	vnsel vm0, $0x0, v8;
	v7 =	vadd.s32 v0, v7;
	vm0 =	vlt.u32 v6, $0x2000  }
0xab: {  	v5 =	vmin.u32 v10, $0x1FFF;
	vm3 =	vgt.s32 v9, $0x0;
	v10 =	vadd.s32 v16, v7  }
0xac: {  	v7 =	vshll.u32 v63, $0x9;
	v6 =	vnsel vm3, $0x0, v9;
	vm3 =	vgt.s32 v10, $0x0  }
0xad: {  	v11 =	vadd.s32 v7, v11;
	v6 =	vmin.u32 v6, $0x1FFF;
	v7 =	vnsel vm3, $0x0, v10  }
0xae: {  	s11 =	simm.s32 $0x0;
	s22 =	simm.s32 $0x7740;
	[tilespmem:v13+s26+$0x0] =	vst.idx.add.f32.msk vm2, v2;
	vm5 =	vlt.u32 v11, $0x2000;
	vm2 =	vgt.s32 v11, $0x0;
	v7 =	vmin.u32 v7, $0x1FFF  }
.LBB2_6:
0xaf: {  	v12 =	vld [tilespmem:s22+$0x30];
	v11 =	vnsel vm2, $0x0, v11;
	vm4 =	vlt.u32 v8, $0x2000;
	vm2 =	vlt.u32 v9, $0x2000;
	s10 =	sadd.s32 $0x80, s10  }
0xb0: {  	s11 =	sadd.s32 $0x8, s11;
	vm3 =	vlt.u32 v10, $0x2000;
	v8 =	vld [tilespmem:s10+$0x30];
	v9 =	vmin.u32 v11, $0x1FFF  }
0xb1: {  	p0 =	slt.u32 s11, $0x268;
	v10 =	vld [tilespmem:s10+$0xFFFFFFC0]  }
0xb2: {  	v11 =	vld [tilespmem:s22+$0xFFFFFFD0]  }
0xb3: {  	v13 =	vld [tilespmem:s10+$0xFFFFFFD0]  }
0xb4: {  	v14 =	vld [tilespmem:s22+$0xFFFFFFE0]  }
0xb5: {  	v12 =	vshll.u32 v12, $0x9;
	v15 =	vld [tilespmem:s10+$0xFFFFFFE0];
	v8 =	vadd.s32 v0, v8  }
0xb6: {  	v16 =	vadd.s32 v0, v10;
	v10 =	vld [tilespmem:s22+$0xFFFFFFF0];
	v8 =	vadd.s32 v12, v8  }
0xb7: {  	v11 =	vshll.u32 v11, $0x9;
	v12 =	vld [tilespmem:s10+$0xFFFFFFF0];
	vm6 =	vgt.s32 v8, $0x0  }
0xb8: {  	vm7 =	vlt.u32 v8, $0x2000;
	v13 =	vadd.s32 v0, v13;
	v17 =	vld [tilespmem:s22+$0x0];
	v8 =	vnsel vm6, $0x0, v8  }
0xb9: {  	v11 =	vadd.s32 v11, v13;
	v13 =	vshll.u32 v14, $0x9;
	v14 =	vld [tilespmem:s10+$0x0];
	v8 =	vmin.u32 v8, $0x1FFF  }
0xba: {  	vm6 =	vlt.u32 v11, $0x2000;
	vm8 =	vgt.s32 v11, $0x0;
	v15 =	vadd.s32 v0, v15;
	v18 =	vld [tilespmem:s22+$0x10]  }
0xbb: {  	v11 =	vnsel vm8, $0x0, v11;
	v13 =	vadd.s32 v13, v15;
	v10 =	vshll.u32 v10, $0x9;
	v15 =	vld [tilespmem:s10+$0x10]  }
0xbc: {  	v11 =	vmin.u32 v11, $0x1FFF;
	vm8 =	vgt.s32 v13, $0x0;
	v12 =	vadd.s32 v0, v12;
	v19 =	vld [tilespmem:s22+$0x20]  }
0xbd: {  	v20 =	vnsel vm8, $0x0, v13;
	v12 =	vadd.s32 v10, v12;
	v10 =	vshll.u32 v17, $0x9;
	v17 =	vld [tilespmem:s10+$0x20]  }
0xbe: {  	v20 =	vmin.u32 v20, $0x1FFF;
	vm8 =	vgt.s32 v12, $0x0;
	v14 =	vadd.s32 v0, v14;
	[tilespmem:v8+s26+$0x0] =	vst.idx.add.f32.msk vm7, v2  }
0xbf: {  	v21 =	vld [tilespmem:s22+$0xFFFFFFC0];
	v22 =	vnsel vm8, $0x0, v12;
	v8 =	vadd.s32 v10, v14;
	v10 =	vshll.u32 v18, $0x9  }
0xc0: {  	v14 =	vmin.u32 v22, $0x1FFF;
	vm7 =	vgt.s32 v8, $0x0;
	v15 =	vadd.s32 v0, v15;
	[tilespmem:v9+s26+$0x0] =	vst.idx.add.f32.msk vm5, v2  }
0xc1: {  	[tilespmem:v11+s26+$0x0] =	vst.idx.add.f32.msk vm6, v2;
	v11 =	vnsel vm7, $0x0, v8;
	v9 =	vadd.s32 v10, v15;
	v10 =	vshll.u32 v19, $0x9  }
.Ltmp2:
0xc2: {  	v11 =	vmin.u32 v11, $0x1FFF;
	vm5 =	vgt.s32 v9, $0x0;
	v15 =	vadd.s32 v0, v17;
	[tilespmem:v3+s26+$0x0] =	vst.idx.add.f32.msk vm0, v2;
	v3 =	vmovc v20;
	(pc) =	sbr.rel @p0 .LBB2_6-.Ltmp2, $4  }
0xc3: {  	vm0 =	vlt.u32 v13, $0x2000;
	v13 =	vnsel vm5, $0x0, v9;
	v10 =	vadd.s32 v10, v15;
	[tilespmem:v4+s26+$0x0] =	vst.idx.add.f32.msk vm1, v2;
	v4 =	vmovc v14  }
0xc4: {  	v14 =	vshll.u32 v21, $0x9;
	v13 =	vmin.u32 v13, $0x1FFF;
	vm5 =	vgt.s32 v10, $0x0;
	[tilespmem:v5+s26+$0x0] =	vst.idx.add.f32.msk vm4, v2;
	v5 =	vmovc v11  }
0xc5: {  	vm1 =	vlt.u32 v12, $0x2000;
	v11 =	vadd.s32 v14, v16;
	v12 =	vnsel vm5, $0x0, v10;
	[tilespmem:v6+s26+$0x0] =	vst.idx.add.f32.msk vm2, v2;
	v6 =	vmovc v13  }
0xc6: {  	s22 =	sadd.s32 $0x80, s22;
	vm5 =	vlt.u32 v11, $0x2000;
	vm2 =	vgt.s32 v11, $0x0;
	[tilespmem:v7+s26+$0x0] =	vst.idx.add.f32.msk vm3, v2;
	v7 =	vmin.u32 v12, $0x1FFF  }
0xc7: {  	_ = 	snop  }
0xc8: {  	v11 =	vnsel vm2, $0x0, v11  }
0xc9: {  	vm2 =	vlt.u32 v8, $0x2000;
	v11 =	vmin.u32 v11, $0x1FFF  }
0xca: {  	vm3 =	vlt.u32 v9, $0x2000  }
0xcb: {  	vm4 =	vlt.u32 v10, $0x2000  }
0xcc: {  	[tilespmem:v3+s26+$0x0] =	vst.idx.add.f32.msk vm0, v2  }
0xcd: {  	[tilespmem:v4+s26+$0x0] =	vst.idx.add.f32.msk vm1, v2  }
0xce: {  	[tilespmem:v11+s26+$0x0] =	vst.idx.add.f32.msk vm5, v2  }
0xcf: {  	[tilespmem:v5+s26+$0x0] =	vst.idx.add.f32.msk vm2, v2  }
0xd0: {  	[tilespmem:v6+s26+$0x0] =	vst.idx.add.f32.msk vm3, v2  }
0xd1: {  	[tilespmem:v7+s26+$0x0] =	vst.idx.add.f32.msk vm4, v2  }
0xd2: {  	v3 =	vld [tilespmem:$0x9D80]  }
0xd3: {  	v4 =	vld [tilespmem:$0x4E80];
	_ =	sdelay $0x4  }
0xd4: {  	v3 =	vshll.u32 v3, $0x9;
	v4 =	vadd.s32 v0, v4  }
0xd5: {  	v3 =	vadd.s32 v3, v4  }
0xd6: {  	vm0 =	vgt.s32 v3, $0x0  }
0xd7: {  	vm1 =	vlt.u32 v3, $0x2000;
	v3 =	vnsel vm0, $0x0, v3  }
0xd8: {  	v3 =	vmin.u32 v3, $0x1FFF;
	_ =	sdelay $0x4  }
0xd9: {  	s5 =	rddreg [dreg:$0x12];
	[tilespmem:v3+s26+$0x0] =	vst.idx.add.f32.msk vm1, v2  }
0xda: {  	[tilespmem:s24], [sflag:$0x6] =	stream.linear.gather [hbm4b:s5+s3], $0x2710, $0x38;
	[tilespmem:$0x10600] =	vst v63  }
0xdb: {  	s10 =	simm.s32 $0x7680;
	s22 =	rddreg [dreg:$0x13]  }
0xdc: {  	[tilespmem:s10], [sflag:$0x6] =	stream.linear.gather [hbm4b:s22+s3], $0x2710, $0x38;
	[tilespmem:$0x10600] =	vst v63  }
0xdd: {  	_ =	swait.ge [sflag:s25], $0x2710  }
0xde: {  	[sflag:s25] =	ssyncset.done $0x0  }
0xdf: {  	[sflag:s25] =	ssyncadd.s32 $0xFFFFD8F0  }
0xe0: {  	_ =	swait.ge [sflag:s25], $0x2710  }
0xe1: {  	[sflag:s25] =	ssyncset.done $0x0  }
0xe2: {  	s29 =	simm.s32 $0x4F40;
	[sflag:s25] =	ssyncadd.s32 $0xFFFFD8F0  }
0xe3: {  	s10 =	simm.s32 $0x40;
	v3 =	vld [tilespmem:s29+$0x30]  }
0xe4: {  	v4 =	vld [tilespmem:s10+$0x30]  }
0xe5: {  	v5 =	vld [tilespmem:s10+$0xFFFFFFC0]  }
0xe6: {  	v6 =	vld [tilespmem:s29+$0xFFFFFFD0]  }
0xe7: {  	v7 =	vld [tilespmem:s10+$0xFFFFFFD0];
	_ =	sdelay $0x1  }
0xe8: {  	v8 =	vld [tilespmem:s29+$0xFFFFFFE0]  }
0xe9: {  	v9 =	vld [tilespmem:s10+$0xFFFFFFE0]  }
0xea: {  	v10 =	vld [tilespmem:s29+$0xFFFFFFF0];
	v3 =	vshll.u32 v3, $0x9;
	v4 =	vadd.s32 v0, v4;
	v11 =	vadd.s32 v0, v5  }
0xeb: {  	v5 =	vld [tilespmem:s10+$0xFFFFFFF0];
	v3 =	vadd.s32 v3, v4;
	v4 =	vshll.u32 v6, $0x9;
	v6 =	vadd.s32 v0, v7  }
0xec: {  	v7 =	vld [tilespmem:s29+$0x0];
	vm0 =	vgt.s32 v3, $0x0;
	vm1 =	vlt.u32 v3, $0x2000;
	v4 =	vadd.s32 v4, v6  }
0xed: {  	v6 =	vshll.u32 v8, $0x9;
	v8 =	vld [tilespmem:s10+$0x0];
	v3 =	vnsel vm0, $0x0, v3;
	vm2 =	vlt.u32 v4, $0x2000  }
0xee: {  	vm0 =	vgt.s32 v4, $0x0;
	v12 =	vmin.u32 v3, $0x1FFF;
	v3 =	vadd.s32 v0, v9;
	v9 =	vld [tilespmem:s29+$0x10]  }
0xef: {  	v4 =	vnsel vm0, $0x0, v4;
	v6 =	vadd.s32 v6, v3;
	v3 =	vshll.u32 v10, $0x9;
	v10 =	vld [tilespmem:s10+$0x10]  }
0xf0: {  	v13 =	vmin.u32 v4, $0x1FFF;
	v4 =	vadd.s32 v0, v5;
	v5 =	vld [tilespmem:s29+$0x20];
	vm0 =	vgt.s32 v6, $0x0  }
0xf1: {  	v15 =	vadd.s32 v3, v4;
	v4 =	vshll.u32 v7, $0x9;
	v7 =	vld [tilespmem:s10+$0x20];
	v14 =	vnsel vm0, $0x0, v6  }
0xf2: {  	vm0 =	vgt.s32 v15, $0x0;
	v8 =	vadd.s32 v0, v8;
	v3 =	vmin.u32 v14, $0x1FFF  }
0xf3: {  	v63 =	vld [tilespmem:s29+$0xFFFFFFC0];
	v8 =	vadd.s32 v4, v8;
	v4 =	vnsel vm0, $0x0, v15;
	v9 =	vshll.u32 v9, $0x9  }
0xf4: {  	v4 =	vmin.u32 v4, $0x1FFF;
	vm0 =	vgt.s32 v8, $0x0;
	v10 =	vadd.s32 v0, v10  }
0xf5: {  	[tilespmem:v12+s26+$0x0] =	vst.idx.add.f32.msk vm1, v2;
	vm1 =	vlt.u32 v15, $0x2000;
	v16 =	vshll.u32 v5, $0x9;
	v9 =	vadd.s32 v9, v10  }
0xf6: {  	v10 =	vnsel vm0, $0x0, v8;
	v7 =	vadd.s32 v0, v7;
	vm0 =	vlt.u32 v6, $0x2000  }
0xf7: {  	v5 =	vmin.u32 v10, $0x1FFF;
	vm3 =	vgt.s32 v9, $0x0;
	v10 =	vadd.s32 v16, v7  }
0xf8: {  	v7 =	vshll.u32 v63, $0x9;
	v6 =	vnsel vm3, $0x0, v9;
	vm3 =	vgt.s32 v10, $0x0  }
0xf9: {  	v11 =	vadd.s32 v7, v11;
	v6 =	vmin.u32 v6, $0x1FFF;
	v7 =	vnsel vm3, $0x0, v10  }
0xfa: {  	s11 =	simm.s32 $0x0;
	s22 =	simm.s32 $0x4FC0;
	[tilespmem:v13+s26+$0x0] =	vst.idx.add.f32.msk vm2, v2;
	vm5 =	vlt.u32 v11, $0x2000;
	vm2 =	vgt.s32 v11, $0x0;
	v7 =	vmin.u32 v7, $0x1FFF  }
.LBB2_8:
0xfb: {  	v12 =	vld [tilespmem:s22+$0x30];
	v11 =	vnsel vm2, $0x0, v11;
	vm4 =	vlt.u32 v8, $0x2000;
	vm2 =	vlt.u32 v9, $0x2000;
	s10 =	sadd.s32 $0x80, s10  }
0xfc: {  	s11 =	sadd.s32 $0x8, s11;
	vm3 =	vlt.u32 v10, $0x2000;
	v8 =	vld [tilespmem:s10+$0x30];
	v9 =	vmin.u32 v11, $0x1FFF  }
0xfd: {  	p0 =	slt.u32 s11, $0x268;
	v10 =	vld [tilespmem:s10+$0xFFFFFFC0]  }
0xfe: {  	v11 =	vld [tilespmem:s22+$0xFFFFFFD0]  }
0xff: {  	v13 =	vld [tilespmem:s10+$0xFFFFFFD0]  }
0x100: {  	v14 =	vld [tilespmem:s22+$0xFFFFFFE0]  }
0x101: {  	v12 =	vshll.u32 v12, $0x9;
	v15 =	vld [tilespmem:s10+$0xFFFFFFE0];
	v8 =	vadd.s32 v0, v8  }
0x102: {  	v16 =	vadd.s32 v0, v10;
	v10 =	vld [tilespmem:s22+$0xFFFFFFF0];
	v8 =	vadd.s32 v12, v8  }
0x103: {  	v11 =	vshll.u32 v11, $0x9;
	v12 =	vld [tilespmem:s10+$0xFFFFFFF0];
	vm6 =	vgt.s32 v8, $0x0  }
0x104: {  	vm7 =	vlt.u32 v8, $0x2000;
	v13 =	vadd.s32 v0, v13;
	v17 =	vld [tilespmem:s22+$0x0];
	v8 =	vnsel vm6, $0x0, v8  }
0x105: {  	v11 =	vadd.s32 v11, v13;
	v13 =	vshll.u32 v14, $0x9;
	v14 =	vld [tilespmem:s10+$0x0];
	v8 =	vmin.u32 v8, $0x1FFF  }
0x106: {  	vm6 =	vlt.u32 v11, $0x2000;
	vm8 =	vgt.s32 v11, $0x0;
	v15 =	vadd.s32 v0, v15;
	v18 =	vld [tilespmem:s22+$0x10]  }
0x107: {  	v11 =	vnsel vm8, $0x0, v11;
	v13 =	vadd.s32 v13, v15;
	v10 =	vshll.u32 v10, $0x9;
	v15 =	vld [tilespmem:s10+$0x10]  }
0x108: {  	v11 =	vmin.u32 v11, $0x1FFF;
	vm8 =	vgt.s32 v13, $0x0;
	v12 =	vadd.s32 v0, v12;
	v19 =	vld [tilespmem:s22+$0x20]  }
0x109: {  	v20 =	vnsel vm8, $0x0, v13;
	v12 =	vadd.s32 v10, v12;
	v10 =	vshll.u32 v17, $0x9;
	v17 =	vld [tilespmem:s10+$0x20]  }
0x10a: {  	v20 =	vmin.u32 v20, $0x1FFF;
	vm8 =	vgt.s32 v12, $0x0;
	v14 =	vadd.s32 v0, v14;
	[tilespmem:v8+s26+$0x0] =	vst.idx.add.f32.msk vm7, v2  }
0x10b: {  	v21 =	vld [tilespmem:s22+$0xFFFFFFC0];
	v22 =	vnsel vm8, $0x0, v12;
	v8 =	vadd.s32 v10, v14;
	v10 =	vshll.u32 v18, $0x9  }
0x10c: {  	v14 =	vmin.u32 v22, $0x1FFF;
	vm7 =	vgt.s32 v8, $0x0;
	v15 =	vadd.s32 v0, v15;
	[tilespmem:v9+s26+$0x0] =	vst.idx.add.f32.msk vm5, v2  }
0x10d: {  	[tilespmem:v11+s26+$0x0] =	vst.idx.add.f32.msk vm6, v2;
	v11 =	vnsel vm7, $0x0, v8;
	v9 =	vadd.s32 v10, v15;
	v10 =	vshll.u32 v19, $0x9  }
.Ltmp3:
0x10e: {  	v11 =	vmin.u32 v11, $0x1FFF;
	vm5 =	vgt.s32 v9, $0x0;
	v15 =	vadd.s32 v0, v17;
	[tilespmem:v3+s26+$0x0] =	vst.idx.add.f32.msk vm0, v2;
	v3 =	vmovc v20;
	(pc) =	sbr.rel @p0 .LBB2_8-.Ltmp3, $4  }
0x10f: {  	vm0 =	vlt.u32 v13, $0x2000;
	v13 =	vnsel vm5, $0x0, v9;
	v10 =	vadd.s32 v10, v15;
	[tilespmem:v4+s26+$0x0] =	vst.idx.add.f32.msk vm1, v2;
	v4 =	vmovc v14  }
0x110: {  	v14 =	vshll.u32 v21, $0x9;
	v13 =	vmin.u32 v13, $0x1FFF;
	vm5 =	vgt.s32 v10, $0x0;
	[tilespmem:v5+s26+$0x0] =	vst.idx.add.f32.msk vm4, v2;
	v5 =	vmovc v11  }
0x111: {  	vm1 =	vlt.u32 v12, $0x2000;
	v11 =	vadd.s32 v14, v16;
	v12 =	vnsel vm5, $0x0, v10;
	[tilespmem:v6+s26+$0x0] =	vst.idx.add.f32.msk vm2, v2;
	v6 =	vmovc v13  }
0x112: {  	s22 =	sadd.s32 $0x80, s22;
	vm5 =	vlt.u32 v11, $0x2000;
	vm2 =	vgt.s32 v11, $0x0;
	[tilespmem:v7+s26+$0x0] =	vst.idx.add.f32.msk vm3, v2;
	v7 =	vmin.u32 v12, $0x1FFF  }
0x113: {  	_ = 	snop  }
0x114: {  	v11 =	vnsel vm2, $0x0, v11  }
0x115: {  	vm2 =	vlt.u32 v8, $0x2000;
	v11 =	vmin.u32 v11, $0x1FFF  }
0x116: {  	vm3 =	vlt.u32 v9, $0x2000  }
0x117: {  	vm4 =	vlt.u32 v10, $0x2000  }
0x118: {  	[tilespmem:v3+s26+$0x0] =	vst.idx.add.f32.msk vm0, v2  }
0x119: {  	[tilespmem:v4+s26+$0x0] =	vst.idx.add.f32.msk vm1, v2  }
0x11a: {  	[tilespmem:v11+s26+$0x0] =	vst.idx.add.f32.msk vm5, v2  }
0x11b: {  	[tilespmem:v5+s26+$0x0] =	vst.idx.add.f32.msk vm2, v2  }
0x11c: {  	[tilespmem:v6+s26+$0x0] =	vst.idx.add.f32.msk vm3, v2  }
0x11d: {  	[tilespmem:v7+s26+$0x0] =	vst.idx.add.f32.msk vm4, v2  }
0x11e: {  	v3 =	vld [tilespmem:$0x7600]  }
0x11f: {  	v4 =	vld [tilespmem:$0x2700];
	_ =	sdelay $0x4  }
0x120: {  	v3 =	vshll.u32 v3, $0x9;
	v4 =	vadd.s32 v0, v4  }
0x121: {  	v3 =	vadd.s32 v3, v4  }
0x122: {  	vm0 =	vgt.s32 v3, $0x0  }
0x123: {  	vm1 =	vlt.u32 v3, $0x2000;
	v3 =	vnsel vm0, $0x0, v3  }
0x124: {  	v3 =	vmin.u32 v3, $0x1FFF;
	_ =	sdelay $0x4  }
0x125: {  	s5 =	rddreg [dreg:$0x14];
	[tilespmem:v3+s26+$0x0] =	vst.idx.add.f32.msk vm1, v2  }
0x126: {  	[tilespmem:s3], [sflag:$0x5] =	stream.linear.gather [hbm4b:s5+s3], $0x2710, $0x38;
	[tilespmem:$0x10600] =	vst v63  }
0x127: {  	s22 =	rddreg [dreg:$0x15]  }
0x128: {  	[tilespmem:s23], [sflag:$0x5] =	stream.linear.gather [hbm4b:s22+s3], $0x2710, $0x38;
	[tilespmem:$0x10600] =	vst v63  }
0x129: {  	_ =	swait.ge [sflag:s28], $0x2710  }
0x12a: {  	[sflag:s28] =	ssyncset.done $0x0  }
0x12b: {  	[sflag:s28] =	ssyncadd.s32 $0xFFFFD8F0  }
0x12c: {  	_ =	swait.ge [sflag:s28], $0x2710  }
0x12d: {  	[sflag:s28] =	ssyncset.done $0x0  }
0x12e: {  	s29 =	simm.s32 $0x76C0;
	[sflag:s28] =	ssyncadd.s32 $0xFFFFD8F0  }
0x12f: {  	s10 =	simm.s32 $0x27C0;
	v3 =	vld [tilespmem:s29+$0x30]  }
0x130: {  	v4 =	vld [tilespmem:s10+$0x30]  }
0x131: {  	v5 =	vld [tilespmem:s10+$0xFFFFFFC0]  }
0x132: {  	v6 =	vld [tilespmem:s29+$0xFFFFFFD0]  }
0x133: {  	v7 =	vld [tilespmem:s10+$0xFFFFFFD0];
	_ =	sdelay $0x1  }
0x134: {  	v8 =	vld [tilespmem:s29+$0xFFFFFFE0]  }
0x135: {  	v9 =	vld [tilespmem:s10+$0xFFFFFFE0]  }
0x136: {  	v10 =	vld [tilespmem:s29+$0xFFFFFFF0];
	v3 =	vshll.u32 v3, $0x9;
	v4 =	vadd.s32 v0, v4;
	v11 =	vadd.s32 v0, v5  }
0x137: {  	v5 =	vld [tilespmem:s10+$0xFFFFFFF0];
	v3 =	vadd.s32 v3, v4;
	v4 =	vshll.u32 v6, $0x9;
	v6 =	vadd.s32 v0, v7  }
0x138: {  	v7 =	vld [tilespmem:s29+$0x0];
	vm0 =	vgt.s32 v3, $0x0;
	vm1 =	vlt.u32 v3, $0x2000;
	v4 =	vadd.s32 v4, v6  }
0x139: {  	v6 =	vshll.u32 v8, $0x9;
	v8 =	vld [tilespmem:s10+$0x0];
	v3 =	vnsel vm0, $0x0, v3;
	vm2 =	vlt.u32 v4, $0x2000  }
0x13a: {  	vm0 =	vgt.s32 v4, $0x0;
	v12 =	vmin.u32 v3, $0x1FFF;
	v3 =	vadd.s32 v0, v9;
	v9 =	vld [tilespmem:s29+$0x10]  }
0x13b: {  	v4 =	vnsel vm0, $0x0, v4;
	v6 =	vadd.s32 v6, v3;
	v3 =	vshll.u32 v10, $0x9;
	v10 =	vld [tilespmem:s10+$0x10]  }
0x13c: {  	v13 =	vmin.u32 v4, $0x1FFF;
	v4 =	vadd.s32 v0, v5;
	v5 =	vld [tilespmem:s29+$0x20];
	vm0 =	vgt.s32 v6, $0x0  }
0x13d: {  	v15 =	vadd.s32 v3, v4;
	v4 =	vshll.u32 v7, $0x9;
	v7 =	vld [tilespmem:s10+$0x20];
	v14 =	vnsel vm0, $0x0, v6  }
0x13e: {  	vm0 =	vgt.s32 v15, $0x0;
	v8 =	vadd.s32 v0, v8;
	v3 =	vmin.u32 v14, $0x1FFF  }
0x13f: {  	v63 =	vld [tilespmem:s29+$0xFFFFFFC0];
	v8 =	vadd.s32 v4, v8;
	v4 =	vnsel vm0, $0x0, v15;
	v9 =	vshll.u32 v9, $0x9  }
0x140: {  	v4 =	vmin.u32 v4, $0x1FFF;
	vm0 =	vgt.s32 v8, $0x0;
	v10 =	vadd.s32 v0, v10  }
0x141: {  	[tilespmem:v12+s26+$0x0] =	vst.idx.add.f32.msk vm1, v2;
	vm1 =	vlt.u32 v15, $0x2000;
	v16 =	vshll.u32 v5, $0x9;
	v9 =	vadd.s32 v9, v10  }
0x142: {  	v10 =	vnsel vm0, $0x0, v8;
	v7 =	vadd.s32 v0, v7;
	vm0 =	vlt.u32 v6, $0x2000  }
0x143: {  	v5 =	vmin.u32 v10, $0x1FFF;
	vm3 =	vgt.s32 v9, $0x0;
	v10 =	vadd.s32 v16, v7  }
0x144: {  	v7 =	vshll.u32 v63, $0x9;
	v6 =	vnsel vm3, $0x0, v9;
	vm3 =	vgt.s32 v10, $0x0  }
0x145: {  	v11 =	vadd.s32 v7, v11;
	v6 =	vmin.u32 v6, $0x1FFF;
	v7 =	vnsel vm3, $0x0, v10  }
0x146: {  	s11 =	simm.s32 $0x0;
	s22 =	simm.s32 $0x7740;
	[tilespmem:v13+s26+$0x0] =	vst.idx.add.f32.msk vm2, v2;
	vm5 =	vlt.u32 v11, $0x2000;
	vm2 =	vgt.s32 v11, $0x0;
	v7 =	vmin.u32 v7, $0x1FFF  }
.LBB2_10:
0x147: {  	v12 =	vld [tilespmem:s22+$0x30];
	v11 =	vnsel vm2, $0x0, v11;
	vm4 =	vlt.u32 v8, $0x2000;
	vm2 =	vlt.u32 v9, $0x2000;
	s10 =	sadd.s32 $0x80, s10  }
0x148: {  	s11 =	sadd.s32 $0x8, s11;
	vm3 =	vlt.u32 v10, $0x2000;
	v8 =	vld [tilespmem:s10+$0x30];
	v9 =	vmin.u32 v11, $0x1FFF  }
0x149: {  	p0 =	slt.u32 s11, $0x268;
	v10 =	vld [tilespmem:s10+$0xFFFFFFC0]  }
0x14a: {  	v11 =	vld [tilespmem:s22+$0xFFFFFFD0]  }
0x14b: {  	v13 =	vld [tilespmem:s10+$0xFFFFFFD0]  }
0x14c: {  	v14 =	vld [tilespmem:s22+$0xFFFFFFE0]  }
0x14d: {  	v12 =	vshll.u32 v12, $0x9;
	v15 =	vld [tilespmem:s10+$0xFFFFFFE0];
	v8 =	vadd.s32 v0, v8  }
0x14e: {  	v16 =	vadd.s32 v0, v10;
	v10 =	vld [tilespmem:s22+$0xFFFFFFF0];
	v8 =	vadd.s32 v12, v8  }
0x14f: {  	v11 =	vshll.u32 v11, $0x9;
	v12 =	vld [tilespmem:s10+$0xFFFFFFF0];
	vm6 =	vgt.s32 v8, $0x0  }
0x150: {  	vm7 =	vlt.u32 v8, $0x2000;
	v13 =	vadd.s32 v0, v13;
	v17 =	vld [tilespmem:s22+$0x0];
	v8 =	vnsel vm6, $0x0, v8  }
0x151: {  	v11 =	vadd.s32 v11, v13;
	v13 =	vshll.u32 v14, $0x9;
	v14 =	vld [tilespmem:s10+$0x0];
	v8 =	vmin.u32 v8, $0x1FFF  }
0x152: {  	vm6 =	vlt.u32 v11, $0x2000;
	vm8 =	vgt.s32 v11, $0x0;
	v15 =	vadd.s32 v0, v15;
	v18 =	vld [tilespmem:s22+$0x10]  }
0x153: {  	v11 =	vnsel vm8, $0x0, v11;
	v13 =	vadd.s32 v13, v15;
	v10 =	vshll.u32 v10, $0x9;
	v15 =	vld [tilespmem:s10+$0x10]  }
0x154: {  	v11 =	vmin.u32 v11, $0x1FFF;
	vm8 =	vgt.s32 v13, $0x0;
	v12 =	vadd.s32 v0, v12;
	v19 =	vld [tilespmem:s22+$0x20]  }
0x155: {  	v20 =	vnsel vm8, $0x0, v13;
	v12 =	vadd.s32 v10, v12;
	v10 =	vshll.u32 v17, $0x9;
	v17 =	vld [tilespmem:s10+$0x20]  }
0x156: {  	v20 =	vmin.u32 v20, $0x1FFF;
	vm8 =	vgt.s32 v12, $0x0;
	v14 =	vadd.s32 v0, v14;
	[tilespmem:v8+s26+$0x0] =	vst.idx.add.f32.msk vm7, v2  }
0x157: {  	v21 =	vld [tilespmem:s22+$0xFFFFFFC0];
	v22 =	vnsel vm8, $0x0, v12;
	v8 =	vadd.s32 v10, v14;
	v10 =	vshll.u32 v18, $0x9  }
0x158: {  	v14 =	vmin.u32 v22, $0x1FFF;
	vm7 =	vgt.s32 v8, $0x0;
	v15 =	vadd.s32 v0, v15;
	[tilespmem:v9+s26+$0x0] =	vst.idx.add.f32.msk vm5, v2  }
0x159: {  	[tilespmem:v11+s26+$0x0] =	vst.idx.add.f32.msk vm6, v2;
	v11 =	vnsel vm7, $0x0, v8;
	v9 =	vadd.s32 v10, v15;
	v10 =	vshll.u32 v19, $0x9  }
.Ltmp4:
0x15a: {  	v11 =	vmin.u32 v11, $0x1FFF;
	vm5 =	vgt.s32 v9, $0x0;
	v15 =	vadd.s32 v0, v17;
	[tilespmem:v3+s26+$0x0] =	vst.idx.add.f32.msk vm0, v2;
	v3 =	vmovc v20;
	(pc) =	sbr.rel @p0 .LBB2_10-.Ltmp4, $4  }
0x15b: {  	vm0 =	vlt.u32 v13, $0x2000;
	v13 =	vnsel vm5, $0x0, v9;
	v10 =	vadd.s32 v10, v15;
	[tilespmem:v4+s26+$0x0] =	vst.idx.add.f32.msk vm1, v2;
	v4 =	vmovc v14  }
0x15c: {  	v14 =	vshll.u32 v21, $0x9;
	v13 =	vmin.u32 v13, $0x1FFF;
	vm5 =	vgt.s32 v10, $0x0;
	[tilespmem:v5+s26+$0x0] =	vst.idx.add.f32.msk vm4, v2;
	v5 =	vmovc v11  }
0x15d: {  	vm1 =	vlt.u32 v12, $0x2000;
	v11 =	vadd.s32 v14, v16;
	v12 =	vnsel vm5, $0x0, v10;
	[tilespmem:v6+s26+$0x0] =	vst.idx.add.f32.msk vm2, v2;
	v6 =	vmovc v13  }
0x15e: {  	s22 =	sadd.s32 $0x80, s22;
	vm5 =	vlt.u32 v11, $0x2000;
	vm2 =	vgt.s32 v11, $0x0;
	[tilespmem:v7+s26+$0x0] =	vst.idx.add.f32.msk vm3, v2;
	v7 =	vmin.u32 v12, $0x1FFF  }
0x15f: {  	_ = 	snop  }
0x160: {  	v11 =	vnsel vm2, $0x0, v11  }
0x161: {  	vm2 =	vlt.u32 v8, $0x2000;
	v11 =	vmin.u32 v11, $0x1FFF  }
0x162: {  	vm3 =	vlt.u32 v9, $0x2000  }
0x163: {  	vm4 =	vlt.u32 v10, $0x2000  }
0x164: {  	[tilespmem:v3+s26+$0x0] =	vst.idx.add.f32.msk vm0, v2  }
0x165: {  	[tilespmem:v4+s26+$0x0] =	vst.idx.add.f32.msk vm1, v2  }
0x166: {  	[tilespmem:v11+s26+$0x0] =	vst.idx.add.f32.msk vm5, v2  }
0x167: {  	[tilespmem:v5+s26+$0x0] =	vst.idx.add.f32.msk vm2, v2  }
0x168: {  	[tilespmem:v6+s26+$0x0] =	vst.idx.add.f32.msk vm3, v2  }
0x169: {  	[tilespmem:v7+s26+$0x0] =	vst.idx.add.f32.msk vm4, v2  }
0x16a: {  	v3 =	vld [tilespmem:$0x9D80]  }
0x16b: {  	v4 =	vld [tilespmem:$0x4E80];
	_ =	sdelay $0x4  }
0x16c: {  	v3 =	vshll.u32 v3, $0x9;
	v4 =	vadd.s32 v0, v4  }
0x16d: {  	v3 =	vadd.s32 v3, v4  }
0x16e: {  	vm0 =	vgt.s32 v3, $0x0  }
0x16f: {  	vm1 =	vlt.u32 v3, $0x2000;
	v3 =	vnsel vm0, $0x0, v3  }
0x170: {  	v3 =	vmin.u32 v3, $0x1FFF;
	_ =	sdelay $0x4  }
0x171: {  	s5 =	rddreg [dreg:$0x16];
	[tilespmem:v3+s26+$0x0] =	vst.idx.add.f32.msk vm1, v2  }
0x172: {  	[tilespmem:s24], [sflag:$0x6] =	stream.linear.gather [hbm4b:s5+s3], $0x2710, $0x38;
	[tilespmem:$0x10600] =	vst v63  }
0x173: {  	s10 =	simm.s32 $0x7680;
	s22 =	rddreg [dreg:$0x17]  }
0x174: {  	[tilespmem:s10], [sflag:$0x6] =	stream.linear.gather [hbm4b:s22+s3], $0x2710, $0x38;
	[tilespmem:$0x10600] =	vst v63  }
0x175: {  	_ =	swait.ge [sflag:s25], $0x2710  }
0x176: {  	[sflag:s25] =	ssyncset.done $0x0  }
0x177: {  	[sflag:s25] =	ssyncadd.s32 $0xFFFFD8F0  }
0x178: {  	_ =	swait.ge [sflag:s25], $0x2710  }
0x179: {  	[sflag:s25] =	ssyncset.done $0x0  }
0x17a: {  	s29 =	simm.s32 $0x4F40;
	[sflag:s25] =	ssyncadd.s32 $0xFFFFD8F0  }
0x17b: {  	s10 =	simm.s32 $0x40;
	v3 =	vld [tilespmem:s29+$0x30]  }
0x17c: {  	v4 =	vld [tilespmem:s10+$0x30]  }
0x17d: {  	v5 =	vld [tilespmem:s10+$0xFFFFFFC0]  }
0x17e: {  	v6 =	vld [tilespmem:s29+$0xFFFFFFD0]  }
0x17f: {  	v7 =	vld [tilespmem:s10+$0xFFFFFFD0];
	_ =	sdelay $0x1  }
0x180: {  	v8 =	vld [tilespmem:s29+$0xFFFFFFE0]  }
0x181: {  	v9 =	vld [tilespmem:s10+$0xFFFFFFE0]  }
0x182: {  	v10 =	vld [tilespmem:s29+$0xFFFFFFF0];
	v3 =	vshll.u32 v3, $0x9;
	v4 =	vadd.s32 v0, v4;
	v11 =	vadd.s32 v0, v5  }
0x183: {  	v5 =	vld [tilespmem:s10+$0xFFFFFFF0];
	v3 =	vadd.s32 v3, v4;
	v4 =	vshll.u32 v6, $0x9;
	v6 =	vadd.s32 v0, v7  }
0x184: {  	v7 =	vld [tilespmem:s29+$0x0];
	vm0 =	vgt.s32 v3, $0x0;
	vm1 =	vlt.u32 v3, $0x2000;
	v4 =	vadd.s32 v4, v6  }
0x185: {  	v6 =	vshll.u32 v8, $0x9;
	v8 =	vld [tilespmem:s10+$0x0];
	v3 =	vnsel vm0, $0x0, v3;
	vm2 =	vlt.u32 v4, $0x2000  }
0x186: {  	vm0 =	vgt.s32 v4, $0x0;
	v12 =	vmin.u32 v3, $0x1FFF;
	v3 =	vadd.s32 v0, v9;
	v9 =	vld [tilespmem:s29+$0x10]  }
0x187: {  	v4 =	vnsel vm0, $0x0, v4;
	v6 =	vadd.s32 v6, v3;
	v3 =	vshll.u32 v10, $0x9;
	v10 =	vld [tilespmem:s10+$0x10]  }
0x188: {  	v13 =	vmin.u32 v4, $0x1FFF;
	v4 =	vadd.s32 v0, v5;
	v5 =	vld [tilespmem:s29+$0x20];
	vm0 =	vgt.s32 v6, $0x0  }
0x189: {  	v15 =	vadd.s32 v3, v4;
	v4 =	vshll.u32 v7, $0x9;
	v7 =	vld [tilespmem:s10+$0x20];
	v14 =	vnsel vm0, $0x0, v6  }
0x18a: {  	vm0 =	vgt.s32 v15, $0x0;
	v8 =	vadd.s32 v0, v8;
	v3 =	vmin.u32 v14, $0x1FFF  }
0x18b: {  	v63 =	vld [tilespmem:s29+$0xFFFFFFC0];
	v8 =	vadd.s32 v4, v8;
	v4 =	vnsel vm0, $0x0, v15;
	v9 =	vshll.u32 v9, $0x9  }
0x18c: {  	v4 =	vmin.u32 v4, $0x1FFF;
	vm0 =	vgt.s32 v8, $0x0;
	v10 =	vadd.s32 v0, v10  }
0x18d: {  	[tilespmem:v12+s26+$0x0] =	vst.idx.add.f32.msk vm1, v2;
	vm1 =	vlt.u32 v15, $0x2000;
	v16 =	vshll.u32 v5, $0x9;
	v9 =	vadd.s32 v9, v10  }
0x18e: {  	v10 =	vnsel vm0, $0x0, v8;
	v7 =	vadd.s32 v0, v7;
	vm0 =	vlt.u32 v6, $0x2000  }
0x18f: {  	v5 =	vmin.u32 v10, $0x1FFF;
	vm3 =	vgt.s32 v9, $0x0;
	v10 =	vadd.s32 v16, v7  }
0x190: {  	v7 =	vshll.u32 v63, $0x9;
	v6 =	vnsel vm3, $0x0, v9;
	vm3 =	vgt.s32 v10, $0x0  }
0x191: {  	v11 =	vadd.s32 v7, v11;
	v6 =	vmin.u32 v6, $0x1FFF;
	v7 =	vnsel vm3, $0x0, v10  }
0x192: {  	s11 =	simm.s32 $0x0;
	s22 =	simm.s32 $0x4FC0;
	[tilespmem:v13+s26+$0x0] =	vst.idx.add.f32.msk vm2, v2;
	vm5 =	vlt.u32 v11, $0x2000;
	vm2 =	vgt.s32 v11, $0x0;
	v7 =	vmin.u32 v7, $0x1FFF  }
.LBB2_12:
0x193: {  	v12 =	vld [tilespmem:s22+$0x30];
	v11 =	vnsel vm2, $0x0, v11;
	vm4 =	vlt.u32 v8, $0x2000;
	vm2 =	vlt.u32 v9, $0x2000;
	s10 =	sadd.s32 $0x80, s10  }
0x194: {  	s11 =	sadd.s32 $0x8, s11;
	vm3 =	vlt.u32 v10, $0x2000;
	v8 =	vld [tilespmem:s10+$0x30];
	v9 =	vmin.u32 v11, $0x1FFF  }
0x195: {  	p0 =	slt.u32 s11, $0x268;
	v10 =	vld [tilespmem:s10+$0xFFFFFFC0]  }
0x196: {  	v11 =	vld [tilespmem:s22+$0xFFFFFFD0]  }
0x197: {  	v13 =	vld [tilespmem:s10+$0xFFFFFFD0]  }
0x198: {  	v14 =	vld [tilespmem:s22+$0xFFFFFFE0]  }
0x199: {  	v12 =	vshll.u32 v12, $0x9;
	v15 =	vld [tilespmem:s10+$0xFFFFFFE0];
	v8 =	vadd.s32 v0, v8  }
0x19a: {  	v16 =	vadd.s32 v0, v10;
	v10 =	vld [tilespmem:s22+$0xFFFFFFF0];
	v8 =	vadd.s32 v12, v8  }
0x19b: {  	v11 =	vshll.u32 v11, $0x9;
	v12 =	vld [tilespmem:s10+$0xFFFFFFF0];
	vm6 =	vgt.s32 v8, $0x0  }
0x19c: {  	vm7 =	vlt.u32 v8, $0x2000;
	v13 =	vadd.s32 v0, v13;
	v17 =	vld [tilespmem:s22+$0x0];
	v8 =	vnsel vm6, $0x0, v8  }
0x19d: {  	v11 =	vadd.s32 v11, v13;
	v13 =	vshll.u32 v14, $0x9;
	v14 =	vld [tilespmem:s10+$0x0];
	v8 =	vmin.u32 v8, $0x1FFF  }
0x19e: {  	vm6 =	vlt.u32 v11, $0x2000;
	vm8 =	vgt.s32 v11, $0x0;
	v15 =	vadd.s32 v0, v15;
	v18 =	vld [tilespmem:s22+$0x10]  }
0x19f: {  	v11 =	vnsel vm8, $0x0, v11;
	v13 =	vadd.s32 v13, v15;
	v10 =	vshll.u32 v10, $0x9;
	v15 =	vld [tilespmem:s10+$0x10]  }
0x1a0: {  	v11 =	vmin.u32 v11, $0x1FFF;
	vm8 =	vgt.s32 v13, $0x0;
	v12 =	vadd.s32 v0, v12;
	v19 =	vld [tilespmem:s22+$0x20]  }
0x1a1: {  	v20 =	vnsel vm8, $0x0, v13;
	v12 =	vadd.s32 v10, v12;
	v10 =	vshll.u32 v17, $0x9;
	v17 =	vld [tilespmem:s10+$0x20]  }
0x1a2: {  	v20 =	vmin.u32 v20, $0x1FFF;
	vm8 =	vgt.s32 v12, $0x0;
	v14 =	vadd.s32 v0, v14;
	[tilespmem:v8+s26+$0x0] =	vst.idx.add.f32.msk vm7, v2  }
0x1a3: {  	v21 =	vld [tilespmem:s22+$0xFFFFFFC0];
	v22 =	vnsel vm8, $0x0, v12;
	v8 =	vadd.s32 v10, v14;
	v10 =	vshll.u32 v18, $0x9  }
0x1a4: {  	v14 =	vmin.u32 v22, $0x1FFF;
	vm7 =	vgt.s32 v8, $0x0;
	v15 =	vadd.s32 v0, v15;
	[tilespmem:v9+s26+$0x0] =	vst.idx.add.f32.msk vm5, v2  }
0x1a5: {  	[tilespmem:v11+s26+$0x0] =	vst.idx.add.f32.msk vm6, v2;
	v11 =	vnsel vm7, $0x0, v8;
	v9 =	vadd.s32 v10, v15;
	v10 =	vshll.u32 v19, $0x9  }
.Ltmp5:
0x1a6: {  	v11 =	vmin.u32 v11, $0x1FFF;
	vm5 =	vgt.s32 v9, $0x0;
	v15 =	vadd.s32 v0, v17;
	[tilespmem:v3+s26+$0x0] =	vst.idx.add.f32.msk vm0, v2;
	v3 =	vmovc v20;
	(pc) =	sbr.rel @p0 .LBB2_12-.Ltmp5, $4  }
0x1a7: {  	vm0 =	vlt.u32 v13, $0x2000;
	v13 =	vnsel vm5, $0x0, v9;
	v10 =	vadd.s32 v10, v15;
	[tilespmem:v4+s26+$0x0] =	vst.idx.add.f32.msk vm1, v2;
	v4 =	vmovc v14  }
0x1a8: {  	v14 =	vshll.u32 v21, $0x9;
	v13 =	vmin.u32 v13, $0x1FFF;
	vm5 =	vgt.s32 v10, $0x0;
	[tilespmem:v5+s26+$0x0] =	vst.idx.add.f32.msk vm4, v2;
	v5 =	vmovc v11  }
0x1a9: {  	vm1 =	vlt.u32 v12, $0x2000;
	v11 =	vadd.s32 v14, v16;
	v12 =	vnsel vm5, $0x0, v10;
	[tilespmem:v6+s26+$0x0] =	vst.idx.add.f32.msk vm2, v2;
	v6 =	vmovc v13  }
0x1aa: {  	s22 =	sadd.s32 $0x80, s22;
	vm5 =	vlt.u32 v11, $0x2000;
	vm2 =	vgt.s32 v11, $0x0;
	[tilespmem:v7+s26+$0x0] =	vst.idx.add.f32.msk vm3, v2;
	v7 =	vmin.u32 v12, $0x1FFF  }
0x1ab: {  	_ = 	snop  }
0x1ac: {  	v11 =	vnsel vm2, $0x0, v11  }
0x1ad: {  	vm2 =	vlt.u32 v8, $0x2000;
	v11 =	vmin.u32 v11, $0x1FFF  }
0x1ae: {  	vm3 =	vlt.u32 v9, $0x2000  }
0x1af: {  	vm4 =	vlt.u32 v10, $0x2000  }
0x1b0: {  	[tilespmem:v3+s26+$0x0] =	vst.idx.add.f32.msk vm0, v2  }
0x1b1: {  	[tilespmem:v4+s26+$0x0] =	vst.idx.add.f32.msk vm1, v2  }
0x1b2: {  	[tilespmem:v11+s26+$0x0] =	vst.idx.add.f32.msk vm5, v2  }
0x1b3: {  	[tilespmem:v5+s26+$0x0] =	vst.idx.add.f32.msk vm2, v2  }
0x1b4: {  	[tilespmem:v6+s26+$0x0] =	vst.idx.add.f32.msk vm3, v2  }
0x1b5: {  	[tilespmem:v7+s26+$0x0] =	vst.idx.add.f32.msk vm4, v2  }
0x1b6: {  	v3 =	vld [tilespmem:$0x7600]  }
0x1b7: {  	v4 =	vld [tilespmem:$0x2700];
	_ =	sdelay $0x4  }
0x1b8: {  	v3 =	vshll.u32 v3, $0x9;
	v4 =	vadd.s32 v0, v4  }
0x1b9: {  	v3 =	vadd.s32 v3, v4  }
0x1ba: {  	vm0 =	vgt.s32 v3, $0x0  }
0x1bb: {  	vm1 =	vlt.u32 v3, $0x2000;
	v3 =	vnsel vm0, $0x0, v3  }
0x1bc: {  	v3 =	vmin.u32 v3, $0x1FFF;
	_ =	sdelay $0x4  }
0x1bd: {  	s5 =	rddreg [dreg:$0x18];
	[tilespmem:v3+s26+$0x0] =	vst.idx.add.f32.msk vm1, v2  }
0x1be: {  	[tilespmem:s3], [sflag:$0x5] =	stream.linear.gather [hbm4b:s5+s3], $0x2710, $0x38;
	[tilespmem:$0x10600] =	vst v63  }
0x1bf: {  	s22 =	rddreg [dreg:$0x19]  }
0x1c0: {  	[tilespmem:s23], [sflag:$0x5] =	stream.linear.gather [hbm4b:s22+s3], $0x2710, $0x38;
	[tilespmem:$0x10600] =	vst v63  }
0x1c1: {  	_ =	swait.ge [sflag:s28], $0x2710  }
0x1c2: {  	[sflag:s28] =	ssyncset.done $0x0  }
0x1c3: {  	[sflag:s28] =	ssyncadd.s32 $0xFFFFD8F0  }
0x1c4: {  	_ =	swait.ge [sflag:s28], $0x2710  }
0x1c5: {  	[sflag:s28] =	ssyncset.done $0x0  }
0x1c6: {  	s29 =	simm.s32 $0x76C0;
	[sflag:s28] =	ssyncadd.s32 $0xFFFFD8F0  }
0x1c7: {  	s10 =	simm.s32 $0x27C0;
	v3 =	vld [tilespmem:s29+$0x30]  }
0x1c8: {  	v4 =	vld [tilespmem:s10+$0x30]  }
0x1c9: {  	v5 =	vld [tilespmem:s10+$0xFFFFFFC0]  }
0x1ca: {  	v6 =	vld [tilespmem:s29+$0xFFFFFFD0]  }
0x1cb: {  	v7 =	vld [tilespmem:s10+$0xFFFFFFD0];
	_ =	sdelay $0x1  }
0x1cc: {  	v8 =	vld [tilespmem:s29+$0xFFFFFFE0]  }
0x1cd: {  	v9 =	vld [tilespmem:s10+$0xFFFFFFE0]  }
0x1ce: {  	v10 =	vld [tilespmem:s29+$0xFFFFFFF0];
	v3 =	vshll.u32 v3, $0x9;
	v4 =	vadd.s32 v0, v4;
	v11 =	vadd.s32 v0, v5  }
0x1cf: {  	v5 =	vld [tilespmem:s10+$0xFFFFFFF0];
	v3 =	vadd.s32 v3, v4;
	v4 =	vshll.u32 v6, $0x9;
	v6 =	vadd.s32 v0, v7  }
0x1d0: {  	v7 =	vld [tilespmem:s29+$0x0];
	vm0 =	vgt.s32 v3, $0x0;
	vm1 =	vlt.u32 v3, $0x2000;
	v4 =	vadd.s32 v4, v6  }
0x1d1: {  	v6 =	vshll.u32 v8, $0x9;
	v8 =	vld [tilespmem:s10+$0x0];
	v3 =	vnsel vm0, $0x0, v3;
	vm2 =	vlt.u32 v4, $0x2000  }
0x1d2: {  	vm0 =	vgt.s32 v4, $0x0;
	v12 =	vmin.u32 v3, $0x1FFF;
	v3 =	vadd.s32 v0, v9;
	v9 =	vld [tilespmem:s29+$0x10]  }
0x1d3: {  	v4 =	vnsel vm0, $0x0, v4;
	v6 =	vadd.s32 v6, v3;
	v3 =	vshll.u32 v10, $0x9;
	v10 =	vld [tilespmem:s10+$0x10]  }
0x1d4: {  	v13 =	vmin.u32 v4, $0x1FFF;
	v4 =	vadd.s32 v0, v5;
	v5 =	vld [tilespmem:s29+$0x20];
	vm0 =	vgt.s32 v6, $0x0  }
0x1d5: {  	v15 =	vadd.s32 v3, v4;
	v4 =	vshll.u32 v7, $0x9;
	v7 =	vld [tilespmem:s10+$0x20];
	v14 =	vnsel vm0, $0x0, v6  }
0x1d6: {  	vm0 =	vgt.s32 v15, $0x0;
	v8 =	vadd.s32 v0, v8;
	v3 =	vmin.u32 v14, $0x1FFF  }
0x1d7: {  	v63 =	vld [tilespmem:s29+$0xFFFFFFC0];
	v8 =	vadd.s32 v4, v8;
	v4 =	vnsel vm0, $0x0, v15;
	v9 =	vshll.u32 v9, $0x9  }
0x1d8: {  	v4 =	vmin.u32 v4, $0x1FFF;
	vm0 =	vgt.s32 v8, $0x0;
	v10 =	vadd.s32 v0, v10  }
0x1d9: {  	[tilespmem:v12+s26+$0x0] =	vst.idx.add.f32.msk vm1, v2;
	vm1 =	vlt.u32 v15, $0x2000;
	v16 =	vshll.u32 v5, $0x9;
	v9 =	vadd.s32 v9, v10  }
0x1da: {  	v10 =	vnsel vm0, $0x0, v8;
	v7 =	vadd.s32 v0, v7;
	vm0 =	vlt.u32 v6, $0x2000  }
0x1db: {  	v5 =	vmin.u32 v10, $0x1FFF;
	vm3 =	vgt.s32 v9, $0x0;
	v10 =	vadd.s32 v16, v7  }
0x1dc: {  	v7 =	vshll.u32 v63, $0x9;
	v6 =	vnsel vm3, $0x0, v9;
	vm3 =	vgt.s32 v10, $0x0  }
0x1dd: {  	v11 =	vadd.s32 v7, v11;
	v6 =	vmin.u32 v6, $0x1FFF;
	v7 =	vnsel vm3, $0x0, v10  }
0x1de: {  	s11 =	simm.s32 $0x0;
	s22 =	simm.s32 $0x7740;
	[tilespmem:v13+s26+$0x0] =	vst.idx.add.f32.msk vm2, v2;
	vm5 =	vlt.u32 v11, $0x2000;
	vm2 =	vgt.s32 v11, $0x0;
	v7 =	vmin.u32 v7, $0x1FFF  }
.LBB2_14:
0x1df: {  	v12 =	vld [tilespmem:s22+$0x30];
	v11 =	vnsel vm2, $0x0, v11;
	vm4 =	vlt.u32 v8, $0x2000;
	vm2 =	vlt.u32 v9, $0x2000;
	s10 =	sadd.s32 $0x80, s10  }
0x1e0: {  	s11 =	sadd.s32 $0x8, s11;
	vm3 =	vlt.u32 v10, $0x2000;
	v8 =	vld [tilespmem:s10+$0x30];
	v9 =	vmin.u32 v11, $0x1FFF  }
0x1e1: {  	p0 =	slt.u32 s11, $0x268;
	v10 =	vld [tilespmem:s10+$0xFFFFFFC0]  }
0x1e2: {  	v11 =	vld [tilespmem:s22+$0xFFFFFFD0]  }
0x1e3: {  	v13 =	vld [tilespmem:s10+$0xFFFFFFD0]  }
0x1e4: {  	v14 =	vld [tilespmem:s22+$0xFFFFFFE0]  }
0x1e5: {  	v12 =	vshll.u32 v12, $0x9;
	v15 =	vld [tilespmem:s10+$0xFFFFFFE0];
	v8 =	vadd.s32 v0, v8  }
0x1e6: {  	v16 =	vadd.s32 v0, v10;
	v10 =	vld [tilespmem:s22+$0xFFFFFFF0];
	v8 =	vadd.s32 v12, v8  }
0x1e7: {  	v11 =	vshll.u32 v11, $0x9;
	v12 =	vld [tilespmem:s10+$0xFFFFFFF0];
	vm6 =	vgt.s32 v8, $0x0  }
0x1e8: {  	vm7 =	vlt.u32 v8, $0x2000;
	v13 =	vadd.s32 v0, v13;
	v17 =	vld [tilespmem:s22+$0x0];
	v8 =	vnsel vm6, $0x0, v8  }
0x1e9: {  	v11 =	vadd.s32 v11, v13;
	v13 =	vshll.u32 v14, $0x9;
	v14 =	vld [tilespmem:s10+$0x0];
	v8 =	vmin.u32 v8, $0x1FFF  }
0x1ea: {  	vm6 =	vlt.u32 v11, $0x2000;
	vm8 =	vgt.s32 v11, $0x0;
	v15 =	vadd.s32 v0, v15;
	v18 =	vld [tilespmem:s22+$0x10]  }
0x1eb: {  	v11 =	vnsel vm8, $0x0, v11;
	v13 =	vadd.s32 v13, v15;
	v10 =	vshll.u32 v10, $0x9;
	v15 =	vld [tilespmem:s10+$0x10]  }
0x1ec: {  	v11 =	vmin.u32 v11, $0x1FFF;
	vm8 =	vgt.s32 v13, $0x0;
	v12 =	vadd.s32 v0, v12;
	v19 =	vld [tilespmem:s22+$0x20]  }
0x1ed: {  	v20 =	vnsel vm8, $0x0, v13;
	v12 =	vadd.s32 v10, v12;
	v10 =	vshll.u32 v17, $0x9;
	v17 =	vld [tilespmem:s10+$0x20]  }
0x1ee: {  	v20 =	vmin.u32 v20, $0x1FFF;
	vm8 =	vgt.s32 v12, $0x0;
	v14 =	vadd.s32 v0, v14;
	[tilespmem:v8+s26+$0x0] =	vst.idx.add.f32.msk vm7, v2  }
0x1ef: {  	v21 =	vld [tilespmem:s22+$0xFFFFFFC0];
	v22 =	vnsel vm8, $0x0, v12;
	v8 =	vadd.s32 v10, v14;
	v10 =	vshll.u32 v18, $0x9  }
0x1f0: {  	v14 =	vmin.u32 v22, $0x1FFF;
	vm7 =	vgt.s32 v8, $0x0;
	v15 =	vadd.s32 v0, v15;
	[tilespmem:v9+s26+$0x0] =	vst.idx.add.f32.msk vm5, v2  }
0x1f1: {  	[tilespmem:v11+s26+$0x0] =	vst.idx.add.f32.msk vm6, v2;
	v11 =	vnsel vm7, $0x0, v8;
	v9 =	vadd.s32 v10, v15;
	v10 =	vshll.u32 v19, $0x9  }
.Ltmp6:
0x1f2: {  	v11 =	vmin.u32 v11, $0x1FFF;
	vm5 =	vgt.s32 v9, $0x0;
	v15 =	vadd.s32 v0, v17;
	[tilespmem:v3+s26+$0x0] =	vst.idx.add.f32.msk vm0, v2;
	v3 =	vmovc v20;
	(pc) =	sbr.rel @p0 .LBB2_14-.Ltmp6, $4  }
0x1f3: {  	vm0 =	vlt.u32 v13, $0x2000;
	v13 =	vnsel vm5, $0x0, v9;
	v10 =	vadd.s32 v10, v15;
	[tilespmem:v4+s26+$0x0] =	vst.idx.add.f32.msk vm1, v2;
	v4 =	vmovc v14  }
0x1f4: {  	v14 =	vshll.u32 v21, $0x9;
	v13 =	vmin.u32 v13, $0x1FFF;
	vm5 =	vgt.s32 v10, $0x0;
	[tilespmem:v5+s26+$0x0] =	vst.idx.add.f32.msk vm4, v2;
	v5 =	vmovc v11  }
0x1f5: {  	vm1 =	vlt.u32 v12, $0x2000;
	v11 =	vadd.s32 v14, v16;
	v12 =	vnsel vm5, $0x0, v10;
	[tilespmem:v6+s26+$0x0] =	vst.idx.add.f32.msk vm2, v2;
	v6 =	vmovc v13  }
0x1f6: {  	s22 =	sadd.s32 $0x80, s22;
	vm5 =	vlt.u32 v11, $0x2000;
	vm2 =	vgt.s32 v11, $0x0;
	[tilespmem:v7+s26+$0x0] =	vst.idx.add.f32.msk vm3, v2;
	v7 =	vmin.u32 v12, $0x1FFF  }
0x1f7: {  	_ = 	snop  }
0x1f8: {  	v11 =	vnsel vm2, $0x0, v11  }
0x1f9: {  	vm2 =	vlt.u32 v8, $0x2000;
	v11 =	vmin.u32 v11, $0x1FFF  }
0x1fa: {  	vm3 =	vlt.u32 v9, $0x2000  }
0x1fb: {  	vm4 =	vlt.u32 v10, $0x2000  }
0x1fc: {  	[tilespmem:v3+s26+$0x0] =	vst.idx.add.f32.msk vm0, v2  }
0x1fd: {  	[tilespmem:v4+s26+$0x0] =	vst.idx.add.f32.msk vm1, v2  }
0x1fe: {  	[tilespmem:v11+s26+$0x0] =	vst.idx.add.f32.msk vm5, v2  }
0x1ff: {  	[tilespmem:v5+s26+$0x0] =	vst.idx.add.f32.msk vm2, v2  }
0x200: {  	[tilespmem:v6+s26+$0x0] =	vst.idx.add.f32.msk vm3, v2  }
0x201: {  	[tilespmem:v7+s26+$0x0] =	vst.idx.add.f32.msk vm4, v2  }
0x202: {  	v3 =	vld [tilespmem:$0x9D80]  }
0x203: {  	v4 =	vld [tilespmem:$0x4E80];
	_ =	sdelay $0x4  }
0x204: {  	v3 =	vshll.u32 v3, $0x9;
	v4 =	vadd.s32 v0, v4  }
0x205: {  	v3 =	vadd.s32 v3, v4  }
0x206: {  	vm0 =	vgt.s32 v3, $0x0  }
0x207: {  	vm1 =	vlt.u32 v3, $0x2000;
	v3 =	vnsel vm0, $0x0, v3  }
0x208: {  	v3 =	vmin.u32 v3, $0x1FFF;
	_ =	sdelay $0x4  }
0x209: {  	s5 =	rddreg [dreg:$0x1a];
	[tilespmem:v3+s26+$0x0] =	vst.idx.add.f32.msk vm1, v2  }
0x20a: {  	[tilespmem:s24], [sflag:$0x6] =	stream.linear.gather [hbm4b:s5+s3], $0x2710, $0x38;
	[tilespmem:$0x10600] =	vst v63  }
0x20b: {  	s10 =	simm.s32 $0x7680;
	s22 =	rddreg [dreg:$0x1b]  }
0x20c: {  	[tilespmem:s10], [sflag:$0x6] =	stream.linear.gather [hbm4b:s22+s3], $0x2710, $0x38;
	[tilespmem:$0x10600] =	vst v63  }
0x20d: {  	_ =	swait.ge [sflag:s25], $0x2710  }
0x20e: {  	[sflag:s25] =	ssyncset.done $0x0  }
0x20f: {  	[sflag:s25] =	ssyncadd.s32 $0xFFFFD8F0  }
0x210: {  	_ =	swait.ge [sflag:s25], $0x2710  }
0x211: {  	[sflag:s25] =	ssyncset.done $0x0  }
0x212: {  	s29 =	simm.s32 $0x4F40;
	[sflag:s25] =	ssyncadd.s32 $0xFFFFD8F0  }
0x213: {  	s10 =	simm.s32 $0x40;
	v3 =	vld [tilespmem:s29+$0x30]  }
0x214: {  	v4 =	vld [tilespmem:s10+$0x30]  }
0x215: {  	v5 =	vld [tilespmem:s10+$0xFFFFFFC0]  }
0x216: {  	v6 =	vld [tilespmem:s29+$0xFFFFFFD0]  }
0x217: {  	v7 =	vld [tilespmem:s10+$0xFFFFFFD0];
	_ =	sdelay $0x1  }
0x218: {  	v8 =	vld [tilespmem:s29+$0xFFFFFFE0]  }
0x219: {  	v9 =	vld [tilespmem:s10+$0xFFFFFFE0]  }
0x21a: {  	v10 =	vld [tilespmem:s29+$0xFFFFFFF0];
	v3 =	vshll.u32 v3, $0x9;
	v4 =	vadd.s32 v0, v4;
	v11 =	vadd.s32 v0, v5  }
0x21b: {  	v5 =	vld [tilespmem:s10+$0xFFFFFFF0];
	v3 =	vadd.s32 v3, v4;
	v4 =	vshll.u32 v6, $0x9;
	v6 =	vadd.s32 v0, v7  }
0x21c: {  	v7 =	vld [tilespmem:s29+$0x0];
	vm0 =	vgt.s32 v3, $0x0;
	vm1 =	vlt.u32 v3, $0x2000;
	v4 =	vadd.s32 v4, v6  }
0x21d: {  	v6 =	vshll.u32 v8, $0x9;
	v8 =	vld [tilespmem:s10+$0x0];
	v3 =	vnsel vm0, $0x0, v3;
	vm2 =	vlt.u32 v4, $0x2000  }
0x21e: {  	vm0 =	vgt.s32 v4, $0x0;
	v12 =	vmin.u32 v3, $0x1FFF;
	v3 =	vadd.s32 v0, v9;
	v9 =	vld [tilespmem:s29+$0x10]  }
0x21f: {  	v4 =	vnsel vm0, $0x0, v4;
	v6 =	vadd.s32 v6, v3;
	v3 =	vshll.u32 v10, $0x9;
	v10 =	vld [tilespmem:s10+$0x10]  }
0x220: {  	v13 =	vmin.u32 v4, $0x1FFF;
	v4 =	vadd.s32 v0, v5;
	v5 =	vld [tilespmem:s29+$0x20];
	vm0 =	vgt.s32 v6, $0x0  }
0x221: {  	v15 =	vadd.s32 v3, v4;
	v4 =	vshll.u32 v7, $0x9;
	v7 =	vld [tilespmem:s10+$0x20];
	v14 =	vnsel vm0, $0x0, v6  }
0x222: {  	vm0 =	vgt.s32 v15, $0x0;
	v8 =	vadd.s32 v0, v8;
	v3 =	vmin.u32 v14, $0x1FFF  }
0x223: {  	v63 =	vld [tilespmem:s29+$0xFFFFFFC0];
	v8 =	vadd.s32 v4, v8;
	v4 =	vnsel vm0, $0x0, v15;
	v9 =	vshll.u32 v9, $0x9  }
0x224: {  	v4 =	vmin.u32 v4, $0x1FFF;
	vm0 =	vgt.s32 v8, $0x0;
	v10 =	vadd.s32 v0, v10  }
0x225: {  	[tilespmem:v12+s26+$0x0] =	vst.idx.add.f32.msk vm1, v2;
	vm1 =	vlt.u32 v15, $0x2000;
	v16 =	vshll.u32 v5, $0x9;
	v9 =	vadd.s32 v9, v10  }
0x226: {  	v10 =	vnsel vm0, $0x0, v8;
	v7 =	vadd.s32 v0, v7;
	vm0 =	vlt.u32 v6, $0x2000  }
0x227: {  	v5 =	vmin.u32 v10, $0x1FFF;
	vm3 =	vgt.s32 v9, $0x0;
	v10 =	vadd.s32 v16, v7  }
0x228: {  	v7 =	vshll.u32 v63, $0x9;
	v6 =	vnsel vm3, $0x0, v9;
	vm3 =	vgt.s32 v10, $0x0  }
0x229: {  	v11 =	vadd.s32 v7, v11;
	v6 =	vmin.u32 v6, $0x1FFF;
	v7 =	vnsel vm3, $0x0, v10  }
0x22a: {  	s11 =	simm.s32 $0x0;
	s22 =	simm.s32 $0x4FC0;
	[tilespmem:v13+s26+$0x0] =	vst.idx.add.f32.msk vm2, v2;
	vm5 =	vlt.u32 v11, $0x2000;
	vm2 =	vgt.s32 v11, $0x0;
	v7 =	vmin.u32 v7, $0x1FFF  }
.LBB2_16:
0x22b: {  	v12 =	vld [tilespmem:s22+$0x30];
	v11 =	vnsel vm2, $0x0, v11;
	vm4 =	vlt.u32 v8, $0x2000;
	vm2 =	vlt.u32 v9, $0x2000;
	s10 =	sadd.s32 $0x80, s10  }
0x22c: {  	s11 =	sadd.s32 $0x8, s11;
	vm3 =	vlt.u32 v10, $0x2000;
	v8 =	vld [tilespmem:s10+$0x30];
	v9 =	vmin.u32 v11, $0x1FFF  }
0x22d: {  	p0 =	slt.u32 s11, $0x268;
	v10 =	vld [tilespmem:s10+$0xFFFFFFC0]  }
0x22e: {  	v11 =	vld [tilespmem:s22+$0xFFFFFFD0]  }
0x22f: {  	v13 =	vld [tilespmem:s10+$0xFFFFFFD0]  }
0x230: {  	v14 =	vld [tilespmem:s22+$0xFFFFFFE0]  }
0x231: {  	v12 =	vshll.u32 v12, $0x9;
	v15 =	vld [tilespmem:s10+$0xFFFFFFE0];
	v8 =	vadd.s32 v0, v8  }
0x232: {  	v16 =	vadd.s32 v0, v10;
	v10 =	vld [tilespmem:s22+$0xFFFFFFF0];
	v8 =	vadd.s32 v12, v8  }
0x233: {  	v11 =	vshll.u32 v11, $0x9;
	v12 =	vld [tilespmem:s10+$0xFFFFFFF0];
	vm6 =	vgt.s32 v8, $0x0  }
0x234: {  	vm7 =	vlt.u32 v8, $0x2000;
	v13 =	vadd.s32 v0, v13;
	v17 =	vld [tilespmem:s22+$0x0];
	v8 =	vnsel vm6, $0x0, v8  }
0x235: {  	v11 =	vadd.s32 v11, v13;
	v13 =	vshll.u32 v14, $0x9;
	v14 =	vld [tilespmem:s10+$0x0];
	v8 =	vmin.u32 v8, $0x1FFF  }
0x236: {  	vm6 =	vlt.u32 v11, $0x2000;
	vm8 =	vgt.s32 v11, $0x0;
	v15 =	vadd.s32 v0, v15;
	v18 =	vld [tilespmem:s22+$0x10]  }
0x237: {  	v11 =	vnsel vm8, $0x0, v11;
	v13 =	vadd.s32 v13, v15;
	v10 =	vshll.u32 v10, $0x9;
	v15 =	vld [tilespmem:s10+$0x10]  }
0x238: {  	v11 =	vmin.u32 v11, $0x1FFF;
	vm8 =	vgt.s32 v13, $0x0;
	v12 =	vadd.s32 v0, v12;
	v19 =	vld [tilespmem:s22+$0x20]  }
0x239: {  	v20 =	vnsel vm8, $0x0, v13;
	v12 =	vadd.s32 v10, v12;
	v10 =	vshll.u32 v17, $0x9;
	v17 =	vld [tilespmem:s10+$0x20]  }
0x23a: {  	v20 =	vmin.u32 v20, $0x1FFF;
	vm8 =	vgt.s32 v12, $0x0;
	v14 =	vadd.s32 v0, v14;
	[tilespmem:v8+s26+$0x0] =	vst.idx.add.f32.msk vm7, v2  }
0x23b: {  	v21 =	vld [tilespmem:s22+$0xFFFFFFC0];
	v22 =	vnsel vm8, $0x0, v12;
	v8 =	vadd.s32 v10, v14;
	v10 =	vshll.u32 v18, $0x9  }
0x23c: {  	v14 =	vmin.u32 v22, $0x1FFF;
	vm7 =	vgt.s32 v8, $0x0;
	v15 =	vadd.s32 v0, v15;
	[tilespmem:v9+s26+$0x0] =	vst.idx.add.f32.msk vm5, v2  }
0x23d: {  	[tilespmem:v11+s26+$0x0] =	vst.idx.add.f32.msk vm6, v2;
	v11 =	vnsel vm7, $0x0, v8;
	v9 =	vadd.s32 v10, v15;
	v10 =	vshll.u32 v19, $0x9  }
.Ltmp7:
0x23e: {  	v11 =	vmin.u32 v11, $0x1FFF;
	vm5 =	vgt.s32 v9, $0x0;
	v15 =	vadd.s32 v0, v17;
	[tilespmem:v3+s26+$0x0] =	vst.idx.add.f32.msk vm0, v2;
	v3 =	vmovc v20;
	(pc) =	sbr.rel @p0 .LBB2_16-.Ltmp7, $4  }
0x23f: {  	vm0 =	vlt.u32 v13, $0x2000;
	v13 =	vnsel vm5, $0x0, v9;
	v10 =	vadd.s32 v10, v15;
	[tilespmem:v4+s26+$0x0] =	vst.idx.add.f32.msk vm1, v2;
	v4 =	vmovc v14  }
0x240: {  	v14 =	vshll.u32 v21, $0x9;
	v13 =	vmin.u32 v13, $0x1FFF;
	vm5 =	vgt.s32 v10, $0x0;
	[tilespmem:v5+s26+$0x0] =	vst.idx.add.f32.msk vm4, v2;
	v5 =	vmovc v11  }
0x241: {  	vm1 =	vlt.u32 v12, $0x2000;
	v11 =	vadd.s32 v14, v16;
	v12 =	vnsel vm5, $0x0, v10;
	[tilespmem:v6+s26+$0x0] =	vst.idx.add.f32.msk vm2, v2;
	v6 =	vmovc v13  }
0x242: {  	s22 =	sadd.s32 $0x80, s22;
	vm5 =	vlt.u32 v11, $0x2000;
	vm2 =	vgt.s32 v11, $0x0;
	[tilespmem:v7+s26+$0x0] =	vst.idx.add.f32.msk vm3, v2;
	v7 =	vmin.u32 v12, $0x1FFF  }
0x243: {  	_ = 	snop  }
0x244: {  	v11 =	vnsel vm2, $0x0, v11  }
0x245: {  	vm2 =	vlt.u32 v8, $0x2000;
	v11 =	vmin.u32 v11, $0x1FFF  }
0x246: {  	vm3 =	vlt.u32 v9, $0x2000  }
0x247: {  	vm4 =	vlt.u32 v10, $0x2000  }
0x248: {  	[tilespmem:v3+s26+$0x0] =	vst.idx.add.f32.msk vm0, v2  }
0x249: {  	[tilespmem:v4+s26+$0x0] =	vst.idx.add.f32.msk vm1, v2  }
0x24a: {  	[tilespmem:v11+s26+$0x0] =	vst.idx.add.f32.msk vm5, v2  }
0x24b: {  	[tilespmem:v5+s26+$0x0] =	vst.idx.add.f32.msk vm2, v2  }
0x24c: {  	[tilespmem:v6+s26+$0x0] =	vst.idx.add.f32.msk vm3, v2  }
0x24d: {  	[tilespmem:v7+s26+$0x0] =	vst.idx.add.f32.msk vm4, v2  }
0x24e: {  	v3 =	vld [tilespmem:$0x7600]  }
0x24f: {  	v4 =	vld [tilespmem:$0x2700];
	_ =	sdelay $0x4  }
0x250: {  	v3 =	vshll.u32 v3, $0x9;
	v4 =	vadd.s32 v0, v4  }
0x251: {  	v3 =	vadd.s32 v3, v4  }
0x252: {  	vm0 =	vgt.s32 v3, $0x0  }
0x253: {  	vm1 =	vlt.u32 v3, $0x2000;
	v3 =	vnsel vm0, $0x0, v3  }
0x254: {  	v3 =	vmin.u32 v3, $0x1FFF;
	_ =	sdelay $0x4  }
0x255: {  	s5 =	rddreg [dreg:$0x1c];
	[tilespmem:v3+s26+$0x0] =	vst.idx.add.f32.msk vm1, v2  }
0x256: {  	[tilespmem:s3], [sflag:$0x5] =	stream.linear.gather [hbm4b:s5+s3], $0x2710, $0x38;
	[tilespmem:$0x10600] =	vst v63  }
0x257: {  	s22 =	rddreg [dreg:$0x1d]  }
0x258: {  	[tilespmem:s23], [sflag:$0x5] =	stream.linear.gather [hbm4b:s22+s3], $0x2710, $0x38;
	[tilespmem:$0x10600] =	vst v63  }
0x259: {  	_ =	swait.ge [sflag:s28], $0x2710  }
0x25a: {  	[sflag:s28] =	ssyncset.done $0x0  }
0x25b: {  	[sflag:s28] =	ssyncadd.s32 $0xFFFFD8F0  }
0x25c: {  	_ =	swait.ge [sflag:s28], $0x2710  }
0x25d: {  	[sflag:s28] =	ssyncset.done $0x0  }
0x25e: {  	s29 =	simm.s32 $0x76C0;
	[sflag:s28] =	ssyncadd.s32 $0xFFFFD8F0  }
0x25f: {  	s10 =	simm.s32 $0x27C0;
	v3 =	vld [tilespmem:s29+$0x30]  }
0x260: {  	v4 =	vld [tilespmem:s10+$0x30]  }
0x261: {  	v5 =	vld [tilespmem:s10+$0xFFFFFFC0]  }
0x262: {  	v6 =	vld [tilespmem:s29+$0xFFFFFFD0]  }
0x263: {  	v7 =	vld [tilespmem:s10+$0xFFFFFFD0];
	_ =	sdelay $0x1  }
0x264: {  	v8 =	vld [tilespmem:s29+$0xFFFFFFE0]  }
0x265: {  	v9 =	vld [tilespmem:s10+$0xFFFFFFE0]  }
0x266: {  	v10 =	vld [tilespmem:s29+$0xFFFFFFF0];
	v3 =	vshll.u32 v3, $0x9;
	v4 =	vadd.s32 v0, v4;
	v11 =	vadd.s32 v0, v5  }
0x267: {  	v5 =	vld [tilespmem:s10+$0xFFFFFFF0];
	v3 =	vadd.s32 v3, v4;
	v4 =	vshll.u32 v6, $0x9;
	v6 =	vadd.s32 v0, v7  }
0x268: {  	v7 =	vld [tilespmem:s29+$0x0];
	vm0 =	vgt.s32 v3, $0x0;
	vm1 =	vlt.u32 v3, $0x2000;
	v4 =	vadd.s32 v4, v6  }
0x269: {  	v6 =	vshll.u32 v8, $0x9;
	v8 =	vld [tilespmem:s10+$0x0];
	v3 =	vnsel vm0, $0x0, v3;
	vm2 =	vlt.u32 v4, $0x2000  }
0x26a: {  	vm0 =	vgt.s32 v4, $0x0;
	v12 =	vmin.u32 v3, $0x1FFF;
	v3 =	vadd.s32 v0, v9;
	v9 =	vld [tilespmem:s29+$0x10]  }
0x26b: {  	v4 =	vnsel vm0, $0x0, v4;
	v6 =	vadd.s32 v6, v3;
	v3 =	vshll.u32 v10, $0x9;
	v10 =	vld [tilespmem:s10+$0x10]  }
0x26c: {  	v13 =	vmin.u32 v4, $0x1FFF;
	v4 =	vadd.s32 v0, v5;
	v5 =	vld [tilespmem:s29+$0x20];
	vm0 =	vgt.s32 v6, $0x0  }
0x26d: {  	v15 =	vadd.s32 v3, v4;
	v4 =	vshll.u32 v7, $0x9;
	v7 =	vld [tilespmem:s10+$0x20];
	v14 =	vnsel vm0, $0x0, v6  }
0x26e: {  	vm0 =	vgt.s32 v15, $0x0;
	v8 =	vadd.s32 v0, v8;
	v3 =	vmin.u32 v14, $0x1FFF  }
0x26f: {  	v63 =	vld [tilespmem:s29+$0xFFFFFFC0];
	v8 =	vadd.s32 v4, v8;
	v4 =	vnsel vm0, $0x0, v15;
	v9 =	vshll.u32 v9, $0x9  }
0x270: {  	v4 =	vmin.u32 v4, $0x1FFF;
	vm0 =	vgt.s32 v8, $0x0;
	v10 =	vadd.s32 v0, v10  }
0x271: {  	[tilespmem:v12+s26+$0x0] =	vst.idx.add.f32.msk vm1, v2;
	vm1 =	vlt.u32 v15, $0x2000;
	v16 =	vshll.u32 v5, $0x9;
	v9 =	vadd.s32 v9, v10  }
0x272: {  	v10 =	vnsel vm0, $0x0, v8;
	v7 =	vadd.s32 v0, v7;
	vm0 =	vlt.u32 v6, $0x2000  }
0x273: {  	v5 =	vmin.u32 v10, $0x1FFF;
	vm3 =	vgt.s32 v9, $0x0;
	v10 =	vadd.s32 v16, v7  }
0x274: {  	v7 =	vshll.u32 v63, $0x9;
	v6 =	vnsel vm3, $0x0, v9;
	vm3 =	vgt.s32 v10, $0x0  }
0x275: {  	v11 =	vadd.s32 v7, v11;
	v6 =	vmin.u32 v6, $0x1FFF;
	v7 =	vnsel vm3, $0x0, v10  }
0x276: {  	s11 =	simm.s32 $0x0;
	s22 =	simm.s32 $0x7740;
	[tilespmem:v13+s26+$0x0] =	vst.idx.add.f32.msk vm2, v2;
	vm5 =	vlt.u32 v11, $0x2000;
	vm2 =	vgt.s32 v11, $0x0;
	v7 =	vmin.u32 v7, $0x1FFF  }
.LBB2_18:
0x277: {  	v12 =	vld [tilespmem:s22+$0x30];
	v11 =	vnsel vm2, $0x0, v11;
	vm4 =	vlt.u32 v8, $0x2000;
	vm2 =	vlt.u32 v9, $0x2000;
	s10 =	sadd.s32 $0x80, s10  }
0x278: {  	s11 =	sadd.s32 $0x8, s11;
	vm3 =	vlt.u32 v10, $0x2000;
	v8 =	vld [tilespmem:s10+$0x30];
	v9 =	vmin.u32 v11, $0x1FFF  }
0x279: {  	p0 =	slt.u32 s11, $0x268;
	v10 =	vld [tilespmem:s10+$0xFFFFFFC0]  }
0x27a: {  	v11 =	vld [tilespmem:s22+$0xFFFFFFD0]  }
0x27b: {  	v13 =	vld [tilespmem:s10+$0xFFFFFFD0]  }
0x27c: {  	v14 =	vld [tilespmem:s22+$0xFFFFFFE0]  }
0x27d: {  	v12 =	vshll.u32 v12, $0x9;
	v15 =	vld [tilespmem:s10+$0xFFFFFFE0];
	v8 =	vadd.s32 v0, v8  }
0x27e: {  	v16 =	vadd.s32 v0, v10;
	v10 =	vld [tilespmem:s22+$0xFFFFFFF0];
	v8 =	vadd.s32 v12, v8  }
0x27f: {  	v11 =	vshll.u32 v11, $0x9;
	v12 =	vld [tilespmem:s10+$0xFFFFFFF0];
	vm6 =	vgt.s32 v8, $0x0  }
0x280: {  	vm7 =	vlt.u32 v8, $0x2000;
	v13 =	vadd.s32 v0, v13;
	v17 =	vld [tilespmem:s22+$0x0];
	v8 =	vnsel vm6, $0x0, v8  }
0x281: {  	v11 =	vadd.s32 v11, v13;
	v13 =	vshll.u32 v14, $0x9;
	v14 =	vld [tilespmem:s10+$0x0];
	v8 =	vmin.u32 v8, $0x1FFF  }
0x282: {  	vm6 =	vlt.u32 v11, $0x2000;
	vm8 =	vgt.s32 v11, $0x0;
	v15 =	vadd.s32 v0, v15;
	v18 =	vld [tilespmem:s22+$0x10]  }
0x283: {  	v11 =	vnsel vm8, $0x0, v11;
	v13 =	vadd.s32 v13, v15;
	v10 =	vshll.u32 v10, $0x9;
	v15 =	vld [tilespmem:s10+$0x10]  }
0x284: {  	v11 =	vmin.u32 v11, $0x1FFF;
	vm8 =	vgt.s32 v13, $0x0;
	v12 =	vadd.s32 v0, v12;
	v19 =	vld [tilespmem:s22+$0x20]  }
0x285: {  	v20 =	vnsel vm8, $0x0, v13;
	v12 =	vadd.s32 v10, v12;
	v10 =	vshll.u32 v17, $0x9;
	v17 =	vld [tilespmem:s10+$0x20]  }
0x286: {  	v20 =	vmin.u32 v20, $0x1FFF;
	vm8 =	vgt.s32 v12, $0x0;
	v14 =	vadd.s32 v0, v14;
	[tilespmem:v8+s26+$0x0] =	vst.idx.add.f32.msk vm7, v2  }
0x287: {  	v21 =	vld [tilespmem:s22+$0xFFFFFFC0];
	v22 =	vnsel vm8, $0x0, v12;
	v8 =	vadd.s32 v10, v14;
	v10 =	vshll.u32 v18, $0x9  }
0x288: {  	v14 =	vmin.u32 v22, $0x1FFF;
	vm7 =	vgt.s32 v8, $0x0;
	v15 =	vadd.s32 v0, v15;
	[tilespmem:v9+s26+$0x0] =	vst.idx.add.f32.msk vm5, v2  }
0x289: {  	[tilespmem:v11+s26+$0x0] =	vst.idx.add.f32.msk vm6, v2;
	v11 =	vnsel vm7, $0x0, v8;
	v9 =	vadd.s32 v10, v15;
	v10 =	vshll.u32 v19, $0x9  }
.Ltmp8:
0x28a: {  	v11 =	vmin.u32 v11, $0x1FFF;
	vm5 =	vgt.s32 v9, $0x0;
	v15 =	vadd.s32 v0, v17;
	[tilespmem:v3+s26+$0x0] =	vst.idx.add.f32.msk vm0, v2;
	v3 =	vmovc v20;
	(pc) =	sbr.rel @p0 .LBB2_18-.Ltmp8, $4  }
0x28b: {  	vm0 =	vlt.u32 v13, $0x2000;
	v13 =	vnsel vm5, $0x0, v9;
	v10 =	vadd.s32 v10, v15;
	[tilespmem:v4+s26+$0x0] =	vst.idx.add.f32.msk vm1, v2;
	v4 =	vmovc v14  }
0x28c: {  	v14 =	vshll.u32 v21, $0x9;
	v13 =	vmin.u32 v13, $0x1FFF;
	vm5 =	vgt.s32 v10, $0x0;
	[tilespmem:v5+s26+$0x0] =	vst.idx.add.f32.msk vm4, v2;
	v5 =	vmovc v11  }
0x28d: {  	vm1 =	vlt.u32 v12, $0x2000;
	v11 =	vadd.s32 v14, v16;
	v12 =	vnsel vm5, $0x0, v10;
	[tilespmem:v6+s26+$0x0] =	vst.idx.add.f32.msk vm2, v2;
	v6 =	vmovc v13  }
0x28e: {  	s22 =	sadd.s32 $0x80, s22;
	vm5 =	vlt.u32 v11, $0x2000;
	vm2 =	vgt.s32 v11, $0x0;
	[tilespmem:v7+s26+$0x0] =	vst.idx.add.f32.msk vm3, v2;
	v7 =	vmin.u32 v12, $0x1FFF  }
0x28f: {  	_ = 	snop  }
0x290: {  	v11 =	vnsel vm2, $0x0, v11  }
0x291: {  	vm2 =	vlt.u32 v8, $0x2000;
	v11 =	vmin.u32 v11, $0x1FFF  }
0x292: {  	vm3 =	vlt.u32 v9, $0x2000  }
0x293: {  	vm4 =	vlt.u32 v10, $0x2000  }
0x294: {  	[tilespmem:v3+s26+$0x0] =	vst.idx.add.f32.msk vm0, v2  }
0x295: {  	[tilespmem:v4+s26+$0x0] =	vst.idx.add.f32.msk vm1, v2  }
0x296: {  	[tilespmem:v11+s26+$0x0] =	vst.idx.add.f32.msk vm5, v2  }
0x297: {  	[tilespmem:v5+s26+$0x0] =	vst.idx.add.f32.msk vm2, v2  }
0x298: {  	[tilespmem:v6+s26+$0x0] =	vst.idx.add.f32.msk vm3, v2  }
0x299: {  	[tilespmem:v7+s26+$0x0] =	vst.idx.add.f32.msk vm4, v2  }
0x29a: {  	v3 =	vld [tilespmem:$0x9D80]  }
0x29b: {  	v4 =	vld [tilespmem:$0x4E80];
	_ =	sdelay $0x4  }
0x29c: {  	v3 =	vshll.u32 v3, $0x9;
	v4 =	vadd.s32 v0, v4  }
0x29d: {  	v3 =	vadd.s32 v3, v4  }
0x29e: {  	vm0 =	vgt.s32 v3, $0x0  }
0x29f: {  	vm1 =	vlt.u32 v3, $0x2000;
	v3 =	vnsel vm0, $0x0, v3  }
0x2a0: {  	v3 =	vmin.u32 v3, $0x1FFF;
	_ =	sdelay $0x4  }
0x2a1: {  	s5 =	rddreg [dreg:$0x1e];
	[tilespmem:v3+s26+$0x0] =	vst.idx.add.f32.msk vm1, v2  }
0x2a2: {  	[tilespmem:s24], [sflag:$0x6] =	stream.linear.gather [hbm4b:s5+s3], $0x2710, $0x38;
	[tilespmem:$0x10600] =	vst v63  }
0x2a3: {  	s10 =	simm.s32 $0x7680;
	s24 =	rddreg [dreg:$0x1f]  }
0x2a4: {  	[tilespmem:s10], [sflag:$0x6] =	stream.linear.gather [hbm4b:s24+s3], $0x2710, $0x38;
	[tilespmem:$0x10600] =	vst v63  }
0x2a5: {  	_ =	swait.ge [sflag:s25], $0x2710  }
0x2a6: {  	[sflag:s25] =	ssyncset.done $0x0  }
0x2a7: {  	[sflag:s25] =	ssyncadd.s32 $0xFFFFD8F0  }
0x2a8: {  	_ =	swait.ge [sflag:s25], $0x2710  }
0x2a9: {  	[sflag:s25] =	ssyncset.done $0x0  }
0x2aa: {  	s29 =	simm.s32 $0x4F40;
	[sflag:s25] =	ssyncadd.s32 $0xFFFFD8F0  }
0x2ab: {  	s10 =	simm.s32 $0x40;
	v3 =	vld [tilespmem:s29+$0x30]  }
0x2ac: {  	v4 =	vld [tilespmem:s10+$0x30]  }
0x2ad: {  	v5 =	vld [tilespmem:s10+$0xFFFFFFC0]  }
0x2ae: {  	v6 =	vld [tilespmem:s29+$0xFFFFFFD0]  }
0x2af: {  	v7 =	vld [tilespmem:s10+$0xFFFFFFD0];
	_ =	sdelay $0x1  }
0x2b0: {  	v8 =	vld [tilespmem:s29+$0xFFFFFFE0]  }
0x2b1: {  	v9 =	vld [tilespmem:s10+$0xFFFFFFE0]  }
0x2b2: {  	v10 =	vld [tilespmem:s29+$0xFFFFFFF0];
	v3 =	vshll.u32 v3, $0x9;
	v4 =	vadd.s32 v0, v4;
	v11 =	vadd.s32 v0, v5  }
0x2b3: {  	v5 =	vld [tilespmem:s10+$0xFFFFFFF0];
	v3 =	vadd.s32 v3, v4;
	v4 =	vshll.u32 v6, $0x9;
	v6 =	vadd.s32 v0, v7  }
0x2b4: {  	v7 =	vld [tilespmem:s29+$0x0];
	vm0 =	vgt.s32 v3, $0x0;
	vm1 =	vlt.u32 v3, $0x2000;
	v4 =	vadd.s32 v4, v6  }
0x2b5: {  	v6 =	vshll.u32 v8, $0x9;
	v8 =	vld [tilespmem:s10+$0x0];
	v3 =	vnsel vm0, $0x0, v3;
	vm2 =	vlt.u32 v4, $0x2000  }
0x2b6: {  	vm0 =	vgt.s32 v4, $0x0;
	v12 =	vmin.u32 v3, $0x1FFF;
	v3 =	vadd.s32 v0, v9;
	v9 =	vld [tilespmem:s29+$0x10]  }
0x2b7: {  	v4 =	vnsel vm0, $0x0, v4;
	v6 =	vadd.s32 v6, v3;
	v3 =	vshll.u32 v10, $0x9;
	v10 =	vld [tilespmem:s10+$0x10]  }
0x2b8: {  	v13 =	vmin.u32 v4, $0x1FFF;
	v4 =	vadd.s32 v0, v5;
	v5 =	vld [tilespmem:s29+$0x20];
	vm0 =	vgt.s32 v6, $0x0  }
0x2b9: {  	v15 =	vadd.s32 v3, v4;
	v4 =	vshll.u32 v7, $0x9;
	v7 =	vld [tilespmem:s10+$0x20];
	v14 =	vnsel vm0, $0x0, v6  }
0x2ba: {  	vm0 =	vgt.s32 v15, $0x0;
	v8 =	vadd.s32 v0, v8;
	v3 =	vmin.u32 v14, $0x1FFF  }
0x2bb: {  	v63 =	vld [tilespmem:s29+$0xFFFFFFC0];
	v8 =	vadd.s32 v4, v8;
	v4 =	vnsel vm0, $0x0, v15;
	v9 =	vshll.u32 v9, $0x9  }
0x2bc: {  	v4 =	vmin.u32 v4, $0x1FFF;
	vm0 =	vgt.s32 v8, $0x0;
	v10 =	vadd.s32 v0, v10  }
0x2bd: {  	[tilespmem:v12+s26+$0x0] =	vst.idx.add.f32.msk vm1, v2;
	vm1 =	vlt.u32 v15, $0x2000;
	v16 =	vshll.u32 v5, $0x9;
	v9 =	vadd.s32 v9, v10  }
0x2be: {  	v10 =	vnsel vm0, $0x0, v8;
	v7 =	vadd.s32 v0, v7;
	vm0 =	vlt.u32 v6, $0x2000  }
0x2bf: {  	v5 =	vmin.u32 v10, $0x1FFF;
	vm3 =	vgt.s32 v9, $0x0;
	v10 =	vadd.s32 v16, v7  }
0x2c0: {  	v7 =	vshll.u32 v63, $0x9;
	v6 =	vnsel vm3, $0x0, v9;
	vm3 =	vgt.s32 v10, $0x0  }
0x2c1: {  	v11 =	vadd.s32 v7, v11;
	v6 =	vmin.u32 v6, $0x1FFF;
	v7 =	vnsel vm3, $0x0, v10  }
0x2c2: {  	s11 =	simm.s32 $0x0;
	s22 =	simm.s32 $0x4FC0;
	[tilespmem:v13+s26+$0x0] =	vst.idx.add.f32.msk vm2, v2;
	vm5 =	vlt.u32 v11, $0x2000;
	vm2 =	vgt.s32 v11, $0x0;
	v7 =	vmin.u32 v7, $0x1FFF  }
.LBB2_20:
0x2c3: {  	v12 =	vld [tilespmem:s22+$0x30];
	v11 =	vnsel vm2, $0x0, v11;
	vm4 =	vlt.u32 v8, $0x2000;
	vm2 =	vlt.u32 v9, $0x2000;
	s10 =	sadd.s32 $0x80, s10  }
0x2c4: {  	s11 =	sadd.s32 $0x8, s11;
	vm3 =	vlt.u32 v10, $0x2000;
	v8 =	vld [tilespmem:s10+$0x30];
	v9 =	vmin.u32 v11, $0x1FFF  }
0x2c5: {  	p0 =	slt.u32 s11, $0x268;
	v10 =	vld [tilespmem:s10+$0xFFFFFFC0]  }
0x2c6: {  	v11 =	vld [tilespmem:s22+$0xFFFFFFD0]  }
0x2c7: {  	v13 =	vld [tilespmem:s10+$0xFFFFFFD0]  }
0x2c8: {  	v14 =	vld [tilespmem:s22+$0xFFFFFFE0]  }
0x2c9: {  	v12 =	vshll.u32 v12, $0x9;
	v15 =	vld [tilespmem:s10+$0xFFFFFFE0];
	v8 =	vadd.s32 v0, v8  }
0x2ca: {  	v16 =	vadd.s32 v0, v10;
	v10 =	vld [tilespmem:s22+$0xFFFFFFF0];
	v8 =	vadd.s32 v12, v8  }
0x2cb: {  	v11 =	vshll.u32 v11, $0x9;
	v12 =	vld [tilespmem:s10+$0xFFFFFFF0];
	vm6 =	vgt.s32 v8, $0x0  }
0x2cc: {  	vm7 =	vlt.u32 v8, $0x2000;
	v13 =	vadd.s32 v0, v13;
	v17 =	vld [tilespmem:s22+$0x0];
	v8 =	vnsel vm6, $0x0, v8  }
0x2cd: {  	v11 =	vadd.s32 v11, v13;
	v13 =	vshll.u32 v14, $0x9;
	v14 =	vld [tilespmem:s10+$0x0];
	v8 =	vmin.u32 v8, $0x1FFF  }
0x2ce: {  	vm6 =	vlt.u32 v11, $0x2000;
	vm8 =	vgt.s32 v11, $0x0;
	v15 =	vadd.s32 v0, v15;
	v18 =	vld [tilespmem:s22+$0x10]  }
0x2cf: {  	v11 =	vnsel vm8, $0x0, v11;
	v13 =	vadd.s32 v13, v15;
	v10 =	vshll.u32 v10, $0x9;
	v15 =	vld [tilespmem:s10+$0x10]  }
0x2d0: {  	v11 =	vmin.u32 v11, $0x1FFF;
	vm8 =	vgt.s32 v13, $0x0;
	v12 =	vadd.s32 v0, v12;
	v19 =	vld [tilespmem:s22+$0x20]  }
0x2d1: {  	v20 =	vnsel vm8, $0x0, v13;
	v12 =	vadd.s32 v10, v12;
	v10 =	vshll.u32 v17, $0x9;
	v17 =	vld [tilespmem:s10+$0x20]  }
0x2d2: {  	v20 =	vmin.u32 v20, $0x1FFF;
	vm8 =	vgt.s32 v12, $0x0;
	v14 =	vadd.s32 v0, v14;
	[tilespmem:v8+s26+$0x0] =	vst.idx.add.f32.msk vm7, v2  }
0x2d3: {  	v21 =	vld [tilespmem:s22+$0xFFFFFFC0];
	v22 =	vnsel vm8, $0x0, v12;
	v8 =	vadd.s32 v10, v14;
	v10 =	vshll.u32 v18, $0x9  }
0x2d4: {  	v14 =	vmin.u32 v22, $0x1FFF;
	vm7 =	vgt.s32 v8, $0x0;
	v15 =	vadd.s32 v0, v15;
	[tilespmem:v9+s26+$0x0] =	vst.idx.add.f32.msk vm5, v2  }
0x2d5: {  	[tilespmem:v11+s26+$0x0] =	vst.idx.add.f32.msk vm6, v2;
	v11 =	vnsel vm7, $0x0, v8;
	v9 =	vadd.s32 v10, v15;
	v10 =	vshll.u32 v19, $0x9  }
.Ltmp9:
0x2d6: {  	v11 =	vmin.u32 v11, $0x1FFF;
	vm5 =	vgt.s32 v9, $0x0;
	v15 =	vadd.s32 v0, v17;
	[tilespmem:v3+s26+$0x0] =	vst.idx.add.f32.msk vm0, v2;
	v3 =	vmovc v20;
	(pc) =	sbr.rel @p0 .LBB2_20-.Ltmp9, $4  }
0x2d7: {  	vm0 =	vlt.u32 v13, $0x2000;
	v13 =	vnsel vm5, $0x0, v9;
	v10 =	vadd.s32 v10, v15;
	[tilespmem:v4+s26+$0x0] =	vst.idx.add.f32.msk vm1, v2;
	v4 =	vmovc v14  }
0x2d8: {  	v14 =	vshll.u32 v21, $0x9;
	v13 =	vmin.u32 v13, $0x1FFF;
	vm5 =	vgt.s32 v10, $0x0;
	[tilespmem:v5+s26+$0x0] =	vst.idx.add.f32.msk vm4, v2;
	v5 =	vmovc v11  }
0x2d9: {  	vm1 =	vlt.u32 v12, $0x2000;
	v11 =	vadd.s32 v14, v16;
	v12 =	vnsel vm5, $0x0, v10;
	[tilespmem:v6+s26+$0x0] =	vst.idx.add.f32.msk vm2, v2;
	v6 =	vmovc v13  }
0x2da: {  	s22 =	sadd.s32 $0x80, s22;
	vm5 =	vlt.u32 v11, $0x2000;
	vm2 =	vgt.s32 v11, $0x0;
	[tilespmem:v7+s26+$0x0] =	vst.idx.add.f32.msk vm3, v2;
	v7 =	vmin.u32 v12, $0x1FFF  }
0x2db: {  	_ = 	snop  }
0x2dc: {  	v11 =	vnsel vm2, $0x0, v11  }
0x2dd: {  	vm2 =	vlt.u32 v8, $0x2000;
	v11 =	vmin.u32 v11, $0x1FFF  }
0x2de: {  	vm3 =	vlt.u32 v9, $0x2000  }
0x2df: {  	vm4 =	vlt.u32 v10, $0x2000  }
0x2e0: {  	[tilespmem:v3+s26+$0x0] =	vst.idx.add.f32.msk vm0, v2  }
0x2e1: {  	[tilespmem:v4+s26+$0x0] =	vst.idx.add.f32.msk vm1, v2  }
0x2e2: {  	[tilespmem:v11+s26+$0x0] =	vst.idx.add.f32.msk vm5, v2  }
0x2e3: {  	[tilespmem:v5+s26+$0x0] =	vst.idx.add.f32.msk vm2, v2  }
0x2e4: {  	[tilespmem:v6+s26+$0x0] =	vst.idx.add.f32.msk vm3, v2  }
0x2e5: {  	[tilespmem:v7+s26+$0x0] =	vst.idx.add.f32.msk vm4, v2  }
0x2e6: {  	v3 =	vld [tilespmem:$0x7600]  }
0x2e7: {  	v4 =	vld [tilespmem:$0x2700];
	_ =	sdelay $0x4  }
0x2e8: {  	v3 =	vshll.u32 v3, $0x9;
	v4 =	vadd.s32 v0, v4  }
0x2e9: {  	v3 =	vadd.s32 v3, v4  }
0x2ea: {  	vm0 =	vgt.s32 v3, $0x0  }
0x2eb: {  	vm1 =	vlt.u32 v3, $0x2000;
	v3 =	vnsel vm0, $0x0, v3  }
0x2ec: {  	v3 =	vmin.u32 v3, $0x1FFF;
	_ =	sdelay $0x4  }
0x2ed: {  	[tilespmem:v3+s26+$0x0] =	vst.idx.add.f32.msk vm1, v2  }
0x2ee: {  	_ =	swait.ge [sflag:s28], $0x2710  }
0x2ef: {  	[sflag:s28] =	ssyncset.done $0x0  }
0x2f0: {  	[sflag:s28] =	ssyncadd.s32 $0xFFFFD8F0  }
0x2f1: {  	_ =	swait.ge [sflag:s28], $0x2710  }
0x2f2: {  	[sflag:s28] =	ssyncset.done $0x0  }
0x2f3: {  	s5 =	simm.s32 $0x76C0;
	[sflag:s28] =	ssyncadd.s32 $0xFFFFD8F0  }
0x2f4: {  	s10 =	simm.s32 $0x27C0;
	v3 =	vld [tilespmem:s5+$0x30]  }
0x2f5: {  	v4 =	vld [tilespmem:s10+$0x30]  }
0x2f6: {  	v5 =	vld [tilespmem:s10+$0xFFFFFFC0]  }
0x2f7: {  	v6 =	vld [tilespmem:s5+$0xFFFFFFD0]  }
0x2f8: {  	v7 =	vld [tilespmem:s10+$0xFFFFFFD0];
	_ =	sdelay $0x1  }
0x2f9: {  	v8 =	vld [tilespmem:s5+$0xFFFFFFE0]  }
0x2fa: {  	v9 =	vld [tilespmem:s10+$0xFFFFFFE0]  }
0x2fb: {  	v10 =	vld [tilespmem:s5+$0xFFFFFFF0];
	v3 =	vshll.u32 v3, $0x9;
	v4 =	vadd.s32 v0, v4;
	v11 =	vadd.s32 v0, v5  }
0x2fc: {  	v5 =	vld [tilespmem:s10+$0xFFFFFFF0];
	v3 =	vadd.s32 v3, v4;
	v4 =	vshll.u32 v6, $0x9;
	v6 =	vadd.s32 v0, v7  }
0x2fd: {  	v7 =	vld [tilespmem:s5+$0x0];
	vm0 =	vgt.s32 v3, $0x0;
	vm1 =	vlt.u32 v3, $0x2000;
	v4 =	vadd.s32 v4, v6  }
0x2fe: {  	v6 =	vshll.u32 v8, $0x9;
	v8 =	vld [tilespmem:s10+$0x0];
	v3 =	vnsel vm0, $0x0, v3;
	vm2 =	vlt.u32 v4, $0x2000  }
0x2ff: {  	vm0 =	vgt.s32 v4, $0x0;
	v12 =	vmin.u32 v3, $0x1FFF;
	v3 =	vadd.s32 v0, v9;
	v9 =	vld [tilespmem:s5+$0x10]  }
0x300: {  	v4 =	vnsel vm0, $0x0, v4;
	v6 =	vadd.s32 v6, v3;
	v3 =	vshll.u32 v10, $0x9;
	v10 =	vld [tilespmem:s10+$0x10]  }
0x301: {  	v13 =	vmin.u32 v4, $0x1FFF;
	v4 =	vadd.s32 v0, v5;
	v5 =	vld [tilespmem:s5+$0x20];
	vm0 =	vgt.s32 v6, $0x0  }
0x302: {  	v15 =	vadd.s32 v3, v4;
	v4 =	vshll.u32 v7, $0x9;
	v7 =	vld [tilespmem:s10+$0x20];
	v14 =	vnsel vm0, $0x0, v6  }
0x303: {  	vm0 =	vgt.s32 v15, $0x0;
	v8 =	vadd.s32 v0, v8;
	v3 =	vmin.u32 v14, $0x1FFF  }
0x304: {  	v63 =	vld [tilespmem:s5+$0xFFFFFFC0];
	v8 =	vadd.s32 v4, v8;
	v4 =	vnsel vm0, $0x0, v15;
	v9 =	vshll.u32 v9, $0x9  }
0x305: {  	v4 =	vmin.u32 v4, $0x1FFF;
	vm0 =	vgt.s32 v8, $0x0;
	v10 =	vadd.s32 v0, v10  }
0x306: {  	[tilespmem:v12+s26+$0x0] =	vst.idx.add.f32.msk vm1, v2;
	vm1 =	vlt.u32 v15, $0x2000;
	v16 =	vshll.u32 v5, $0x9;
	v9 =	vadd.s32 v9, v10  }
0x307: {  	v10 =	vnsel vm0, $0x0, v8;
	v7 =	vadd.s32 v0, v7;
	vm0 =	vlt.u32 v6, $0x2000  }
0x308: {  	v5 =	vmin.u32 v10, $0x1FFF;
	vm3 =	vgt.s32 v9, $0x0;
	v10 =	vadd.s32 v16, v7  }
0x309: {  	v7 =	vshll.u32 v63, $0x9;
	v6 =	vnsel vm3, $0x0, v9;
	vm3 =	vgt.s32 v10, $0x0  }
0x30a: {  	v11 =	vadd.s32 v7, v11;
	v6 =	vmin.u32 v6, $0x1FFF;
	v7 =	vnsel vm3, $0x0, v10  }
0x30b: {  	s11 =	simm.s32 $0x0;
	s22 =	simm.s32 $0x7740;
	[tilespmem:v13+s26+$0x0] =	vst.idx.add.f32.msk vm2, v2;
	vm5 =	vlt.u32 v11, $0x2000;
	vm2 =	vgt.s32 v11, $0x0;
	v7 =	vmin.u32 v7, $0x1FFF  }
.LBB2_22:
0x30c: {  	v12 =	vld [tilespmem:s22+$0x30];
	v11 =	vnsel vm2, $0x0, v11;
	vm4 =	vlt.u32 v8, $0x2000;
	vm2 =	vlt.u32 v9, $0x2000;
	s10 =	sadd.s32 $0x80, s10  }
0x30d: {  	s11 =	sadd.s32 $0x8, s11;
	vm3 =	vlt.u32 v10, $0x2000;
	v8 =	vld [tilespmem:s10+$0x30];
	v9 =	vmin.u32 v11, $0x1FFF  }
0x30e: {  	p0 =	slt.u32 s11, $0x268;
	v10 =	vld [tilespmem:s10+$0xFFFFFFC0]  }
0x30f: {  	v11 =	vld [tilespmem:s22+$0xFFFFFFD0]  }
0x310: {  	v13 =	vld [tilespmem:s10+$0xFFFFFFD0]  }
0x311: {  	v14 =	vld [tilespmem:s22+$0xFFFFFFE0]  }
0x312: {  	v12 =	vshll.u32 v12, $0x9;
	v15 =	vld [tilespmem:s10+$0xFFFFFFE0];
	v8 =	vadd.s32 v0, v8  }
0x313: {  	v16 =	vadd.s32 v0, v10;
	v10 =	vld [tilespmem:s22+$0xFFFFFFF0];
	v8 =	vadd.s32 v12, v8  }
0x314: {  	v11 =	vshll.u32 v11, $0x9;
	v12 =	vld [tilespmem:s10+$0xFFFFFFF0];
	vm6 =	vgt.s32 v8, $0x0  }
0x315: {  	vm7 =	vlt.u32 v8, $0x2000;
	v13 =	vadd.s32 v0, v13;
	v17 =	vld [tilespmem:s22+$0x0];
	v8 =	vnsel vm6, $0x0, v8  }
0x316: {  	v11 =	vadd.s32 v11, v13;
	v13 =	vshll.u32 v14, $0x9;
	v14 =	vld [tilespmem:s10+$0x0];
	v8 =	vmin.u32 v8, $0x1FFF  }
0x317: {  	vm6 =	vlt.u32 v11, $0x2000;
	vm8 =	vgt.s32 v11, $0x0;
	v15 =	vadd.s32 v0, v15;
	v18 =	vld [tilespmem:s22+$0x10]  }
0x318: {  	v11 =	vnsel vm8, $0x0, v11;
	v13 =	vadd.s32 v13, v15;
	v10 =	vshll.u32 v10, $0x9;
	v15 =	vld [tilespmem:s10+$0x10]  }
0x319: {  	v11 =	vmin.u32 v11, $0x1FFF;
	vm8 =	vgt.s32 v13, $0x0;
	v12 =	vadd.s32 v0, v12;
	v19 =	vld [tilespmem:s22+$0x20]  }
0x31a: {  	v20 =	vnsel vm8, $0x0, v13;
	v12 =	vadd.s32 v10, v12;
	v10 =	vshll.u32 v17, $0x9;
	v17 =	vld [tilespmem:s10+$0x20]  }
0x31b: {  	v20 =	vmin.u32 v20, $0x1FFF;
	vm8 =	vgt.s32 v12, $0x0;
	v14 =	vadd.s32 v0, v14;
	[tilespmem:v8+s26+$0x0] =	vst.idx.add.f32.msk vm7, v2  }
0x31c: {  	v21 =	vld [tilespmem:s22+$0xFFFFFFC0];
	v22 =	vnsel vm8, $0x0, v12;
	v8 =	vadd.s32 v10, v14;
	v10 =	vshll.u32 v18, $0x9  }
0x31d: {  	v14 =	vmin.u32 v22, $0x1FFF;
	vm7 =	vgt.s32 v8, $0x0;
	v15 =	vadd.s32 v0, v15;
	[tilespmem:v9+s26+$0x0] =	vst.idx.add.f32.msk vm5, v2  }
0x31e: {  	[tilespmem:v11+s26+$0x0] =	vst.idx.add.f32.msk vm6, v2;
	v11 =	vnsel vm7, $0x0, v8;
	v9 =	vadd.s32 v10, v15;
	v10 =	vshll.u32 v19, $0x9  }
.Ltmp10:
0x31f: {  	v11 =	vmin.u32 v11, $0x1FFF;
	vm5 =	vgt.s32 v9, $0x0;
	v15 =	vadd.s32 v0, v17;
	[tilespmem:v3+s26+$0x0] =	vst.idx.add.f32.msk vm0, v2;
	v3 =	vmovc v20;
	(pc) =	sbr.rel @p0 .LBB2_22-.Ltmp10, $4  }
0x320: {  	vm0 =	vlt.u32 v13, $0x2000;
	v13 =	vnsel vm5, $0x0, v9;
	v10 =	vadd.s32 v10, v15;
	[tilespmem:v4+s26+$0x0] =	vst.idx.add.f32.msk vm1, v2;
	v4 =	vmovc v14  }
0x321: {  	v14 =	vshll.u32 v21, $0x9;
	v13 =	vmin.u32 v13, $0x1FFF;
	vm5 =	vgt.s32 v10, $0x0;
	[tilespmem:v5+s26+$0x0] =	vst.idx.add.f32.msk vm4, v2;
	v5 =	vmovc v11  }
0x322: {  	vm1 =	vlt.u32 v12, $0x2000;
	v11 =	vadd.s32 v14, v16;
	v12 =	vnsel vm5, $0x0, v10;
	[tilespmem:v6+s26+$0x0] =	vst.idx.add.f32.msk vm2, v2;
	v6 =	vmovc v13  }
0x323: {  	s22 =	sadd.s32 $0x80, s22;
	vm5 =	vlt.u32 v11, $0x2000;
	vm2 =	vgt.s32 v11, $0x0;
	[tilespmem:v7+s26+$0x0] =	vst.idx.add.f32.msk vm3, v2;
	v7 =	vmin.u32 v12, $0x1FFF  }
0x324: {  	_ = 	snop  }
0x325: {  	v11 =	vnsel vm2, $0x0, v11  }
0x326: {  	vm13 =	vlt.u32 v8, $0x2000;
	v11 =	vmin.u32 v11, $0x1FFF  }
0x327: {  	vm3 =	vlt.u32 v9, $0x2000  }
0x328: {  	vm4 =	vlt.u32 v10, $0x2000  }
0x329: {  	[tilespmem:v3+s26+$0x0] =	vst.idx.add.f32.msk vm0, v2  }
0x32a: {  	[tilespmem:v4+s26+$0x0] =	vst.idx.add.f32.msk vm1, v2  }
0x32b: {  	[tilespmem:v11+s26+$0x0] =	vst.idx.add.f32.msk vm5, v2  }
0x32c: {  	[tilespmem:v5+s26+$0x0] =	vst.idx.add.f32.msk vm13, v2  }
0x32d: {  	[tilespmem:v6+s26+$0x0] =	vst.idx.add.f32.msk vm3, v2  }
0x32e: {  	[tilespmem:v7+s26+$0x0] =	vst.idx.add.f32.msk vm4, v2  }
0x32f: {  	v3 =	vld [tilespmem:$0x9D80]  }
0x330: {  	v4 =	vld [tilespmem:$0x4E80];
	_ =	sdelay $0x4  }
0x331: {  	v3 =	vshll.u32 v3, $0x9;
	v4 =	vadd.s32 v0, v4  }
0x332: {  	v3 =	vadd.s32 v3, v4  }
0x333: {  	vm14 =	vgt.s32 v3, $0x0  }
0x334: {  	vm15 =	vlt.u32 v3, $0x2000;
	v3 =	vnsel vm14, $0x0, v3  }
0x335: {  	v3 =	vmin.u32 v3, $0x1FFF;
	_ =	sdelay $0x2  }
0x336: {  	s5 =	sld [smem:$0x7FB];
	_ =	sdelay $0x1  }
0x337: {  	s29 =	simm.s32 $0x7;
	[tilespmem:v3+s26+$0x0] =	vst.idx.add.f32.msk vm15, v2  }
0x338: {  	[hbm4b:s5+s3] =	stream.linear.scatter [tilespmem:s26], [sflag:$0x7], $0x2000, $0x38;
	[tilespmem:$0x10600] =	vst v63  }
0x339: {  	_ =	swait.ge [sflag:s29], $0x2000  }
0x33a: {  	[sflag:s29] =	ssyncset.done $0x0  }
0x33b: {  	s5 =	simm.s32 $0xFE40;
	[sflag:s29] =	ssyncadd.s32 $0xFFFFE000  }
0x33c: {  	[tilespmem:s5+$0xFFFFFFC0] =	vst v1  }
0x33d: {  	[tilespmem:s5+$0x30] =	vst v1  }
0x33e: {  	[tilespmem:s5+$0x20] =	vst v1  }
0x33f: {  	[tilespmem:s5+$0x10] =	vst v1  }
0x340: {  	[tilespmem:s5+$0x0] =	vst v1  }
0x341: {  	[tilespmem:s5+$0xFFFFFFF0] =	vst v1  }
0x342: {  	s11 =	simm.s32 $0x0;
	[tilespmem:s5+$0xFFFFFFE0] =	vst v1  }
.LBB2_24:
0x343: {  	s11 =	sadd.s32 $0x8, s11;
	[tilespmem:s5+$0xFFFFFFD0] =	vst v1;
	s5 =	sadd.s32 $0x200, s5;
	s10 =	simm.s32 $0xFEF0  }
0x344: {  	[tilespmem:s5+$0xFFFFFFC0] =	vst v1;
	p0 =	slt.u32 s11, $0x18  }
0x345: {  	[tilespmem:s5+$0x30] =	vst v1  }
.Ltmp11:
0x346: {  	[tilespmem:s5+$0x20] =	vst v1;
	(pc) =	sbr.rel @p0 .LBB2_24-.Ltmp11, $4  }
0x347: {  	[tilespmem:s5+$0x10] =	vst v1  }
0x348: {  	[tilespmem:s5+$0x0] =	vst v1  }
0x349: {  	[tilespmem:s5+$0xFFFFFFF0] =	vst v1  }
0x34a: {  	[tilespmem:s5+$0xFFFFFFE0] =	vst v1  }
0x34b: {  	[tilespmem:s5+$0xFFFFFFD0] =	vst v1  }
0x34c: {  	[tilespmem:s10+$0xFFFFFF90] =	vst v1  }
0x34d: {  	[tilespmem:s10+$0x0] =	vst v1  }
0x34e: {  	[tilespmem:s10+$0xFFFFFFF0] =	vst v1  }
0x34f: {  	[tilespmem:s10+$0xFFFFFFE0] =	vst v1  }
0x350: {  	[tilespmem:s10+$0xFFFFFFD0] =	vst v1  }
0x351: {  	[tilespmem:s10+$0xFFFFFFC0] =	vst v1  }
0x352: {  	s11 =	simm.s32 $0x0;
	s5 =	simm.s32 $0xFF70;
	[tilespmem:s10+$0xFFFFFFB0] =	vst v1  }
.LBB2_26:
0x353: {  	s11 =	sadd.s32 $0x8, s11;
	[tilespmem:s10+$0xFFFFFFA0] =	vst v1;
	s10 =	sadd.s32 $0x200, s10  }
0x354: {  	[tilespmem:s10+$0xFFFFFF90] =	vst v1;
	p0 =	slt.u32 s11, $0x18  }
0x355: {  	[tilespmem:s10+$0x0] =	vst v1  }
.Ltmp12:
0x356: {  	[tilespmem:s10+$0xFFFFFFF0] =	vst v1;
	(pc) =	sbr.rel @p0 .LBB2_26-.Ltmp12, $4  }
0x357: {  	[tilespmem:s10+$0xFFFFFFE0] =	vst v1  }
0x358: {  	[tilespmem:s10+$0xFFFFFFD0] =	vst v1  }
0x359: {  	[tilespmem:s10+$0xFFFFFFC0] =	vst v1  }
0x35a: {  	[tilespmem:s10+$0xFFFFFFB0] =	vst v1  }
0x35b: {  	[tilespmem:s10+$0xFFFFFFA0] =	vst v1  }
0x35c: {  	[tilespmem:s5+$0xFFFFFF90] =	vst v1  }
0x35d: {  	[tilespmem:s5+$0x0] =	vst v1  }
0x35e: {  	[tilespmem:s5+$0xFFFFFFF0] =	vst v1  }
0x35f: {  	[tilespmem:s5+$0xFFFFFFE0] =	vst v1  }
0x360: {  	[tilespmem:s5+$0xFFFFFFD0] =	vst v1  }
0x361: {  	[tilespmem:s5+$0xFFFFFFC0] =	vst v1  }
0x362: {  	s11 =	simm.s32 $0x0;
	[tilespmem:s5+$0xFFFFFFB0] =	vst v1  }
.LBB2_28:
0x363: {  	s11 =	sadd.s32 $0x8, s11;
	[tilespmem:s5+$0xFFFFFFA0] =	vst v1;
	s5 =	sadd.s32 $0x200, s5;
	s10 =	simm.s32 $0xFFF0  }
0x364: {  	[tilespmem:s5+$0xFFFFFF90] =	vst v1;
	p0 =	slt.u32 s11, $0x18  }
0x365: {  	[tilespmem:s5+$0x0] =	vst v1  }
.Ltmp13:
0x366: {  	[tilespmem:s5+$0xFFFFFFF0] =	vst v1;
	(pc) =	sbr.rel @p0 .LBB2_28-.Ltmp13, $4  }
0x367: {  	[tilespmem:s5+$0xFFFFFFE0] =	vst v1  }
0x368: {  	[tilespmem:s5+$0xFFFFFFD0] =	vst v1  }
0x369: {  	[tilespmem:s5+$0xFFFFFFC0] =	vst v1  }
0x36a: {  	[tilespmem:s5+$0xFFFFFFB0] =	vst v1  }
0x36b: {  	[tilespmem:s5+$0xFFFFFFA0] =	vst v1  }
0x36c: {  	[tilespmem:s10+$0xFFFFFF90] =	vst v1  }
0x36d: {  	[tilespmem:s10+$0x0] =	vst v1  }
0x36e: {  	[tilespmem:s10+$0xFFFFFFF0] =	vst v1  }
0x36f: {  	[tilespmem:s10+$0xFFFFFFE0] =	vst v1  }
0x370: {  	[tilespmem:s10+$0xFFFFFFD0] =	vst v1  }
0x371: {  	[tilespmem:s10+$0xFFFFFFC0] =	vst v1  }
0x372: {  	s5 =	simm.s32 $0x0;
	[tilespmem:s10+$0xFFFFFFB0] =	vst v1  }
.LBB2_30:
0x373: {  	s5 =	sadd.s32 $0x8, s5;
	[tilespmem:s10+$0xFFFFFFA0] =	vst v1;
	s10 =	sadd.s32 $0x200, s10  }
0x374: {  	[tilespmem:s10+$0xFFFFFF90] =	vst v1;
	p0 =	slt.u32 s5, $0x18  }
0x375: {  	[tilespmem:s10+$0x0] =	vst v1  }
.Ltmp14:
0x376: {  	[tilespmem:s10+$0xFFFFFFF0] =	vst v1;
	(pc) =	sbr.rel @p0 .LBB2_30-.Ltmp14, $4  }
0x377: {  	[tilespmem:s10+$0xFFFFFFE0] =	vst v1  }
0x378: {  	[tilespmem:s10+$0xFFFFFFD0] =	vst v1  }
0x379: {  	[tilespmem:s10+$0xFFFFFFC0] =	vst v1  }
0x37a: {  	[tilespmem:s10+$0xFFFFFFB0] =	vst v1  }
0x37b: {  	[tilespmem:s10+$0xFFFFFFA0] =	vst v1;
	s10 =	simm.s32 $0x0  }
.LBB2_32:
0x37c: {  	_ =	swait.ge [sflag:s30], $0x800  }
0x37d: {  	[sflag:s30] =	ssyncset.done $0x0  }
0x37e: {  	[sflag:s30] =	ssyncadd.s32 $0xFFFFF800  }
0x37f: {  	_ =	swait.ge [sflag:s30], $0x800  }
0x380: {  	[sflag:s30] =	ssyncset.done $0x0  }
0x381: {  	s11 =	simm.s32 $0x0;
	[sflag:s30] =	ssyncadd.s32 $0xFFFFF800  }
0x382: {  	v3 =	vld [tilespmem:s11+$0xBE70]  }
0x383: {  	v4 =	vld [tilespmem:s11+$0xDE70]  }
0x384: {  	v5 =	vld [tilespmem:s11+$0xBE00]  }
0x385: {  	v6 =	vld [tilespmem:s11+$0xDE00]  }
0x386: {  	v7 =	vld [tilespmem:s11+$0xBE10]  }
0x387: {  	v8 =	vld [tilespmem:s11+$0xDE10]  }
0x388: {  	v9 =	vld [tilespmem:s11+$0xBE20]  }
0x389: {  	v10 =	vld [tilespmem:s11+$0xBE30];
	v3 =	vsub.f32 v3, v4  }
0x38a: {  	v11 =	vld [tilespmem:s11+$0xDE30]  }
0x38b: {  	v12 =	vld [tilespmem:s11+$0xDE40];
	v3 =	vmul.f32 v3, v3  }
0x38c: {  	v4 =	vld [tilespmem:s11+$0xDE20]  }
0x38d: {  	[tilespmem:s11+$0xFE70] =	vst.add.f32.msk $0xffff, v3  }
0x38e: {  	v3 =	vld [tilespmem:s11+$0xBE40]  }
0x38f: {  	v61 =	vld [tilespmem:s11+$0xDE50]  }
0x390: {  	v5 =	vsub.f32 v5, v6;
	v6 =	vld [tilespmem:s11+$0xBE50]  }
0x391: {  	v62 =	vld [tilespmem:s11+$0xBE60];
	v4 =	vsub.f32 v9, v4  }
0x392: {  	v63 =	vld [tilespmem:s11+$0xDE60];
	v7 =	vsub.f32 v7, v8;
	v5 =	vmul.f32 v5, v5  }
0x393: {  	v4 =	vmul.f32 v4, v4;
	v3 =	vsub.f32 v3, v12  }
0x394: {  	v10 =	vsub.f32 v10, v11;
	v7 =	vmul.f32 v7, v7;
	[tilespmem:s11+$0xFE00] =	vst.add.f32.msk $0xffff, v5  }
0x395: {  	[tilespmem:s11+$0xFE20] =	vst.add.f32.msk $0xffff, v4;
	v4 =	vsub.f32 v6, v61;
	v3 =	vmul.f32 v3, v3  }
0x396: {  	v5 =	vmul.f32 v10, v10;
	[tilespmem:s11+$0xFE10] =	vst.add.f32.msk $0xffff, v7  }
0x397: {  	[tilespmem:s11+$0xFE40] =	vst.add.f32.msk $0xffff, v3;
	v3 =	vmul.f32 v4, v4;
	v4 =	vsub.f32 v62, v63  }
0x398: {  	s22 =	simm.s32 $0x0;
	s23 =	simm.s32 $0x800;
	[tilespmem:s11+$0xFE30] =	vst.add.f32.msk $0xffff, v5  }
.LBB2_33:
0x399: {  	s24 =	sshra.s32 s23, $0x2;
	[tilespmem:s11+$0xFE50] =	vst.add.f32.msk $0xffff, v3;
	v5 =	vmul.f32 v4, v4  }
0x39a: {  	s22 =	sadd.s32 $0x8, s22;
	v3 =	vld [tilespmem:s24+$0xBE70]  }
0x39b: {  	p0 =	slt.u32 s22, $0x18;
	v4 =	vld [tilespmem:s24+$0xDE70]  }
0x39c: {  	v6 =	vld [tilespmem:s24+$0xBE00]  }
0x39d: {  	v7 =	vld [tilespmem:s24+$0xDE00]  }
0x39e: {  	v8 =	vld [tilespmem:s24+$0xBE10]  }
0x39f: {  	v9 =	vld [tilespmem:s24+$0xDE10]  }
0x3a0: {  	v10 =	vld [tilespmem:s24+$0xBE20];
	v3 =	vsub.f32 v3, v4  }
0x3a1: {  	v4 =	vld [tilespmem:s24+$0xDE20]  }
0x3a2: {  	v6 =	vsub.f32 v6, v7;
	v7 =	vld [tilespmem:s24+$0xBE30];
	v3 =	vmul.f32 v3, v3  }
0x3a3: {  	v11 =	vld [tilespmem:s24+$0xDE30]  }
0x3a4: {  	v6 =	vmul.f32 v6, v6;
	v8 =	vsub.f32 v8, v9;
	[tilespmem:s24+$0xFE70] =	vst.add.f32.msk $0xffff, v3  }
0x3a5: {  	v3 =	vld [tilespmem:s24+$0xBE40]  }
0x3a6: {  	v8 =	vmul.f32 v8, v8;
	v4 =	vsub.f32 v10, v4;
	v9 =	vld [tilespmem:s24+$0xDE40]  }
0x3a7: {  	v10 =	vld [tilespmem:s24+$0xBE50]  }
0x3a8: {  	v4 =	vmul.f32 v4, v4;
	v7 =	vsub.f32 v7, v11;
	v11 =	vld [tilespmem:s24+$0xDE50]  }
0x3a9: {  	v12 =	vld [tilespmem:s24+$0xBE60]  }
0x3aa: {  	v7 =	vmul.f32 v7, v7;
	v13 =	vld [tilespmem:s24+$0xDE60]  }
0x3ab: {  	[tilespmem:s24+$0xFE00] =	vst.add.f32.msk $0xffff, v6;
	v3 =	vsub.f32 v3, v9  }
.Ltmp15:
0x3ac: {  	[tilespmem:s24+$0xFE10] =	vst.add.f32.msk $0xffff, v8;
	(pc) =	sbr.rel @p0 .LBB2_33-.Ltmp15, $4  }
0x3ad: {  	[tilespmem:s24+$0xFE20] =	vst.add.f32.msk $0xffff, v4;
	v3 =	vmul.f32 v3, v3;
	v4 =	vsub.f32 v10, v11  }
0x3ae: {  	[tilespmem:s24+$0xFE30] =	vst.add.f32.msk $0xffff, v7  }
0x3af: {  	[tilespmem:s24+$0xFE40] =	vst.add.f32.msk $0xffff, v3;
	v3 =	vmul.f32 v4, v4;
	v4 =	vsub.f32 v12, v13  }
0x3b0: {  	s23 =	sadd.s32 $0x800, s23;
	[tilespmem:s11+$0xFE60] =	vst.add.f32.msk $0xffff, v5;
	s11 =	smov.u32 s24  }
0x3b1: {  	v4 =	vmul.f32 v4, v4  }
0x3b2: {  	[tilespmem:s11+$0xFE50] =	vst.add.f32.msk $0xffff, v3  }
0x3b3: {  	[tilespmem:s11+$0xFE60] =	vst.add.f32.msk $0xffff, v4;
	s11 =	simm.s32 $0x0  }
0x3b4: {  	v3 =	vld [tilespmem:s11+$0xBEF0]  }
0x3b5: {  	v4 =	vld [tilespmem:s11+$0xDEF0]  }
0x3b6: {  	v5 =	vld [tilespmem:s11+$0xBE80]  }
0x3b7: {  	v6 =	vld [tilespmem:s11+$0xDE80]  }
0x3b8: {  	v7 =	vld [tilespmem:s11+$0xBE90]  }
0x3b9: {  	v8 =	vld [tilespmem:s11+$0xDE90]  }
0x3ba: {  	v9 =	vld [tilespmem:s11+$0xBEA0]  }
0x3bb: {  	v10 =	vld [tilespmem:s11+$0xBEB0];
	v3 =	vsub.f32 v3, v4  }
0x3bc: {  	v11 =	vld [tilespmem:s11+$0xDEB0]  }
0x3bd: {  	v12 =	vld [tilespmem:s11+$0xDEC0];
	v3 =	vmul.f32 v3, v3  }
0x3be: {  	v4 =	vld [tilespmem:s11+$0xDEA0]  }
0x3bf: {  	[tilespmem:s11+$0xFEF0] =	vst.add.f32.msk $0xffff, v3  }
0x3c0: {  	v3 =	vld [tilespmem:s11+$0xBEC0]  }
0x3c1: {  	v61 =	vld [tilespmem:s11+$0xDED0]  }
0x3c2: {  	v5 =	vsub.f32 v5, v6;
	v6 =	vld [tilespmem:s11+$0xBED0]  }
0x3c3: {  	v62 =	vld [tilespmem:s11+$0xBEE0];
	v4 =	vsub.f32 v9, v4  }
0x3c4: {  	v63 =	vld [tilespmem:s11+$0xDEE0];
	v7 =	vsub.f32 v7, v8;
	v5 =	vmul.f32 v5, v5  }
0x3c5: {  	v4 =	vmul.f32 v4, v4;
	v3 =	vsub.f32 v3, v12  }
0x3c6: {  	v10 =	vsub.f32 v10, v11;
	v7 =	vmul.f32 v7, v7;
	[tilespmem:s11+$0xFE80] =	vst.add.f32.msk $0xffff, v5  }
0x3c7: {  	[tilespmem:s11+$0xFEA0] =	vst.add.f32.msk $0xffff, v4;
	v4 =	vsub.f32 v6, v61;
	v3 =	vmul.f32 v3, v3  }
0x3c8: {  	v5 =	vmul.f32 v10, v10;
	[tilespmem:s11+$0xFE90] =	vst.add.f32.msk $0xffff, v7  }
0x3c9: {  	[tilespmem:s11+$0xFEC0] =	vst.add.f32.msk $0xffff, v3;
	v3 =	vmul.f32 v4, v4;
	v4 =	vsub.f32 v62, v63  }
0x3ca: {  	s22 =	simm.s32 $0x0;
	s24 =	simm.s32 $0x800;
	s23 =	simm.s32 $0x0;
	[tilespmem:s11+$0xFEB0] =	vst.add.f32.msk $0xffff, v5  }
.LBB2_35:
0x3cb: {  	s29 =	sshra.s32 s24, $0x2;
	[tilespmem:s23+$0xFED0] =	vst.add.f32.msk $0xffff, v3;
	v5 =	vmul.f32 v4, v4  }
0x3cc: {  	s22 =	sadd.s32 $0x8, s22;
	v3 =	vld [tilespmem:s29+$0xBEF0]  }
0x3cd: {  	p0 =	slt.u32 s22, $0x18;
	v4 =	vld [tilespmem:s29+$0xDEF0]  }
0x3ce: {  	v6 =	vld [tilespmem:s29+$0xBE80]  }
0x3cf: {  	v7 =	vld [tilespmem:s29+$0xDE80]  }
0x3d0: {  	v8 =	vld [tilespmem:s29+$0xBE90]  }
0x3d1: {  	v9 =	vld [tilespmem:s29+$0xDE90]  }
0x3d2: {  	v10 =	vld [tilespmem:s29+$0xBEA0];
	v3 =	vsub.f32 v3, v4  }
0x3d3: {  	v4 =	vld [tilespmem:s29+$0xDEA0]  }
0x3d4: {  	v6 =	vsub.f32 v6, v7;
	v7 =	vld [tilespmem:s29+$0xBEB0];
	v3 =	vmul.f32 v3, v3  }
0x3d5: {  	v11 =	vld [tilespmem:s29+$0xDEB0]  }
0x3d6: {  	v6 =	vmul.f32 v6, v6;
	v8 =	vsub.f32 v8, v9;
	[tilespmem:s29+$0xFEF0] =	vst.add.f32.msk $0xffff, v3  }
0x3d7: {  	v3 =	vld [tilespmem:s29+$0xBEC0]  }
0x3d8: {  	v8 =	vmul.f32 v8, v8;
	v4 =	vsub.f32 v10, v4;
	v9 =	vld [tilespmem:s29+$0xDEC0]  }
0x3d9: {  	v10 =	vld [tilespmem:s29+$0xBED0]  }
0x3da: {  	v4 =	vmul.f32 v4, v4;
	v7 =	vsub.f32 v7, v11;
	v11 =	vld [tilespmem:s29+$0xDED0]  }
0x3db: {  	v12 =	vld [tilespmem:s29+$0xBEE0]  }
0x3dc: {  	v7 =	vmul.f32 v7, v7;
	v13 =	vld [tilespmem:s29+$0xDEE0]  }
0x3dd: {  	[tilespmem:s29+$0xFE80] =	vst.add.f32.msk $0xffff, v6;
	v3 =	vsub.f32 v3, v9  }
.Ltmp16:
0x3de: {  	[tilespmem:s29+$0xFE90] =	vst.add.f32.msk $0xffff, v8;
	(pc) =	sbr.rel @p0 .LBB2_35-.Ltmp16, $4  }
0x3df: {  	[tilespmem:s29+$0xFEA0] =	vst.add.f32.msk $0xffff, v4;
	v3 =	vmul.f32 v3, v3;
	v4 =	vsub.f32 v10, v11  }
0x3e0: {  	[tilespmem:s29+$0xFEB0] =	vst.add.f32.msk $0xffff, v7  }
0x3e1: {  	[tilespmem:s29+$0xFEC0] =	vst.add.f32.msk $0xffff, v3;
	v3 =	vmul.f32 v4, v4;
	v4 =	vsub.f32 v12, v13  }
0x3e2: {  	s24 =	sadd.s32 $0x800, s24;
	[tilespmem:s23+$0xFEE0] =	vst.add.f32.msk $0xffff, v5;
	s23 =	smov.u32 s29  }
0x3e3: {  	v4 =	vmul.f32 v4, v4  }
0x3e4: {  	[tilespmem:s23+$0xFED0] =	vst.add.f32.msk $0xffff, v3  }
0x3e5: {  	[tilespmem:s23+$0xFEE0] =	vst.add.f32.msk $0xffff, v4  }
0x3e6: {  	v3 =	vld [tilespmem:s11+$0xBF70]  }
0x3e7: {  	v4 =	vld [tilespmem:s11+$0xDF70]  }
0x3e8: {  	v5 =	vld [tilespmem:s11+$0xBF00]  }
0x3e9: {  	v6 =	vld [tilespmem:s11+$0xDF00]  }
0x3ea: {  	v7 =	vld [tilespmem:s11+$0xBF10]  }
0x3eb: {  	v8 =	vld [tilespmem:s11+$0xDF10]  }
0x3ec: {  	v9 =	vld [tilespmem:s11+$0xBF20]  }
0x3ed: {  	v10 =	vld [tilespmem:s11+$0xBF30];
	v3 =	vsub.f32 v3, v4  }
0x3ee: {  	v11 =	vld [tilespmem:s11+$0xDF30]  }
0x3ef: {  	v12 =	vld [tilespmem:s11+$0xDF40];
	v3 =	vmul.f32 v3, v3  }
0x3f0: {  	v4 =	vld [tilespmem:s11+$0xDF20]  }
0x3f1: {  	[tilespmem:s11+$0xFF70] =	vst.add.f32.msk $0xffff, v3  }
0x3f2: {  	v3 =	vld [tilespmem:s11+$0xBF40]  }
0x3f3: {  	v61 =	vld [tilespmem:s11+$0xDF50]  }
0x3f4: {  	v5 =	vsub.f32 v5, v6;
	v6 =	vld [tilespmem:s11+$0xBF50]  }
0x3f5: {  	v62 =	vld [tilespmem:s11+$0xBF60];
	v4 =	vsub.f32 v9, v4  }
0x3f6: {  	v63 =	vld [tilespmem:s11+$0xDF60];
	v7 =	vsub.f32 v7, v8;
	v5 =	vmul.f32 v5, v5  }
0x3f7: {  	v4 =	vmul.f32 v4, v4;
	v3 =	vsub.f32 v3, v12  }
0x3f8: {  	v10 =	vsub.f32 v10, v11;
	v7 =	vmul.f32 v7, v7;
	[tilespmem:s11+$0xFF00] =	vst.add.f32.msk $0xffff, v5  }
0x3f9: {  	[tilespmem:s11+$0xFF20] =	vst.add.f32.msk $0xffff, v4;
	v4 =	vsub.f32 v6, v61;
	v3 =	vmul.f32 v3, v3  }
0x3fa: {  	v5 =	vmul.f32 v10, v10;
	[tilespmem:s11+$0xFF10] =	vst.add.f32.msk $0xffff, v7  }
0x3fb: {  	[tilespmem:s11+$0xFF40] =	vst.add.f32.msk $0xffff, v3;
	v3 =	vmul.f32 v4, v4;
	v4 =	vsub.f32 v62, v63  }
0x3fc: {  	s22 =	simm.s32 $0x0;
	s23 =	simm.s32 $0x800;
	[tilespmem:s11+$0xFF30] =	vst.add.f32.msk $0xffff, v5  }
.LBB2_37:
0x3fd: {  	s24 =	sshra.s32 s23, $0x2;
	[tilespmem:s11+$0xFF50] =	vst.add.f32.msk $0xffff, v3;
	v5 =	vmul.f32 v4, v4  }
0x3fe: {  	s22 =	sadd.s32 $0x8, s22;
	v3 =	vld [tilespmem:s24+$0xBF70]  }
0x3ff: {  	p0 =	slt.u32 s22, $0x18;
	v4 =	vld [tilespmem:s24+$0xDF70]  }
0x400: {  	v6 =	vld [tilespmem:s24+$0xBF00]  }
0x401: {  	v7 =	vld [tilespmem:s24+$0xDF00]  }
0x402: {  	v8 =	vld [tilespmem:s24+$0xBF10]  }
0x403: {  	v9 =	vld [tilespmem:s24+$0xDF10]  }
0x404: {  	v10 =	vld [tilespmem:s24+$0xBF20];
	v3 =	vsub.f32 v3, v4  }
0x405: {  	v4 =	vld [tilespmem:s24+$0xDF20]  }
0x406: {  	v6 =	vsub.f32 v6, v7;
	v7 =	vld [tilespmem:s24+$0xBF30];
	v3 =	vmul.f32 v3, v3  }
0x407: {  	v11 =	vld [tilespmem:s24+$0xDF30]  }
0x408: {  	v6 =	vmul.f32 v6, v6;
	v8 =	vsub.f32 v8, v9;
	[tilespmem:s24+$0xFF70] =	vst.add.f32.msk $0xffff, v3  }
0x409: {  	v3 =	vld [tilespmem:s24+$0xBF40]  }
0x40a: {  	v8 =	vmul.f32 v8, v8;
	v4 =	vsub.f32 v10, v4;
	v9 =	vld [tilespmem:s24+$0xDF40]  }
0x40b: {  	v10 =	vld [tilespmem:s24+$0xBF50]  }
0x40c: {  	v4 =	vmul.f32 v4, v4;
	v7 =	vsub.f32 v7, v11;
	v11 =	vld [tilespmem:s24+$0xDF50]  }
0x40d: {  	v12 =	vld [tilespmem:s24+$0xBF60]  }
0x40e: {  	v7 =	vmul.f32 v7, v7;
	v13 =	vld [tilespmem:s24+$0xDF60]  }
0x40f: {  	[tilespmem:s24+$0xFF00] =	vst.add.f32.msk $0xffff, v6;
	v3 =	vsub.f32 v3, v9  }
.Ltmp17:
0x410: {  	[tilespmem:s24+$0xFF10] =	vst.add.f32.msk $0xffff, v8;
	(pc) =	sbr.rel @p0 .LBB2_37-.Ltmp17, $4  }
0x411: {  	[tilespmem:s24+$0xFF20] =	vst.add.f32.msk $0xffff, v4;
	v3 =	vmul.f32 v3, v3;
	v4 =	vsub.f32 v10, v11  }
0x412: {  	[tilespmem:s24+$0xFF30] =	vst.add.f32.msk $0xffff, v7  }
0x413: {  	[tilespmem:s24+$0xFF40] =	vst.add.f32.msk $0xffff, v3;
	v3 =	vmul.f32 v4, v4;
	v4 =	vsub.f32 v12, v13  }
0x414: {  	s23 =	sadd.s32 $0x800, s23;
	[tilespmem:s11+$0xFF60] =	vst.add.f32.msk $0xffff, v5;
	s11 =	smov.u32 s24  }
0x415: {  	v4 =	vmul.f32 v4, v4  }
0x416: {  	[tilespmem:s11+$0xFF50] =	vst.add.f32.msk $0xffff, v3  }
0x417: {  	s22 =	simm.s32 $0x0;
	[tilespmem:s11+$0xFF60] =	vst.add.f32.msk $0xffff, v4  }
0x418: {  	v3 =	vld [tilespmem:s22+$0xBFF0]  }
0x419: {  	v4 =	vld [tilespmem:s22+$0xDFF0]  }
0x41a: {  	v5 =	vld [tilespmem:s22+$0xBF80]  }
0x41b: {  	v6 =	vld [tilespmem:s22+$0xDF80]  }
0x41c: {  	v7 =	vld [tilespmem:s22+$0xBF90]  }
0x41d: {  	v8 =	vld [tilespmem:s22+$0xDF90]  }
0x41e: {  	v9 =	vld [tilespmem:s22+$0xBFA0]  }
0x41f: {  	v10 =	vld [tilespmem:s22+$0xBFB0];
	v3 =	vsub.f32 v3, v4  }
0x420: {  	v11 =	vld [tilespmem:s22+$0xDFB0]  }
0x421: {  	v12 =	vld [tilespmem:s22+$0xDFC0];
	v3 =	vmul.f32 v3, v3  }
0x422: {  	v4 =	vld [tilespmem:s22+$0xDFA0]  }
0x423: {  	[tilespmem:s22+$0xFFF0] =	vst.add.f32.msk $0xffff, v3  }
0x424: {  	v3 =	vld [tilespmem:s22+$0xBFC0]  }
0x425: {  	v61 =	vld [tilespmem:s22+$0xDFD0]  }
0x426: {  	v5 =	vsub.f32 v5, v6;
	v6 =	vld [tilespmem:s22+$0xBFD0]  }
0x427: {  	v62 =	vld [tilespmem:s22+$0xBFE0];
	v4 =	vsub.f32 v9, v4  }
0x428: {  	v63 =	vld [tilespmem:s22+$0xDFE0];
	v7 =	vsub.f32 v7, v8;
	v5 =	vmul.f32 v5, v5  }
0x429: {  	v4 =	vmul.f32 v4, v4;
	v3 =	vsub.f32 v3, v12  }
0x42a: {  	v10 =	vsub.f32 v10, v11;
	v7 =	vmul.f32 v7, v7;
	[tilespmem:s22+$0xFF80] =	vst.add.f32.msk $0xffff, v5  }
0x42b: {  	[tilespmem:s22+$0xFFA0] =	vst.add.f32.msk $0xffff, v4;
	v4 =	vsub.f32 v6, v61;
	v3 =	vmul.f32 v3, v3  }
0x42c: {  	v5 =	vmul.f32 v10, v10;
	[tilespmem:s22+$0xFF90] =	vst.add.f32.msk $0xffff, v7  }
0x42d: {  	[tilespmem:s22+$0xFFC0] =	vst.add.f32.msk $0xffff, v3;
	v3 =	vmul.f32 v4, v4;
	v4 =	vsub.f32 v62, v63  }
0x42e: {  	s23 =	simm.s32 $0x800;
	s11 =	simm.s32 $0x0;
	[tilespmem:s22+$0xFFB0] =	vst.add.f32.msk $0xffff, v5  }
.LBB2_39:
0x42f: {  	s24 =	sshra.s32 s23, $0x2;
	[tilespmem:s22+$0xFFD0] =	vst.add.f32.msk $0xffff, v3;
	v5 =	vmul.f32 v4, v4  }
0x430: {  	s11 =	sadd.s32 $0x8, s11;
	v3 =	vld [tilespmem:s24+$0xBFF0]  }
0x431: {  	p0 =	slt.u32 s11, $0x18;
	v4 =	vld [tilespmem:s24+$0xDFF0]  }
0x432: {  	v6 =	vld [tilespmem:s24+$0xBF80]  }
0x433: {  	v7 =	vld [tilespmem:s24+$0xDF80]  }
0x434: {  	v8 =	vld [tilespmem:s24+$0xBF90]  }
0x435: {  	v9 =	vld [tilespmem:s24+$0xDF90]  }
0x436: {  	v10 =	vld [tilespmem:s24+$0xBFA0];
	v3 =	vsub.f32 v3, v4  }
0x437: {  	v4 =	vld [tilespmem:s24+$0xDFA0]  }
0x438: {  	v6 =	vsub.f32 v6, v7;
	v7 =	vld [tilespmem:s24+$0xBFB0];
	v3 =	vmul.f32 v3, v3  }
0x439: {  	v11 =	vld [tilespmem:s24+$0xDFB0]  }
0x43a: {  	v6 =	vmul.f32 v6, v6;
	v8 =	vsub.f32 v8, v9;
	[tilespmem:s24+$0xFFF0] =	vst.add.f32.msk $0xffff, v3  }
0x43b: {  	v3 =	vld [tilespmem:s24+$0xBFC0]  }
0x43c: {  	v8 =	vmul.f32 v8, v8;
	v4 =	vsub.f32 v10, v4;
	v9 =	vld [tilespmem:s24+$0xDFC0]  }
0x43d: {  	v10 =	vld [tilespmem:s24+$0xBFD0]  }
0x43e: {  	v4 =	vmul.f32 v4, v4;
	v7 =	vsub.f32 v7, v11;
	v11 =	vld [tilespmem:s24+$0xDFD0]  }
0x43f: {  	v12 =	vld [tilespmem:s24+$0xBFE0]  }
0x440: {  	v7 =	vmul.f32 v7, v7;
	v13 =	vld [tilespmem:s24+$0xDFE0]  }
0x441: {  	[tilespmem:s24+$0xFF80] =	vst.add.f32.msk $0xffff, v6;
	v3 =	vsub.f32 v3, v9  }
.Ltmp18:
0x442: {  	[tilespmem:s24+$0xFF90] =	vst.add.f32.msk $0xffff, v8;
	(pc) =	sbr.rel @p0 .LBB2_39-.Ltmp18, $4  }
0x443: {  	[tilespmem:s24+$0xFFA0] =	vst.add.f32.msk $0xffff, v4;
	v3 =	vmul.f32 v3, v3;
	v4 =	vsub.f32 v10, v11  }
0x444: {  	[tilespmem:s24+$0xFFB0] =	vst.add.f32.msk $0xffff, v7  }
0x445: {  	[tilespmem:s24+$0xFFC0] =	vst.add.f32.msk $0xffff, v3;
	v3 =	vmul.f32 v4, v4;
	v4 =	vsub.f32 v12, v13  }
0x446: {  	s23 =	sadd.s32 $0x800, s23;
	[tilespmem:s22+$0xFFE0] =	vst.add.f32.msk $0xffff, v5;
	s22 =	smov.u32 s24  }
0x447: {  	s11 =	sshll.u32 s10, $0x14  }
0x448: {  	v4 =	vmul.f32 v4, v4;
	s5 =	sadd.s32 s6, s11  }
0x449: {  	[tilespmem:s22+$0xFFD0] =	vst.add.f32.msk $0xffff, v3;
	s5 =	sshrl.u32 s5, $0x3  }
0x44a: {  	[tilespmem:s22+$0xFFE0] =	vst.add.f32.msk $0xffff, v4;
	s24 =	sadd.s32 s1, s5  }
0x44b: {  	[tilespmem:s14], [sflag:$0x1] =	stream.strided.gather [hbm4b:s24+s12], $0x800, s13, s12, $0x38;
	[tilespmem:$0x10600] =	vst v63  }
0x44c: {  	s5 =	sadd.s32 s2, s5  }
0x44d: {  	[tilespmem:s15], [sflag:$0x1] =	stream.strided.gather [hbm4b:s5+s12], $0x800, s13, s12, $0x38;
	[tilespmem:$0x10600] =	vst v63  }
0x44e: {  	_ =	swait.ge [sflag:s31], $0x800  }
0x44f: {  	[sflag:s31] =	ssyncset.done $0x0  }
0x450: {  	[sflag:s31] =	ssyncadd.s32 $0xFFFFF800  }
0x451: {  	_ =	swait.ge [sflag:s31], $0x800  }
0x452: {  	[sflag:s31] =	ssyncset.done $0x0  }
0x453: {  	s22 =	simm.s32 $0x0;
	[sflag:s31] =	ssyncadd.s32 $0xFFFFF800  }
0x454: {  	v3 =	vld [tilespmem:s22+$0xC670]  }
0x455: {  	v4 =	vld [tilespmem:s22+$0xE670]  }
0x456: {  	v5 =	vld [tilespmem:s22+$0xC600]  }
0x457: {  	v6 =	vld [tilespmem:s22+$0xE600]  }
0x458: {  	v7 =	vld [tilespmem:s22+$0xC610]  }
0x459: {  	v8 =	vld [tilespmem:s22+$0xE610]  }
0x45a: {  	v9 =	vld [tilespmem:s22+$0xC620]  }
0x45b: {  	v10 =	vld [tilespmem:s22+$0xC630];
	v3 =	vsub.f32 v3, v4  }
0x45c: {  	v11 =	vld [tilespmem:s22+$0xE630]  }
0x45d: {  	v12 =	vld [tilespmem:s22+$0xE640];
	v3 =	vmul.f32 v3, v3  }
0x45e: {  	v4 =	vld [tilespmem:s22+$0xE620]  }
0x45f: {  	[tilespmem:s22+$0xFE70] =	vst.add.f32.msk $0xffff, v3  }
0x460: {  	v3 =	vld [tilespmem:s22+$0xC640]  }
0x461: {  	v61 =	vld [tilespmem:s22+$0xE650]  }
0x462: {  	v5 =	vsub.f32 v5, v6;
	v6 =	vld [tilespmem:s22+$0xC650]  }
0x463: {  	v62 =	vld [tilespmem:s22+$0xC660];
	v4 =	vsub.f32 v9, v4  }
0x464: {  	v63 =	vld [tilespmem:s22+$0xE660];
	v7 =	vsub.f32 v7, v8;
	v5 =	vmul.f32 v5, v5  }
0x465: {  	v4 =	vmul.f32 v4, v4;
	v3 =	vsub.f32 v3, v12  }
0x466: {  	v10 =	vsub.f32 v10, v11;
	v7 =	vmul.f32 v7, v7;
	[tilespmem:s22+$0xFE00] =	vst.add.f32.msk $0xffff, v5  }
0x467: {  	[tilespmem:s22+$0xFE20] =	vst.add.f32.msk $0xffff, v4;
	v4 =	vsub.f32 v6, v61;
	v3 =	vmul.f32 v3, v3  }
0x468: {  	v5 =	vmul.f32 v10, v10;
	[tilespmem:s22+$0xFE10] =	vst.add.f32.msk $0xffff, v7  }
0x469: {  	[tilespmem:s22+$0xFE40] =	vst.add.f32.msk $0xffff, v3;
	v3 =	vmul.f32 v4, v4;
	v4 =	vsub.f32 v62, v63  }
0x46a: {  	s23 =	simm.s32 $0x0;
	s29 =	simm.s32 $0x800;
	s24 =	simm.s32 $0x0;
	[tilespmem:s22+$0xFE30] =	vst.add.f32.msk $0xffff, v5  }
.LBB2_41:
0x46b: {  	s5 =	sshra.s32 s29, $0x2;
	[tilespmem:s24+$0xFE50] =	vst.add.f32.msk $0xffff, v3;
	v5 =	vmul.f32 v4, v4  }
0x46c: {  	s23 =	sadd.s32 $0x8, s23;
	v3 =	vld [tilespmem:s5+$0xC670]  }
0x46d: {  	p0 =	slt.u32 s23, $0x18;
	v4 =	vld [tilespmem:s5+$0xE670]  }
0x46e: {  	v6 =	vld [tilespmem:s5+$0xC600]  }
0x46f: {  	v7 =	vld [tilespmem:s5+$0xE600]  }
0x470: {  	v8 =	vld [tilespmem:s5+$0xC610]  }
0x471: {  	v9 =	vld [tilespmem:s5+$0xE610]  }
0x472: {  	v10 =	vld [tilespmem:s5+$0xC620];
	v3 =	vsub.f32 v3, v4  }
0x473: {  	v4 =	vld [tilespmem:s5+$0xE620]  }
0x474: {  	v6 =	vsub.f32 v6, v7;
	v7 =	vld [tilespmem:s5+$0xC630];
	v3 =	vmul.f32 v3, v3  }
0x475: {  	v11 =	vld [tilespmem:s5+$0xE630]  }
0x476: {  	v6 =	vmul.f32 v6, v6;
	v8 =	vsub.f32 v8, v9;
	[tilespmem:s5+$0xFE70] =	vst.add.f32.msk $0xffff, v3  }
0x477: {  	v3 =	vld [tilespmem:s5+$0xC640]  }
0x478: {  	v8 =	vmul.f32 v8, v8;
	v4 =	vsub.f32 v10, v4;
	v9 =	vld [tilespmem:s5+$0xE640]  }
0x479: {  	v10 =	vld [tilespmem:s5+$0xC650]  }
0x47a: {  	v4 =	vmul.f32 v4, v4;
	v7 =	vsub.f32 v7, v11;
	v11 =	vld [tilespmem:s5+$0xE650]  }
0x47b: {  	v12 =	vld [tilespmem:s5+$0xC660]  }
0x47c: {  	v7 =	vmul.f32 v7, v7;
	v13 =	vld [tilespmem:s5+$0xE660]  }
0x47d: {  	[tilespmem:s5+$0xFE00] =	vst.add.f32.msk $0xffff, v6;
	v3 =	vsub.f32 v3, v9  }
.Ltmp19:
0x47e: {  	[tilespmem:s5+$0xFE10] =	vst.add.f32.msk $0xffff, v8;
	(pc) =	sbr.rel @p0 .LBB2_41-.Ltmp19, $4  }
0x47f: {  	[tilespmem:s5+$0xFE20] =	vst.add.f32.msk $0xffff, v4;
	v3 =	vmul.f32 v3, v3;
	v4 =	vsub.f32 v10, v11  }
0x480: {  	[tilespmem:s5+$0xFE30] =	vst.add.f32.msk $0xffff, v7  }
0x481: {  	[tilespmem:s5+$0xFE40] =	vst.add.f32.msk $0xffff, v3;
	v3 =	vmul.f32 v4, v4;
	v4 =	vsub.f32 v12, v13  }
0x482: {  	s29 =	sadd.s32 $0x800, s29;
	[tilespmem:s24+$0xFE60] =	vst.add.f32.msk $0xffff, v5;
	s24 =	smov.u32 s5  }
0x483: {  	v4 =	vmul.f32 v4, v4  }
0x484: {  	[tilespmem:s24+$0xFE50] =	vst.add.f32.msk $0xffff, v3  }
0x485: {  	[tilespmem:s24+$0xFE60] =	vst.add.f32.msk $0xffff, v4  }
0x486: {  	v3 =	vld [tilespmem:s22+$0xC6F0]  }
0x487: {  	v4 =	vld [tilespmem:s22+$0xE6F0]  }
0x488: {  	v5 =	vld [tilespmem:s22+$0xC680]  }
0x489: {  	v6 =	vld [tilespmem:s22+$0xE680]  }
0x48a: {  	v7 =	vld [tilespmem:s22+$0xC690]  }
0x48b: {  	v8 =	vld [tilespmem:s22+$0xE690]  }
0x48c: {  	v9 =	vld [tilespmem:s22+$0xC6A0]  }
0x48d: {  	v10 =	vld [tilespmem:s22+$0xC6B0];
	v3 =	vsub.f32 v3, v4  }
0x48e: {  	v11 =	vld [tilespmem:s22+$0xE6B0]  }
0x48f: {  	v12 =	vld [tilespmem:s22+$0xE6C0];
	v3 =	vmul.f32 v3, v3  }
0x490: {  	v4 =	vld [tilespmem:s22+$0xE6A0]  }
0x491: {  	[tilespmem:s22+$0xFEF0] =	vst.add.f32.msk $0xffff, v3  }
0x492: {  	v3 =	vld [tilespmem:s22+$0xC6C0]  }
0x493: {  	v61 =	vld [tilespmem:s22+$0xE6D0]  }
0x494: {  	v5 =	vsub.f32 v5, v6;
	v6 =	vld [tilespmem:s22+$0xC6D0]  }
0x495: {  	v62 =	vld [tilespmem:s22+$0xC6E0];
	v4 =	vsub.f32 v9, v4  }
0x496: {  	v63 =	vld [tilespmem:s22+$0xE6E0];
	v7 =	vsub.f32 v7, v8;
	v5 =	vmul.f32 v5, v5  }
0x497: {  	v4 =	vmul.f32 v4, v4;
	v3 =	vsub.f32 v3, v12  }
0x498: {  	v10 =	vsub.f32 v10, v11;
	v7 =	vmul.f32 v7, v7;
	[tilespmem:s22+$0xFE80] =	vst.add.f32.msk $0xffff, v5  }
0x499: {  	[tilespmem:s22+$0xFEA0] =	vst.add.f32.msk $0xffff, v4;
	v4 =	vsub.f32 v6, v61;
	v3 =	vmul.f32 v3, v3  }
0x49a: {  	v5 =	vmul.f32 v10, v10;
	[tilespmem:s22+$0xFE90] =	vst.add.f32.msk $0xffff, v7  }
0x49b: {  	[tilespmem:s22+$0xFEC0] =	vst.add.f32.msk $0xffff, v3;
	v3 =	vmul.f32 v4, v4;
	v4 =	vsub.f32 v62, v63  }
0x49c: {  	s23 =	simm.s32 $0x0;
	s24 =	simm.s32 $0x800;
	[tilespmem:s22+$0xFEB0] =	vst.add.f32.msk $0xffff, v5  }
.LBB2_43:
0x49d: {  	s5 =	sshra.s32 s24, $0x2;
	[tilespmem:s22+$0xFED0] =	vst.add.f32.msk $0xffff, v3;
	v5 =	vmul.f32 v4, v4  }
0x49e: {  	s23 =	sadd.s32 $0x8, s23;
	v3 =	vld [tilespmem:s5+$0xC6F0]  }
0x49f: {  	p0 =	slt.u32 s23, $0x18;
	v4 =	vld [tilespmem:s5+$0xE6F0]  }
0x4a0: {  	v6 =	vld [tilespmem:s5+$0xC680]  }
0x4a1: {  	v7 =	vld [tilespmem:s5+$0xE680]  }
0x4a2: {  	v8 =	vld [tilespmem:s5+$0xC690]  }
0x4a3: {  	v9 =	vld [tilespmem:s5+$0xE690]  }
0x4a4: {  	v10 =	vld [tilespmem:s5+$0xC6A0];
	v3 =	vsub.f32 v3, v4  }
0x4a5: {  	v4 =	vld [tilespmem:s5+$0xE6A0]  }
0x4a6: {  	v6 =	vsub.f32 v6, v7;
	v7 =	vld [tilespmem:s5+$0xC6B0];
	v3 =	vmul.f32 v3, v3  }
0x4a7: {  	v11 =	vld [tilespmem:s5+$0xE6B0]  }
0x4a8: {  	v6 =	vmul.f32 v6, v6;
	v8 =	vsub.f32 v8, v9;
	[tilespmem:s5+$0xFEF0] =	vst.add.f32.msk $0xffff, v3  }
0x4a9: {  	v3 =	vld [tilespmem:s5+$0xC6C0]  }
0x4aa: {  	v8 =	vmul.f32 v8, v8;
	v4 =	vsub.f32 v10, v4;
	v9 =	vld [tilespmem:s5+$0xE6C0]  }
0x4ab: {  	v10 =	vld [tilespmem:s5+$0xC6D0]  }
0x4ac: {  	v4 =	vmul.f32 v4, v4;
	v7 =	vsub.f32 v7, v11;
	v11 =	vld [tilespmem:s5+$0xE6D0]  }
0x4ad: {  	v12 =	vld [tilespmem:s5+$0xC6E0]  }
0x4ae: {  	v7 =	vmul.f32 v7, v7;
	v13 =	vld [tilespmem:s5+$0xE6E0]  }
0x4af: {  	[tilespmem:s5+$0xFE80] =	vst.add.f32.msk $0xffff, v6;
	v3 =	vsub.f32 v3, v9  }
.Ltmp20:
0x4b0: {  	[tilespmem:s5+$0xFE90] =	vst.add.f32.msk $0xffff, v8;
	(pc) =	sbr.rel @p0 .LBB2_43-.Ltmp20, $4  }
0x4b1: {  	[tilespmem:s5+$0xFEA0] =	vst.add.f32.msk $0xffff, v4;
	v3 =	vmul.f32 v3, v3;
	v4 =	vsub.f32 v10, v11  }
0x4b2: {  	[tilespmem:s5+$0xFEB0] =	vst.add.f32.msk $0xffff, v7  }
0x4b3: {  	[tilespmem:s5+$0xFEC0] =	vst.add.f32.msk $0xffff, v3;
	v3 =	vmul.f32 v4, v4;
	v4 =	vsub.f32 v12, v13  }
0x4b4: {  	s24 =	sadd.s32 $0x800, s24;
	[tilespmem:s22+$0xFEE0] =	vst.add.f32.msk $0xffff, v5;
	s22 =	smov.u32 s5  }
0x4b5: {  	v4 =	vmul.f32 v4, v4  }
0x4b6: {  	[tilespmem:s22+$0xFED0] =	vst.add.f32.msk $0xffff, v3  }
0x4b7: {  	[tilespmem:s22+$0xFEE0] =	vst.add.f32.msk $0xffff, v4;
	s22 =	simm.s32 $0x0  }
0x4b8: {  	v3 =	vld [tilespmem:s22+$0xC770]  }
0x4b9: {  	v4 =	vld [tilespmem:s22+$0xE770]  }
0x4ba: {  	v5 =	vld [tilespmem:s22+$0xC700]  }
0x4bb: {  	v6 =	vld [tilespmem:s22+$0xE700]  }
0x4bc: {  	v7 =	vld [tilespmem:s22+$0xC710]  }
0x4bd: {  	v8 =	vld [tilespmem:s22+$0xE710]  }
0x4be: {  	v9 =	vld [tilespmem:s22+$0xC720]  }
0x4bf: {  	v10 =	vld [tilespmem:s22+$0xC730];
	v3 =	vsub.f32 v3, v4  }
0x4c0: {  	v11 =	vld [tilespmem:s22+$0xE730]  }
0x4c1: {  	v12 =	vld [tilespmem:s22+$0xE740];
	v3 =	vmul.f32 v3, v3  }
0x4c2: {  	v4 =	vld [tilespmem:s22+$0xE720]  }
0x4c3: {  	[tilespmem:s22+$0xFF70] =	vst.add.f32.msk $0xffff, v3  }
0x4c4: {  	v3 =	vld [tilespmem:s22+$0xC740]  }
0x4c5: {  	v61 =	vld [tilespmem:s22+$0xE750]  }
0x4c6: {  	v5 =	vsub.f32 v5, v6;
	v6 =	vld [tilespmem:s22+$0xC750]  }
0x4c7: {  	v62 =	vld [tilespmem:s22+$0xC760];
	v4 =	vsub.f32 v9, v4  }
0x4c8: {  	v63 =	vld [tilespmem:s22+$0xE760];
	v7 =	vsub.f32 v7, v8;
	v5 =	vmul.f32 v5, v5  }
0x4c9: {  	v4 =	vmul.f32 v4, v4;
	v3 =	vsub.f32 v3, v12  }
0x4ca: {  	v10 =	vsub.f32 v10, v11;
	v7 =	vmul.f32 v7, v7;
	[tilespmem:s22+$0xFF00] =	vst.add.f32.msk $0xffff, v5  }
0x4cb: {  	[tilespmem:s22+$0xFF20] =	vst.add.f32.msk $0xffff, v4;
	v4 =	vsub.f32 v6, v61;
	v3 =	vmul.f32 v3, v3  }
0x4cc: {  	v5 =	vmul.f32 v10, v10;
	[tilespmem:s22+$0xFF10] =	vst.add.f32.msk $0xffff, v7  }
0x4cd: {  	[tilespmem:s22+$0xFF40] =	vst.add.f32.msk $0xffff, v3;
	v3 =	vmul.f32 v4, v4;
	v4 =	vsub.f32 v62, v63  }
0x4ce: {  	s23 =	simm.s32 $0x0;
	s29 =	simm.s32 $0x800;
	s24 =	simm.s32 $0x0;
	[tilespmem:s22+$0xFF30] =	vst.add.f32.msk $0xffff, v5  }
.LBB2_45:
0x4cf: {  	s5 =	sshra.s32 s29, $0x2;
	[tilespmem:s24+$0xFF50] =	vst.add.f32.msk $0xffff, v3;
	v5 =	vmul.f32 v4, v4  }
0x4d0: {  	s23 =	sadd.s32 $0x8, s23;
	v3 =	vld [tilespmem:s5+$0xC770]  }
0x4d1: {  	p0 =	slt.u32 s23, $0x18;
	v4 =	vld [tilespmem:s5+$0xE770]  }
0x4d2: {  	v6 =	vld [tilespmem:s5+$0xC700]  }
0x4d3: {  	v7 =	vld [tilespmem:s5+$0xE700]  }
0x4d4: {  	v8 =	vld [tilespmem:s5+$0xC710]  }
0x4d5: {  	v9 =	vld [tilespmem:s5+$0xE710]  }
0x4d6: {  	v10 =	vld [tilespmem:s5+$0xC720];
	v3 =	vsub.f32 v3, v4  }
0x4d7: {  	v4 =	vld [tilespmem:s5+$0xE720]  }
0x4d8: {  	v6 =	vsub.f32 v6, v7;
	v7 =	vld [tilespmem:s5+$0xC730];
	v3 =	vmul.f32 v3, v3  }
0x4d9: {  	v11 =	vld [tilespmem:s5+$0xE730]  }
0x4da: {  	v6 =	vmul.f32 v6, v6;
	v8 =	vsub.f32 v8, v9;
	[tilespmem:s5+$0xFF70] =	vst.add.f32.msk $0xffff, v3  }
0x4db: {  	v3 =	vld [tilespmem:s5+$0xC740]  }
0x4dc: {  	v8 =	vmul.f32 v8, v8;
	v4 =	vsub.f32 v10, v4;
	v9 =	vld [tilespmem:s5+$0xE740]  }
0x4dd: {  	v10 =	vld [tilespmem:s5+$0xC750]  }
0x4de: {  	v4 =	vmul.f32 v4, v4;
	v7 =	vsub.f32 v7, v11;
	v11 =	vld [tilespmem:s5+$0xE750]  }
0x4df: {  	v12 =	vld [tilespmem:s5+$0xC760]  }
0x4e0: {  	v7 =	vmul.f32 v7, v7;
	v13 =	vld [tilespmem:s5+$0xE760]  }
0x4e1: {  	[tilespmem:s5+$0xFF00] =	vst.add.f32.msk $0xffff, v6;
	v3 =	vsub.f32 v3, v9  }
.Ltmp21:
0x4e2: {  	[tilespmem:s5+$0xFF10] =	vst.add.f32.msk $0xffff, v8;
	(pc) =	sbr.rel @p0 .LBB2_45-.Ltmp21, $4  }
0x4e3: {  	[tilespmem:s5+$0xFF20] =	vst.add.f32.msk $0xffff, v4;
	v3 =	vmul.f32 v3, v3;
	v4 =	vsub.f32 v10, v11  }
0x4e4: {  	[tilespmem:s5+$0xFF30] =	vst.add.f32.msk $0xffff, v7  }
0x4e5: {  	[tilespmem:s5+$0xFF40] =	vst.add.f32.msk $0xffff, v3;
	v3 =	vmul.f32 v4, v4;
	v4 =	vsub.f32 v12, v13  }
0x4e6: {  	s29 =	sadd.s32 $0x800, s29;
	[tilespmem:s24+$0xFF60] =	vst.add.f32.msk $0xffff, v5;
	s24 =	smov.u32 s5  }
0x4e7: {  	v4 =	vmul.f32 v4, v4  }
0x4e8: {  	[tilespmem:s24+$0xFF50] =	vst.add.f32.msk $0xffff, v3  }
0x4e9: {  	[tilespmem:s24+$0xFF60] =	vst.add.f32.msk $0xffff, v4  }
0x4ea: {  	v3 =	vld [tilespmem:s22+$0xC7F0]  }
0x4eb: {  	v4 =	vld [tilespmem:s22+$0xE7F0]  }
0x4ec: {  	v5 =	vld [tilespmem:s22+$0xC780]  }
0x4ed: {  	v6 =	vld [tilespmem:s22+$0xE780]  }
0x4ee: {  	v7 =	vld [tilespmem:s22+$0xC790]  }
0x4ef: {  	v8 =	vld [tilespmem:s22+$0xE790]  }
0x4f0: {  	v9 =	vld [tilespmem:s22+$0xC7A0]  }
0x4f1: {  	v10 =	vld [tilespmem:s22+$0xC7B0];
	v3 =	vsub.f32 v3, v4  }
0x4f2: {  	v11 =	vld [tilespmem:s22+$0xE7B0]  }
0x4f3: {  	v12 =	vld [tilespmem:s22+$0xE7C0];
	v3 =	vmul.f32 v3, v3  }
0x4f4: {  	v4 =	vld [tilespmem:s22+$0xE7A0]  }
0x4f5: {  	[tilespmem:s22+$0xFFF0] =	vst.add.f32.msk $0xffff, v3  }
0x4f6: {  	v3 =	vld [tilespmem:s22+$0xC7C0]  }
0x4f7: {  	v61 =	vld [tilespmem:s22+$0xE7D0]  }
0x4f8: {  	v5 =	vsub.f32 v5, v6;
	v6 =	vld [tilespmem:s22+$0xC7D0]  }
0x4f9: {  	v62 =	vld [tilespmem:s22+$0xC7E0];
	v4 =	vsub.f32 v9, v4  }
0x4fa: {  	v63 =	vld [tilespmem:s22+$0xE7E0];
	v7 =	vsub.f32 v7, v8;
	v5 =	vmul.f32 v5, v5  }
0x4fb: {  	v4 =	vmul.f32 v4, v4;
	v3 =	vsub.f32 v3, v12  }
0x4fc: {  	v10 =	vsub.f32 v10, v11;
	v7 =	vmul.f32 v7, v7;
	[tilespmem:s22+$0xFF80] =	vst.add.f32.msk $0xffff, v5  }
0x4fd: {  	[tilespmem:s22+$0xFFA0] =	vst.add.f32.msk $0xffff, v4;
	v4 =	vsub.f32 v6, v61;
	v3 =	vmul.f32 v3, v3  }
0x4fe: {  	v5 =	vmul.f32 v10, v10;
	[tilespmem:s22+$0xFF90] =	vst.add.f32.msk $0xffff, v7  }
0x4ff: {  	[tilespmem:s22+$0xFFC0] =	vst.add.f32.msk $0xffff, v3;
	v3 =	vmul.f32 v4, v4;
	v4 =	vsub.f32 v62, v63  }
0x500: {  	s23 =	simm.s32 $0x0;
	s24 =	simm.s32 $0x800;
	[tilespmem:s22+$0xFFB0] =	vst.add.f32.msk $0xffff, v5  }
.LBB2_47:
0x501: {  	s5 =	sshra.s32 s24, $0x2;
	[tilespmem:s22+$0xFFD0] =	vst.add.f32.msk $0xffff, v3;
	v5 =	vmul.f32 v4, v4  }
0x502: {  	s23 =	sadd.s32 $0x8, s23;
	v3 =	vld [tilespmem:s5+$0xC7F0]  }
0x503: {  	p0 =	slt.u32 s23, $0x18;
	v4 =	vld [tilespmem:s5+$0xE7F0]  }
0x504: {  	v6 =	vld [tilespmem:s5+$0xC780]  }
0x505: {  	v7 =	vld [tilespmem:s5+$0xE780]  }
0x506: {  	v8 =	vld [tilespmem:s5+$0xC790]  }
0x507: {  	v9 =	vld [tilespmem:s5+$0xE790]  }
0x508: {  	v10 =	vld [tilespmem:s5+$0xC7A0];
	v3 =	vsub.f32 v3, v4  }
0x509: {  	v4 =	vld [tilespmem:s5+$0xE7A0]  }
0x50a: {  	v6 =	vsub.f32 v6, v7;
	v7 =	vld [tilespmem:s5+$0xC7B0];
	v3 =	vmul.f32 v3, v3  }
0x50b: {  	v11 =	vld [tilespmem:s5+$0xE7B0]  }
0x50c: {  	v6 =	vmul.f32 v6, v6;
	v8 =	vsub.f32 v8, v9;
	[tilespmem:s5+$0xFFF0] =	vst.add.f32.msk $0xffff, v3  }
0x50d: {  	v3 =	vld [tilespmem:s5+$0xC7C0]  }
0x50e: {  	v8 =	vmul.f32 v8, v8;
	v4 =	vsub.f32 v10, v4;
	v9 =	vld [tilespmem:s5+$0xE7C0]  }
0x50f: {  	v10 =	vld [tilespmem:s5+$0xC7D0]  }
0x510: {  	v4 =	vmul.f32 v4, v4;
	v7 =	vsub.f32 v7, v11;
	v11 =	vld [tilespmem:s5+$0xE7D0]  }
0x511: {  	v12 =	vld [tilespmem:s5+$0xC7E0]  }
0x512: {  	v7 =	vmul.f32 v7, v7;
	v13 =	vld [tilespmem:s5+$0xE7E0]  }
0x513: {  	[tilespmem:s5+$0xFF80] =	vst.add.f32.msk $0xffff, v6;
	v3 =	vsub.f32 v3, v9  }
.Ltmp22:
0x514: {  	[tilespmem:s5+$0xFF90] =	vst.add.f32.msk $0xffff, v8;
	(pc) =	sbr.rel @p0 .LBB2_47-.Ltmp22, $4  }
0x515: {  	[tilespmem:s5+$0xFFA0] =	vst.add.f32.msk $0xffff, v4;
	v3 =	vmul.f32 v3, v3;
	v4 =	vsub.f32 v10, v11  }
0x516: {  	[tilespmem:s5+$0xFFB0] =	vst.add.f32.msk $0xffff, v7  }
0x517: {  	[tilespmem:s5+$0xFFC0] =	vst.add.f32.msk $0xffff, v3;
	v3 =	vmul.f32 v4, v4;
	v4 =	vsub.f32 v12, v13  }
0x518: {  	s24 =	sadd.s32 $0x800, s24;
	[tilespmem:s22+$0xFFE0] =	vst.add.f32.msk $0xffff, v5;
	s22 =	smov.u32 s5  }
0x519: {  	v4 =	vmul.f32 v4, v4;
	s5 =	sadd.s32 s7, s11  }
0x51a: {  	[tilespmem:s22+$0xFFD0] =	vst.add.f32.msk $0xffff, v3;
	s5 =	sshrl.u32 s5, $0x3  }
0x51b: {  	[tilespmem:s22+$0xFFE0] =	vst.add.f32.msk $0xffff, v4;
	s24 =	sadd.s32 s1, s5  }
0x51c: {  	[tilespmem:s16], [sflag:$0x2] =	stream.strided.gather [hbm4b:s24+s12], $0x800, s13, s12, $0x38;
	[tilespmem:$0x10600] =	vst v63  }
0x51d: {  	s5 =	sadd.s32 s2, s5  }
0x51e: {  	[tilespmem:s17], [sflag:$0x2] =	stream.strided.gather [hbm4b:s5+s12], $0x800, s13, s12, $0x38;
	[tilespmem:$0x10600] =	vst v63  }
0x51f: {  	_ =	swait.ge [sflag:s0], $0x800  }
0x520: {  	[sflag:s0] =	ssyncset.done $0x0  }
0x521: {  	[sflag:s0] =	ssyncadd.s32 $0xFFFFF800  }
0x522: {  	_ =	swait.ge [sflag:s0], $0x800  }
0x523: {  	[sflag:s0] =	ssyncset.done $0x0  }
0x524: {  	s22 =	simm.s32 $0x0;
	[sflag:s0] =	ssyncadd.s32 $0xFFFFF800  }
0x525: {  	v3 =	vld [tilespmem:s22+$0xCE70]  }
0x526: {  	v4 =	vld [tilespmem:s22+$0xEE70]  }
0x527: {  	v5 =	vld [tilespmem:s22+$0xCE00]  }
0x528: {  	v6 =	vld [tilespmem:s22+$0xEE00]  }
0x529: {  	v7 =	vld [tilespmem:s22+$0xCE10]  }
0x52a: {  	v8 =	vld [tilespmem:s22+$0xEE10]  }
0x52b: {  	v9 =	vld [tilespmem:s22+$0xCE20]  }
0x52c: {  	v10 =	vld [tilespmem:s22+$0xCE30];
	v3 =	vsub.f32 v3, v4  }
0x52d: {  	v11 =	vld [tilespmem:s22+$0xEE30]  }
0x52e: {  	v12 =	vld [tilespmem:s22+$0xEE40];
	v3 =	vmul.f32 v3, v3  }
0x52f: {  	v4 =	vld [tilespmem:s22+$0xEE20]  }
0x530: {  	[tilespmem:s22+$0xFE70] =	vst.add.f32.msk $0xffff, v3  }
0x531: {  	v3 =	vld [tilespmem:s22+$0xCE40]  }
0x532: {  	v61 =	vld [tilespmem:s22+$0xEE50]  }
0x533: {  	v5 =	vsub.f32 v5, v6;
	v6 =	vld [tilespmem:s22+$0xCE50]  }
0x534: {  	v62 =	vld [tilespmem:s22+$0xCE60];
	v4 =	vsub.f32 v9, v4  }
0x535: {  	v63 =	vld [tilespmem:s22+$0xEE60];
	v7 =	vsub.f32 v7, v8;
	v5 =	vmul.f32 v5, v5  }
0x536: {  	v4 =	vmul.f32 v4, v4;
	v3 =	vsub.f32 v3, v12  }
0x537: {  	v10 =	vsub.f32 v10, v11;
	v7 =	vmul.f32 v7, v7;
	[tilespmem:s22+$0xFE00] =	vst.add.f32.msk $0xffff, v5  }
0x538: {  	[tilespmem:s22+$0xFE20] =	vst.add.f32.msk $0xffff, v4;
	v4 =	vsub.f32 v6, v61;
	v3 =	vmul.f32 v3, v3  }
0x539: {  	v5 =	vmul.f32 v10, v10;
	[tilespmem:s22+$0xFE10] =	vst.add.f32.msk $0xffff, v7  }
0x53a: {  	[tilespmem:s22+$0xFE40] =	vst.add.f32.msk $0xffff, v3;
	v3 =	vmul.f32 v4, v4;
	v4 =	vsub.f32 v62, v63  }
0x53b: {  	s23 =	simm.s32 $0x0;
	s29 =	simm.s32 $0x800;
	s24 =	simm.s32 $0x0;
	[tilespmem:s22+$0xFE30] =	vst.add.f32.msk $0xffff, v5  }
.LBB2_49:
0x53c: {  	s5 =	sshra.s32 s29, $0x2;
	[tilespmem:s24+$0xFE50] =	vst.add.f32.msk $0xffff, v3;
	v5 =	vmul.f32 v4, v4  }
0x53d: {  	s23 =	sadd.s32 $0x8, s23;
	v3 =	vld [tilespmem:s5+$0xCE70]  }
0x53e: {  	p0 =	slt.u32 s23, $0x18;
	v4 =	vld [tilespmem:s5+$0xEE70]  }
0x53f: {  	v6 =	vld [tilespmem:s5+$0xCE00]  }
0x540: {  	v7 =	vld [tilespmem:s5+$0xEE00]  }
0x541: {  	v8 =	vld [tilespmem:s5+$0xCE10]  }
0x542: {  	v9 =	vld [tilespmem:s5+$0xEE10]  }
0x543: {  	v10 =	vld [tilespmem:s5+$0xCE20];
	v3 =	vsub.f32 v3, v4  }
0x544: {  	v4 =	vld [tilespmem:s5+$0xEE20]  }
0x545: {  	v6 =	vsub.f32 v6, v7;
	v7 =	vld [tilespmem:s5+$0xCE30];
	v3 =	vmul.f32 v3, v3  }
0x546: {  	v11 =	vld [tilespmem:s5+$0xEE30]  }
0x547: {  	v6 =	vmul.f32 v6, v6;
	v8 =	vsub.f32 v8, v9;
	[tilespmem:s5+$0xFE70] =	vst.add.f32.msk $0xffff, v3  }
0x548: {  	v3 =	vld [tilespmem:s5+$0xCE40]  }
0x549: {  	v8 =	vmul.f32 v8, v8;
	v4 =	vsub.f32 v10, v4;
	v9 =	vld [tilespmem:s5+$0xEE40]  }
0x54a: {  	v10 =	vld [tilespmem:s5+$0xCE50]  }
0x54b: {  	v4 =	vmul.f32 v4, v4;
	v7 =	vsub.f32 v7, v11;
	v11 =	vld [tilespmem:s5+$0xEE50]  }
0x54c: {  	v12 =	vld [tilespmem:s5+$0xCE60]  }
0x54d: {  	v7 =	vmul.f32 v7, v7;
	v13 =	vld [tilespmem:s5+$0xEE60]  }
0x54e: {  	[tilespmem:s5+$0xFE00] =	vst.add.f32.msk $0xffff, v6;
	v3 =	vsub.f32 v3, v9  }
.Ltmp23:
0x54f: {  	[tilespmem:s5+$0xFE10] =	vst.add.f32.msk $0xffff, v8;
	(pc) =	sbr.rel @p0 .LBB2_49-.Ltmp23, $4  }
0x550: {  	[tilespmem:s5+$0xFE20] =	vst.add.f32.msk $0xffff, v4;
	v3 =	vmul.f32 v3, v3;
	v4 =	vsub.f32 v10, v11  }
0x551: {  	[tilespmem:s5+$0xFE30] =	vst.add.f32.msk $0xffff, v7  }
0x552: {  	[tilespmem:s5+$0xFE40] =	vst.add.f32.msk $0xffff, v3;
	v3 =	vmul.f32 v4, v4;
	v4 =	vsub.f32 v12, v13  }
0x553: {  	s29 =	sadd.s32 $0x800, s29;
	[tilespmem:s24+$0xFE60] =	vst.add.f32.msk $0xffff, v5;
	s24 =	smov.u32 s5  }
0x554: {  	v4 =	vmul.f32 v4, v4  }
0x555: {  	[tilespmem:s24+$0xFE50] =	vst.add.f32.msk $0xffff, v3  }
0x556: {  	[tilespmem:s24+$0xFE60] =	vst.add.f32.msk $0xffff, v4  }
0x557: {  	v3 =	vld [tilespmem:s22+$0xCEF0]  }
0x558: {  	v4 =	vld [tilespmem:s22+$0xEEF0]  }
0x559: {  	v5 =	vld [tilespmem:s22+$0xCE80]  }
0x55a: {  	v6 =	vld [tilespmem:s22+$0xEE80]  }
0x55b: {  	v7 =	vld [tilespmem:s22+$0xCE90]  }
0x55c: {  	v8 =	vld [tilespmem:s22+$0xEE90]  }
0x55d: {  	v9 =	vld [tilespmem:s22+$0xCEA0]  }
0x55e: {  	v10 =	vld [tilespmem:s22+$0xCEB0];
	v3 =	vsub.f32 v3, v4  }
0x55f: {  	v11 =	vld [tilespmem:s22+$0xEEB0]  }
0x560: {  	v12 =	vld [tilespmem:s22+$0xEEC0];
	v3 =	vmul.f32 v3, v3  }
0x561: {  	v4 =	vld [tilespmem:s22+$0xEEA0]  }
0x562: {  	[tilespmem:s22+$0xFEF0] =	vst.add.f32.msk $0xffff, v3  }
0x563: {  	v3 =	vld [tilespmem:s22+$0xCEC0]  }
0x564: {  	v61 =	vld [tilespmem:s22+$0xEED0]  }
0x565: {  	v5 =	vsub.f32 v5, v6;
	v6 =	vld [tilespmem:s22+$0xCED0]  }
0x566: {  	v62 =	vld [tilespmem:s22+$0xCEE0];
	v4 =	vsub.f32 v9, v4  }
0x567: {  	v63 =	vld [tilespmem:s22+$0xEEE0];
	v7 =	vsub.f32 v7, v8;
	v5 =	vmul.f32 v5, v5  }
0x568: {  	v4 =	vmul.f32 v4, v4;
	v3 =	vsub.f32 v3, v12  }
0x569: {  	v10 =	vsub.f32 v10, v11;
	v7 =	vmul.f32 v7, v7;
	[tilespmem:s22+$0xFE80] =	vst.add.f32.msk $0xffff, v5  }
0x56a: {  	[tilespmem:s22+$0xFEA0] =	vst.add.f32.msk $0xffff, v4;
	v4 =	vsub.f32 v6, v61;
	v3 =	vmul.f32 v3, v3  }
0x56b: {  	v5 =	vmul.f32 v10, v10;
	[tilespmem:s22+$0xFE90] =	vst.add.f32.msk $0xffff, v7  }
0x56c: {  	[tilespmem:s22+$0xFEC0] =	vst.add.f32.msk $0xffff, v3;
	v3 =	vmul.f32 v4, v4;
	v4 =	vsub.f32 v62, v63  }
0x56d: {  	s23 =	simm.s32 $0x0;
	s24 =	simm.s32 $0x800;
	[tilespmem:s22+$0xFEB0] =	vst.add.f32.msk $0xffff, v5  }
.LBB2_51:
0x56e: {  	s5 =	sshra.s32 s24, $0x2;
	[tilespmem:s22+$0xFED0] =	vst.add.f32.msk $0xffff, v3;
	v5 =	vmul.f32 v4, v4  }
0x56f: {  	s23 =	sadd.s32 $0x8, s23;
	v3 =	vld [tilespmem:s5+$0xCEF0]  }
0x570: {  	p0 =	slt.u32 s23, $0x18;
	v4 =	vld [tilespmem:s5+$0xEEF0]  }
0x571: {  	v6 =	vld [tilespmem:s5+$0xCE80]  }
0x572: {  	v7 =	vld [tilespmem:s5+$0xEE80]  }
0x573: {  	v8 =	vld [tilespmem:s5+$0xCE90]  }
0x574: {  	v9 =	vld [tilespmem:s5+$0xEE90]  }
0x575: {  	v10 =	vld [tilespmem:s5+$0xCEA0];
	v3 =	vsub.f32 v3, v4  }
0x576: {  	v4 =	vld [tilespmem:s5+$0xEEA0]  }
0x577: {  	v6 =	vsub.f32 v6, v7;
	v7 =	vld [tilespmem:s5+$0xCEB0];
	v3 =	vmul.f32 v3, v3  }
0x578: {  	v11 =	vld [tilespmem:s5+$0xEEB0]  }
0x579: {  	v6 =	vmul.f32 v6, v6;
	v8 =	vsub.f32 v8, v9;
	[tilespmem:s5+$0xFEF0] =	vst.add.f32.msk $0xffff, v3  }
0x57a: {  	v3 =	vld [tilespmem:s5+$0xCEC0]  }
0x57b: {  	v8 =	vmul.f32 v8, v8;
	v4 =	vsub.f32 v10, v4;
	v9 =	vld [tilespmem:s5+$0xEEC0]  }
0x57c: {  	v10 =	vld [tilespmem:s5+$0xCED0]  }
0x57d: {  	v4 =	vmul.f32 v4, v4;
	v7 =	vsub.f32 v7, v11;
	v11 =	vld [tilespmem:s5+$0xEED0]  }
0x57e: {  	v12 =	vld [tilespmem:s5+$0xCEE0]  }
0x57f: {  	v7 =	vmul.f32 v7, v7;
	v13 =	vld [tilespmem:s5+$0xEEE0]  }
0x580: {  	[tilespmem:s5+$0xFE80] =	vst.add.f32.msk $0xffff, v6;
	v3 =	vsub.f32 v3, v9  }
.Ltmp24:
0x581: {  	[tilespmem:s5+$0xFE90] =	vst.add.f32.msk $0xffff, v8;
	(pc) =	sbr.rel @p0 .LBB2_51-.Ltmp24, $4  }
0x582: {  	[tilespmem:s5+$0xFEA0] =	vst.add.f32.msk $0xffff, v4;
	v3 =	vmul.f32 v3, v3;
	v4 =	vsub.f32 v10, v11  }
0x583: {  	[tilespmem:s5+$0xFEB0] =	vst.add.f32.msk $0xffff, v7  }
0x584: {  	[tilespmem:s5+$0xFEC0] =	vst.add.f32.msk $0xffff, v3;
	v3 =	vmul.f32 v4, v4;
	v4 =	vsub.f32 v12, v13  }
0x585: {  	s24 =	sadd.s32 $0x800, s24;
	[tilespmem:s22+$0xFEE0] =	vst.add.f32.msk $0xffff, v5;
	s22 =	smov.u32 s5  }
0x586: {  	v4 =	vmul.f32 v4, v4  }
0x587: {  	[tilespmem:s22+$0xFED0] =	vst.add.f32.msk $0xffff, v3  }
0x588: {  	[tilespmem:s22+$0xFEE0] =	vst.add.f32.msk $0xffff, v4;
	s22 =	simm.s32 $0x0  }
0x589: {  	v3 =	vld [tilespmem:s22+$0xCF70]  }
0x58a: {  	v4 =	vld [tilespmem:s22+$0xEF70]  }
0x58b: {  	v5 =	vld [tilespmem:s22+$0xCF00]  }
0x58c: {  	v6 =	vld [tilespmem:s22+$0xEF00]  }
0x58d: {  	v7 =	vld [tilespmem:s22+$0xCF10]  }
0x58e: {  	v8 =	vld [tilespmem:s22+$0xEF10]  }
0x58f: {  	v9 =	vld [tilespmem:s22+$0xCF20]  }
0x590: {  	v10 =	vld [tilespmem:s22+$0xCF30];
	v3 =	vsub.f32 v3, v4  }
0x591: {  	v11 =	vld [tilespmem:s22+$0xEF30]  }
0x592: {  	v12 =	vld [tilespmem:s22+$0xEF40];
	v3 =	vmul.f32 v3, v3  }
0x593: {  	v4 =	vld [tilespmem:s22+$0xEF20]  }
0x594: {  	[tilespmem:s22+$0xFF70] =	vst.add.f32.msk $0xffff, v3  }
0x595: {  	v3 =	vld [tilespmem:s22+$0xCF40]  }
0x596: {  	v61 =	vld [tilespmem:s22+$0xEF50]  }
0x597: {  	v5 =	vsub.f32 v5, v6;
	v6 =	vld [tilespmem:s22+$0xCF50]  }
0x598: {  	v62 =	vld [tilespmem:s22+$0xCF60];
	v4 =	vsub.f32 v9, v4  }
0x599: {  	v63 =	vld [tilespmem:s22+$0xEF60];
	v7 =	vsub.f32 v7, v8;
	v5 =	vmul.f32 v5, v5  }
0x59a: {  	v4 =	vmul.f32 v4, v4;
	v3 =	vsub.f32 v3, v12  }
0x59b: {  	v10 =	vsub.f32 v10, v11;
	v7 =	vmul.f32 v7, v7;
	[tilespmem:s22+$0xFF00] =	vst.add.f32.msk $0xffff, v5  }
0x59c: {  	[tilespmem:s22+$0xFF20] =	vst.add.f32.msk $0xffff, v4;
	v4 =	vsub.f32 v6, v61;
	v3 =	vmul.f32 v3, v3  }
0x59d: {  	v5 =	vmul.f32 v10, v10;
	[tilespmem:s22+$0xFF10] =	vst.add.f32.msk $0xffff, v7  }
0x59e: {  	[tilespmem:s22+$0xFF40] =	vst.add.f32.msk $0xffff, v3;
	v3 =	vmul.f32 v4, v4;
	v4 =	vsub.f32 v62, v63  }
0x59f: {  	s23 =	simm.s32 $0x0;
	s29 =	simm.s32 $0x800;
	s24 =	simm.s32 $0x0;
	[tilespmem:s22+$0xFF30] =	vst.add.f32.msk $0xffff, v5  }
.LBB2_53:
0x5a0: {  	s5 =	sshra.s32 s29, $0x2;
	[tilespmem:s24+$0xFF50] =	vst.add.f32.msk $0xffff, v3;
	v5 =	vmul.f32 v4, v4  }
0x5a1: {  	s23 =	sadd.s32 $0x8, s23;
	v3 =	vld [tilespmem:s5+$0xCF70]  }
0x5a2: {  	p0 =	slt.u32 s23, $0x18;
	v4 =	vld [tilespmem:s5+$0xEF70]  }
0x5a3: {  	v6 =	vld [tilespmem:s5+$0xCF00]  }
0x5a4: {  	v7 =	vld [tilespmem:s5+$0xEF00]  }
0x5a5: {  	v8 =	vld [tilespmem:s5+$0xCF10]  }
0x5a6: {  	v9 =	vld [tilespmem:s5+$0xEF10]  }
0x5a7: {  	v10 =	vld [tilespmem:s5+$0xCF20];
	v3 =	vsub.f32 v3, v4  }
0x5a8: {  	v4 =	vld [tilespmem:s5+$0xEF20]  }
0x5a9: {  	v6 =	vsub.f32 v6, v7;
	v7 =	vld [tilespmem:s5+$0xCF30];
	v3 =	vmul.f32 v3, v3  }
0x5aa: {  	v11 =	vld [tilespmem:s5+$0xEF30]  }
0x5ab: {  	v6 =	vmul.f32 v6, v6;
	v8 =	vsub.f32 v8, v9;
	[tilespmem:s5+$0xFF70] =	vst.add.f32.msk $0xffff, v3  }
0x5ac: {  	v3 =	vld [tilespmem:s5+$0xCF40]  }
0x5ad: {  	v8 =	vmul.f32 v8, v8;
	v4 =	vsub.f32 v10, v4;
	v9 =	vld [tilespmem:s5+$0xEF40]  }
0x5ae: {  	v10 =	vld [tilespmem:s5+$0xCF50]  }
0x5af: {  	v4 =	vmul.f32 v4, v4;
	v7 =	vsub.f32 v7, v11;
	v11 =	vld [tilespmem:s5+$0xEF50]  }
0x5b0: {  	v12 =	vld [tilespmem:s5+$0xCF60]  }
0x5b1: {  	v7 =	vmul.f32 v7, v7;
	v13 =	vld [tilespmem:s5+$0xEF60]  }
0x5b2: {  	[tilespmem:s5+$0xFF00] =	vst.add.f32.msk $0xffff, v6;
	v3 =	vsub.f32 v3, v9  }
.Ltmp25:
0x5b3: {  	[tilespmem:s5+$0xFF10] =	vst.add.f32.msk $0xffff, v8;
	(pc) =	sbr.rel @p0 .LBB2_53-.Ltmp25, $4  }
0x5b4: {  	[tilespmem:s5+$0xFF20] =	vst.add.f32.msk $0xffff, v4;
	v3 =	vmul.f32 v3, v3;
	v4 =	vsub.f32 v10, v11  }
0x5b5: {  	[tilespmem:s5+$0xFF30] =	vst.add.f32.msk $0xffff, v7  }
0x5b6: {  	[tilespmem:s5+$0xFF40] =	vst.add.f32.msk $0xffff, v3;
	v3 =	vmul.f32 v4, v4;
	v4 =	vsub.f32 v12, v13  }
0x5b7: {  	s29 =	sadd.s32 $0x800, s29;
	[tilespmem:s24+$0xFF60] =	vst.add.f32.msk $0xffff, v5;
	s24 =	smov.u32 s5  }
0x5b8: {  	v4 =	vmul.f32 v4, v4  }
0x5b9: {  	[tilespmem:s24+$0xFF50] =	vst.add.f32.msk $0xffff, v3  }
0x5ba: {  	[tilespmem:s24+$0xFF60] =	vst.add.f32.msk $0xffff, v4  }
0x5bb: {  	v3 =	vld [tilespmem:s22+$0xCFF0]  }
0x5bc: {  	v4 =	vld [tilespmem:s22+$0xEFF0]  }
0x5bd: {  	v5 =	vld [tilespmem:s22+$0xCF80]  }
0x5be: {  	v6 =	vld [tilespmem:s22+$0xEF80]  }
0x5bf: {  	v7 =	vld [tilespmem:s22+$0xCF90]  }
0x5c0: {  	v8 =	vld [tilespmem:s22+$0xEF90]  }
0x5c1: {  	v9 =	vld [tilespmem:s22+$0xCFA0]  }
0x5c2: {  	v10 =	vld [tilespmem:s22+$0xCFB0];
	v3 =	vsub.f32 v3, v4  }
0x5c3: {  	v11 =	vld [tilespmem:s22+$0xEFB0]  }
0x5c4: {  	v12 =	vld [tilespmem:s22+$0xEFC0];
	v3 =	vmul.f32 v3, v3  }
0x5c5: {  	v4 =	vld [tilespmem:s22+$0xEFA0]  }
0x5c6: {  	[tilespmem:s22+$0xFFF0] =	vst.add.f32.msk $0xffff, v3  }
0x5c7: {  	v3 =	vld [tilespmem:s22+$0xCFC0]  }
0x5c8: {  	v61 =	vld [tilespmem:s22+$0xEFD0]  }
0x5c9: {  	v5 =	vsub.f32 v5, v6;
	v6 =	vld [tilespmem:s22+$0xCFD0]  }
0x5ca: {  	v62 =	vld [tilespmem:s22+$0xCFE0];
	v4 =	vsub.f32 v9, v4  }
0x5cb: {  	v63 =	vld [tilespmem:s22+$0xEFE0];
	v7 =	vsub.f32 v7, v8;
	v5 =	vmul.f32 v5, v5  }
0x5cc: {  	v4 =	vmul.f32 v4, v4;
	v3 =	vsub.f32 v3, v12  }
0x5cd: {  	v10 =	vsub.f32 v10, v11;
	v7 =	vmul.f32 v7, v7;
	[tilespmem:s22+$0xFF80] =	vst.add.f32.msk $0xffff, v5  }
0x5ce: {  	[tilespmem:s22+$0xFFA0] =	vst.add.f32.msk $0xffff, v4;
	v4 =	vsub.f32 v6, v61;
	v3 =	vmul.f32 v3, v3  }
0x5cf: {  	v5 =	vmul.f32 v10, v10;
	[tilespmem:s22+$0xFF90] =	vst.add.f32.msk $0xffff, v7  }
0x5d0: {  	[tilespmem:s22+$0xFFC0] =	vst.add.f32.msk $0xffff, v3;
	v3 =	vmul.f32 v4, v4;
	v4 =	vsub.f32 v62, v63  }
0x5d1: {  	s23 =	simm.s32 $0x0;
	s24 =	simm.s32 $0x800;
	[tilespmem:s22+$0xFFB0] =	vst.add.f32.msk $0xffff, v5  }
.LBB2_55:
0x5d2: {  	s5 =	sshra.s32 s24, $0x2;
	[tilespmem:s22+$0xFFD0] =	vst.add.f32.msk $0xffff, v3;
	v5 =	vmul.f32 v4, v4  }
0x5d3: {  	s23 =	sadd.s32 $0x8, s23;
	v3 =	vld [tilespmem:s5+$0xCFF0]  }
0x5d4: {  	p0 =	slt.u32 s23, $0x18;
	v4 =	vld [tilespmem:s5+$0xEFF0]  }
0x5d5: {  	v6 =	vld [tilespmem:s5+$0xCF80]  }
0x5d6: {  	v7 =	vld [tilespmem:s5+$0xEF80]  }
0x5d7: {  	v8 =	vld [tilespmem:s5+$0xCF90]  }
0x5d8: {  	v9 =	vld [tilespmem:s5+$0xEF90]  }
0x5d9: {  	v10 =	vld [tilespmem:s5+$0xCFA0];
	v3 =	vsub.f32 v3, v4  }
0x5da: {  	v4 =	vld [tilespmem:s5+$0xEFA0]  }
0x5db: {  	v6 =	vsub.f32 v6, v7;
	v7 =	vld [tilespmem:s5+$0xCFB0];
	v3 =	vmul.f32 v3, v3  }
0x5dc: {  	v11 =	vld [tilespmem:s5+$0xEFB0]  }
0x5dd: {  	v6 =	vmul.f32 v6, v6;
	v8 =	vsub.f32 v8, v9;
	[tilespmem:s5+$0xFFF0] =	vst.add.f32.msk $0xffff, v3  }
0x5de: {  	v3 =	vld [tilespmem:s5+$0xCFC0]  }
0x5df: {  	v8 =	vmul.f32 v8, v8;
	v4 =	vsub.f32 v10, v4;
	v9 =	vld [tilespmem:s5+$0xEFC0]  }
0x5e0: {  	v10 =	vld [tilespmem:s5+$0xCFD0]  }
0x5e1: {  	v4 =	vmul.f32 v4, v4;
	v7 =	vsub.f32 v7, v11;
	v11 =	vld [tilespmem:s5+$0xEFD0]  }
0x5e2: {  	v12 =	vld [tilespmem:s5+$0xCFE0]  }
0x5e3: {  	v7 =	vmul.f32 v7, v7;
	v13 =	vld [tilespmem:s5+$0xEFE0]  }
0x5e4: {  	[tilespmem:s5+$0xFF80] =	vst.add.f32.msk $0xffff, v6;
	v3 =	vsub.f32 v3, v9  }
.Ltmp26:
0x5e5: {  	[tilespmem:s5+$0xFF90] =	vst.add.f32.msk $0xffff, v8;
	(pc) =	sbr.rel @p0 .LBB2_55-.Ltmp26, $4  }
0x5e6: {  	[tilespmem:s5+$0xFFA0] =	vst.add.f32.msk $0xffff, v4;
	v3 =	vmul.f32 v3, v3;
	v4 =	vsub.f32 v10, v11  }
0x5e7: {  	[tilespmem:s5+$0xFFB0] =	vst.add.f32.msk $0xffff, v7  }
0x5e8: {  	[tilespmem:s5+$0xFFC0] =	vst.add.f32.msk $0xffff, v3;
	v3 =	vmul.f32 v4, v4;
	v4 =	vsub.f32 v12, v13  }
0x5e9: {  	s24 =	sadd.s32 $0x800, s24;
	[tilespmem:s22+$0xFFE0] =	vst.add.f32.msk $0xffff, v5;
	s22 =	smov.u32 s5  }
0x5ea: {  	v4 =	vmul.f32 v4, v4;
	s5 =	sadd.s32 s8, s11  }
0x5eb: {  	[tilespmem:s22+$0xFFD0] =	vst.add.f32.msk $0xffff, v3;
	s5 =	sshrl.u32 s5, $0x3  }
0x5ec: {  	[tilespmem:s22+$0xFFE0] =	vst.add.f32.msk $0xffff, v4;
	s24 =	sadd.s32 s1, s5  }
0x5ed: {  	[tilespmem:s18], [sflag:$0x3] =	stream.strided.gather [hbm4b:s24+s12], $0x800, s13, s12, $0x38;
	[tilespmem:$0x10600] =	vst v63  }
0x5ee: {  	s5 =	sadd.s32 s2, s5  }
0x5ef: {  	[tilespmem:s19], [sflag:$0x3] =	stream.strided.gather [hbm4b:s5+s12], $0x800, s13, s12, $0x38;
	[tilespmem:$0x10600] =	vst v63  }
0x5f0: {  	_ =	swait.ge [sflag:s4], $0x800  }
0x5f1: {  	[sflag:s4] =	ssyncset.done $0x0  }
0x5f2: {  	[sflag:s4] =	ssyncadd.s32 $0xFFFFF800  }
0x5f3: {  	_ =	swait.ge [sflag:s4], $0x800  }
0x5f4: {  	[sflag:s4] =	ssyncset.done $0x0  }
0x5f5: {  	s22 =	simm.s32 $0x0;
	[sflag:s4] =	ssyncadd.s32 $0xFFFFF800  }
0x5f6: {  	v3 =	vld [tilespmem:s22+$0xD670]  }
0x5f7: {  	v4 =	vld [tilespmem:s22+$0xF670]  }
0x5f8: {  	v5 =	vld [tilespmem:s22+$0xD600]  }
0x5f9: {  	v6 =	vld [tilespmem:s22+$0xF600]  }
0x5fa: {  	v7 =	vld [tilespmem:s22+$0xD610]  }
0x5fb: {  	v8 =	vld [tilespmem:s22+$0xF610]  }
0x5fc: {  	v9 =	vld [tilespmem:s22+$0xD620]  }
0x5fd: {  	v10 =	vld [tilespmem:s22+$0xD630];
	v3 =	vsub.f32 v3, v4  }
0x5fe: {  	v11 =	vld [tilespmem:s22+$0xF630]  }
0x5ff: {  	v12 =	vld [tilespmem:s22+$0xF640];
	v3 =	vmul.f32 v3, v3  }
0x600: {  	v4 =	vld [tilespmem:s22+$0xF620]  }
0x601: {  	[tilespmem:s22+$0xFE70] =	vst.add.f32.msk $0xffff, v3  }
0x602: {  	v3 =	vld [tilespmem:s22+$0xD640]  }
0x603: {  	v61 =	vld [tilespmem:s22+$0xF650]  }
0x604: {  	v5 =	vsub.f32 v5, v6;
	v6 =	vld [tilespmem:s22+$0xD650]  }
0x605: {  	v62 =	vld [tilespmem:s22+$0xD660];
	v4 =	vsub.f32 v9, v4  }
0x606: {  	v63 =	vld [tilespmem:s22+$0xF660];
	v7 =	vsub.f32 v7, v8;
	v5 =	vmul.f32 v5, v5  }
0x607: {  	v4 =	vmul.f32 v4, v4;
	v3 =	vsub.f32 v3, v12  }
0x608: {  	v10 =	vsub.f32 v10, v11;
	v7 =	vmul.f32 v7, v7;
	[tilespmem:s22+$0xFE00] =	vst.add.f32.msk $0xffff, v5  }
0x609: {  	[tilespmem:s22+$0xFE20] =	vst.add.f32.msk $0xffff, v4;
	v4 =	vsub.f32 v6, v61;
	v3 =	vmul.f32 v3, v3  }
0x60a: {  	v5 =	vmul.f32 v10, v10;
	[tilespmem:s22+$0xFE10] =	vst.add.f32.msk $0xffff, v7  }
0x60b: {  	[tilespmem:s22+$0xFE40] =	vst.add.f32.msk $0xffff, v3;
	v3 =	vmul.f32 v4, v4;
	v4 =	vsub.f32 v62, v63  }
0x60c: {  	s23 =	simm.s32 $0x0;
	s29 =	simm.s32 $0x800;
	s24 =	simm.s32 $0x0;
	[tilespmem:s22+$0xFE30] =	vst.add.f32.msk $0xffff, v5  }
.LBB2_57:
0x60d: {  	s5 =	sshra.s32 s29, $0x2;
	[tilespmem:s24+$0xFE50] =	vst.add.f32.msk $0xffff, v3;
	v5 =	vmul.f32 v4, v4  }
0x60e: {  	s23 =	sadd.s32 $0x8, s23;
	v3 =	vld [tilespmem:s5+$0xD670]  }
0x60f: {  	p0 =	slt.u32 s23, $0x18;
	v4 =	vld [tilespmem:s5+$0xF670]  }
0x610: {  	v6 =	vld [tilespmem:s5+$0xD600]  }
0x611: {  	v7 =	vld [tilespmem:s5+$0xF600]  }
0x612: {  	v8 =	vld [tilespmem:s5+$0xD610]  }
0x613: {  	v9 =	vld [tilespmem:s5+$0xF610]  }
0x614: {  	v10 =	vld [tilespmem:s5+$0xD620];
	v3 =	vsub.f32 v3, v4  }
0x615: {  	v4 =	vld [tilespmem:s5+$0xF620]  }
0x616: {  	v6 =	vsub.f32 v6, v7;
	v7 =	vld [tilespmem:s5+$0xD630];
	v3 =	vmul.f32 v3, v3  }
0x617: {  	v11 =	vld [tilespmem:s5+$0xF630]  }
0x618: {  	v6 =	vmul.f32 v6, v6;
	v8 =	vsub.f32 v8, v9;
	[tilespmem:s5+$0xFE70] =	vst.add.f32.msk $0xffff, v3  }
0x619: {  	v3 =	vld [tilespmem:s5+$0xD640]  }
0x61a: {  	v8 =	vmul.f32 v8, v8;
	v4 =	vsub.f32 v10, v4;
	v9 =	vld [tilespmem:s5+$0xF640]  }
0x61b: {  	v10 =	vld [tilespmem:s5+$0xD650]  }
0x61c: {  	v4 =	vmul.f32 v4, v4;
	v7 =	vsub.f32 v7, v11;
	v11 =	vld [tilespmem:s5+$0xF650]  }
0x61d: {  	v12 =	vld [tilespmem:s5+$0xD660]  }
0x61e: {  	v7 =	vmul.f32 v7, v7;
	v13 =	vld [tilespmem:s5+$0xF660]  }
0x61f: {  	[tilespmem:s5+$0xFE00] =	vst.add.f32.msk $0xffff, v6;
	v3 =	vsub.f32 v3, v9  }
.Ltmp27:
0x620: {  	[tilespmem:s5+$0xFE10] =	vst.add.f32.msk $0xffff, v8;
	(pc) =	sbr.rel @p0 .LBB2_57-.Ltmp27, $4  }
0x621: {  	[tilespmem:s5+$0xFE20] =	vst.add.f32.msk $0xffff, v4;
	v3 =	vmul.f32 v3, v3;
	v4 =	vsub.f32 v10, v11  }
0x622: {  	[tilespmem:s5+$0xFE30] =	vst.add.f32.msk $0xffff, v7  }
0x623: {  	[tilespmem:s5+$0xFE40] =	vst.add.f32.msk $0xffff, v3;
	v3 =	vmul.f32 v4, v4;
	v4 =	vsub.f32 v12, v13  }
0x624: {  	s29 =	sadd.s32 $0x800, s29;
	[tilespmem:s24+$0xFE60] =	vst.add.f32.msk $0xffff, v5;
	s24 =	smov.u32 s5  }
0x625: {  	v4 =	vmul.f32 v4, v4  }
0x626: {  	[tilespmem:s24+$0xFE50] =	vst.add.f32.msk $0xffff, v3  }
0x627: {  	[tilespmem:s24+$0xFE60] =	vst.add.f32.msk $0xffff, v4  }
0x628: {  	v3 =	vld [tilespmem:s22+$0xD6F0]  }
0x629: {  	v4 =	vld [tilespmem:s22+$0xF6F0]  }
0x62a: {  	v5 =	vld [tilespmem:s22+$0xD680]  }
0x62b: {  	v6 =	vld [tilespmem:s22+$0xF680]  }
0x62c: {  	v7 =	vld [tilespmem:s22+$0xD690]  }
0x62d: {  	v8 =	vld [tilespmem:s22+$0xF690]  }
0x62e: {  	v9 =	vld [tilespmem:s22+$0xD6A0]  }
0x62f: {  	v10 =	vld [tilespmem:s22+$0xD6B0];
	v3 =	vsub.f32 v3, v4  }
0x630: {  	v11 =	vld [tilespmem:s22+$0xF6B0]  }
0x631: {  	v12 =	vld [tilespmem:s22+$0xF6C0];
	v3 =	vmul.f32 v3, v3  }
0x632: {  	v4 =	vld [tilespmem:s22+$0xF6A0]  }
0x633: {  	[tilespmem:s22+$0xFEF0] =	vst.add.f32.msk $0xffff, v3  }
0x634: {  	v3 =	vld [tilespmem:s22+$0xD6C0]  }
0x635: {  	v61 =	vld [tilespmem:s22+$0xF6D0]  }
0x636: {  	v5 =	vsub.f32 v5, v6;
	v6 =	vld [tilespmem:s22+$0xD6D0]  }
0x637: {  	v62 =	vld [tilespmem:s22+$0xD6E0];
	v4 =	vsub.f32 v9, v4  }
0x638: {  	v63 =	vld [tilespmem:s22+$0xF6E0];
	v7 =	vsub.f32 v7, v8;
	v5 =	vmul.f32 v5, v5  }
0x639: {  	v4 =	vmul.f32 v4, v4;
	v3 =	vsub.f32 v3, v12  }
0x63a: {  	v10 =	vsub.f32 v10, v11;
	v7 =	vmul.f32 v7, v7;
	[tilespmem:s22+$0xFE80] =	vst.add.f32.msk $0xffff, v5  }
0x63b: {  	[tilespmem:s22+$0xFEA0] =	vst.add.f32.msk $0xffff, v4;
	v4 =	vsub.f32 v6, v61;
	v3 =	vmul.f32 v3, v3  }
0x63c: {  	v5 =	vmul.f32 v10, v10;
	[tilespmem:s22+$0xFE90] =	vst.add.f32.msk $0xffff, v7  }
0x63d: {  	[tilespmem:s22+$0xFEC0] =	vst.add.f32.msk $0xffff, v3;
	v3 =	vmul.f32 v4, v4;
	v4 =	vsub.f32 v62, v63  }
0x63e: {  	s23 =	simm.s32 $0x0;
	s24 =	simm.s32 $0x800;
	[tilespmem:s22+$0xFEB0] =	vst.add.f32.msk $0xffff, v5  }
.LBB2_59:
0x63f: {  	s5 =	sshra.s32 s24, $0x2;
	[tilespmem:s22+$0xFED0] =	vst.add.f32.msk $0xffff, v3;
	v5 =	vmul.f32 v4, v4  }
0x640: {  	s23 =	sadd.s32 $0x8, s23;
	v3 =	vld [tilespmem:s5+$0xD6F0]  }
0x641: {  	p0 =	slt.u32 s23, $0x18;
	v4 =	vld [tilespmem:s5+$0xF6F0]  }
0x642: {  	v6 =	vld [tilespmem:s5+$0xD680]  }
0x643: {  	v7 =	vld [tilespmem:s5+$0xF680]  }
0x644: {  	v8 =	vld [tilespmem:s5+$0xD690]  }
0x645: {  	v9 =	vld [tilespmem:s5+$0xF690]  }
0x646: {  	v10 =	vld [tilespmem:s5+$0xD6A0];
	v3 =	vsub.f32 v3, v4  }
0x647: {  	v4 =	vld [tilespmem:s5+$0xF6A0]  }
0x648: {  	v6 =	vsub.f32 v6, v7;
	v7 =	vld [tilespmem:s5+$0xD6B0];
	v3 =	vmul.f32 v3, v3  }
0x649: {  	v11 =	vld [tilespmem:s5+$0xF6B0]  }
0x64a: {  	v6 =	vmul.f32 v6, v6;
	v8 =	vsub.f32 v8, v9;
	[tilespmem:s5+$0xFEF0] =	vst.add.f32.msk $0xffff, v3  }
0x64b: {  	v3 =	vld [tilespmem:s5+$0xD6C0]  }
0x64c: {  	v8 =	vmul.f32 v8, v8;
	v4 =	vsub.f32 v10, v4;
	v9 =	vld [tilespmem:s5+$0xF6C0]  }
0x64d: {  	v10 =	vld [tilespmem:s5+$0xD6D0]  }
0x64e: {  	v4 =	vmul.f32 v4, v4;
	v7 =	vsub.f32 v7, v11;
	v11 =	vld [tilespmem:s5+$0xF6D0]  }
0x64f: {  	v12 =	vld [tilespmem:s5+$0xD6E0]  }
0x650: {  	v7 =	vmul.f32 v7, v7;
	v13 =	vld [tilespmem:s5+$0xF6E0]  }
0x651: {  	[tilespmem:s5+$0xFE80] =	vst.add.f32.msk $0xffff, v6;
	v3 =	vsub.f32 v3, v9  }
.Ltmp28:
0x652: {  	[tilespmem:s5+$0xFE90] =	vst.add.f32.msk $0xffff, v8;
	(pc) =	sbr.rel @p0 .LBB2_59-.Ltmp28, $4  }
0x653: {  	[tilespmem:s5+$0xFEA0] =	vst.add.f32.msk $0xffff, v4;
	v3 =	vmul.f32 v3, v3;
	v4 =	vsub.f32 v10, v11  }
0x654: {  	[tilespmem:s5+$0xFEB0] =	vst.add.f32.msk $0xffff, v7  }
0x655: {  	[tilespmem:s5+$0xFEC0] =	vst.add.f32.msk $0xffff, v3;
	v3 =	vmul.f32 v4, v4;
	v4 =	vsub.f32 v12, v13  }
0x656: {  	s24 =	sadd.s32 $0x800, s24;
	[tilespmem:s22+$0xFEE0] =	vst.add.f32.msk $0xffff, v5;
	s22 =	smov.u32 s5  }
0x657: {  	v4 =	vmul.f32 v4, v4  }
0x658: {  	[tilespmem:s22+$0xFED0] =	vst.add.f32.msk $0xffff, v3  }
0x659: {  	[tilespmem:s22+$0xFEE0] =	vst.add.f32.msk $0xffff, v4;
	s22 =	simm.s32 $0x0  }
0x65a: {  	v3 =	vld [tilespmem:s22+$0xD770]  }
0x65b: {  	v4 =	vld [tilespmem:s22+$0xF770]  }
0x65c: {  	v5 =	vld [tilespmem:s22+$0xD700]  }
0x65d: {  	v6 =	vld [tilespmem:s22+$0xF700]  }
0x65e: {  	v7 =	vld [tilespmem:s22+$0xD710]  }
0x65f: {  	v8 =	vld [tilespmem:s22+$0xF710]  }
0x660: {  	v9 =	vld [tilespmem:s22+$0xD720]  }
0x661: {  	v10 =	vld [tilespmem:s22+$0xD730];
	v3 =	vsub.f32 v3, v4  }
0x662: {  	v11 =	vld [tilespmem:s22+$0xF730]  }
0x663: {  	v12 =	vld [tilespmem:s22+$0xF740];
	v3 =	vmul.f32 v3, v3  }
0x664: {  	v4 =	vld [tilespmem:s22+$0xF720]  }
0x665: {  	[tilespmem:s22+$0xFF70] =	vst.add.f32.msk $0xffff, v3  }
0x666: {  	v3 =	vld [tilespmem:s22+$0xD740]  }
0x667: {  	v61 =	vld [tilespmem:s22+$0xF750]  }
0x668: {  	v5 =	vsub.f32 v5, v6;
	v6 =	vld [tilespmem:s22+$0xD750]  }
0x669: {  	v62 =	vld [tilespmem:s22+$0xD760];
	v4 =	vsub.f32 v9, v4  }
0x66a: {  	v63 =	vld [tilespmem:s22+$0xF760];
	v7 =	vsub.f32 v7, v8;
	v5 =	vmul.f32 v5, v5  }
0x66b: {  	v4 =	vmul.f32 v4, v4;
	v3 =	vsub.f32 v3, v12  }
0x66c: {  	v10 =	vsub.f32 v10, v11;
	v7 =	vmul.f32 v7, v7;
	[tilespmem:s22+$0xFF00] =	vst.add.f32.msk $0xffff, v5  }
0x66d: {  	[tilespmem:s22+$0xFF20] =	vst.add.f32.msk $0xffff, v4;
	v4 =	vsub.f32 v6, v61;
	v3 =	vmul.f32 v3, v3  }
0x66e: {  	v5 =	vmul.f32 v10, v10;
	[tilespmem:s22+$0xFF10] =	vst.add.f32.msk $0xffff, v7  }
0x66f: {  	[tilespmem:s22+$0xFF40] =	vst.add.f32.msk $0xffff, v3;
	v3 =	vmul.f32 v4, v4;
	v4 =	vsub.f32 v62, v63  }
0x670: {  	s23 =	simm.s32 $0x0;
	s29 =	simm.s32 $0x800;
	s24 =	simm.s32 $0x0;
	[tilespmem:s22+$0xFF30] =	vst.add.f32.msk $0xffff, v5  }
.LBB2_61:
0x671: {  	s5 =	sshra.s32 s29, $0x2;
	[tilespmem:s24+$0xFF50] =	vst.add.f32.msk $0xffff, v3;
	v5 =	vmul.f32 v4, v4  }
0x672: {  	s23 =	sadd.s32 $0x8, s23;
	v3 =	vld [tilespmem:s5+$0xD770]  }
0x673: {  	p0 =	slt.u32 s23, $0x18;
	v4 =	vld [tilespmem:s5+$0xF770]  }
0x674: {  	v6 =	vld [tilespmem:s5+$0xD700]  }
0x675: {  	v7 =	vld [tilespmem:s5+$0xF700]  }
0x676: {  	v8 =	vld [tilespmem:s5+$0xD710]  }
0x677: {  	v9 =	vld [tilespmem:s5+$0xF710]  }
0x678: {  	v10 =	vld [tilespmem:s5+$0xD720];
	v3 =	vsub.f32 v3, v4  }
0x679: {  	v4 =	vld [tilespmem:s5+$0xF720]  }
0x67a: {  	v6 =	vsub.f32 v6, v7;
	v7 =	vld [tilespmem:s5+$0xD730];
	v3 =	vmul.f32 v3, v3  }
0x67b: {  	v11 =	vld [tilespmem:s5+$0xF730]  }
0x67c: {  	v6 =	vmul.f32 v6, v6;
	v8 =	vsub.f32 v8, v9;
	[tilespmem:s5+$0xFF70] =	vst.add.f32.msk $0xffff, v3  }
0x67d: {  	v3 =	vld [tilespmem:s5+$0xD740]  }
0x67e: {  	v8 =	vmul.f32 v8, v8;
	v4 =	vsub.f32 v10, v4;
	v9 =	vld [tilespmem:s5+$0xF740]  }
0x67f: {  	v10 =	vld [tilespmem:s5+$0xD750]  }
0x680: {  	v4 =	vmul.f32 v4, v4;
	v7 =	vsub.f32 v7, v11;
	v11 =	vld [tilespmem:s5+$0xF750]  }
0x681: {  	v12 =	vld [tilespmem:s5+$0xD760]  }
0x682: {  	v7 =	vmul.f32 v7, v7;
	v13 =	vld [tilespmem:s5+$0xF760]  }
0x683: {  	[tilespmem:s5+$0xFF00] =	vst.add.f32.msk $0xffff, v6;
	v3 =	vsub.f32 v3, v9  }
.Ltmp29:
0x684: {  	[tilespmem:s5+$0xFF10] =	vst.add.f32.msk $0xffff, v8;
	(pc) =	sbr.rel @p0 .LBB2_61-.Ltmp29, $4  }
0x685: {  	[tilespmem:s5+$0xFF20] =	vst.add.f32.msk $0xffff, v4;
	v3 =	vmul.f32 v3, v3;
	v4 =	vsub.f32 v10, v11  }
0x686: {  	[tilespmem:s5+$0xFF30] =	vst.add.f32.msk $0xffff, v7  }
0x687: {  	[tilespmem:s5+$0xFF40] =	vst.add.f32.msk $0xffff, v3;
	v3 =	vmul.f32 v4, v4;
	v4 =	vsub.f32 v12, v13  }
0x688: {  	s29 =	sadd.s32 $0x800, s29;
	[tilespmem:s24+$0xFF60] =	vst.add.f32.msk $0xffff, v5;
	s24 =	smov.u32 s5  }
0x689: {  	v4 =	vmul.f32 v4, v4  }
0x68a: {  	[tilespmem:s24+$0xFF50] =	vst.add.f32.msk $0xffff, v3  }
0x68b: {  	[tilespmem:s24+$0xFF60] =	vst.add.f32.msk $0xffff, v4  }
0x68c: {  	v3 =	vld [tilespmem:s22+$0xD7F0]  }
0x68d: {  	v4 =	vld [tilespmem:s22+$0xF7F0]  }
0x68e: {  	v5 =	vld [tilespmem:s22+$0xD780]  }
0x68f: {  	v6 =	vld [tilespmem:s22+$0xF780]  }
0x690: {  	v7 =	vld [tilespmem:s22+$0xD790]  }
0x691: {  	v8 =	vld [tilespmem:s22+$0xF790]  }
0x692: {  	v9 =	vld [tilespmem:s22+$0xD7A0]  }
0x693: {  	v10 =	vld [tilespmem:s22+$0xD7B0];
	v3 =	vsub.f32 v3, v4  }
0x694: {  	v11 =	vld [tilespmem:s22+$0xF7B0]  }
0x695: {  	v12 =	vld [tilespmem:s22+$0xF7C0];
	v3 =	vmul.f32 v3, v3  }
0x696: {  	v4 =	vld [tilespmem:s22+$0xF7A0]  }
0x697: {  	[tilespmem:s22+$0xFFF0] =	vst.add.f32.msk $0xffff, v3  }
0x698: {  	v3 =	vld [tilespmem:s22+$0xD7C0]  }
0x699: {  	v61 =	vld [tilespmem:s22+$0xF7D0]  }
0x69a: {  	v5 =	vsub.f32 v5, v6;
	v6 =	vld [tilespmem:s22+$0xD7D0]  }
0x69b: {  	v62 =	vld [tilespmem:s22+$0xD7E0];
	v4 =	vsub.f32 v9, v4  }
0x69c: {  	v63 =	vld [tilespmem:s22+$0xF7E0];
	v7 =	vsub.f32 v7, v8;
	v5 =	vmul.f32 v5, v5  }
0x69d: {  	v4 =	vmul.f32 v4, v4;
	v3 =	vsub.f32 v3, v12  }
0x69e: {  	v10 =	vsub.f32 v10, v11;
	v7 =	vmul.f32 v7, v7;
	[tilespmem:s22+$0xFF80] =	vst.add.f32.msk $0xffff, v5  }
0x69f: {  	[tilespmem:s22+$0xFFA0] =	vst.add.f32.msk $0xffff, v4;
	v4 =	vsub.f32 v6, v61;
	v3 =	vmul.f32 v3, v3  }
0x6a0: {  	v5 =	vmul.f32 v10, v10;
	[tilespmem:s22+$0xFF90] =	vst.add.f32.msk $0xffff, v7  }
0x6a1: {  	[tilespmem:s22+$0xFFC0] =	vst.add.f32.msk $0xffff, v3;
	v3 =	vmul.f32 v4, v4;
	v4 =	vsub.f32 v62, v63  }
0x6a2: {  	s23 =	simm.s32 $0x0;
	s24 =	simm.s32 $0x800;
	[tilespmem:s22+$0xFFB0] =	vst.add.f32.msk $0xffff, v5  }
.LBB2_63:
0x6a3: {  	s5 =	sshra.s32 s24, $0x2;
	[tilespmem:s22+$0xFFD0] =	vst.add.f32.msk $0xffff, v3;
	v5 =	vmul.f32 v4, v4  }
0x6a4: {  	s23 =	sadd.s32 $0x8, s23;
	v3 =	vld [tilespmem:s5+$0xD7F0]  }
0x6a5: {  	p0 =	slt.u32 s23, $0x18;
	v4 =	vld [tilespmem:s5+$0xF7F0]  }
0x6a6: {  	v6 =	vld [tilespmem:s5+$0xD780]  }
0x6a7: {  	v7 =	vld [tilespmem:s5+$0xF780]  }
0x6a8: {  	v8 =	vld [tilespmem:s5+$0xD790]  }
0x6a9: {  	v9 =	vld [tilespmem:s5+$0xF790]  }
0x6aa: {  	v10 =	vld [tilespmem:s5+$0xD7A0];
	v3 =	vsub.f32 v3, v4  }
0x6ab: {  	v4 =	vld [tilespmem:s5+$0xF7A0]  }
0x6ac: {  	v6 =	vsub.f32 v6, v7;
	v7 =	vld [tilespmem:s5+$0xD7B0];
	v3 =	vmul.f32 v3, v3  }
0x6ad: {  	v11 =	vld [tilespmem:s5+$0xF7B0]  }
0x6ae: {  	v6 =	vmul.f32 v6, v6;
	v8 =	vsub.f32 v8, v9;
	[tilespmem:s5+$0xFFF0] =	vst.add.f32.msk $0xffff, v3  }
0x6af: {  	v3 =	vld [tilespmem:s5+$0xD7C0]  }
0x6b0: {  	v8 =	vmul.f32 v8, v8;
	v4 =	vsub.f32 v10, v4;
	v9 =	vld [tilespmem:s5+$0xF7C0]  }
0x6b1: {  	v10 =	vld [tilespmem:s5+$0xD7D0]  }
0x6b2: {  	v4 =	vmul.f32 v4, v4;
	v7 =	vsub.f32 v7, v11;
	v11 =	vld [tilespmem:s5+$0xF7D0]  }
0x6b3: {  	v12 =	vld [tilespmem:s5+$0xD7E0]  }
0x6b4: {  	v7 =	vmul.f32 v7, v7;
	v13 =	vld [tilespmem:s5+$0xF7E0]  }
0x6b5: {  	[tilespmem:s5+$0xFF80] =	vst.add.f32.msk $0xffff, v6;
	v3 =	vsub.f32 v3, v9  }
.Ltmp30:
0x6b6: {  	[tilespmem:s5+$0xFF90] =	vst.add.f32.msk $0xffff, v8;
	(pc) =	sbr.rel @p0 .LBB2_63-.Ltmp30, $4  }
0x6b7: {  	[tilespmem:s5+$0xFFA0] =	vst.add.f32.msk $0xffff, v4;
	v3 =	vmul.f32 v3, v3;
	v4 =	vsub.f32 v10, v11  }
0x6b8: {  	[tilespmem:s5+$0xFFB0] =	vst.add.f32.msk $0xffff, v7  }
0x6b9: {  	[tilespmem:s5+$0xFFC0] =	vst.add.f32.msk $0xffff, v3;
	v3 =	vmul.f32 v4, v4;
	v4 =	vsub.f32 v12, v13  }
0x6ba: {  	s24 =	sadd.s32 $0x800, s24;
	[tilespmem:s22+$0xFFE0] =	vst.add.f32.msk $0xffff, v5;
	s22 =	smov.u32 s5  }
0x6bb: {  	s10 =	sadd.s32 $0x1, s10  }
0x6bc: {  	v4 =	vmul.f32 v4, v4;
	s5 =	sadd.s32 s9, s11;
	p0 =	sne.s32 s10, $0x17  }
.Ltmp31:
0x6bd: {  	[tilespmem:s22+$0xFFD0] =	vst.add.f32.msk $0xffff, v3;
	s5 =	sshrl.u32 s5, $0x3;
	(pc) =	sbr.rel @p0 .LBB2_32-.Ltmp31, $4  }
0x6be: {  	[tilespmem:s22+$0xFFE0] =	vst.add.f32.msk $0xffff, v4;
	s29 =	sadd.s32 s1, s5  }
0x6bf: {  	[tilespmem:s20], [sflag:$0x4] =	stream.strided.gather [hbm4b:s29+s12], $0x800, s13, s12, $0x38;
	[tilespmem:$0x10600] =	vst v63  }
0x6c0: {  	s5 =	sadd.s32 s2, s5  }
0x6c1: {  	[tilespmem:s21], [sflag:$0x4] =	stream.strided.gather [hbm4b:s5+s12], $0x800, s13, s12, $0x38;
	[tilespmem:$0x10600] =	vst v63  }
0x6c2: {  	_ =	swait.ge [sflag:s30], $0x800  }
0x6c3: {  	[sflag:s30] =	ssyncset.done $0x0  }
0x6c4: {  	[sflag:s30] =	ssyncadd.s32 $0xFFFFF800  }
0x6c5: {  	_ =	swait.ge [sflag:s30], $0x800  }
0x6c6: {  	[sflag:s30] =	ssyncset.done $0x0  }
0x6c7: {  	s10 =	simm.s32 $0x0;
	[sflag:s30] =	ssyncadd.s32 $0xFFFFF800  }
0x6c8: {  	v3 =	vld [tilespmem:s10+$0xBE70]  }
0x6c9: {  	v4 =	vld [tilespmem:s10+$0xDE70]  }
0x6ca: {  	v5 =	vld [tilespmem:s10+$0xBE00]  }
0x6cb: {  	v6 =	vld [tilespmem:s10+$0xDE00]  }
0x6cc: {  	v7 =	vld [tilespmem:s10+$0xBE10]  }
0x6cd: {  	v8 =	vld [tilespmem:s10+$0xDE10]  }
0x6ce: {  	v9 =	vld [tilespmem:s10+$0xBE20]  }
0x6cf: {  	v10 =	vld [tilespmem:s10+$0xBE30];
	v3 =	vsub.f32 v3, v4  }
0x6d0: {  	v11 =	vld [tilespmem:s10+$0xDE30]  }
0x6d1: {  	v12 =	vld [tilespmem:s10+$0xDE40];
	v3 =	vmul.f32 v3, v3  }
0x6d2: {  	v4 =	vld [tilespmem:s10+$0xDE20]  }
0x6d3: {  	[tilespmem:s10+$0xFE70] =	vst.add.f32.msk $0xffff, v3  }
0x6d4: {  	v3 =	vld [tilespmem:s10+$0xBE40]  }
0x6d5: {  	v61 =	vld [tilespmem:s10+$0xDE50]  }
0x6d6: {  	v5 =	vsub.f32 v5, v6;
	v6 =	vld [tilespmem:s10+$0xBE50]  }
0x6d7: {  	v62 =	vld [tilespmem:s10+$0xBE60];
	v4 =	vsub.f32 v9, v4  }
0x6d8: {  	v63 =	vld [tilespmem:s10+$0xDE60];
	v7 =	vsub.f32 v7, v8;
	v5 =	vmul.f32 v5, v5  }
0x6d9: {  	v4 =	vmul.f32 v4, v4;
	v3 =	vsub.f32 v3, v12  }
0x6da: {  	v10 =	vsub.f32 v10, v11;
	v7 =	vmul.f32 v7, v7;
	[tilespmem:s10+$0xFE00] =	vst.add.f32.msk $0xffff, v5  }
0x6db: {  	[tilespmem:s10+$0xFE20] =	vst.add.f32.msk $0xffff, v4;
	v4 =	vsub.f32 v6, v61;
	v3 =	vmul.f32 v3, v3  }
0x6dc: {  	v5 =	vmul.f32 v10, v10;
	[tilespmem:s10+$0xFE10] =	vst.add.f32.msk $0xffff, v7  }
0x6dd: {  	[tilespmem:s10+$0xFE40] =	vst.add.f32.msk $0xffff, v3;
	v3 =	vmul.f32 v4, v4;
	v4 =	vsub.f32 v62, v63  }
0x6de: {  	s11 =	simm.s32 $0x0;
	s23 =	simm.s32 $0x800;
	s22 =	simm.s32 $0x0;
	[tilespmem:s10+$0xFE30] =	vst.add.f32.msk $0xffff, v5  }
.LBB2_66:
0x6df: {  	s5 =	sshra.s32 s23, $0x2;
	[tilespmem:s22+$0xFE50] =	vst.add.f32.msk $0xffff, v3;
	v5 =	vmul.f32 v4, v4  }
0x6e0: {  	s11 =	sadd.s32 $0x8, s11;
	v3 =	vld [tilespmem:s5+$0xBE70]  }
0x6e1: {  	p0 =	slt.u32 s11, $0x18;
	v4 =	vld [tilespmem:s5+$0xDE70]  }
0x6e2: {  	v6 =	vld [tilespmem:s5+$0xBE00]  }
0x6e3: {  	v7 =	vld [tilespmem:s5+$0xDE00]  }
0x6e4: {  	v8 =	vld [tilespmem:s5+$0xBE10]  }
0x6e5: {  	v9 =	vld [tilespmem:s5+$0xDE10]  }
0x6e6: {  	v10 =	vld [tilespmem:s5+$0xBE20];
	v3 =	vsub.f32 v3, v4  }
0x6e7: {  	v4 =	vld [tilespmem:s5+$0xDE20]  }
0x6e8: {  	v6 =	vsub.f32 v6, v7;
	v7 =	vld [tilespmem:s5+$0xBE30];
	v3 =	vmul.f32 v3, v3  }
0x6e9: {  	v11 =	vld [tilespmem:s5+$0xDE30]  }
0x6ea: {  	v6 =	vmul.f32 v6, v6;
	v8 =	vsub.f32 v8, v9;
	[tilespmem:s5+$0xFE70] =	vst.add.f32.msk $0xffff, v3  }
0x6eb: {  	v3 =	vld [tilespmem:s5+$0xBE40]  }
0x6ec: {  	v8 =	vmul.f32 v8, v8;
	v4 =	vsub.f32 v10, v4;
	v9 =	vld [tilespmem:s5+$0xDE40]  }
0x6ed: {  	v10 =	vld [tilespmem:s5+$0xBE50]  }
0x6ee: {  	v4 =	vmul.f32 v4, v4;
	v7 =	vsub.f32 v7, v11;
	v11 =	vld [tilespmem:s5+$0xDE50]  }
0x6ef: {  	v12 =	vld [tilespmem:s5+$0xBE60]  }
0x6f0: {  	v7 =	vmul.f32 v7, v7;
	v13 =	vld [tilespmem:s5+$0xDE60]  }
0x6f1: {  	[tilespmem:s5+$0xFE00] =	vst.add.f32.msk $0xffff, v6;
	v3 =	vsub.f32 v3, v9  }
.Ltmp32:
0x6f2: {  	[tilespmem:s5+$0xFE10] =	vst.add.f32.msk $0xffff, v8;
	(pc) =	sbr.rel @p0 .LBB2_66-.Ltmp32, $4  }
0x6f3: {  	[tilespmem:s5+$0xFE20] =	vst.add.f32.msk $0xffff, v4;
	v3 =	vmul.f32 v3, v3;
	v4 =	vsub.f32 v10, v11  }
0x6f4: {  	[tilespmem:s5+$0xFE30] =	vst.add.f32.msk $0xffff, v7  }
0x6f5: {  	[tilespmem:s5+$0xFE40] =	vst.add.f32.msk $0xffff, v3;
	v3 =	vmul.f32 v4, v4;
	v4 =	vsub.f32 v12, v13  }
0x6f6: {  	s23 =	sadd.s32 $0x800, s23;
	[tilespmem:s22+$0xFE60] =	vst.add.f32.msk $0xffff, v5;
	s22 =	smov.u32 s5  }
0x6f7: {  	v4 =	vmul.f32 v4, v4  }
0x6f8: {  	[tilespmem:s22+$0xFE50] =	vst.add.f32.msk $0xffff, v3  }
0x6f9: {  	[tilespmem:s22+$0xFE60] =	vst.add.f32.msk $0xffff, v4  }
0x6fa: {  	v3 =	vld [tilespmem:s10+$0xBEF0]  }
0x6fb: {  	v4 =	vld [tilespmem:s10+$0xDEF0]  }
0x6fc: {  	v5 =	vld [tilespmem:s10+$0xBE80]  }
0x6fd: {  	v6 =	vld [tilespmem:s10+$0xDE80]  }
0x6fe: {  	v7 =	vld [tilespmem:s10+$0xBE90]  }
0x6ff: {  	v8 =	vld [tilespmem:s10+$0xDE90]  }
0x700: {  	v9 =	vld [tilespmem:s10+$0xBEA0]  }
0x701: {  	v10 =	vld [tilespmem:s10+$0xBEB0];
	v3 =	vsub.f32 v3, v4  }
0x702: {  	v11 =	vld [tilespmem:s10+$0xDEB0]  }
0x703: {  	v12 =	vld [tilespmem:s10+$0xDEC0];
	v3 =	vmul.f32 v3, v3  }
0x704: {  	v4 =	vld [tilespmem:s10+$0xDEA0]  }
0x705: {  	[tilespmem:s10+$0xFEF0] =	vst.add.f32.msk $0xffff, v3  }
0x706: {  	v3 =	vld [tilespmem:s10+$0xBEC0]  }
0x707: {  	v61 =	vld [tilespmem:s10+$0xDED0]  }
0x708: {  	v5 =	vsub.f32 v5, v6;
	v6 =	vld [tilespmem:s10+$0xBED0]  }
0x709: {  	v62 =	vld [tilespmem:s10+$0xBEE0];
	v4 =	vsub.f32 v9, v4  }
0x70a: {  	v63 =	vld [tilespmem:s10+$0xDEE0];
	v7 =	vsub.f32 v7, v8;
	v5 =	vmul.f32 v5, v5  }
0x70b: {  	v4 =	vmul.f32 v4, v4;
	v3 =	vsub.f32 v3, v12  }
0x70c: {  	v10 =	vsub.f32 v10, v11;
	v7 =	vmul.f32 v7, v7;
	[tilespmem:s10+$0xFE80] =	vst.add.f32.msk $0xffff, v5  }
0x70d: {  	[tilespmem:s10+$0xFEA0] =	vst.add.f32.msk $0xffff, v4;
	v4 =	vsub.f32 v6, v61;
	v3 =	vmul.f32 v3, v3  }
0x70e: {  	v5 =	vmul.f32 v10, v10;
	[tilespmem:s10+$0xFE90] =	vst.add.f32.msk $0xffff, v7  }
0x70f: {  	[tilespmem:s10+$0xFEC0] =	vst.add.f32.msk $0xffff, v3;
	v3 =	vmul.f32 v4, v4;
	v4 =	vsub.f32 v62, v63  }
0x710: {  	s11 =	simm.s32 $0x0;
	s24 =	simm.s32 $0x2780;
	s22 =	simm.s32 $0x800;
	[tilespmem:s10+$0xFEB0] =	vst.add.f32.msk $0xffff, v5  }
.LBB2_68:
0x711: {  	s5 =	sshra.s32 s22, $0x2;
	[tilespmem:s10+$0xFED0] =	vst.add.f32.msk $0xffff, v3;
	v5 =	vmul.f32 v4, v4  }
0x712: {  	s11 =	sadd.s32 $0x8, s11;
	v3 =	vld [tilespmem:s5+$0xBEF0]  }
0x713: {  	p0 =	slt.u32 s11, $0x18;
	v4 =	vld [tilespmem:s5+$0xDEF0]  }
0x714: {  	v6 =	vld [tilespmem:s5+$0xBE80]  }
0x715: {  	v7 =	vld [tilespmem:s5+$0xDE80]  }
0x716: {  	v8 =	vld [tilespmem:s5+$0xBE90]  }
0x717: {  	v9 =	vld [tilespmem:s5+$0xDE90]  }
0x718: {  	v10 =	vld [tilespmem:s5+$0xBEA0];
	v3 =	vsub.f32 v3, v4  }
0x719: {  	v4 =	vld [tilespmem:s5+$0xDEA0]  }
0x71a: {  	v6 =	vsub.f32 v6, v7;
	v7 =	vld [tilespmem:s5+$0xBEB0];
	v3 =	vmul.f32 v3, v3  }
0x71b: {  	v11 =	vld [tilespmem:s5+$0xDEB0]  }
0x71c: {  	v6 =	vmul.f32 v6, v6;
	v8 =	vsub.f32 v8, v9;
	[tilespmem:s5+$0xFEF0] =	vst.add.f32.msk $0xffff, v3  }
0x71d: {  	v3 =	vld [tilespmem:s5+$0xBEC0]  }
0x71e: {  	v8 =	vmul.f32 v8, v8;
	v4 =	vsub.f32 v10, v4;
	v9 =	vld [tilespmem:s5+$0xDEC0]  }
0x71f: {  	v10 =	vld [tilespmem:s5+$0xBED0]  }
0x720: {  	v4 =	vmul.f32 v4, v4;
	v7 =	vsub.f32 v7, v11;
	v11 =	vld [tilespmem:s5+$0xDED0]  }
0x721: {  	v12 =	vld [tilespmem:s5+$0xBEE0]  }
0x722: {  	v7 =	vmul.f32 v7, v7;
	v13 =	vld [tilespmem:s5+$0xDEE0]  }
0x723: {  	[tilespmem:s5+$0xFE80] =	vst.add.f32.msk $0xffff, v6;
	v3 =	vsub.f32 v3, v9  }
.Ltmp33:
0x724: {  	[tilespmem:s5+$0xFE90] =	vst.add.f32.msk $0xffff, v8;
	(pc) =	sbr.rel @p0 .LBB2_68-.Ltmp33, $4  }
0x725: {  	[tilespmem:s5+$0xFEA0] =	vst.add.f32.msk $0xffff, v4;
	v3 =	vmul.f32 v3, v3;
	v4 =	vsub.f32 v10, v11  }
0x726: {  	[tilespmem:s5+$0xFEB0] =	vst.add.f32.msk $0xffff, v7  }
0x727: {  	[tilespmem:s5+$0xFEC0] =	vst.add.f32.msk $0xffff, v3;
	v3 =	vmul.f32 v4, v4;
	v4 =	vsub.f32 v12, v13  }
0x728: {  	s22 =	sadd.s32 $0x800, s22;
	[tilespmem:s10+$0xFEE0] =	vst.add.f32.msk $0xffff, v5;
	s10 =	smov.u32 s5  }
0x729: {  	v4 =	vmul.f32 v4, v4  }
0x72a: {  	[tilespmem:s10+$0xFED0] =	vst.add.f32.msk $0xffff, v3  }
0x72b: {  	[tilespmem:s10+$0xFEE0] =	vst.add.f32.msk $0xffff, v4;
	s10 =	simm.s32 $0x0  }
0x72c: {  	v3 =	vld [tilespmem:s10+$0xBF70]  }
0x72d: {  	v4 =	vld [tilespmem:s10+$0xDF70]  }
0x72e: {  	v5 =	vld [tilespmem:s10+$0xBF00]  }
0x72f: {  	v6 =	vld [tilespmem:s10+$0xDF00]  }
0x730: {  	v7 =	vld [tilespmem:s10+$0xBF10]  }
0x731: {  	v8 =	vld [tilespmem:s10+$0xDF10]  }
0x732: {  	v9 =	vld [tilespmem:s10+$0xBF20]  }
0x733: {  	v10 =	vld [tilespmem:s10+$0xBF30];
	v3 =	vsub.f32 v3, v4  }
0x734: {  	v11 =	vld [tilespmem:s10+$0xDF30]  }
0x735: {  	v12 =	vld [tilespmem:s10+$0xDF40];
	v3 =	vmul.f32 v3, v3  }
0x736: {  	v4 =	vld [tilespmem:s10+$0xDF20]  }
0x737: {  	[tilespmem:s10+$0xFF70] =	vst.add.f32.msk $0xffff, v3  }
0x738: {  	v3 =	vld [tilespmem:s10+$0xBF40]  }
0x739: {  	v61 =	vld [tilespmem:s10+$0xDF50]  }
0x73a: {  	v5 =	vsub.f32 v5, v6;
	v6 =	vld [tilespmem:s10+$0xBF50]  }
0x73b: {  	v62 =	vld [tilespmem:s10+$0xBF60];
	v4 =	vsub.f32 v9, v4  }
0x73c: {  	v63 =	vld [tilespmem:s10+$0xDF60];
	v7 =	vsub.f32 v7, v8;
	v5 =	vmul.f32 v5, v5  }
0x73d: {  	v4 =	vmul.f32 v4, v4;
	v3 =	vsub.f32 v3, v12  }
0x73e: {  	v10 =	vsub.f32 v10, v11;
	v7 =	vmul.f32 v7, v7;
	[tilespmem:s10+$0xFF00] =	vst.add.f32.msk $0xffff, v5  }
0x73f: {  	[tilespmem:s10+$0xFF20] =	vst.add.f32.msk $0xffff, v4;
	v4 =	vsub.f32 v6, v61;
	v3 =	vmul.f32 v3, v3  }
0x740: {  	v5 =	vmul.f32 v10, v10;
	[tilespmem:s10+$0xFF10] =	vst.add.f32.msk $0xffff, v7  }
0x741: {  	[tilespmem:s10+$0xFF40] =	vst.add.f32.msk $0xffff, v3;
	v3 =	vmul.f32 v4, v4;
	v4 =	vsub.f32 v62, v63  }
0x742: {  	s11 =	simm.s32 $0x0;
	s23 =	simm.s32 $0x800;
	s22 =	simm.s32 $0x0;
	[tilespmem:s10+$0xFF30] =	vst.add.f32.msk $0xffff, v5  }
.LBB2_70:
0x743: {  	s5 =	sshra.s32 s23, $0x2;
	[tilespmem:s22+$0xFF50] =	vst.add.f32.msk $0xffff, v3;
	v5 =	vmul.f32 v4, v4  }
0x744: {  	s11 =	sadd.s32 $0x8, s11;
	v3 =	vld [tilespmem:s5+$0xBF70]  }
0x745: {  	p0 =	slt.u32 s11, $0x18;
	v4 =	vld [tilespmem:s5+$0xDF70]  }
0x746: {  	v6 =	vld [tilespmem:s5+$0xBF00]  }
0x747: {  	v7 =	vld [tilespmem:s5+$0xDF00]  }
0x748: {  	v8 =	vld [tilespmem:s5+$0xBF10]  }
0x749: {  	v9 =	vld [tilespmem:s5+$0xDF10]  }
0x74a: {  	v10 =	vld [tilespmem:s5+$0xBF20];
	v3 =	vsub.f32 v3, v4  }
0x74b: {  	v4 =	vld [tilespmem:s5+$0xDF20]  }
0x74c: {  	v6 =	vsub.f32 v6, v7;
	v7 =	vld [tilespmem:s5+$0xBF30];
	v3 =	vmul.f32 v3, v3  }
0x74d: {  	v11 =	vld [tilespmem:s5+$0xDF30]  }
0x74e: {  	v6 =	vmul.f32 v6, v6;
	v8 =	vsub.f32 v8, v9;
	[tilespmem:s5+$0xFF70] =	vst.add.f32.msk $0xffff, v3  }
0x74f: {  	v3 =	vld [tilespmem:s5+$0xBF40]  }
0x750: {  	v8 =	vmul.f32 v8, v8;
	v4 =	vsub.f32 v10, v4;
	v9 =	vld [tilespmem:s5+$0xDF40]  }
0x751: {  	v10 =	vld [tilespmem:s5+$0xBF50]  }
0x752: {  	v4 =	vmul.f32 v4, v4;
	v7 =	vsub.f32 v7, v11;
	v11 =	vld [tilespmem:s5+$0xDF50]  }
0x753: {  	v12 =	vld [tilespmem:s5+$0xBF60]  }
0x754: {  	v7 =	vmul.f32 v7, v7;
	v13 =	vld [tilespmem:s5+$0xDF60]  }
0x755: {  	[tilespmem:s5+$0xFF00] =	vst.add.f32.msk $0xffff, v6;
	v3 =	vsub.f32 v3, v9  }
.Ltmp34:
0x756: {  	[tilespmem:s5+$0xFF10] =	vst.add.f32.msk $0xffff, v8;
	(pc) =	sbr.rel @p0 .LBB2_70-.Ltmp34, $4  }
0x757: {  	[tilespmem:s5+$0xFF20] =	vst.add.f32.msk $0xffff, v4;
	v3 =	vmul.f32 v3, v3;
	v4 =	vsub.f32 v10, v11  }
0x758: {  	[tilespmem:s5+$0xFF30] =	vst.add.f32.msk $0xffff, v7  }
0x759: {  	[tilespmem:s5+$0xFF40] =	vst.add.f32.msk $0xffff, v3;
	v3 =	vmul.f32 v4, v4;
	v4 =	vsub.f32 v12, v13  }
0x75a: {  	s23 =	sadd.s32 $0x800, s23;
	[tilespmem:s22+$0xFF60] =	vst.add.f32.msk $0xffff, v5;
	s22 =	smov.u32 s5  }
0x75b: {  	v4 =	vmul.f32 v4, v4  }
0x75c: {  	[tilespmem:s22+$0xFF50] =	vst.add.f32.msk $0xffff, v3  }
0x75d: {  	[tilespmem:s22+$0xFF60] =	vst.add.f32.msk $0xffff, v4  }
0x75e: {  	v3 =	vld [tilespmem:s10+$0xBFF0]  }
0x75f: {  	v4 =	vld [tilespmem:s10+$0xDFF0]  }
0x760: {  	v5 =	vld [tilespmem:s10+$0xBF80]  }
0x761: {  	v6 =	vld [tilespmem:s10+$0xDF80]  }
0x762: {  	v7 =	vld [tilespmem:s10+$0xBF90]  }
0x763: {  	v8 =	vld [tilespmem:s10+$0xDF90]  }
0x764: {  	v9 =	vld [tilespmem:s10+$0xBFA0]  }
0x765: {  	v10 =	vld [tilespmem:s10+$0xBFB0];
	v3 =	vsub.f32 v3, v4  }
0x766: {  	v11 =	vld [tilespmem:s10+$0xDFB0]  }
0x767: {  	v12 =	vld [tilespmem:s10+$0xDFC0];
	v3 =	vmul.f32 v3, v3  }
0x768: {  	v4 =	vld [tilespmem:s10+$0xDFA0]  }
0x769: {  	[tilespmem:s10+$0xFFF0] =	vst.add.f32.msk $0xffff, v3  }
0x76a: {  	v3 =	vld [tilespmem:s10+$0xBFC0]  }
0x76b: {  	v61 =	vld [tilespmem:s10+$0xDFD0]  }
0x76c: {  	v5 =	vsub.f32 v5, v6;
	v6 =	vld [tilespmem:s10+$0xBFD0]  }
0x76d: {  	v62 =	vld [tilespmem:s10+$0xBFE0];
	v4 =	vsub.f32 v9, v4  }
0x76e: {  	v63 =	vld [tilespmem:s10+$0xDFE0];
	v7 =	vsub.f32 v7, v8;
	v5 =	vmul.f32 v5, v5  }
0x76f: {  	v4 =	vmul.f32 v4, v4;
	v3 =	vsub.f32 v3, v12  }
0x770: {  	v10 =	vsub.f32 v10, v11;
	v7 =	vmul.f32 v7, v7;
	[tilespmem:s10+$0xFF80] =	vst.add.f32.msk $0xffff, v5  }
0x771: {  	[tilespmem:s10+$0xFFA0] =	vst.add.f32.msk $0xffff, v4;
	v4 =	vsub.f32 v6, v61;
	v3 =	vmul.f32 v3, v3  }
0x772: {  	v5 =	vmul.f32 v10, v10;
	[tilespmem:s10+$0xFF90] =	vst.add.f32.msk $0xffff, v7  }
0x773: {  	[tilespmem:s10+$0xFFC0] =	vst.add.f32.msk $0xffff, v3;
	v3 =	vmul.f32 v4, v4;
	v4 =	vsub.f32 v62, v63  }
0x774: {  	s11 =	simm.s32 $0x0;
	s22 =	simm.s32 $0x800;
	[tilespmem:s10+$0xFFB0] =	vst.add.f32.msk $0xffff, v5  }
.LBB2_72:
0x775: {  	s5 =	sshra.s32 s22, $0x2;
	[tilespmem:s10+$0xFFD0] =	vst.add.f32.msk $0xffff, v3;
	v5 =	vmul.f32 v4, v4  }
0x776: {  	s11 =	sadd.s32 $0x8, s11;
	v3 =	vld [tilespmem:s5+$0xBFF0]  }
0x777: {  	p0 =	slt.u32 s11, $0x18;
	v4 =	vld [tilespmem:s5+$0xDFF0]  }
0x778: {  	v6 =	vld [tilespmem:s5+$0xBF80]  }
0x779: {  	v7 =	vld [tilespmem:s5+$0xDF80]  }
0x77a: {  	v8 =	vld [tilespmem:s5+$0xBF90]  }
0x77b: {  	v9 =	vld [tilespmem:s5+$0xDF90]  }
0x77c: {  	v10 =	vld [tilespmem:s5+$0xBFA0];
	v3 =	vsub.f32 v3, v4  }
0x77d: {  	v4 =	vld [tilespmem:s5+$0xDFA0]  }
0x77e: {  	v6 =	vsub.f32 v6, v7;
	v7 =	vld [tilespmem:s5+$0xBFB0];
	v3 =	vmul.f32 v3, v3  }
0x77f: {  	v11 =	vld [tilespmem:s5+$0xDFB0]  }
0x780: {  	v6 =	vmul.f32 v6, v6;
	v8 =	vsub.f32 v8, v9;
	[tilespmem:s5+$0xFFF0] =	vst.add.f32.msk $0xffff, v3  }
0x781: {  	v3 =	vld [tilespmem:s5+$0xBFC0]  }
0x782: {  	v8 =	vmul.f32 v8, v8;
	v4 =	vsub.f32 v10, v4;
	v9 =	vld [tilespmem:s5+$0xDFC0]  }
0x783: {  	v10 =	vld [tilespmem:s5+$0xBFD0]  }
0x784: {  	v4 =	vmul.f32 v4, v4;
	v7 =	vsub.f32 v7, v11;
	v11 =	vld [tilespmem:s5+$0xDFD0]  }
0x785: {  	v12 =	vld [tilespmem:s5+$0xBFE0]  }
0x786: {  	v7 =	vmul.f32 v7, v7;
	v13 =	vld [tilespmem:s5+$0xDFE0]  }
0x787: {  	[tilespmem:s5+$0xFF80] =	vst.add.f32.msk $0xffff, v6;
	v3 =	vsub.f32 v3, v9  }
.Ltmp35:
0x788: {  	[tilespmem:s5+$0xFF90] =	vst.add.f32.msk $0xffff, v8;
	(pc) =	sbr.rel @p0 .LBB2_72-.Ltmp35, $4  }
0x789: {  	[tilespmem:s5+$0xFFA0] =	vst.add.f32.msk $0xffff, v4;
	v3 =	vmul.f32 v3, v3;
	v4 =	vsub.f32 v10, v11  }
0x78a: {  	[tilespmem:s5+$0xFFB0] =	vst.add.f32.msk $0xffff, v7  }
0x78b: {  	[tilespmem:s5+$0xFFC0] =	vst.add.f32.msk $0xffff, v3;
	v3 =	vmul.f32 v4, v4;
	v4 =	vsub.f32 v12, v13  }
0x78c: {  	s22 =	sadd.s32 $0x800, s22;
	[tilespmem:s10+$0xFFE0] =	vst.add.f32.msk $0xffff, v5;
	s10 =	smov.u32 s5  }
0x78d: {  	v4 =	vmul.f32 v4, v4  }
0x78e: {  	[tilespmem:s10+$0xFFD0] =	vst.add.f32.msk $0xffff, v3  }
0x78f: {  	[tilespmem:s10+$0xFFE0] =	vst.add.f32.msk $0xffff, v4  }
0x790: {  	_ =	swait.ge [sflag:s31], $0x800  }
0x791: {  	[sflag:s31] =	ssyncset.done $0x0  }
0x792: {  	[sflag:s31] =	ssyncadd.s32 $0xFFFFF800  }
0x793: {  	_ =	swait.ge [sflag:s31], $0x800  }
0x794: {  	[sflag:s31] =	ssyncset.done $0x0  }
0x795: {  	s10 =	simm.s32 $0x0;
	[sflag:s31] =	ssyncadd.s32 $0xFFFFF800  }
0x796: {  	v3 =	vld [tilespmem:s10+$0xC670]  }
0x797: {  	v4 =	vld [tilespmem:s10+$0xE670]  }
0x798: {  	v5 =	vld [tilespmem:s10+$0xC600]  }
0x799: {  	v6 =	vld [tilespmem:s10+$0xE600]  }
0x79a: {  	v7 =	vld [tilespmem:s10+$0xC610]  }
0x79b: {  	v8 =	vld [tilespmem:s10+$0xE610]  }
0x79c: {  	v9 =	vld [tilespmem:s10+$0xC620]  }
0x79d: {  	v10 =	vld [tilespmem:s10+$0xC630];
	v3 =	vsub.f32 v3, v4  }
0x79e: {  	v11 =	vld [tilespmem:s10+$0xE630]  }
0x79f: {  	v12 =	vld [tilespmem:s10+$0xE640];
	v3 =	vmul.f32 v3, v3  }
0x7a0: {  	v4 =	vld [tilespmem:s10+$0xE620]  }
0x7a1: {  	[tilespmem:s10+$0xFE70] =	vst.add.f32.msk $0xffff, v3  }
0x7a2: {  	v3 =	vld [tilespmem:s10+$0xC640]  }
0x7a3: {  	v61 =	vld [tilespmem:s10+$0xE650]  }
0x7a4: {  	v5 =	vsub.f32 v5, v6;
	v6 =	vld [tilespmem:s10+$0xC650]  }
0x7a5: {  	v62 =	vld [tilespmem:s10+$0xC660];
	v4 =	vsub.f32 v9, v4  }
0x7a6: {  	v63 =	vld [tilespmem:s10+$0xE660];
	v7 =	vsub.f32 v7, v8;
	v5 =	vmul.f32 v5, v5  }
0x7a7: {  	v4 =	vmul.f32 v4, v4;
	v3 =	vsub.f32 v3, v12  }
0x7a8: {  	v10 =	vsub.f32 v10, v11;
	v7 =	vmul.f32 v7, v7;
	[tilespmem:s10+$0xFE00] =	vst.add.f32.msk $0xffff, v5  }
0x7a9: {  	[tilespmem:s10+$0xFE20] =	vst.add.f32.msk $0xffff, v4;
	v4 =	vsub.f32 v6, v61;
	v3 =	vmul.f32 v3, v3  }
0x7aa: {  	v5 =	vmul.f32 v10, v10;
	[tilespmem:s10+$0xFE10] =	vst.add.f32.msk $0xffff, v7  }
0x7ab: {  	[tilespmem:s10+$0xFE40] =	vst.add.f32.msk $0xffff, v3;
	v3 =	vmul.f32 v4, v4;
	v4 =	vsub.f32 v62, v63  }
0x7ac: {  	s11 =	simm.s32 $0x0;
	s23 =	simm.s32 $0x800;
	s22 =	simm.s32 $0x0;
	[tilespmem:s10+$0xFE30] =	vst.add.f32.msk $0xffff, v5  }
.LBB2_74:
0x7ad: {  	s5 =	sshra.s32 s23, $0x2;
	[tilespmem:s22+$0xFE50] =	vst.add.f32.msk $0xffff, v3;
	v5 =	vmul.f32 v4, v4  }
0x7ae: {  	s11 =	sadd.s32 $0x8, s11;
	v3 =	vld [tilespmem:s5+$0xC670]  }
0x7af: {  	p0 =	slt.u32 s11, $0x18;
	v4 =	vld [tilespmem:s5+$0xE670]  }
0x7b0: {  	v6 =	vld [tilespmem:s5+$0xC600]  }
0x7b1: {  	v7 =	vld [tilespmem:s5+$0xE600]  }
0x7b2: {  	v8 =	vld [tilespmem:s5+$0xC610]  }
0x7b3: {  	v9 =	vld [tilespmem:s5+$0xE610]  }
0x7b4: {  	v10 =	vld [tilespmem:s5+$0xC620];
	v3 =	vsub.f32 v3, v4  }
0x7b5: {  	v4 =	vld [tilespmem:s5+$0xE620]  }
0x7b6: {  	v6 =	vsub.f32 v6, v7;
	v7 =	vld [tilespmem:s5+$0xC630];
	v3 =	vmul.f32 v3, v3  }
0x7b7: {  	v11 =	vld [tilespmem:s5+$0xE630]  }
0x7b8: {  	v6 =	vmul.f32 v6, v6;
	v8 =	vsub.f32 v8, v9;
	[tilespmem:s5+$0xFE70] =	vst.add.f32.msk $0xffff, v3  }
0x7b9: {  	v3 =	vld [tilespmem:s5+$0xC640]  }
0x7ba: {  	v8 =	vmul.f32 v8, v8;
	v4 =	vsub.f32 v10, v4;
	v9 =	vld [tilespmem:s5+$0xE640]  }
0x7bb: {  	v10 =	vld [tilespmem:s5+$0xC650]  }
0x7bc: {  	v4 =	vmul.f32 v4, v4;
	v7 =	vsub.f32 v7, v11;
	v11 =	vld [tilespmem:s5+$0xE650]  }
0x7bd: {  	v12 =	vld [tilespmem:s5+$0xC660]  }
0x7be: {  	v7 =	vmul.f32 v7, v7;
	v13 =	vld [tilespmem:s5+$0xE660]  }
0x7bf: {  	[tilespmem:s5+$0xFE00] =	vst.add.f32.msk $0xffff, v6;
	v3 =	vsub.f32 v3, v9  }
.Ltmp36:
0x7c0: {  	[tilespmem:s5+$0xFE10] =	vst.add.f32.msk $0xffff, v8;
	(pc) =	sbr.rel @p0 .LBB2_74-.Ltmp36, $4  }
0x7c1: {  	[tilespmem:s5+$0xFE20] =	vst.add.f32.msk $0xffff, v4;
	v3 =	vmul.f32 v3, v3;
	v4 =	vsub.f32 v10, v11  }
0x7c2: {  	[tilespmem:s5+$0xFE30] =	vst.add.f32.msk $0xffff, v7  }
0x7c3: {  	[tilespmem:s5+$0xFE40] =	vst.add.f32.msk $0xffff, v3;
	v3 =	vmul.f32 v4, v4;
	v4 =	vsub.f32 v12, v13  }
0x7c4: {  	s23 =	sadd.s32 $0x800, s23;
	[tilespmem:s22+$0xFE60] =	vst.add.f32.msk $0xffff, v5;
	s22 =	smov.u32 s5  }
0x7c5: {  	v4 =	vmul.f32 v4, v4  }
0x7c6: {  	[tilespmem:s22+$0xFE50] =	vst.add.f32.msk $0xffff, v3  }
0x7c7: {  	[tilespmem:s22+$0xFE60] =	vst.add.f32.msk $0xffff, v4  }
0x7c8: {  	v3 =	vld [tilespmem:s10+$0xC6F0]  }
0x7c9: {  	v4 =	vld [tilespmem:s10+$0xE6F0]  }
0x7ca: {  	v5 =	vld [tilespmem:s10+$0xC680]  }
0x7cb: {  	v6 =	vld [tilespmem:s10+$0xE680]  }
0x7cc: {  	v7 =	vld [tilespmem:s10+$0xC690]  }
0x7cd: {  	v8 =	vld [tilespmem:s10+$0xE690]  }
0x7ce: {  	v9 =	vld [tilespmem:s10+$0xC6A0]  }
0x7cf: {  	v10 =	vld [tilespmem:s10+$0xC6B0];
	v3 =	vsub.f32 v3, v4  }
0x7d0: {  	v11 =	vld [tilespmem:s10+$0xE6B0]  }
0x7d1: {  	v12 =	vld [tilespmem:s10+$0xE6C0];
	v3 =	vmul.f32 v3, v3  }
0x7d2: {  	v4 =	vld [tilespmem:s10+$0xE6A0]  }
0x7d3: {  	[tilespmem:s10+$0xFEF0] =	vst.add.f32.msk $0xffff, v3  }
0x7d4: {  	v3 =	vld [tilespmem:s10+$0xC6C0]  }
0x7d5: {  	v61 =	vld [tilespmem:s10+$0xE6D0]  }
0x7d6: {  	v5 =	vsub.f32 v5, v6;
	v6 =	vld [tilespmem:s10+$0xC6D0]  }
0x7d7: {  	v62 =	vld [tilespmem:s10+$0xC6E0];
	v4 =	vsub.f32 v9, v4  }
0x7d8: {  	v63 =	vld [tilespmem:s10+$0xE6E0];
	v7 =	vsub.f32 v7, v8;
	v5 =	vmul.f32 v5, v5  }
0x7d9: {  	v4 =	vmul.f32 v4, v4;
	v3 =	vsub.f32 v3, v12  }
0x7da: {  	v10 =	vsub.f32 v10, v11;
	v7 =	vmul.f32 v7, v7;
	[tilespmem:s10+$0xFE80] =	vst.add.f32.msk $0xffff, v5  }
0x7db: {  	[tilespmem:s10+$0xFEA0] =	vst.add.f32.msk $0xffff, v4;
	v4 =	vsub.f32 v6, v61;
	v3 =	vmul.f32 v3, v3  }
0x7dc: {  	v5 =	vmul.f32 v10, v10;
	[tilespmem:s10+$0xFE90] =	vst.add.f32.msk $0xffff, v7  }
0x7dd: {  	[tilespmem:s10+$0xFEC0] =	vst.add.f32.msk $0xffff, v3;
	v3 =	vmul.f32 v4, v4;
	v4 =	vsub.f32 v62, v63  }
0x7de: {  	s11 =	simm.s32 $0x0;
	s22 =	simm.s32 $0x800;
	[tilespmem:s10+$0xFEB0] =	vst.add.f32.msk $0xffff, v5  }
.LBB2_76:
0x7df: {  	s5 =	sshra.s32 s22, $0x2;
	[tilespmem:s10+$0xFED0] =	vst.add.f32.msk $0xffff, v3;
	v5 =	vmul.f32 v4, v4  }
0x7e0: {  	s11 =	sadd.s32 $0x8, s11;
	v3 =	vld [tilespmem:s5+$0xC6F0]  }
0x7e1: {  	p0 =	slt.u32 s11, $0x18;
	v4 =	vld [tilespmem:s5+$0xE6F0]  }
0x7e2: {  	v6 =	vld [tilespmem:s5+$0xC680]  }
0x7e3: {  	v7 =	vld [tilespmem:s5+$0xE680]  }
0x7e4: {  	v8 =	vld [tilespmem:s5+$0xC690]  }
0x7e5: {  	v9 =	vld [tilespmem:s5+$0xE690]  }
0x7e6: {  	v10 =	vld [tilespmem:s5+$0xC6A0];
	v3 =	vsub.f32 v3, v4  }
0x7e7: {  	v4 =	vld [tilespmem:s5+$0xE6A0]  }
0x7e8: {  	v6 =	vsub.f32 v6, v7;
	v7 =	vld [tilespmem:s5+$0xC6B0];
	v3 =	vmul.f32 v3, v3  }
0x7e9: {  	v11 =	vld [tilespmem:s5+$0xE6B0]  }
0x7ea: {  	v6 =	vmul.f32 v6, v6;
	v8 =	vsub.f32 v8, v9;
	[tilespmem:s5+$0xFEF0] =	vst.add.f32.msk $0xffff, v3  }
0x7eb: {  	v3 =	vld [tilespmem:s5+$0xC6C0]  }
0x7ec: {  	v8 =	vmul.f32 v8, v8;
	v4 =	vsub.f32 v10, v4;
	v9 =	vld [tilespmem:s5+$0xE6C0]  }
0x7ed: {  	v10 =	vld [tilespmem:s5+$0xC6D0]  }
0x7ee: {  	v4 =	vmul.f32 v4, v4;
	v7 =	vsub.f32 v7, v11;
	v11 =	vld [tilespmem:s5+$0xE6D0]  }
0x7ef: {  	v12 =	vld [tilespmem:s5+$0xC6E0]  }
0x7f0: {  	v7 =	vmul.f32 v7, v7;
	v13 =	vld [tilespmem:s5+$0xE6E0]  }
0x7f1: {  	[tilespmem:s5+$0xFE80] =	vst.add.f32.msk $0xffff, v6;
	v3 =	vsub.f32 v3, v9  }
.Ltmp37:
0x7f2: {  	[tilespmem:s5+$0xFE90] =	vst.add.f32.msk $0xffff, v8;
	(pc) =	sbr.rel @p0 .LBB2_76-.Ltmp37, $4  }
0x7f3: {  	[tilespmem:s5+$0xFEA0] =	vst.add.f32.msk $0xffff, v4;
	v3 =	vmul.f32 v3, v3;
	v4 =	vsub.f32 v10, v11  }
0x7f4: {  	[tilespmem:s5+$0xFEB0] =	vst.add.f32.msk $0xffff, v7  }
0x7f5: {  	[tilespmem:s5+$0xFEC0] =	vst.add.f32.msk $0xffff, v3;
	v3 =	vmul.f32 v4, v4;
	v4 =	vsub.f32 v12, v13  }
0x7f6: {  	s22 =	sadd.s32 $0x800, s22;
	[tilespmem:s10+$0xFEE0] =	vst.add.f32.msk $0xffff, v5;
	s10 =	smov.u32 s5  }
0x7f7: {  	v4 =	vmul.f32 v4, v4  }
0x7f8: {  	[tilespmem:s10+$0xFED0] =	vst.add.f32.msk $0xffff, v3  }
0x7f9: {  	[tilespmem:s10+$0xFEE0] =	vst.add.f32.msk $0xffff, v4;
	s10 =	simm.s32 $0x0  }
0x7fa: {  	v3 =	vld [tilespmem:s10+$0xC770]  }
0x7fb: {  	v4 =	vld [tilespmem:s10+$0xE770]  }
0x7fc: {  	v5 =	vld [tilespmem:s10+$0xC700]  }
0x7fd: {  	v6 =	vld [tilespmem:s10+$0xE700]  }
0x7fe: {  	v7 =	vld [tilespmem:s10+$0xC710]  }
0x7ff: {  	v8 =	vld [tilespmem:s10+$0xE710]  }
0x800: {  	v9 =	vld [tilespmem:s10+$0xC720]  }
0x801: {  	v10 =	vld [tilespmem:s10+$0xC730];
	v3 =	vsub.f32 v3, v4  }
0x802: {  	v11 =	vld [tilespmem:s10+$0xE730]  }
0x803: {  	v12 =	vld [tilespmem:s10+$0xE740];
	v3 =	vmul.f32 v3, v3  }
0x804: {  	v4 =	vld [tilespmem:s10+$0xE720]  }
0x805: {  	[tilespmem:s10+$0xFF70] =	vst.add.f32.msk $0xffff, v3  }
0x806: {  	v3 =	vld [tilespmem:s10+$0xC740]  }
0x807: {  	v61 =	vld [tilespmem:s10+$0xE750]  }
0x808: {  	v5 =	vsub.f32 v5, v6;
	v6 =	vld [tilespmem:s10+$0xC750]  }
0x809: {  	v62 =	vld [tilespmem:s10+$0xC760];
	v4 =	vsub.f32 v9, v4  }
0x80a: {  	v63 =	vld [tilespmem:s10+$0xE760];
	v7 =	vsub.f32 v7, v8;
	v5 =	vmul.f32 v5, v5  }
0x80b: {  	v4 =	vmul.f32 v4, v4;
	v3 =	vsub.f32 v3, v12  }
0x80c: {  	v10 =	vsub.f32 v10, v11;
	v7 =	vmul.f32 v7, v7;
	[tilespmem:s10+$0xFF00] =	vst.add.f32.msk $0xffff, v5  }
0x80d: {  	[tilespmem:s10+$0xFF20] =	vst.add.f32.msk $0xffff, v4;
	v4 =	vsub.f32 v6, v61;
	v3 =	vmul.f32 v3, v3  }
0x80e: {  	v5 =	vmul.f32 v10, v10;
	[tilespmem:s10+$0xFF10] =	vst.add.f32.msk $0xffff, v7  }
0x80f: {  	[tilespmem:s10+$0xFF40] =	vst.add.f32.msk $0xffff, v3;
	v3 =	vmul.f32 v4, v4;
	v4 =	vsub.f32 v62, v63  }
0x810: {  	s11 =	simm.s32 $0x0;
	s23 =	simm.s32 $0x800;
	s22 =	simm.s32 $0x0;
	[tilespmem:s10+$0xFF30] =	vst.add.f32.msk $0xffff, v5  }
.LBB2_78:
0x811: {  	s5 =	sshra.s32 s23, $0x2;
	[tilespmem:s22+$0xFF50] =	vst.add.f32.msk $0xffff, v3;
	v5 =	vmul.f32 v4, v4  }
0x812: {  	s11 =	sadd.s32 $0x8, s11;
	v3 =	vld [tilespmem:s5+$0xC770]  }
0x813: {  	p0 =	slt.u32 s11, $0x18;
	v4 =	vld [tilespmem:s5+$0xE770]  }
0x814: {  	v6 =	vld [tilespmem:s5+$0xC700]  }
0x815: {  	v7 =	vld [tilespmem:s5+$0xE700]  }
0x816: {  	v8 =	vld [tilespmem:s5+$0xC710]  }
0x817: {  	v9 =	vld [tilespmem:s5+$0xE710]  }
0x818: {  	v10 =	vld [tilespmem:s5+$0xC720];
	v3 =	vsub.f32 v3, v4  }
0x819: {  	v4 =	vld [tilespmem:s5+$0xE720]  }
0x81a: {  	v6 =	vsub.f32 v6, v7;
	v7 =	vld [tilespmem:s5+$0xC730];
	v3 =	vmul.f32 v3, v3  }
0x81b: {  	v11 =	vld [tilespmem:s5+$0xE730]  }
0x81c: {  	v6 =	vmul.f32 v6, v6;
	v8 =	vsub.f32 v8, v9;
	[tilespmem:s5+$0xFF70] =	vst.add.f32.msk $0xffff, v3  }
0x81d: {  	v3 =	vld [tilespmem:s5+$0xC740]  }
0x81e: {  	v8 =	vmul.f32 v8, v8;
	v4 =	vsub.f32 v10, v4;
	v9 =	vld [tilespmem:s5+$0xE740]  }
0x81f: {  	v10 =	vld [tilespmem:s5+$0xC750]  }
0x820: {  	v4 =	vmul.f32 v4, v4;
	v7 =	vsub.f32 v7, v11;
	v11 =	vld [tilespmem:s5+$0xE750]  }
0x821: {  	v12 =	vld [tilespmem:s5+$0xC760]  }
0x822: {  	v7 =	vmul.f32 v7, v7;
	v13 =	vld [tilespmem:s5+$0xE760]  }
0x823: {  	[tilespmem:s5+$0xFF00] =	vst.add.f32.msk $0xffff, v6;
	v3 =	vsub.f32 v3, v9  }
.Ltmp38:
0x824: {  	[tilespmem:s5+$0xFF10] =	vst.add.f32.msk $0xffff, v8;
	(pc) =	sbr.rel @p0 .LBB2_78-.Ltmp38, $4  }
0x825: {  	[tilespmem:s5+$0xFF20] =	vst.add.f32.msk $0xffff, v4;
	v3 =	vmul.f32 v3, v3;
	v4 =	vsub.f32 v10, v11  }
0x826: {  	[tilespmem:s5+$0xFF30] =	vst.add.f32.msk $0xffff, v7  }
0x827: {  	[tilespmem:s5+$0xFF40] =	vst.add.f32.msk $0xffff, v3;
	v3 =	vmul.f32 v4, v4;
	v4 =	vsub.f32 v12, v13  }
0x828: {  	s23 =	sadd.s32 $0x800, s23;
	[tilespmem:s22+$0xFF60] =	vst.add.f32.msk $0xffff, v5;
	s22 =	smov.u32 s5  }
0x829: {  	v4 =	vmul.f32 v4, v4  }
0x82a: {  	[tilespmem:s22+$0xFF50] =	vst.add.f32.msk $0xffff, v3  }
0x82b: {  	[tilespmem:s22+$0xFF60] =	vst.add.f32.msk $0xffff, v4  }
0x82c: {  	v3 =	vld [tilespmem:s10+$0xC7F0]  }
0x82d: {  	v4 =	vld [tilespmem:s10+$0xE7F0]  }
0x82e: {  	v5 =	vld [tilespmem:s10+$0xC780]  }
0x82f: {  	v6 =	vld [tilespmem:s10+$0xE780]  }
0x830: {  	v7 =	vld [tilespmem:s10+$0xC790]  }
0x831: {  	v8 =	vld [tilespmem:s10+$0xE790]  }
0x832: {  	v9 =	vld [tilespmem:s10+$0xC7A0]  }
0x833: {  	v10 =	vld [tilespmem:s10+$0xC7B0];
	v3 =	vsub.f32 v3, v4  }
0x834: {  	v11 =	vld [tilespmem:s10+$0xE7B0]  }
0x835: {  	v12 =	vld [tilespmem:s10+$0xE7C0];
	v3 =	vmul.f32 v3, v3  }
0x836: {  	v4 =	vld [tilespmem:s10+$0xE7A0]  }
0x837: {  	[tilespmem:s10+$0xFFF0] =	vst.add.f32.msk $0xffff, v3  }
0x838: {  	v3 =	vld [tilespmem:s10+$0xC7C0]  }
0x839: {  	v61 =	vld [tilespmem:s10+$0xE7D0]  }
0x83a: {  	v5 =	vsub.f32 v5, v6;
	v6 =	vld [tilespmem:s10+$0xC7D0]  }
0x83b: {  	v62 =	vld [tilespmem:s10+$0xC7E0];
	v4 =	vsub.f32 v9, v4  }
0x83c: {  	v63 =	vld [tilespmem:s10+$0xE7E0];
	v7 =	vsub.f32 v7, v8;
	v5 =	vmul.f32 v5, v5  }
0x83d: {  	v4 =	vmul.f32 v4, v4;
	v3 =	vsub.f32 v3, v12  }
0x83e: {  	v10 =	vsub.f32 v10, v11;
	v7 =	vmul.f32 v7, v7;
	[tilespmem:s10+$0xFF80] =	vst.add.f32.msk $0xffff, v5  }
0x83f: {  	[tilespmem:s10+$0xFFA0] =	vst.add.f32.msk $0xffff, v4;
	v4 =	vsub.f32 v6, v61;
	v3 =	vmul.f32 v3, v3  }
0x840: {  	v5 =	vmul.f32 v10, v10;
	[tilespmem:s10+$0xFF90] =	vst.add.f32.msk $0xffff, v7  }
0x841: {  	[tilespmem:s10+$0xFFC0] =	vst.add.f32.msk $0xffff, v3;
	v3 =	vmul.f32 v4, v4;
	v4 =	vsub.f32 v62, v63  }
0x842: {  	s11 =	simm.s32 $0x0;
	s22 =	simm.s32 $0x800;
	[tilespmem:s10+$0xFFB0] =	vst.add.f32.msk $0xffff, v5  }
.LBB2_80:
0x843: {  	s5 =	sshra.s32 s22, $0x2;
	[tilespmem:s10+$0xFFD0] =	vst.add.f32.msk $0xffff, v3;
	v5 =	vmul.f32 v4, v4  }
0x844: {  	s11 =	sadd.s32 $0x8, s11;
	v3 =	vld [tilespmem:s5+$0xC7F0]  }
0x845: {  	p0 =	slt.u32 s11, $0x18;
	v4 =	vld [tilespmem:s5+$0xE7F0]  }
0x846: {  	v6 =	vld [tilespmem:s5+$0xC780]  }
0x847: {  	v7 =	vld [tilespmem:s5+$0xE780]  }
0x848: {  	v8 =	vld [tilespmem:s5+$0xC790]  }
0x849: {  	v9 =	vld [tilespmem:s5+$0xE790]  }
0x84a: {  	v10 =	vld [tilespmem:s5+$0xC7A0];
	v3 =	vsub.f32 v3, v4  }
0x84b: {  	v4 =	vld [tilespmem:s5+$0xE7A0]  }
0x84c: {  	v6 =	vsub.f32 v6, v7;
	v7 =	vld [tilespmem:s5+$0xC7B0];
	v3 =	vmul.f32 v3, v3  }
0x84d: {  	v11 =	vld [tilespmem:s5+$0xE7B0]  }
0x84e: {  	v6 =	vmul.f32 v6, v6;
	v8 =	vsub.f32 v8, v9;
	[tilespmem:s5+$0xFFF0] =	vst.add.f32.msk $0xffff, v3  }
0x84f: {  	v3 =	vld [tilespmem:s5+$0xC7C0]  }
0x850: {  	v8 =	vmul.f32 v8, v8;
	v4 =	vsub.f32 v10, v4;
	v9 =	vld [tilespmem:s5+$0xE7C0]  }
0x851: {  	v10 =	vld [tilespmem:s5+$0xC7D0]  }
0x852: {  	v4 =	vmul.f32 v4, v4;
	v7 =	vsub.f32 v7, v11;
	v11 =	vld [tilespmem:s5+$0xE7D0]  }
0x853: {  	v12 =	vld [tilespmem:s5+$0xC7E0]  }
0x854: {  	v7 =	vmul.f32 v7, v7;
	v13 =	vld [tilespmem:s5+$0xE7E0]  }
0x855: {  	[tilespmem:s5+$0xFF80] =	vst.add.f32.msk $0xffff, v6;
	v3 =	vsub.f32 v3, v9  }
.Ltmp39:
0x856: {  	[tilespmem:s5+$0xFF90] =	vst.add.f32.msk $0xffff, v8;
	(pc) =	sbr.rel @p0 .LBB2_80-.Ltmp39, $4  }
0x857: {  	[tilespmem:s5+$0xFFA0] =	vst.add.f32.msk $0xffff, v4;
	v3 =	vmul.f32 v3, v3;
	v4 =	vsub.f32 v10, v11  }
0x858: {  	[tilespmem:s5+$0xFFB0] =	vst.add.f32.msk $0xffff, v7  }
0x859: {  	[tilespmem:s5+$0xFFC0] =	vst.add.f32.msk $0xffff, v3;
	v3 =	vmul.f32 v4, v4;
	v4 =	vsub.f32 v12, v13  }
0x85a: {  	s22 =	sadd.s32 $0x800, s22;
	[tilespmem:s10+$0xFFE0] =	vst.add.f32.msk $0xffff, v5;
	s10 =	smov.u32 s5  }
0x85b: {  	v4 =	vmul.f32 v4, v4  }
0x85c: {  	[tilespmem:s10+$0xFFD0] =	vst.add.f32.msk $0xffff, v3  }
0x85d: {  	[tilespmem:s10+$0xFFE0] =	vst.add.f32.msk $0xffff, v4  }
0x85e: {  	_ =	swait.ge [sflag:s0], $0x800  }
0x85f: {  	[sflag:s0] =	ssyncset.done $0x0  }
0x860: {  	[sflag:s0] =	ssyncadd.s32 $0xFFFFF800  }
0x861: {  	_ =	swait.ge [sflag:s0], $0x800  }
0x862: {  	[sflag:s0] =	ssyncset.done $0x0  }
0x863: {  	s10 =	simm.s32 $0x0;
	[sflag:s0] =	ssyncadd.s32 $0xFFFFF800  }
0x864: {  	v3 =	vld [tilespmem:s10+$0xCE70]  }
0x865: {  	v4 =	vld [tilespmem:s10+$0xEE70]  }
0x866: {  	v5 =	vld [tilespmem:s10+$0xCE00]  }
0x867: {  	v6 =	vld [tilespmem:s10+$0xEE00]  }
0x868: {  	v7 =	vld [tilespmem:s10+$0xCE10]  }
0x869: {  	v8 =	vld [tilespmem:s10+$0xEE10]  }
0x86a: {  	v9 =	vld [tilespmem:s10+$0xCE20]  }
0x86b: {  	v10 =	vld [tilespmem:s10+$0xCE30];
	v3 =	vsub.f32 v3, v4  }
0x86c: {  	v11 =	vld [tilespmem:s10+$0xEE30]  }
0x86d: {  	v12 =	vld [tilespmem:s10+$0xEE40];
	v3 =	vmul.f32 v3, v3  }
0x86e: {  	v4 =	vld [tilespmem:s10+$0xEE20]  }
0x86f: {  	[tilespmem:s10+$0xFE70] =	vst.add.f32.msk $0xffff, v3  }
0x870: {  	v3 =	vld [tilespmem:s10+$0xCE40]  }
0x871: {  	v61 =	vld [tilespmem:s10+$0xEE50]  }
0x872: {  	v5 =	vsub.f32 v5, v6;
	v6 =	vld [tilespmem:s10+$0xCE50]  }
0x873: {  	v62 =	vld [tilespmem:s10+$0xCE60];
	v4 =	vsub.f32 v9, v4  }
0x874: {  	v63 =	vld [tilespmem:s10+$0xEE60];
	v7 =	vsub.f32 v7, v8;
	v5 =	vmul.f32 v5, v5  }
0x875: {  	v4 =	vmul.f32 v4, v4;
	v3 =	vsub.f32 v3, v12  }
0x876: {  	v10 =	vsub.f32 v10, v11;
	v7 =	vmul.f32 v7, v7;
	[tilespmem:s10+$0xFE00] =	vst.add.f32.msk $0xffff, v5  }
0x877: {  	[tilespmem:s10+$0xFE20] =	vst.add.f32.msk $0xffff, v4;
	v4 =	vsub.f32 v6, v61;
	v3 =	vmul.f32 v3, v3  }
0x878: {  	v5 =	vmul.f32 v10, v10;
	[tilespmem:s10+$0xFE10] =	vst.add.f32.msk $0xffff, v7  }
0x879: {  	[tilespmem:s10+$0xFE40] =	vst.add.f32.msk $0xffff, v3;
	v3 =	vmul.f32 v4, v4;
	v4 =	vsub.f32 v62, v63  }
0x87a: {  	s11 =	simm.s32 $0x0;
	s23 =	simm.s32 $0x800;
	s22 =	simm.s32 $0x0;
	[tilespmem:s10+$0xFE30] =	vst.add.f32.msk $0xffff, v5  }
.LBB2_82:
0x87b: {  	s5 =	sshra.s32 s23, $0x2;
	[tilespmem:s22+$0xFE50] =	vst.add.f32.msk $0xffff, v3;
	v5 =	vmul.f32 v4, v4  }
0x87c: {  	s11 =	sadd.s32 $0x8, s11;
	v3 =	vld [tilespmem:s5+$0xCE70]  }
0x87d: {  	p0 =	slt.u32 s11, $0x18;
	v4 =	vld [tilespmem:s5+$0xEE70]  }
0x87e: {  	v6 =	vld [tilespmem:s5+$0xCE00]  }
0x87f: {  	v7 =	vld [tilespmem:s5+$0xEE00]  }
0x880: {  	v8 =	vld [tilespmem:s5+$0xCE10]  }
0x881: {  	v9 =	vld [tilespmem:s5+$0xEE10]  }
0x882: {  	v10 =	vld [tilespmem:s5+$0xCE20];
	v3 =	vsub.f32 v3, v4  }
0x883: {  	v4 =	vld [tilespmem:s5+$0xEE20]  }
0x884: {  	v6 =	vsub.f32 v6, v7;
	v7 =	vld [tilespmem:s5+$0xCE30];
	v3 =	vmul.f32 v3, v3  }
0x885: {  	v11 =	vld [tilespmem:s5+$0xEE30]  }
0x886: {  	v6 =	vmul.f32 v6, v6;
	v8 =	vsub.f32 v8, v9;
	[tilespmem:s5+$0xFE70] =	vst.add.f32.msk $0xffff, v3  }
0x887: {  	v3 =	vld [tilespmem:s5+$0xCE40]  }
0x888: {  	v8 =	vmul.f32 v8, v8;
	v4 =	vsub.f32 v10, v4;
	v9 =	vld [tilespmem:s5+$0xEE40]  }
0x889: {  	v10 =	vld [tilespmem:s5+$0xCE50]  }
0x88a: {  	v4 =	vmul.f32 v4, v4;
	v7 =	vsub.f32 v7, v11;
	v11 =	vld [tilespmem:s5+$0xEE50]  }
0x88b: {  	v12 =	vld [tilespmem:s5+$0xCE60]  }
0x88c: {  	v7 =	vmul.f32 v7, v7;
	v13 =	vld [tilespmem:s5+$0xEE60]  }
0x88d: {  	[tilespmem:s5+$0xFE00] =	vst.add.f32.msk $0xffff, v6;
	v3 =	vsub.f32 v3, v9  }
.Ltmp40:
0x88e: {  	[tilespmem:s5+$0xFE10] =	vst.add.f32.msk $0xffff, v8;
	(pc) =	sbr.rel @p0 .LBB2_82-.Ltmp40, $4  }
0x88f: {  	[tilespmem:s5+$0xFE20] =	vst.add.f32.msk $0xffff, v4;
	v3 =	vmul.f32 v3, v3;
	v4 =	vsub.f32 v10, v11  }
0x890: {  	[tilespmem:s5+$0xFE30] =	vst.add.f32.msk $0xffff, v7  }
0x891: {  	[tilespmem:s5+$0xFE40] =	vst.add.f32.msk $0xffff, v3;
	v3 =	vmul.f32 v4, v4;
	v4 =	vsub.f32 v12, v13  }
0x892: {  	s23 =	sadd.s32 $0x800, s23;
	[tilespmem:s22+$0xFE60] =	vst.add.f32.msk $0xffff, v5;
	s22 =	smov.u32 s5  }
0x893: {  	v4 =	vmul.f32 v4, v4  }
0x894: {  	[tilespmem:s22+$0xFE50] =	vst.add.f32.msk $0xffff, v3  }
0x895: {  	[tilespmem:s22+$0xFE60] =	vst.add.f32.msk $0xffff, v4  }
0x896: {  	v3 =	vld [tilespmem:s10+$0xCEF0]  }
0x897: {  	v4 =	vld [tilespmem:s10+$0xEEF0]  }
0x898: {  	v5 =	vld [tilespmem:s10+$0xCE80]  }
0x899: {  	v6 =	vld [tilespmem:s10+$0xEE80]  }
0x89a: {  	v7 =	vld [tilespmem:s10+$0xCE90]  }
0x89b: {  	v8 =	vld [tilespmem:s10+$0xEE90]  }
0x89c: {  	v9 =	vld [tilespmem:s10+$0xCEA0]  }
0x89d: {  	v10 =	vld [tilespmem:s10+$0xCEB0];
	v3 =	vsub.f32 v3, v4  }
0x89e: {  	v11 =	vld [tilespmem:s10+$0xEEB0]  }
0x89f: {  	v12 =	vld [tilespmem:s10+$0xEEC0];
	v3 =	vmul.f32 v3, v3  }
0x8a0: {  	v4 =	vld [tilespmem:s10+$0xEEA0]  }
0x8a1: {  	[tilespmem:s10+$0xFEF0] =	vst.add.f32.msk $0xffff, v3  }
0x8a2: {  	v3 =	vld [tilespmem:s10+$0xCEC0]  }
0x8a3: {  	v61 =	vld [tilespmem:s10+$0xEED0]  }
0x8a4: {  	v5 =	vsub.f32 v5, v6;
	v6 =	vld [tilespmem:s10+$0xCED0]  }
0x8a5: {  	v62 =	vld [tilespmem:s10+$0xCEE0];
	v4 =	vsub.f32 v9, v4  }
0x8a6: {  	v63 =	vld [tilespmem:s10+$0xEEE0];
	v7 =	vsub.f32 v7, v8;
	v5 =	vmul.f32 v5, v5  }
0x8a7: {  	v4 =	vmul.f32 v4, v4;
	v3 =	vsub.f32 v3, v12  }
0x8a8: {  	v10 =	vsub.f32 v10, v11;
	v7 =	vmul.f32 v7, v7;
	[tilespmem:s10+$0xFE80] =	vst.add.f32.msk $0xffff, v5  }
0x8a9: {  	[tilespmem:s10+$0xFEA0] =	vst.add.f32.msk $0xffff, v4;
	v4 =	vsub.f32 v6, v61;
	v3 =	vmul.f32 v3, v3  }
0x8aa: {  	v5 =	vmul.f32 v10, v10;
	[tilespmem:s10+$0xFE90] =	vst.add.f32.msk $0xffff, v7  }
0x8ab: {  	[tilespmem:s10+$0xFEC0] =	vst.add.f32.msk $0xffff, v3;
	v3 =	vmul.f32 v4, v4;
	v4 =	vsub.f32 v62, v63  }
0x8ac: {  	s11 =	simm.s32 $0x0;
	s22 =	simm.s32 $0x800;
	[tilespmem:s10+$0xFEB0] =	vst.add.f32.msk $0xffff, v5  }
.LBB2_84:
0x8ad: {  	s5 =	sshra.s32 s22, $0x2;
	[tilespmem:s10+$0xFED0] =	vst.add.f32.msk $0xffff, v3;
	v5 =	vmul.f32 v4, v4  }
0x8ae: {  	s11 =	sadd.s32 $0x8, s11;
	v3 =	vld [tilespmem:s5+$0xCEF0]  }
0x8af: {  	p0 =	slt.u32 s11, $0x18;
	v4 =	vld [tilespmem:s5+$0xEEF0]  }
0x8b0: {  	v6 =	vld [tilespmem:s5+$0xCE80]  }
0x8b1: {  	v7 =	vld [tilespmem:s5+$0xEE80]  }
0x8b2: {  	v8 =	vld [tilespmem:s5+$0xCE90]  }
0x8b3: {  	v9 =	vld [tilespmem:s5+$0xEE90]  }
0x8b4: {  	v10 =	vld [tilespmem:s5+$0xCEA0];
	v3 =	vsub.f32 v3, v4  }
0x8b5: {  	v4 =	vld [tilespmem:s5+$0xEEA0]  }
0x8b6: {  	v6 =	vsub.f32 v6, v7;
	v7 =	vld [tilespmem:s5+$0xCEB0];
	v3 =	vmul.f32 v3, v3  }
0x8b7: {  	v11 =	vld [tilespmem:s5+$0xEEB0]  }
0x8b8: {  	v6 =	vmul.f32 v6, v6;
	v8 =	vsub.f32 v8, v9;
	[tilespmem:s5+$0xFEF0] =	vst.add.f32.msk $0xffff, v3  }
0x8b9: {  	v3 =	vld [tilespmem:s5+$0xCEC0]  }
0x8ba: {  	v8 =	vmul.f32 v8, v8;
	v4 =	vsub.f32 v10, v4;
	v9 =	vld [tilespmem:s5+$0xEEC0]  }
0x8bb: {  	v10 =	vld [tilespmem:s5+$0xCED0]  }
0x8bc: {  	v4 =	vmul.f32 v4, v4;
	v7 =	vsub.f32 v7, v11;
	v11 =	vld [tilespmem:s5+$0xEED0]  }
0x8bd: {  	v12 =	vld [tilespmem:s5+$0xCEE0]  }
0x8be: {  	v7 =	vmul.f32 v7, v7;
	v13 =	vld [tilespmem:s5+$0xEEE0]  }
0x8bf: {  	[tilespmem:s5+$0xFE80] =	vst.add.f32.msk $0xffff, v6;
	v3 =	vsub.f32 v3, v9  }
.Ltmp41:
0x8c0: {  	[tilespmem:s5+$0xFE90] =	vst.add.f32.msk $0xffff, v8;
	(pc) =	sbr.rel @p0 .LBB2_84-.Ltmp41, $4  }
0x8c1: {  	[tilespmem:s5+$0xFEA0] =	vst.add.f32.msk $0xffff, v4;
	v3 =	vmul.f32 v3, v3;
	v4 =	vsub.f32 v10, v11  }
0x8c2: {  	[tilespmem:s5+$0xFEB0] =	vst.add.f32.msk $0xffff, v7  }
0x8c3: {  	[tilespmem:s5+$0xFEC0] =	vst.add.f32.msk $0xffff, v3;
	v3 =	vmul.f32 v4, v4;
	v4 =	vsub.f32 v12, v13  }
0x8c4: {  	s22 =	sadd.s32 $0x800, s22;
	[tilespmem:s10+$0xFEE0] =	vst.add.f32.msk $0xffff, v5;
	s10 =	smov.u32 s5  }
0x8c5: {  	v4 =	vmul.f32 v4, v4  }
0x8c6: {  	[tilespmem:s10+$0xFED0] =	vst.add.f32.msk $0xffff, v3  }
0x8c7: {  	[tilespmem:s10+$0xFEE0] =	vst.add.f32.msk $0xffff, v4;
	s10 =	simm.s32 $0x0  }
0x8c8: {  	v3 =	vld [tilespmem:s10+$0xCF70]  }
0x8c9: {  	v4 =	vld [tilespmem:s10+$0xEF70]  }
0x8ca: {  	v5 =	vld [tilespmem:s10+$0xCF00]  }
0x8cb: {  	v6 =	vld [tilespmem:s10+$0xEF00]  }
0x8cc: {  	v7 =	vld [tilespmem:s10+$0xCF10]  }
0x8cd: {  	v8 =	vld [tilespmem:s10+$0xEF10]  }
0x8ce: {  	v9 =	vld [tilespmem:s10+$0xCF20]  }
0x8cf: {  	v10 =	vld [tilespmem:s10+$0xCF30];
	v3 =	vsub.f32 v3, v4  }
0x8d0: {  	v11 =	vld [tilespmem:s10+$0xEF30]  }
0x8d1: {  	v12 =	vld [tilespmem:s10+$0xEF40];
	v3 =	vmul.f32 v3, v3  }
0x8d2: {  	v4 =	vld [tilespmem:s10+$0xEF20]  }
0x8d3: {  	[tilespmem:s10+$0xFF70] =	vst.add.f32.msk $0xffff, v3  }
0x8d4: {  	v3 =	vld [tilespmem:s10+$0xCF40]  }
0x8d5: {  	v61 =	vld [tilespmem:s10+$0xEF50]  }
0x8d6: {  	v5 =	vsub.f32 v5, v6;
	v6 =	vld [tilespmem:s10+$0xCF50]  }
0x8d7: {  	v62 =	vld [tilespmem:s10+$0xCF60];
	v4 =	vsub.f32 v9, v4  }
0x8d8: {  	v63 =	vld [tilespmem:s10+$0xEF60];
	v7 =	vsub.f32 v7, v8;
	v5 =	vmul.f32 v5, v5  }
0x8d9: {  	v4 =	vmul.f32 v4, v4;
	v3 =	vsub.f32 v3, v12  }
0x8da: {  	v10 =	vsub.f32 v10, v11;
	v7 =	vmul.f32 v7, v7;
	[tilespmem:s10+$0xFF00] =	vst.add.f32.msk $0xffff, v5  }
0x8db: {  	[tilespmem:s10+$0xFF20] =	vst.add.f32.msk $0xffff, v4;
	v4 =	vsub.f32 v6, v61;
	v3 =	vmul.f32 v3, v3  }
0x8dc: {  	v5 =	vmul.f32 v10, v10;
	[tilespmem:s10+$0xFF10] =	vst.add.f32.msk $0xffff, v7  }
0x8dd: {  	[tilespmem:s10+$0xFF40] =	vst.add.f32.msk $0xffff, v3;
	v3 =	vmul.f32 v4, v4;
	v4 =	vsub.f32 v62, v63  }
0x8de: {  	s11 =	simm.s32 $0x0;
	s23 =	simm.s32 $0x800;
	s22 =	simm.s32 $0x0;
	[tilespmem:s10+$0xFF30] =	vst.add.f32.msk $0xffff, v5  }
.LBB2_86:
0x8df: {  	s5 =	sshra.s32 s23, $0x2;
	[tilespmem:s22+$0xFF50] =	vst.add.f32.msk $0xffff, v3;
	v5 =	vmul.f32 v4, v4  }
0x8e0: {  	s11 =	sadd.s32 $0x8, s11;
	v3 =	vld [tilespmem:s5+$0xCF70]  }
0x8e1: {  	p0 =	slt.u32 s11, $0x18;
	v4 =	vld [tilespmem:s5+$0xEF70]  }
0x8e2: {  	v6 =	vld [tilespmem:s5+$0xCF00]  }
0x8e3: {  	v7 =	vld [tilespmem:s5+$0xEF00]  }
0x8e4: {  	v8 =	vld [tilespmem:s5+$0xCF10]  }
0x8e5: {  	v9 =	vld [tilespmem:s5+$0xEF10]  }
0x8e6: {  	v10 =	vld [tilespmem:s5+$0xCF20];
	v3 =	vsub.f32 v3, v4  }
0x8e7: {  	v4 =	vld [tilespmem:s5+$0xEF20]  }
0x8e8: {  	v6 =	vsub.f32 v6, v7;
	v7 =	vld [tilespmem:s5+$0xCF30];
	v3 =	vmul.f32 v3, v3  }
0x8e9: {  	v11 =	vld [tilespmem:s5+$0xEF30]  }
0x8ea: {  	v6 =	vmul.f32 v6, v6;
	v8 =	vsub.f32 v8, v9;
	[tilespmem:s5+$0xFF70] =	vst.add.f32.msk $0xffff, v3  }
0x8eb: {  	v3 =	vld [tilespmem:s5+$0xCF40]  }
0x8ec: {  	v8 =	vmul.f32 v8, v8;
	v4 =	vsub.f32 v10, v4;
	v9 =	vld [tilespmem:s5+$0xEF40]  }
0x8ed: {  	v10 =	vld [tilespmem:s5+$0xCF50]  }
0x8ee: {  	v4 =	vmul.f32 v4, v4;
	v7 =	vsub.f32 v7, v11;
	v11 =	vld [tilespmem:s5+$0xEF50]  }
0x8ef: {  	v12 =	vld [tilespmem:s5+$0xCF60]  }
0x8f0: {  	v7 =	vmul.f32 v7, v7;
	v13 =	vld [tilespmem:s5+$0xEF60]  }
0x8f1: {  	[tilespmem:s5+$0xFF00] =	vst.add.f32.msk $0xffff, v6;
	v3 =	vsub.f32 v3, v9  }
.Ltmp42:
0x8f2: {  	[tilespmem:s5+$0xFF10] =	vst.add.f32.msk $0xffff, v8;
	(pc) =	sbr.rel @p0 .LBB2_86-.Ltmp42, $4  }
0x8f3: {  	[tilespmem:s5+$0xFF20] =	vst.add.f32.msk $0xffff, v4;
	v3 =	vmul.f32 v3, v3;
	v4 =	vsub.f32 v10, v11  }
0x8f4: {  	[tilespmem:s5+$0xFF30] =	vst.add.f32.msk $0xffff, v7  }
0x8f5: {  	[tilespmem:s5+$0xFF40] =	vst.add.f32.msk $0xffff, v3;
	v3 =	vmul.f32 v4, v4;
	v4 =	vsub.f32 v12, v13  }
0x8f6: {  	s23 =	sadd.s32 $0x800, s23;
	[tilespmem:s22+$0xFF60] =	vst.add.f32.msk $0xffff, v5;
	s22 =	smov.u32 s5  }
0x8f7: {  	v4 =	vmul.f32 v4, v4  }
0x8f8: {  	[tilespmem:s22+$0xFF50] =	vst.add.f32.msk $0xffff, v3  }
0x8f9: {  	[tilespmem:s22+$0xFF60] =	vst.add.f32.msk $0xffff, v4  }
0x8fa: {  	v3 =	vld [tilespmem:s10+$0xCFF0]  }
0x8fb: {  	v4 =	vld [tilespmem:s10+$0xEFF0]  }
0x8fc: {  	v5 =	vld [tilespmem:s10+$0xCF80]  }
0x8fd: {  	v6 =	vld [tilespmem:s10+$0xEF80]  }
0x8fe: {  	v7 =	vld [tilespmem:s10+$0xCF90]  }
0x8ff: {  	v8 =	vld [tilespmem:s10+$0xEF90]  }
0x900: {  	v9 =	vld [tilespmem:s10+$0xCFA0]  }
0x901: {  	v10 =	vld [tilespmem:s10+$0xCFB0];
	v3 =	vsub.f32 v3, v4  }
0x902: {  	v11 =	vld [tilespmem:s10+$0xEFB0]  }
0x903: {  	v12 =	vld [tilespmem:s10+$0xEFC0];
	v3 =	vmul.f32 v3, v3  }
0x904: {  	v4 =	vld [tilespmem:s10+$0xEFA0]  }
0x905: {  	[tilespmem:s10+$0xFFF0] =	vst.add.f32.msk $0xffff, v3  }
0x906: {  	v3 =	vld [tilespmem:s10+$0xCFC0]  }
0x907: {  	v61 =	vld [tilespmem:s10+$0xEFD0]  }
0x908: {  	v5 =	vsub.f32 v5, v6;
	v6 =	vld [tilespmem:s10+$0xCFD0]  }
0x909: {  	v62 =	vld [tilespmem:s10+$0xCFE0];
	v4 =	vsub.f32 v9, v4  }
0x90a: {  	v63 =	vld [tilespmem:s10+$0xEFE0];
	v7 =	vsub.f32 v7, v8;
	v5 =	vmul.f32 v5, v5  }
0x90b: {  	v4 =	vmul.f32 v4, v4;
	v3 =	vsub.f32 v3, v12  }
0x90c: {  	v10 =	vsub.f32 v10, v11;
	v7 =	vmul.f32 v7, v7;
	[tilespmem:s10+$0xFF80] =	vst.add.f32.msk $0xffff, v5  }
0x90d: {  	[tilespmem:s10+$0xFFA0] =	vst.add.f32.msk $0xffff, v4;
	v4 =	vsub.f32 v6, v61;
	v3 =	vmul.f32 v3, v3  }
0x90e: {  	v5 =	vmul.f32 v10, v10;
	[tilespmem:s10+$0xFF90] =	vst.add.f32.msk $0xffff, v7  }
0x90f: {  	[tilespmem:s10+$0xFFC0] =	vst.add.f32.msk $0xffff, v3;
	v3 =	vmul.f32 v4, v4;
	v4 =	vsub.f32 v62, v63  }
0x910: {  	s11 =	simm.s32 $0x0;
	s22 =	simm.s32 $0x800;
	[tilespmem:s10+$0xFFB0] =	vst.add.f32.msk $0xffff, v5  }
.LBB2_88:
0x911: {  	s5 =	sshra.s32 s22, $0x2;
	[tilespmem:s10+$0xFFD0] =	vst.add.f32.msk $0xffff, v3;
	v5 =	vmul.f32 v4, v4  }
0x912: {  	s11 =	sadd.s32 $0x8, s11;
	v3 =	vld [tilespmem:s5+$0xCFF0]  }
0x913: {  	p0 =	slt.u32 s11, $0x18;
	v4 =	vld [tilespmem:s5+$0xEFF0]  }
0x914: {  	v6 =	vld [tilespmem:s5+$0xCF80]  }
0x915: {  	v7 =	vld [tilespmem:s5+$0xEF80]  }
0x916: {  	v8 =	vld [tilespmem:s5+$0xCF90]  }
0x917: {  	v9 =	vld [tilespmem:s5+$0xEF90]  }
0x918: {  	v10 =	vld [tilespmem:s5+$0xCFA0];
	v3 =	vsub.f32 v3, v4  }
0x919: {  	v4 =	vld [tilespmem:s5+$0xEFA0]  }
0x91a: {  	v6 =	vsub.f32 v6, v7;
	v7 =	vld [tilespmem:s5+$0xCFB0];
	v3 =	vmul.f32 v3, v3  }
0x91b: {  	v11 =	vld [tilespmem:s5+$0xEFB0]  }
0x91c: {  	v6 =	vmul.f32 v6, v6;
	v8 =	vsub.f32 v8, v9;
	[tilespmem:s5+$0xFFF0] =	vst.add.f32.msk $0xffff, v3  }
0x91d: {  	v3 =	vld [tilespmem:s5+$0xCFC0]  }
0x91e: {  	v8 =	vmul.f32 v8, v8;
	v4 =	vsub.f32 v10, v4;
	v9 =	vld [tilespmem:s5+$0xEFC0]  }
0x91f: {  	v10 =	vld [tilespmem:s5+$0xCFD0]  }
0x920: {  	v4 =	vmul.f32 v4, v4;
	v7 =	vsub.f32 v7, v11;
	v11 =	vld [tilespmem:s5+$0xEFD0]  }
0x921: {  	v12 =	vld [tilespmem:s5+$0xCFE0]  }
0x922: {  	v7 =	vmul.f32 v7, v7;
	v13 =	vld [tilespmem:s5+$0xEFE0]  }
0x923: {  	[tilespmem:s5+$0xFF80] =	vst.add.f32.msk $0xffff, v6;
	v3 =	vsub.f32 v3, v9  }
.Ltmp43:
0x924: {  	[tilespmem:s5+$0xFF90] =	vst.add.f32.msk $0xffff, v8;
	(pc) =	sbr.rel @p0 .LBB2_88-.Ltmp43, $4  }
0x925: {  	[tilespmem:s5+$0xFFA0] =	vst.add.f32.msk $0xffff, v4;
	v3 =	vmul.f32 v3, v3;
	v4 =	vsub.f32 v10, v11  }
0x926: {  	[tilespmem:s5+$0xFFB0] =	vst.add.f32.msk $0xffff, v7  }
0x927: {  	[tilespmem:s5+$0xFFC0] =	vst.add.f32.msk $0xffff, v3;
	v3 =	vmul.f32 v4, v4;
	v4 =	vsub.f32 v12, v13  }
0x928: {  	s22 =	sadd.s32 $0x800, s22;
	[tilespmem:s10+$0xFFE0] =	vst.add.f32.msk $0xffff, v5;
	s10 =	smov.u32 s5  }
0x929: {  	v4 =	vmul.f32 v4, v4  }
0x92a: {  	[tilespmem:s10+$0xFFD0] =	vst.add.f32.msk $0xffff, v3  }
0x92b: {  	[tilespmem:s10+$0xFFE0] =	vst.add.f32.msk $0xffff, v4  }
0x92c: {  	_ =	swait.ge [sflag:s4], $0x800  }
0x92d: {  	[sflag:s4] =	ssyncset.done $0x0  }
0x92e: {  	[sflag:s4] =	ssyncadd.s32 $0xFFFFF800  }
0x92f: {  	_ =	swait.ge [sflag:s4], $0x800  }
0x930: {  	[sflag:s4] =	ssyncset.done $0x0  }
0x931: {  	s10 =	simm.s32 $0x0;
	[sflag:s4] =	ssyncadd.s32 $0xFFFFF800  }
0x932: {  	v3 =	vld [tilespmem:s10+$0xD670]  }
0x933: {  	v4 =	vld [tilespmem:s10+$0xF670]  }
0x934: {  	v5 =	vld [tilespmem:s10+$0xD600]  }
0x935: {  	v6 =	vld [tilespmem:s10+$0xF600]  }
0x936: {  	v7 =	vld [tilespmem:s10+$0xD610]  }
0x937: {  	v8 =	vld [tilespmem:s10+$0xF610]  }
0x938: {  	v9 =	vld [tilespmem:s10+$0xD620]  }
0x939: {  	v10 =	vld [tilespmem:s10+$0xD630];
	v3 =	vsub.f32 v3, v4  }
0x93a: {  	v11 =	vld [tilespmem:s10+$0xF630]  }
0x93b: {  	v12 =	vld [tilespmem:s10+$0xF640];
	v3 =	vmul.f32 v3, v3  }
0x93c: {  	v4 =	vld [tilespmem:s10+$0xF620]  }
0x93d: {  	[tilespmem:s10+$0xFE70] =	vst.add.f32.msk $0xffff, v3  }
0x93e: {  	v3 =	vld [tilespmem:s10+$0xD640]  }
0x93f: {  	v61 =	vld [tilespmem:s10+$0xF650]  }
0x940: {  	v5 =	vsub.f32 v5, v6;
	v6 =	vld [tilespmem:s10+$0xD650]  }
0x941: {  	v62 =	vld [tilespmem:s10+$0xD660];
	v4 =	vsub.f32 v9, v4  }
0x942: {  	v63 =	vld [tilespmem:s10+$0xF660];
	v7 =	vsub.f32 v7, v8;
	v5 =	vmul.f32 v5, v5  }
0x943: {  	v4 =	vmul.f32 v4, v4;
	v3 =	vsub.f32 v3, v12  }
0x944: {  	v10 =	vsub.f32 v10, v11;
	v7 =	vmul.f32 v7, v7;
	[tilespmem:s10+$0xFE00] =	vst.add.f32.msk $0xffff, v5  }
0x945: {  	[tilespmem:s10+$0xFE20] =	vst.add.f32.msk $0xffff, v4;
	v4 =	vsub.f32 v6, v61;
	v3 =	vmul.f32 v3, v3  }
0x946: {  	v5 =	vmul.f32 v10, v10;
	[tilespmem:s10+$0xFE10] =	vst.add.f32.msk $0xffff, v7  }
0x947: {  	[tilespmem:s10+$0xFE40] =	vst.add.f32.msk $0xffff, v3;
	v3 =	vmul.f32 v4, v4;
	v4 =	vsub.f32 v62, v63  }
0x948: {  	s11 =	simm.s32 $0x0;
	s23 =	simm.s32 $0x800;
	s22 =	simm.s32 $0x0;
	[tilespmem:s10+$0xFE30] =	vst.add.f32.msk $0xffff, v5  }
.LBB2_90:
0x949: {  	s5 =	sshra.s32 s23, $0x2;
	[tilespmem:s22+$0xFE50] =	vst.add.f32.msk $0xffff, v3;
	v5 =	vmul.f32 v4, v4  }
0x94a: {  	s11 =	sadd.s32 $0x8, s11;
	v3 =	vld [tilespmem:s5+$0xD670]  }
0x94b: {  	p0 =	slt.u32 s11, $0x18;
	v4 =	vld [tilespmem:s5+$0xF670]  }
0x94c: {  	v6 =	vld [tilespmem:s5+$0xD600]  }
0x94d: {  	v7 =	vld [tilespmem:s5+$0xF600]  }
0x94e: {  	v8 =	vld [tilespmem:s5+$0xD610]  }
0x94f: {  	v9 =	vld [tilespmem:s5+$0xF610]  }
0x950: {  	v10 =	vld [tilespmem:s5+$0xD620];
	v3 =	vsub.f32 v3, v4  }
0x951: {  	v4 =	vld [tilespmem:s5+$0xF620]  }
0x952: {  	v6 =	vsub.f32 v6, v7;
	v7 =	vld [tilespmem:s5+$0xD630];
	v3 =	vmul.f32 v3, v3  }
0x953: {  	v11 =	vld [tilespmem:s5+$0xF630]  }
0x954: {  	v6 =	vmul.f32 v6, v6;
	v8 =	vsub.f32 v8, v9;
	[tilespmem:s5+$0xFE70] =	vst.add.f32.msk $0xffff, v3  }
0x955: {  	v3 =	vld [tilespmem:s5+$0xD640]  }
0x956: {  	v8 =	vmul.f32 v8, v8;
	v4 =	vsub.f32 v10, v4;
	v9 =	vld [tilespmem:s5+$0xF640]  }
0x957: {  	v10 =	vld [tilespmem:s5+$0xD650]  }
0x958: {  	v4 =	vmul.f32 v4, v4;
	v7 =	vsub.f32 v7, v11;
	v11 =	vld [tilespmem:s5+$0xF650]  }
0x959: {  	v12 =	vld [tilespmem:s5+$0xD660]  }
0x95a: {  	v7 =	vmul.f32 v7, v7;
	v13 =	vld [tilespmem:s5+$0xF660]  }
0x95b: {  	[tilespmem:s5+$0xFE00] =	vst.add.f32.msk $0xffff, v6;
	v3 =	vsub.f32 v3, v9  }
.Ltmp44:
0x95c: {  	[tilespmem:s5+$0xFE10] =	vst.add.f32.msk $0xffff, v8;
	(pc) =	sbr.rel @p0 .LBB2_90-.Ltmp44, $4  }
0x95d: {  	[tilespmem:s5+$0xFE20] =	vst.add.f32.msk $0xffff, v4;
	v3 =	vmul.f32 v3, v3;
	v4 =	vsub.f32 v10, v11  }
0x95e: {  	[tilespmem:s5+$0xFE30] =	vst.add.f32.msk $0xffff, v7  }
0x95f: {  	[tilespmem:s5+$0xFE40] =	vst.add.f32.msk $0xffff, v3;
	v3 =	vmul.f32 v4, v4;
	v4 =	vsub.f32 v12, v13  }
0x960: {  	s23 =	sadd.s32 $0x800, s23;
	[tilespmem:s22+$0xFE60] =	vst.add.f32.msk $0xffff, v5;
	s22 =	smov.u32 s5  }
0x961: {  	v4 =	vmul.f32 v4, v4  }
0x962: {  	[tilespmem:s22+$0xFE50] =	vst.add.f32.msk $0xffff, v3  }
0x963: {  	[tilespmem:s22+$0xFE60] =	vst.add.f32.msk $0xffff, v4  }
0x964: {  	v3 =	vld [tilespmem:s10+$0xD6F0]  }
0x965: {  	v4 =	vld [tilespmem:s10+$0xF6F0]  }
0x966: {  	v5 =	vld [tilespmem:s10+$0xD680]  }
0x967: {  	v6 =	vld [tilespmem:s10+$0xF680]  }
0x968: {  	v7 =	vld [tilespmem:s10+$0xD690]  }
0x969: {  	v8 =	vld [tilespmem:s10+$0xF690]  }
0x96a: {  	v9 =	vld [tilespmem:s10+$0xD6A0]  }
0x96b: {  	v10 =	vld [tilespmem:s10+$0xD6B0];
	v3 =	vsub.f32 v3, v4  }
0x96c: {  	v11 =	vld [tilespmem:s10+$0xF6B0]  }
0x96d: {  	v12 =	vld [tilespmem:s10+$0xF6C0];
	v3 =	vmul.f32 v3, v3  }
0x96e: {  	v4 =	vld [tilespmem:s10+$0xF6A0]  }
0x96f: {  	[tilespmem:s10+$0xFEF0] =	vst.add.f32.msk $0xffff, v3  }
0x970: {  	v3 =	vld [tilespmem:s10+$0xD6C0]  }
0x971: {  	v61 =	vld [tilespmem:s10+$0xF6D0]  }
0x972: {  	v5 =	vsub.f32 v5, v6;
	v6 =	vld [tilespmem:s10+$0xD6D0]  }
0x973: {  	v62 =	vld [tilespmem:s10+$0xD6E0];
	v4 =	vsub.f32 v9, v4  }
0x974: {  	v63 =	vld [tilespmem:s10+$0xF6E0];
	v7 =	vsub.f32 v7, v8;
	v5 =	vmul.f32 v5, v5  }
0x975: {  	v4 =	vmul.f32 v4, v4;
	v3 =	vsub.f32 v3, v12  }
0x976: {  	v10 =	vsub.f32 v10, v11;
	v7 =	vmul.f32 v7, v7;
	[tilespmem:s10+$0xFE80] =	vst.add.f32.msk $0xffff, v5  }
0x977: {  	[tilespmem:s10+$0xFEA0] =	vst.add.f32.msk $0xffff, v4;
	v4 =	vsub.f32 v6, v61;
	v3 =	vmul.f32 v3, v3  }
0x978: {  	v5 =	vmul.f32 v10, v10;
	[tilespmem:s10+$0xFE90] =	vst.add.f32.msk $0xffff, v7  }
0x979: {  	[tilespmem:s10+$0xFEC0] =	vst.add.f32.msk $0xffff, v3;
	v3 =	vmul.f32 v4, v4;
	v4 =	vsub.f32 v62, v63  }
0x97a: {  	s11 =	simm.s32 $0x0;
	s22 =	simm.s32 $0x800;
	[tilespmem:s10+$0xFEB0] =	vst.add.f32.msk $0xffff, v5  }
.LBB2_92:
0x97b: {  	s5 =	sshra.s32 s22, $0x2;
	[tilespmem:s10+$0xFED0] =	vst.add.f32.msk $0xffff, v3;
	v5 =	vmul.f32 v4, v4  }
0x97c: {  	s11 =	sadd.s32 $0x8, s11;
	v3 =	vld [tilespmem:s5+$0xD6F0]  }
0x97d: {  	p0 =	slt.u32 s11, $0x18;
	v4 =	vld [tilespmem:s5+$0xF6F0]  }
0x97e: {  	v6 =	vld [tilespmem:s5+$0xD680]  }
0x97f: {  	v7 =	vld [tilespmem:s5+$0xF680]  }
0x980: {  	v8 =	vld [tilespmem:s5+$0xD690]  }
0x981: {  	v9 =	vld [tilespmem:s5+$0xF690]  }
0x982: {  	v10 =	vld [tilespmem:s5+$0xD6A0];
	v3 =	vsub.f32 v3, v4  }
0x983: {  	v4 =	vld [tilespmem:s5+$0xF6A0]  }
0x984: {  	v6 =	vsub.f32 v6, v7;
	v7 =	vld [tilespmem:s5+$0xD6B0];
	v3 =	vmul.f32 v3, v3  }
0x985: {  	v11 =	vld [tilespmem:s5+$0xF6B0]  }
0x986: {  	v6 =	vmul.f32 v6, v6;
	v8 =	vsub.f32 v8, v9;
	[tilespmem:s5+$0xFEF0] =	vst.add.f32.msk $0xffff, v3  }
0x987: {  	v3 =	vld [tilespmem:s5+$0xD6C0]  }
0x988: {  	v8 =	vmul.f32 v8, v8;
	v4 =	vsub.f32 v10, v4;
	v9 =	vld [tilespmem:s5+$0xF6C0]  }
0x989: {  	v10 =	vld [tilespmem:s5+$0xD6D0]  }
0x98a: {  	v4 =	vmul.f32 v4, v4;
	v7 =	vsub.f32 v7, v11;
	v11 =	vld [tilespmem:s5+$0xF6D0]  }
0x98b: {  	v12 =	vld [tilespmem:s5+$0xD6E0]  }
0x98c: {  	v7 =	vmul.f32 v7, v7;
	v13 =	vld [tilespmem:s5+$0xF6E0]  }
0x98d: {  	[tilespmem:s5+$0xFE80] =	vst.add.f32.msk $0xffff, v6;
	v3 =	vsub.f32 v3, v9  }
.Ltmp45:
0x98e: {  	[tilespmem:s5+$0xFE90] =	vst.add.f32.msk $0xffff, v8;
	(pc) =	sbr.rel @p0 .LBB2_92-.Ltmp45, $4  }
0x98f: {  	[tilespmem:s5+$0xFEA0] =	vst.add.f32.msk $0xffff, v4;
	v3 =	vmul.f32 v3, v3;
	v4 =	vsub.f32 v10, v11  }
0x990: {  	[tilespmem:s5+$0xFEB0] =	vst.add.f32.msk $0xffff, v7  }
0x991: {  	[tilespmem:s5+$0xFEC0] =	vst.add.f32.msk $0xffff, v3;
	v3 =	vmul.f32 v4, v4;
	v4 =	vsub.f32 v12, v13  }
0x992: {  	s22 =	sadd.s32 $0x800, s22;
	[tilespmem:s10+$0xFEE0] =	vst.add.f32.msk $0xffff, v5;
	s10 =	smov.u32 s5  }
0x993: {  	v4 =	vmul.f32 v4, v4  }
0x994: {  	[tilespmem:s10+$0xFED0] =	vst.add.f32.msk $0xffff, v3  }
0x995: {  	[tilespmem:s10+$0xFEE0] =	vst.add.f32.msk $0xffff, v4;
	s10 =	simm.s32 $0x0  }
0x996: {  	v3 =	vld [tilespmem:s10+$0xD770]  }
0x997: {  	v4 =	vld [tilespmem:s10+$0xF770]  }
0x998: {  	v5 =	vld [tilespmem:s10+$0xD700]  }
0x999: {  	v6 =	vld [tilespmem:s10+$0xF700]  }
0x99a: {  	v7 =	vld [tilespmem:s10+$0xD710]  }
0x99b: {  	v8 =	vld [tilespmem:s10+$0xF710]  }
0x99c: {  	v9 =	vld [tilespmem:s10+$0xD720]  }
0x99d: {  	v10 =	vld [tilespmem:s10+$0xD730];
	v3 =	vsub.f32 v3, v4  }
0x99e: {  	v11 =	vld [tilespmem:s10+$0xF730]  }
0x99f: {  	v12 =	vld [tilespmem:s10+$0xF740];
	v3 =	vmul.f32 v3, v3  }
0x9a0: {  	v4 =	vld [tilespmem:s10+$0xF720]  }
0x9a1: {  	[tilespmem:s10+$0xFF70] =	vst.add.f32.msk $0xffff, v3  }
0x9a2: {  	v3 =	vld [tilespmem:s10+$0xD740]  }
0x9a3: {  	v61 =	vld [tilespmem:s10+$0xF750]  }
0x9a4: {  	v5 =	vsub.f32 v5, v6;
	v6 =	vld [tilespmem:s10+$0xD750]  }
0x9a5: {  	v62 =	vld [tilespmem:s10+$0xD760];
	v4 =	vsub.f32 v9, v4  }
0x9a6: {  	v63 =	vld [tilespmem:s10+$0xF760];
	v7 =	vsub.f32 v7, v8;
	v5 =	vmul.f32 v5, v5  }
0x9a7: {  	v4 =	vmul.f32 v4, v4;
	v3 =	vsub.f32 v3, v12  }
0x9a8: {  	v10 =	vsub.f32 v10, v11;
	v7 =	vmul.f32 v7, v7;
	[tilespmem:s10+$0xFF00] =	vst.add.f32.msk $0xffff, v5  }
0x9a9: {  	[tilespmem:s10+$0xFF20] =	vst.add.f32.msk $0xffff, v4;
	v4 =	vsub.f32 v6, v61;
	v3 =	vmul.f32 v3, v3  }
0x9aa: {  	v5 =	vmul.f32 v10, v10;
	[tilespmem:s10+$0xFF10] =	vst.add.f32.msk $0xffff, v7  }
0x9ab: {  	[tilespmem:s10+$0xFF40] =	vst.add.f32.msk $0xffff, v3;
	v3 =	vmul.f32 v4, v4;
	v4 =	vsub.f32 v62, v63  }
0x9ac: {  	s11 =	simm.s32 $0x0;
	s23 =	simm.s32 $0x800;
	s22 =	simm.s32 $0x0;
	[tilespmem:s10+$0xFF30] =	vst.add.f32.msk $0xffff, v5  }
.LBB2_94:
0x9ad: {  	s5 =	sshra.s32 s23, $0x2;
	[tilespmem:s22+$0xFF50] =	vst.add.f32.msk $0xffff, v3;
	v5 =	vmul.f32 v4, v4  }
0x9ae: {  	s11 =	sadd.s32 $0x8, s11;
	v3 =	vld [tilespmem:s5+$0xD770]  }
0x9af: {  	p0 =	slt.u32 s11, $0x18;
	v4 =	vld [tilespmem:s5+$0xF770]  }
0x9b0: {  	v6 =	vld [tilespmem:s5+$0xD700]  }
0x9b1: {  	v7 =	vld [tilespmem:s5+$0xF700]  }
0x9b2: {  	v8 =	vld [tilespmem:s5+$0xD710]  }
0x9b3: {  	v9 =	vld [tilespmem:s5+$0xF710]  }
0x9b4: {  	v10 =	vld [tilespmem:s5+$0xD720];
	v3 =	vsub.f32 v3, v4  }
0x9b5: {  	v4 =	vld [tilespmem:s5+$0xF720]  }
0x9b6: {  	v6 =	vsub.f32 v6, v7;
	v7 =	vld [tilespmem:s5+$0xD730];
	v3 =	vmul.f32 v3, v3  }
0x9b7: {  	v11 =	vld [tilespmem:s5+$0xF730]  }
0x9b8: {  	v6 =	vmul.f32 v6, v6;
	v8 =	vsub.f32 v8, v9;
	[tilespmem:s5+$0xFF70] =	vst.add.f32.msk $0xffff, v3  }
0x9b9: {  	v3 =	vld [tilespmem:s5+$0xD740]  }
0x9ba: {  	v8 =	vmul.f32 v8, v8;
	v4 =	vsub.f32 v10, v4;
	v9 =	vld [tilespmem:s5+$0xF740]  }
0x9bb: {  	v10 =	vld [tilespmem:s5+$0xD750]  }
0x9bc: {  	v4 =	vmul.f32 v4, v4;
	v7 =	vsub.f32 v7, v11;
	v11 =	vld [tilespmem:s5+$0xF750]  }
0x9bd: {  	v12 =	vld [tilespmem:s5+$0xD760]  }
0x9be: {  	v7 =	vmul.f32 v7, v7;
	v13 =	vld [tilespmem:s5+$0xF760]  }
0x9bf: {  	[tilespmem:s5+$0xFF00] =	vst.add.f32.msk $0xffff, v6;
	v3 =	vsub.f32 v3, v9  }
.Ltmp46:
0x9c0: {  	[tilespmem:s5+$0xFF10] =	vst.add.f32.msk $0xffff, v8;
	(pc) =	sbr.rel @p0 .LBB2_94-.Ltmp46, $4  }
0x9c1: {  	[tilespmem:s5+$0xFF20] =	vst.add.f32.msk $0xffff, v4;
	v3 =	vmul.f32 v3, v3;
	v4 =	vsub.f32 v10, v11  }
0x9c2: {  	[tilespmem:s5+$0xFF30] =	vst.add.f32.msk $0xffff, v7  }
0x9c3: {  	[tilespmem:s5+$0xFF40] =	vst.add.f32.msk $0xffff, v3;
	v3 =	vmul.f32 v4, v4;
	v4 =	vsub.f32 v12, v13  }
0x9c4: {  	s23 =	sadd.s32 $0x800, s23;
	[tilespmem:s22+$0xFF60] =	vst.add.f32.msk $0xffff, v5;
	s22 =	smov.u32 s5  }
0x9c5: {  	v4 =	vmul.f32 v4, v4  }
0x9c6: {  	[tilespmem:s22+$0xFF50] =	vst.add.f32.msk $0xffff, v3  }
0x9c7: {  	[tilespmem:s22+$0xFF60] =	vst.add.f32.msk $0xffff, v4  }
0x9c8: {  	v3 =	vld [tilespmem:s10+$0xD7F0]  }
0x9c9: {  	v4 =	vld [tilespmem:s10+$0xF7F0]  }
0x9ca: {  	v5 =	vld [tilespmem:s10+$0xD780]  }
0x9cb: {  	v6 =	vld [tilespmem:s10+$0xF780]  }
0x9cc: {  	v7 =	vld [tilespmem:s10+$0xD790]  }
0x9cd: {  	v8 =	vld [tilespmem:s10+$0xF790]  }
0x9ce: {  	v9 =	vld [tilespmem:s10+$0xD7A0]  }
0x9cf: {  	v10 =	vld [tilespmem:s10+$0xD7B0];
	v3 =	vsub.f32 v3, v4  }
0x9d0: {  	v11 =	vld [tilespmem:s10+$0xF7B0]  }
0x9d1: {  	v12 =	vld [tilespmem:s10+$0xF7C0];
	v3 =	vmul.f32 v3, v3  }
0x9d2: {  	v4 =	vld [tilespmem:s10+$0xF7A0]  }
0x9d3: {  	[tilespmem:s10+$0xFFF0] =	vst.add.f32.msk $0xffff, v3  }
0x9d4: {  	v3 =	vld [tilespmem:s10+$0xD7C0]  }
0x9d5: {  	v61 =	vld [tilespmem:s10+$0xF7D0]  }
0x9d6: {  	v5 =	vsub.f32 v5, v6;
	v6 =	vld [tilespmem:s10+$0xD7D0]  }
0x9d7: {  	v62 =	vld [tilespmem:s10+$0xD7E0];
	v4 =	vsub.f32 v9, v4  }
0x9d8: {  	v63 =	vld [tilespmem:s10+$0xF7E0];
	v7 =	vsub.f32 v7, v8;
	v5 =	vmul.f32 v5, v5  }
0x9d9: {  	v4 =	vmul.f32 v4, v4;
	v3 =	vsub.f32 v3, v12  }
0x9da: {  	v10 =	vsub.f32 v10, v11;
	v7 =	vmul.f32 v7, v7;
	[tilespmem:s10+$0xFF80] =	vst.add.f32.msk $0xffff, v5  }
0x9db: {  	[tilespmem:s10+$0xFFA0] =	vst.add.f32.msk $0xffff, v4;
	v4 =	vsub.f32 v6, v61;
	v3 =	vmul.f32 v3, v3  }
0x9dc: {  	v5 =	vmul.f32 v10, v10;
	[tilespmem:s10+$0xFF90] =	vst.add.f32.msk $0xffff, v7  }
0x9dd: {  	[tilespmem:s10+$0xFFC0] =	vst.add.f32.msk $0xffff, v3;
	v3 =	vmul.f32 v4, v4;
	v4 =	vsub.f32 v62, v63  }
0x9de: {  	s11 =	simm.s32 $0x0;
	s22 =	simm.s32 $0x800;
	[tilespmem:s10+$0xFFB0] =	vst.add.f32.msk $0xffff, v5  }
.LBB2_96:
0x9df: {  	s5 =	sshra.s32 s22, $0x2;
	[tilespmem:s10+$0xFFD0] =	vst.add.f32.msk $0xffff, v3;
	v5 =	vmul.f32 v4, v4  }
0x9e0: {  	s11 =	sadd.s32 $0x8, s11;
	v3 =	vld [tilespmem:s5+$0xD7F0]  }
0x9e1: {  	p0 =	slt.u32 s11, $0x18;
	v4 =	vld [tilespmem:s5+$0xF7F0]  }
0x9e2: {  	v6 =	vld [tilespmem:s5+$0xD780]  }
0x9e3: {  	v7 =	vld [tilespmem:s5+$0xF780]  }
0x9e4: {  	v8 =	vld [tilespmem:s5+$0xD790]  }
0x9e5: {  	v9 =	vld [tilespmem:s5+$0xF790]  }
0x9e6: {  	v10 =	vld [tilespmem:s5+$0xD7A0];
	v3 =	vsub.f32 v3, v4  }
0x9e7: {  	v4 =	vld [tilespmem:s5+$0xF7A0]  }
0x9e8: {  	v6 =	vsub.f32 v6, v7;
	v7 =	vld [tilespmem:s5+$0xD7B0];
	v3 =	vmul.f32 v3, v3  }
0x9e9: {  	v11 =	vld [tilespmem:s5+$0xF7B0]  }
0x9ea: {  	v6 =	vmul.f32 v6, v6;
	v8 =	vsub.f32 v8, v9;
	[tilespmem:s5+$0xFFF0] =	vst.add.f32.msk $0xffff, v3  }
0x9eb: {  	v3 =	vld [tilespmem:s5+$0xD7C0]  }
0x9ec: {  	v8 =	vmul.f32 v8, v8;
	v4 =	vsub.f32 v10, v4;
	v9 =	vld [tilespmem:s5+$0xF7C0]  }
0x9ed: {  	v10 =	vld [tilespmem:s5+$0xD7D0]  }
0x9ee: {  	v4 =	vmul.f32 v4, v4;
	v7 =	vsub.f32 v7, v11;
	v11 =	vld [tilespmem:s5+$0xF7D0]  }
0x9ef: {  	v12 =	vld [tilespmem:s5+$0xD7E0]  }
0x9f0: {  	v7 =	vmul.f32 v7, v7;
	v13 =	vld [tilespmem:s5+$0xF7E0]  }
0x9f1: {  	[tilespmem:s5+$0xFF80] =	vst.add.f32.msk $0xffff, v6;
	v3 =	vsub.f32 v3, v9  }
.Ltmp47:
0x9f2: {  	[tilespmem:s5+$0xFF90] =	vst.add.f32.msk $0xffff, v8;
	(pc) =	sbr.rel @p0 .LBB2_96-.Ltmp47, $4  }
0x9f3: {  	[tilespmem:s5+$0xFFA0] =	vst.add.f32.msk $0xffff, v4;
	v3 =	vmul.f32 v3, v3;
	v4 =	vsub.f32 v10, v11  }
0x9f4: {  	[tilespmem:s5+$0xFFB0] =	vst.add.f32.msk $0xffff, v7  }
0x9f5: {  	[tilespmem:s5+$0xFFC0] =	vst.add.f32.msk $0xffff, v3;
	v3 =	vmul.f32 v4, v4;
	v4 =	vsub.f32 v12, v13  }
0x9f6: {  	s22 =	sadd.s32 $0x800, s22;
	[tilespmem:s10+$0xFFE0] =	vst.add.f32.msk $0xffff, v5;
	s10 =	smov.u32 s5  }
0x9f7: {  	v4 =	vmul.f32 v4, v4  }
0x9f8: {  	[tilespmem:s10+$0xFFD0] =	vst.add.f32.msk $0xffff, v3  }
0x9f9: {  	[tilespmem:s10+$0xFFE0] =	vst.add.f32.msk $0xffff, v4  }
0x9fa: {  	s5 =	sld [smem:$0x7FC];
	_ =	sdelay $0x1  }
0x9fb: {  	s22 =	simm.s32 $0xFE00;
	s23 =	simm.s32 $0x7  }
0x9fc: {  	[hbm4b:s5+s12] =	stream.strided.scatter [tilespmem:s22], [sflag:$0x7], $0x800, s13, s12, $0x38;
	[tilespmem:$0x10600] =	vst v63  }
0x9fd: {  	_ =	swait.ge [sflag:s23], $0x800  }
0x9fe: {  	s11 =	sld [smem:$0x7FA]  }
0x9ff: {  	s29 =	sld [smem:$0x7FD];
	_ =	sdelay $0x1  }
0xa00: {  	s11 =	sadd.s32 $0x1, s11  }
0xa01: {  	p0 =	sne.s32 s11, s29  }
.Ltmp48:
0xa02: {  	_ = 	snop;
	(pc) =	sbr.rel @p0 .LBB2_1-.Ltmp48, $3  }
0xa03: {  	_ =	sdelay $0x1  }
0xa04: {  	[sflag:s23] =	ssyncset.done $0x0  }
0xa05: {  	[sflag:s23] =	ssyncadd.s32 $0xFFFFF800;
	s23 =	simm.s32 $0x4F00  }
0xa06: {  	_ =	sfence.sel $0x180000  }
0xa07: {  	[bflag:$0x0] =	sbarrier.arrive $0xFFFF  }
0xa08: {  	_ =	strace $0x90000047  }
0xa09: {  	s0 =	stileid.u32;
	[bflag:$0x2] =	sbarrier.arrive $0xFFFF  }
0xa0a: {  	p0 =	sne.s32 s0, $0x0;
	s0 =	rddreg [dreg:$0x3]  }
0xa0b: {  	s0 =	sadd.s32 @!p0 $0x100000, s0  }
0xa0c: {  	[sflag:s0] =	ssyncadd.tile.s32 @!p0 $0x1;
	_ =	shalt  }
.Lfunc_end2:
_tile_overlayer_lowered:
.L_overlay_start_2:
0xa0d: {  	(tag) =	ssettag $0x2  }
0xa0e: {  	s0 =	rddreg [dreg:$0x0];
	s2 =	stileid.u32  }
0xa0f: {  	s1 =	rddreg [dreg:$0x1];
	p0 =	sne.s32 s2, $0x0  }
0xa10: {  	s3 =	rddreg [dreg:$0x2];
	[bflag:$0x3] =	sbarrier.arrive $0xFFFF;
	s2 =	simm.s32 @!p0 $0x1C07  }
0xa11: {  	[timem:s3], [sflag:s2] =	dma.local @!p0 [hbm:s0], s1  }
0xa12: {  	s0 =	simm.s32 @!p0 $0x7  }
0xa13: {  	_ =	swait.ge @!p0 [sflag:s0], s1  }
0xa14: {  	s1 =	ssub.s32 @!p0 $0x0, s1;
	[sflag:s0] =	ssyncset.done @!p0 $0x0  }
0xa15: {  	[sflag:s0] =	ssyncadd.s32 @!p0 s1  }
0xa16: {  	[bflag:$0x3] =	sbarrier.arrive $0xFFFF  }
0xa17: {  	_ =	shalt  }

</sc_bundles>
